<compile_context>
chip_gen: v7x
topology: tpu7x:2x2x1
jax: 0.10.2.dev20260603
libtpu: 0.0.44.dev20260713+nightly
codegen_flags: <defaults>
</compile_context>

<pallas_src>
import functools

import jax
import jax.numpy as jnp
from jax import lax
from jax.experimental import pallas as pl
from jax.experimental.pallas import tpu as pltpu
from jax.experimental.pallas import tpu_sc as plsc

N = 10000
NPAD = 10240
DIM = 256
LDIM = 4
K = 16
TILE = 128
GRID = NPAD // TILE

NC = 2
NW = 32
NODES_PER_W = NPAD // NW
CN = 8
NCHUNK = NODES_PER_W // CN
DC = DIM // 16


def _featlat_body(x_ref, wf_ref, bf_ref, wl_ref, bl_ref, feat_ref, s_ref):
    xt = x_ref[...]
    feat_ref[...] = jnp.tanh(
        jnp.dot(xt, wf_ref[...], preferred_element_type=jnp.float32) + bf_ref[...])
    s_ref[...] = jnp.tanh(
        jnp.dot(xt, wl_ref[...], preferred_element_type=jnp.float32) + bl_ref[...])


def _topk_body(sT_ref, srow_ref, idx_ref, w_ref):
    i = pl.program_id(0)
    sT = sT_ref[...]
    srow = srow_ref[...]
    colsq = jnp.sum(sT * sT, axis=0, keepdims=True)
    rowsq = jnp.sum(srow * srow, axis=1, keepdims=True)
    sTb = sT.astype(jnp.bfloat16).astype(jnp.float32)
    srb = srow.astype(jnp.bfloat16).astype(jnp.float32)
    cross = srb[:, 0:1] * sTb[0:1, :]
    for j in range(1, LDIM):
        cross = cross + srb[:, j:j + 1] * sTb[j:j + 1, :]
    d2 = jnp.maximum(rowsq + colsq - 2.0 * cross, 0.0)
    colid = lax.broadcasted_iota(jnp.int32, (TILE, NPAD), 1)
    rowid = lax.broadcasted_iota(jnp.int32, (TILE, NPAD), 0) + i * TILE
    run = jnp.where((colid == rowid) | (colid >= N), jnp.inf, d2)
    idxs = []
    vals = []
    for _ in range(K):
        m = jnp.min(run, axis=1, keepdims=True)
        cand = jnp.where(run == m, colid, NPAD)
        a = jnp.min(cand, axis=1, keepdims=True)
        idxs.append(a)
        vals.append(m)
        run = jnp.where(colid == a, jnp.inf, run)
    idx_ref[...] = jnp.concatenate(idxs, axis=1)
    w_ref[...] = jnp.exp(-(jnp.concatenate(vals, axis=1) + 1e-12))


def _out_body(feat_ref, agg_ref, wo1_ref, wo2_ref, bo_ref, o_ref):
    o_ref[...] = (
        jnp.dot(feat_ref[...], wo1_ref[...], preferred_element_type=jnp.float32)
        + jnp.dot(agg_ref[...], wo2_ref[...], preferred_element_type=jnp.float32)
        + bo_ref[...])


@functools.cache
def _make_sc_agg():
    mesh = plsc.VectorSubcoreMesh(core_axis_name="c", subcore_axis_name="s")

    @functools.partial(
        pl.kernel,
        mesh=mesh,
        out_type=jax.ShapeDtypeStruct((NPAD, DIM), jnp.float32),
        scratch_types=[
            pltpu.VMEM((CN * K,), jnp.int32),
            pltpu.VMEM((CN * K,), jnp.float32),
            pltpu.VMEM((CN * K, DIM), jnp.float32),
            pltpu.VMEM((CN, DIM), jnp.float32),
            pltpu.SemaphoreType.DMA,
        ],
    )
    def _sc_agg(feat_hbm, idx_hbm, w_hbm, out_hbm, idx_v, w_v, rows_v, acc_v, sem):
        wid = lax.axis_index("s") * NC + lax.axis_index("c")

        def chunk_body(ci, carry):
            node_base = wid * NODES_PER_W + ci * CN
            edge_base = node_base * K
            pltpu.sync_copy(idx_hbm.at[pl.ds(edge_base, CN * K)], idx_v)
            pltpu.sync_copy(w_hbm.at[pl.ds(edge_base, CN * K)], w_v)
            pltpu.async_copy(feat_hbm.at[idx_v], rows_v, sem).wait()

            def node_body(n, carry2):
                wvec = w_v[pl.ds(n * K, K)]
                acc = [jnp.zeros((16,), jnp.float32) for _ in range(DC)]
                for kk in range(K):
                    wk = wvec[kk]
                    for c in range(DC):
                        acc[c] = acc[c] + wk * rows_v[n * K + kk, pl.ds(c * 16, 16)]
                for c in range(DC):
                    acc_v[n, pl.ds(c * 16, 16)] = acc[c]
                return carry2

            lax.fori_loop(0, CN, node_body, 0)
            pltpu.sync_copy(acc_v, out_hbm.at[pl.ds(node_base, CN)])
            return carry

        lax.fori_loop(0, NCHUNK, chunk_body, 0)

    return _sc_agg


def kernel(x, W_feat, b_feat, W_lat, b_lat, W_out, b_out):
    x_pad = jnp.pad(x, ((0, NPAD - N), (0, 0)))
    feat, s = pl.pallas_call(
        _featlat_body,
        grid=(GRID,),
        in_specs=[
            pl.BlockSpec((TILE, DIM), lambda i: (i, 0)),
            pl.BlockSpec((DIM, DIM), lambda i: (0, 0)),
            pl.BlockSpec((1, DIM), lambda i: (0, 0)),
            pl.BlockSpec((DIM, LDIM), lambda i: (0, 0)),
            pl.BlockSpec((1, LDIM), lambda i: (0, 0)),
        ],
        out_specs=[
            pl.BlockSpec((TILE, DIM), lambda i: (i, 0)),
            pl.BlockSpec((TILE, LDIM), lambda i: (i, 0)),
        ],
        out_shape=[
            jax.ShapeDtypeStruct((NPAD, DIM), jnp.float32),
            jax.ShapeDtypeStruct((NPAD, LDIM), jnp.float32),
        ],
    )(x_pad, W_feat, b_feat.reshape(1, DIM), W_lat, b_lat.reshape(1, LDIM))

    idx, w = pl.pallas_call(
        _topk_body,
        grid=(GRID,),
        in_specs=[
            pl.BlockSpec((LDIM, NPAD), lambda i: (0, 0)),
            pl.BlockSpec((TILE, LDIM), lambda i: (i, 0)),
        ],
        out_specs=[
            pl.BlockSpec((TILE, K), lambda i: (i, 0)),
            pl.BlockSpec((TILE, K), lambda i: (i, 0)),
        ],
        out_shape=[
            jax.ShapeDtypeStruct((NPAD, K), jnp.int32),
            jax.ShapeDtypeStruct((NPAD, K), jnp.float32),
        ],
    )(s.T, s)

    agg = _make_sc_agg()(feat, idx.reshape(-1), w.reshape(-1))

    out = pl.pallas_call(
        _out_body,
        grid=(GRID,),
        in_specs=[
            pl.BlockSpec((TILE, DIM), lambda i: (i, 0)),
            pl.BlockSpec((TILE, DIM), lambda i: (i, 0)),
            pl.BlockSpec((DIM, DIM), lambda i: (0, 0)),
            pl.BlockSpec((DIM, DIM), lambda i: (0, 0)),
            pl.BlockSpec((1, DIM), lambda i: (0, 0)),
        ],
        out_specs=pl.BlockSpec((TILE, DIM), lambda i: (i, 0)),
        out_shape=jax.ShapeDtypeStruct((NPAD, DIM), jnp.float32),
    )(feat, agg, W_out[:DIM], W_out[DIM:], b_out.reshape(1, DIM))
    return out[:N]

# --- scband reference (transcript-rebuilt; emitter-appended) ---
"""Pipeline reference for scband-grav-net-layer-31250182046110 (READ-ONLY COPY).

The authoritative reference and input builder live on the scoring server;
editing this copy changes nothing except your own understanding.
"""

import jax, jax.numpy as jnp
import numpy as np

N = 10000
INPUT_DIM = 256
LATENT_DIM = 4
FEAT_DIM = 256
K = 16


def setup_inputs(seed: int = 0) -> dict:
    key = jax.random.key(seed)
    ks = jax.random.split(key, 8)
    x = jax.random.normal(ks[0], (N, INPUT_DIM), dtype=jnp.float32)
    W_feat = jax.random.normal(ks[1], (INPUT_DIM, FEAT_DIM), dtype=jnp.float32) / np.sqrt(INPUT_DIM)
    b_feat = jnp.zeros((FEAT_DIM,), dtype=jnp.float32)
    W_lat = jax.random.normal(ks[2], (INPUT_DIM, LATENT_DIM), dtype=jnp.float32) / np.sqrt(INPUT_DIM)
    b_lat = jnp.zeros((LATENT_DIM,), dtype=jnp.float32)
    W_out = jax.random.normal(ks[3], (2 * FEAT_DIM, FEAT_DIM), dtype=jnp.float32) / np.sqrt(2 * FEAT_DIM)
    b_out = jnp.zeros((FEAT_DIM,), dtype=jnp.float32)
    return {"x": x, "W_feat": W_feat, "b_feat": b_feat, "W_lat": W_lat, "b_lat": b_lat, "W_out": W_out, "b_out": b_out}


def reference(x, W_feat, b_feat, W_lat, b_lat, W_out, b_out):
    # feature network: Linear + Tanh
    feat = jnp.tanh(x @ W_feat + b_feat)
    # latent network: Linear + Tanh
    s = jnp.tanh(x @ W_lat + b_lat)
    # pairwise euclidean distances (torch.cdist p=2)
    sq = jnp.sum(s * s, axis=1)
    d2 = sq[:, None] + sq[None, :] - 2.0 * (s @ s.T)
    d2 = jnp.maximum(d2, 0.0)
    D = jnp.sqrt(d2 + 1e-12)
    # knn_graph: k nearest neighbors in latent space, excluding self-loops
    neg = -D
    diag = jnp.arange(N)
    neg = neg.at[diag, diag].set(-jnp.inf)
    _, idx = jax.lax.top_k(neg, K)  # [N, K] neighbor indices per node
    src = idx.reshape(-1)                      # edge_index[0]: neighbors (source)
    dst = jnp.repeat(jnp.arange(N), K)         # edge_index[1]: center nodes (target)
    # distances = cdist(...)[edge_index[0], edge_index[1]]
    dists = D[src, dst]
    # gaussian kernel weights
    weights = jnp.exp(-(dists ** 2))
    # message passing: message = w * x_j, aggr='add' over destination nodes
    msg = weights[:, None] * feat[src]
    agg = jax.ops.segment_sum(msg, dst, num_segments=N)
    # concat [x, aggregated] and output dense
    out = jnp.concatenate([feat, agg], axis=1) @ W_out + b_out
    return out

if __name__ == "__main__":
    import jax
    _d = setup_inputs()
    print(jax.jit(kernel)(*tuple(_d.values())))

</pallas_src>

<mosaic_0001>
#map = affine_map<(d0, d1) -> (0, 0)>
#map1 = affine_map<(d0, d1) -> (0)>
module attributes {stable_mosaic.version = 14 : i64} {
  func.func @_sc_agg(%arg0: i32, %arg1: i32, %arg2: memref<10240x256xf32, #tpu.memory_space<hbm>>, %arg3: memref<163840xi32, #tpu.memory_space<hbm>>, %arg4: memref<163840xf32, #tpu.memory_space<hbm>>, %arg5: memref<10240x256xf32, #tpu.memory_space<hbm>>, %arg6: memref<128xi32, #tpu.memory_space<vmem>>, %arg7: memref<128xf32, #tpu.memory_space<vmem>>, %arg8: memref<128x256xf32, #tpu.memory_space<vmem>>, %arg9: memref<8x256xf32, #tpu.memory_space<vmem>>, %arg10: memref<!tpu.dma_semaphore, #tpu.memory_space<semaphore_mem>>) attributes {dimension_semantics = [#tpu.dimension_semantics<core_parallel>, #tpu.dimension_semantics<subcore_parallel>], iteration_bounds = array<i64: 2, 16>, scalar_prefetch = 0 : i64, scratch_operands = 5 : i64, tpu.core_type = #tpu.core_type<sc_vector_subcore>, window_params = [{transform_indices = #map}, {transform_indices = #map1}, {transform_indices = #map1}, {transform_indices = #map}]} {
    %mul3A = arith.constant 2 : i32
    %mul3A_0 = arith.muli %arg1, %mul3A : i32
    %add3A = arith.addi %mul3A_0, %arg0 : i32
    %scan3A = arith.constant 0 : i32
    %scan3A_1 = arith.constant 0 : i32
    %scan3A_2 = arith.constant 40 : i32
    %scan3A_3 = arith.addi %scan3A_1, %scan3A_2 : i32
    %scan3A_4 = arith.constant 1 : i32
    scf.for %scan3A_6 = %scan3A_1 to %scan3A_3 step %scan3A_4  : i32 {
      %mul3A_7 = arith.constant 320 : i32
      %mul3A_8 = arith.muli %add3A, %mul3A_7 : i32
      %mul3A_9 = arith.constant 8 : i32
      %mul3A_10 = arith.muli %scan3A_6, %mul3A_9 : i32
      %add3A_11 = arith.addi %mul3A_8, %mul3A_10 : i32
      %mul3A_12 = arith.constant 16 : i32
      %mul3A_13 = arith.muli %add3A_11, %mul3A_12 : i32
      "tpu.region"() ({
        %run_scoped3A = tpu.sem_alloc : memref<!tpu.dma_semaphore, #tpu.memory_space<semaphore_mem>>
        %dma_start3A_24 = tpu.memref_slice %arg3[%mul3A_13] : memref<163840xi32, #tpu.memory_space<hbm>> -> memref<128xi32, #tpu.memory_space<hbm>>
        %dma_start3A_25 = tpu.memref_slice %arg3[%mul3A_13] : memref<163840xi32, #tpu.memory_space<hbm>> -> memref<128xi32, #tpu.memory_space<hbm>>
        tpu.enqueue_dma source(%dma_start3A_25 : memref<128xi32, #tpu.memory_space<hbm>>) target(%arg6 : memref<128xi32, #tpu.memory_space<vmem>>) target_semaphore(%run_scoped3A : memref<!tpu.dma_semaphore, #tpu.memory_space<semaphore_mem>>)
        %dma_wait3A_26 = tpu.memref_slice %arg3[%mul3A_13] : memref<163840xi32, #tpu.memory_space<hbm>> -> memref<128xi32, #tpu.memory_space<hbm>>
        %dma_wait3A_27 = tpu.memref_slice %arg3[%mul3A_13] : memref<163840xi32, #tpu.memory_space<hbm>> -> memref<128xi32, #tpu.memory_space<hbm>>
        tpu.wait_dma2 semaphore(%run_scoped3A : memref<!tpu.dma_semaphore, #tpu.memory_space<semaphore_mem>>) src(%dma_wait3A_27 : memref<128xi32, #tpu.memory_space<hbm>>) dst(%arg6 : memref<128xi32, #tpu.memory_space<vmem>>)
        tpu.yield
      }) : () -> ()
      "tpu.region"() ({
        %run_scoped3A = tpu.sem_alloc : memref<!tpu.dma_semaphore, #tpu.memory_space<semaphore_mem>>
        %dma_start3A_24 = tpu.memref_slice %arg4[%mul3A_13] : memref<163840xf32, #tpu.memory_space<hbm>> -> memref<128xf32, #tpu.memory_space<hbm>>
        %dma_start3A_25 = tpu.memref_slice %arg4[%mul3A_13] : memref<163840xf32, #tpu.memory_space<hbm>> -> memref<128xf32, #tpu.memory_space<hbm>>
        tpu.enqueue_dma source(%dma_start3A_25 : memref<128xf32, #tpu.memory_space<hbm>>) target(%arg7 : memref<128xf32, #tpu.memory_space<vmem>>) target_semaphore(%run_scoped3A : memref<!tpu.dma_semaphore, #tpu.memory_space<semaphore_mem>>)
        %dma_wait3A_26 = tpu.memref_slice %arg4[%mul3A_13] : memref<163840xf32, #tpu.memory_space<hbm>> -> memref<128xf32, #tpu.memory_space<hbm>>
        %dma_wait3A_27 = tpu.memref_slice %arg4[%mul3A_13] : memref<163840xf32, #tpu.memory_space<hbm>> -> memref<128xf32, #tpu.memory_space<hbm>>
        tpu.wait_dma2 semaphore(%run_scoped3A : memref<!tpu.dma_semaphore, #tpu.memory_space<semaphore_mem>>) src(%dma_wait3A_27 : memref<128xf32, #tpu.memory_space<hbm>>) dst(%arg7 : memref<128xf32, #tpu.memory_space<vmem>>)
        tpu.yield
      }) : () -> ()
      %dma_start3A = arith.constant 0 : i32
      %dma_start3A_14 = arith.constant 0 : i32
      %dma_start3A_15 = tpu.memref_slice %arg2[%dma_start3A, %dma_start3A_14] : memref<10240x256xf32, #tpu.memory_space<hbm>> -> memref<10240x256xf32, #tpu.memory_space<hbm>>
      tpu.enqueue_indirect_dma source(%dma_start3A_15 : memref<10240x256xf32, #tpu.memory_space<hbm>>) target(%arg8 : memref<128x256xf32, #tpu.memory_space<vmem>>) offsets(%arg6 : memref<128xi32, #tpu.memory_space<vmem>>) semaphore(%arg10 : memref<!tpu.dma_semaphore, #tpu.memory_space<semaphore_mem>>)
      %dma_wait3A = arith.constant 0 : i32
      %dma_wait3A_16 = arith.constant 0 : i32
      %dma_wait3A_17 = tpu.memref_slice %arg2[%dma_wait3A, %dma_wait3A_16] : memref<10240x256xf32, #tpu.memory_space<hbm>> -> memref<10240x256xf32, #tpu.memory_space<hbm>>
      tpu.wait_indirect_dma semaphore(%arg10 : memref<!tpu.dma_semaphore, #tpu.memory_space<semaphore_mem>>) src(%dma_wait3A_17 : memref<10240x256xf32, #tpu.memory_space<hbm>>) dst(%arg8 : memref<128x256xf32, #tpu.memory_space<vmem>>)
      %scan3A_18 = arith.constant 0 : i32
      %scan3A_19 = arith.constant 0 : i32
      %scan3A_20 = arith.constant 8 : i32
      %scan3A_21 = arith.addi %scan3A_19, %scan3A_20 : i32
      %scan3A_22 = arith.constant 1 : i32
      scf.for %scan3A_24 = %scan3A_19 to %scan3A_21 step %scan3A_22  : i32 {
        %mul3A_25 = arith.constant 16 : i32
        %mul3A_26 = arith.muli %scan3A_24, %mul3A_25 : i32
        %get3A = arith.index_cast %mul3A_26 : i32 to index
        %get3A_27 = tpu.vector_load %arg7[%get3A] {strides = array<i32>} : memref<128xf32, #tpu.memory_space<vmem>>, vector<16xf32>,
        %get3A_28 = vector.shape_cast %get3A_27 : vector<16xf32> to vector<16xf32>
        %broadcast_in_dim3A = arith.constant 0.000000e+00 : f32
        %broadcast_in_dim3A_29 = vector.broadcast %broadcast_in_dim3A : f32 to vector<16xf32>
        %broadcast_in_dim3A_30 = arith.constant 0.000000e+00 : f32
        %broadcast_in_dim3A_31 = vector.broadcast %broadcast_in_dim3A_30 : f32 to vector<16xf32>
        %broadcast_in_dim3A_32 = arith.constant 0.000000e+00 : f32
        %broadcast_in_dim3A_33 = vector.broadcast %broadcast_in_dim3A_32 : f32 to vector<16xf32>
        %broadcast_in_dim3A_34 = arith.constant 0.000000e+00 : f32
        %broadcast_in_dim3A_35 = vector.broadcast %broadcast_in_dim3A_34 : f32 to vector<16xf32>
        %broadcast_in_dim3A_36 = arith.constant 0.000000e+00 : f32
        %broadcast_in_dim3A_37 = vector.broadcast %broadcast_in_dim3A_36 : f32 to vector<16xf32>
        %broadcast_in_dim3A_38 = arith.constant 0.000000e+00 : f32
        %broadcast_in_dim3A_39 = vector.broadcast %broadcast_in_dim3A_38 : f32 to vector<16xf32>
        %broadcast_in_dim3A_40 = arith.constant 0.000000e+00 : f32
        %broadcast_in_dim3A_41 = vector.broadcast %broadcast_in_dim3A_40 : f32 to vector<16xf32>
        %broadcast_in_dim3A_42 = arith.constant 0.000000e+00 : f32
        %broadcast_in_dim3A_43 = vector.broadcast %broadcast_in_dim3A_42 : f32 to vector<16xf32>
        %broadcast_in_dim3A_44 = arith.constant 0.000000e+00 : f32
        %broadcast_in_dim3A_45 = vector.broadcast %broadcast_in_dim3A_44 : f32 to vector<16xf32>
        %broadcast_in_dim3A_46 = arith.constant 0.000000e+00 : f32
        %broadcast_in_dim3A_47 = vector.broadcast %broadcast_in_dim3A_46 : f32 to vector<16xf32>
        %broadcast_in_dim3A_48 = arith.constant 0.000000e+00 : f32
        %broadcast_in_dim3A_49 = vector.broadcast %broadcast_in_dim3A_48 : f32 to vector<16xf32>
        %broadcast_in_dim3A_50 = arith.constant 0.000000e+00 : f32
        %broadcast_in_dim3A_51 = vector.broadcast %broadcast_in_dim3A_50 : f32 to vector<16xf32>
        %broadcast_in_dim3A_52 = arith.constant 0.000000e+00 : f32
        %broadcast_in_dim3A_53 = vector.broadcast %broadcast_in_dim3A_52 : f32 to vector<16xf32>
        %broadcast_in_dim3A_54 = arith.constant 0.000000e+00 : f32
        %broadcast_in_dim3A_55 = vector.broadcast %broadcast_in_dim3A_54 : f32 to vector<16xf32>
        %broadcast_in_dim3A_56 = arith.constant 0.000000e+00 : f32
        %broadcast_in_dim3A_57 = vector.broadcast %broadcast_in_dim3A_56 : f32 to vector<16xf32>
        %broadcast_in_dim3A_58 = arith.constant 0.000000e+00 : f32
        %broadcast_in_dim3A_59 = vector.broadcast %broadcast_in_dim3A_58 : f32 to vector<16xf32>
        %slice3A = vector.extract_strided_slice %get3A_28 {offsets = [0], sizes = [1], strides = [1]} : vector<16xf32> to vector<1xf32>
        %squeeze3A = vector.extract %slice3A[0] : f32 from vector<1xf32>
        %mul3A_60 = arith.constant 16 : i32
        %mul3A_61 = arith.muli %scan3A_24, %mul3A_60 : i32
        %add3A_62 = arith.constant 0 : i32
        %add3A_63 = arith.addi %mul3A_61, %add3A_62 : i32
        %get3A_64 = arith.index_cast %add3A_63 : i32 to index
        %get3A_65 = arith.constant 0 : index
        %get3A_66 = tpu.vector_load %arg8[%get3A_64, %get3A_65] {strides = array<i32>} : memref<128x256xf32, #tpu.memory_space<vmem>>, vector<1x16xf32>,
        %get3A_67 = vector.shape_cast %get3A_66 : vector<1x16xf32> to vector<16xf32>
        %mul3A_68 = vector.broadcast %squeeze3A : f32 to vector<16xf32>
        %mul3A_69 = arith.mulf %mul3A_68, %get3A_67 : vector<16xf32>
        %add3A_70 = arith.addf %broadcast_in_dim3A_29, %mul3A_69 : vector<16xf32>
        %mul3A_71 = arith.constant 16 : i32
        %mul3A_72 = arith.muli %scan3A_24, %mul3A_71 : i32
        %add3A_73 = arith.constant 0 : i32
        %add3A_74 = arith.addi %mul3A_72, %add3A_73 : i32
        %get3A_75 = arith.index_cast %add3A_74 : i32 to index
        %get3A_76 = arith.constant 16 : index
        %get3A_77 = tpu.vector_load %arg8[%get3A_75, %get3A_76] {strides = array<i32>} : memref<128x256xf32, #tpu.memory_space<vmem>>, vector<1x16xf32>,
        %get3A_78 = vector.shape_cast %get3A_77 : vector<1x16xf32> to vector<16xf32>
        %mul3A_79 = vector.broadcast %squeeze3A : f32 to vector<16xf32>
        %mul3A_80 = arith.mulf %mul3A_79, %get3A_78 : vector<16xf32>
        %add3A_81 = arith.addf %broadcast_in_dim3A_31, %mul3A_80 : vector<16xf32>
        %mul3A_82 = arith.constant 16 : i32
        %mul3A_83 = arith.muli %scan3A_24, %mul3A_82 : i32
        %add3A_84 = arith.constant 0 : i32
        %add3A_85 = arith.addi %mul3A_83, %add3A_84 : i32
        %get3A_86 = arith.index_cast %add3A_85 : i32 to index
        %get3A_87 = arith.constant 32 : index
        %get3A_88 = tpu.vector_load %arg8[%get3A_86, %get3A_87] {strides = array<i32>} : memref<128x256xf32, #tpu.memory_space<vmem>>, vector<1x16xf32>,
        %get3A_89 = vector.shape_cast %get3A_88 : vector<1x16xf32> to vector<16xf32>
        %mul3A_90 = vector.broadcast %squeeze3A : f32 to vector<16xf32>
        %mul3A_91 = arith.mulf %mul3A_90, %get3A_89 : vector<16xf32>
        %add3A_92 = arith.addf %broadcast_in_dim3A_33, %mul3A_91 : vector<16xf32>
        %mul3A_93 = arith.constant 16 : i32
        %mul3A_94 = arith.muli %scan3A_24, %mul3A_93 : i32
        %add3A_95 = arith.constant 0 : i32
        %add3A_96 = arith.addi %mul3A_94, %add3A_95 : i32
        %get3A_97 = arith.index_cast %add3A_96 : i32 to index
        %get3A_98 = arith.constant 48 : index
        %get3A_99 = tpu.vector_load %arg8[%get3A_97, %get3A_98] {strides = array<i32>} : memref<128x256xf32, #tpu.memory_space<vmem>>, vector<1x16xf32>,
        %get3A_100 = vector.shape_cast %get3A_99 : vector<1x16xf32> to vector<16xf32>
        %mul3A_101 = vector.broadcast %squeeze3A : f32 to vector<16xf32>
        %mul3A_102 = arith.mulf %mul3A_101, %get3A_100 : vector<16xf32>
        %add3A_103 = arith.addf %broadcast_in_dim3A_35, %mul3A_102 : vector<16xf32>
        %mul3A_104 = arith.constant 16 : i32
        %mul3A_105 = arith.muli %scan3A_24, %mul3A_104 : i32
        %add3A_106 = arith.constant 0 : i32
        %add3A_107 = arith.addi %mul3A_105, %add3A_106 : i32
        %get3A_108 = arith.index_cast %add3A_107 : i32 to index
        %get3A_109 = arith.constant 64 : index
        %get3A_110 = tpu.vector_load %arg8[%get3A_108, %get3A_109] {strides = array<i32>} : memref<128x256xf32, #tpu.memory_space<vmem>>, vector<1x16xf32>,
        %get3A_111 = vector.shape_cast %get3A_110 : vector<1x16xf32> to vector<16xf32>
        %mul3A_112 = vector.broadcast %squeeze3A : f32 to vector<16xf32>
        %mul3A_113 = arith.mulf %mul3A_112, %get3A_111 : vector<16xf32>
        %add3A_114 = arith.addf %broadcast_in_dim3A_37, %mul3A_113 : vector<16xf32>
        %mul3A_115 = arith.constant 16 : i32
        %mul3A_116 = arith.muli %scan3A_24, %mul3A_115 : i32
        %add3A_117 = arith.constant 0 : i32
        %add3A_118 = arith.addi %mul3A_116, %add3A_117 : i32
        %get3A_119 = arith.index_cast %add3A_118 : i32 to index
        %get3A_120 = arith.constant 80 : index
        %get3A_121 = tpu.vector_load %arg8[%get3A_119, %get3A_120] {strides = array<i32>} : memref<128x256xf32, #tpu.memory_space<vmem>>, vector<1x16xf32>,
        %get3A_122 = vector.shape_cast %get3A_121 : vector<1x16xf32> to vector<16xf32>
        %mul3A_123 = vector.broadcast %squeeze3A : f32 to vector<16xf32>
        %mul3A_124 = arith.mulf %mul3A_123, %get3A_122 : vector<16xf32>
        %add3A_125 = arith.addf %broadcast_in_dim3A_39, %mul3A_124 : vector<16xf32>
        %mul3A_126 = arith.constant 16 : i32
        %mul3A_127 = arith.muli %scan3A_24, %mul3A_126 : i32
        %add3A_128 = arith.constant 0 : i32
        %add3A_129 = arith.addi %mul3A_127, %add3A_128 : i32
        %get3A_130 = arith.index_cast %add3A_129 : i32 to index
        %get3A_131 = arith.constant 96 : index
        %get3A_132 = tpu.vector_load %arg8[%get3A_130, %get3A_131] {strides = array<i32>} : memref<128x256xf32, #tpu.memory_space<vmem>>, vector<1x16xf32>,
        %get3A_133 = vector.shape_cast %get3A_132 : vector<1x16xf32> to vector<16xf32>
        %mul3A_134 = vector.broadcast %squeeze3A : f32 to vector<16xf32>
        %mul3A_135 = arith.mulf %mul3A_134, %get3A_133 : vector<16xf32>
        %add3A_136 = arith.addf %broadcast_in_dim3A_41, %mul3A_135 : vector<16xf32>
        %mul3A_137 = arith.constant 16 : i32
        %mul3A_138 = arith.muli %scan3A_24, %mul3A_137 : i32
        %add3A_139 = arith.constant 0 : i32
        %add3A_140 = arith.addi %mul3A_138, %add3A_139 : i32
        %get3A_141 = arith.index_cast %add3A_140 : i32 to index
        %get3A_142 = arith.constant 112 : index
        %get3A_143 = tpu.vector_load %arg8[%get3A_141, %get3A_142] {strides = array<i32>} : memref<128x256xf32, #tpu.memory_space<vmem>>, vector<1x16xf32>,
        %get3A_144 = vector.shape_cast %get3A_143 : vector<1x16xf32> to vector<16xf32>
        %mul3A_145 = vector.broadcast %squeeze3A : f32 to vector<16xf32>
        %mul3A_146 = arith.mulf %mul3A_145, %get3A_144 : vector<16xf32>
        %add3A_147 = arith.addf %broadcast_in_dim3A_43, %mul3A_146 : vector<16xf32>
        %mul3A_148 = arith.constant 16 : i32
        %mul3A_149 = arith.muli %scan3A_24, %mul3A_148 : i32
        %add3A_150 = arith.constant 0 : i32
        %add3A_151 = arith.addi %mul3A_149, %add3A_150 : i32
        %get3A_152 = arith.index_cast %add3A_151 : i32 to index
        %get3A_153 = arith.constant 128 : index
        %get3A_154 = tpu.vector_load %arg8[%get3A_152, %get3A_153] {strides = array<i32>} : memref<128x256xf32, #tpu.memory_space<vmem>>, vector<1x16xf32>,
        %get3A_155 = vector.shape_cast %get3A_154 : vector<1x16xf32> to vector<16xf32>
        %mul3A_156 = vector.broadcast %squeeze3A : f32 to vector<16xf32>
        %mul3A_157 = arith.mulf %mul3A_156, %get3A_155 : vector<16xf32>
        %add3A_158 = arith.addf %broadcast_in_dim3A_45, %mul3A_157 : vector<16xf32>
        %mul3A_159 = arith.constant 16 : i32
        %mul3A_160 = arith.muli %scan3A_24, %mul3A_159 : i32
        %add3A_161 = arith.constant 0 : i32
        %add3A_162 = arith.addi %mul3A_160, %add3A_161 : i32
        %get3A_163 = arith.index_cast %add3A_162 : i32 to index
        %get3A_164 = arith.constant 144 : index
        %get3A_165 = tpu.vector_load %arg8[%get3A_163, %get3A_164] {strides = array<i32>} : memref<128x256xf32, #tpu.memory_space<vmem>>, vector<1x16xf32>,
        %get3A_166 = vector.shape_cast %get3A_165 : vector<1x16xf32> to vector<16xf32>
        %mul3A_167 = vector.broadcast %squeeze3A : f32 to vector<16xf32>
        %mul3A_168 = arith.mulf %mul3A_167, %get3A_166 : vector<16xf32>
        %add3A_169 = arith.addf %broadcast_in_dim3A_47, %mul3A_168 : vector<16xf32>
        %mul3A_170 = arith.constant 16 : i32
        %mul3A_171 = arith.muli %scan3A_24, %mul3A_170 : i32
        %add3A_172 = arith.constant 0 : i32
        %add3A_173 = arith.addi %mul3A_171, %add3A_172 : i32
        %get3A_174 = arith.index_cast %add3A_173 : i32 to index
        %get3A_175 = arith.constant 160 : index
        %get3A_176 = tpu.vector_load %arg8[%get3A_174, %get3A_175] {strides = array<i32>} : memref<128x256xf32, #tpu.memory_space<vmem>>, vector<1x16xf32>,
        %get3A_177 = vector.shape_cast %get3A_176 : vector<1x16xf32> to vector<16xf32>
        %mul3A_178 = vector.broadcast %squeeze3A : f32 to vector<16xf32>
        %mul3A_179 = arith.mulf %mul3A_178, %get3A_177 : vector<16xf32>
        %add3A_180 = arith.addf %broadcast_in_dim3A_49, %mul3A_179 : vector<16xf32>
        %mul3A_181 = arith.constant 16 : i32
        %mul3A_182 = arith.muli %scan3A_24, %mul3A_181 : i32
        %add3A_183 = arith.constant 0 : i32
        %add3A_184 = arith.addi %mul3A_182, %add3A_183 : i32
        %get3A_185 = arith.index_cast %add3A_184 : i32 to index
        %get3A_186 = arith.constant 176 : index
        %get3A_187 = tpu.vector_load %arg8[%get3A_185, %get3A_186] {strides = array<i32>} : memref<128x256xf32, #tpu.memory_space<vmem>>, vector<1x16xf32>,
        %get3A_188 = vector.shape_cast %get3A_187 : vector<1x16xf32> to vector<16xf32>
        %mul3A_189 = vector.broadcast %squeeze3A : f32 to vector<16xf32>
        %mul3A_190 = arith.mulf %mul3A_189, %get3A_188 : vector<16xf32>
        %add3A_191 = arith.addf %broadcast_in_dim3A_51, %mul3A_190 : vector<16xf32>
        %mul3A_192 = arith.constant 16 : i32
        %mul3A_193 = arith.muli %scan3A_24, %mul3A_192 : i32
        %add3A_194 = arith.constant 0 : i32
        %add3A_195 = arith.addi %mul3A_193, %add3A_194 : i32
        %get3A_196 = arith.index_cast %add3A_195 : i32 to index
        %get3A_197 = arith.constant 192 : index
        %get3A_198 = tpu.vector_load %arg8[%get3A_196, %get3A_197] {strides = array<i32>} : memref<128x256xf32, #tpu.memory_space<vmem>>, vector<1x16xf32>,
        %get3A_199 = vector.shape_cast %get3A_198 : vector<1x16xf32> to vector<16xf32>
        %mul3A_200 = vector.broadcast %squeeze3A : f32 to vector<16xf32>
        %mul3A_201 = arith.mulf %mul3A_200, %get3A_199 : vector<16xf32>
        %add3A_202 = arith.addf %broadcast_in_dim3A_53, %mul3A_201 : vector<16xf32>
        %mul3A_203 = arith.constant 16 : i32
        %mul3A_204 = arith.muli %scan3A_24, %mul3A_203 : i32
        %add3A_205 = arith.constant 0 : i32
        %add3A_206 = arith.addi %mul3A_204, %add3A_205 : i32
        %get3A_207 = arith.index_cast %add3A_206 : i32 to index
        %get3A_208 = arith.constant 208 : index
        %get3A_209 = tpu.vector_load %arg8[%get3A_207, %get3A_208] {strides = array<i32>} : memref<128x256xf32, #tpu.memory_space<vmem>>, vector<1x16xf32>,
        %get3A_210 = vector.shape_cast %get3A_209 : vector<1x16xf32> to vector<16xf32>
        %mul3A_211 = vector.broadcast %squeeze3A : f32 to vector<16xf32>
        %mul3A_212 = arith.mulf %mul3A_211, %get3A_210 : vector<16xf32>
        %add3A_213 = arith.addf %broadcast_in_dim3A_55, %mul3A_212 : vector<16xf32>
        %mul3A_214 = arith.constant 16 : i32
        %mul3A_215 = arith.muli %scan3A_24, %mul3A_214 : i32
        %add3A_216 = arith.constant 0 : i32
        %add3A_217 = arith.addi %mul3A_215, %add3A_216 : i32
        %get3A_218 = arith.index_cast %add3A_217 : i32 to index
        %get3A_219 = arith.constant 224 : index
        %get3A_220 = tpu.vector_load %arg8[%get3A_218, %get3A_219] {strides = array<i32>} : memref<128x256xf32, #tpu.memory_space<vmem>>, vector<1x16xf32>,
        %get3A_221 = vector.shape_cast %get3A_220 : vector<1x16xf32> to vector<16xf32>
        %mul3A_222 = vector.broadcast %squeeze3A : f32 to vector<16xf32>
        %mul3A_223 = arith.mulf %mul3A_222, %get3A_221 : vector<16xf32>
        %add3A_224 = arith.addf %broadcast_in_dim3A_57, %mul3A_223 : vector<16xf32>
        %mul3A_225 = arith.constant 16 : i32
        %mul3A_226 = arith.muli %scan3A_24, %mul3A_225 : i32
        %add3A_227 = arith.constant 0 : i32
        %add3A_228 = arith.addi %mul3A_226, %add3A_227 : i32
        %get3A_229 = arith.index_cast %add3A_228 : i32 to index
        %get3A_230 = arith.constant 240 : index
        %get3A_231 = tpu.vector_load %arg8[%get3A_229, %get3A_230] {strides = array<i32>} : memref<128x256xf32, #tpu.memory_space<vmem>>, vector<1x16xf32>,
        %get3A_232 = vector.shape_cast %get3A_231 : vector<1x16xf32> to vector<16xf32>
        %mul3A_233 = vector.broadcast %squeeze3A : f32 to vector<16xf32>
        %mul3A_234 = arith.mulf %mul3A_233, %get3A_232 : vector<16xf32>
        %add3A_235 = arith.addf %broadcast_in_dim3A_59, %mul3A_234 : vector<16xf32>
        %slice3A_236 = vector.extract_strided_slice %get3A_28 {offsets = [1], sizes = [1], strides = [1]} : vector<16xf32> to vector<1xf32>
        %squeeze3A_237 = vector.extract %slice3A_236[0] : f32 from vector<1xf32>
        %mul3A_238 = arith.constant 16 : i32
        %mul3A_239 = arith.muli %scan3A_24, %mul3A_238 : i32
        %add3A_240 = arith.constant 1 : i32
        %add3A_241 = arith.addi %mul3A_239, %add3A_240 : i32
        %get3A_242 = arith.index_cast %add3A_241 : i32 to index
        %get3A_243 = arith.constant 0 : index
        %get3A_244 = tpu.vector_load %arg8[%get3A_242, %get3A_243] {strides = array<i32>} : memref<128x256xf32, #tpu.memory_space<vmem>>, vector<1x16xf32>,
        %get3A_245 = vector.shape_cast %get3A_244 : vector<1x16xf32> to vector<16xf32>
        %mul3A_246 = vector.broadcast %squeeze3A_237 : f32 to vector<16xf32>
        %mul3A_247 = arith.mulf %mul3A_246, %get3A_245 : vector<16xf32>
        %add3A_248 = arith.addf %add3A_70, %mul3A_247 : vector<16xf32>
        %mul3A_249 = arith.constant 16 : i32
        %mul3A_250 = arith.muli %scan3A_24, %mul3A_249 : i32
        %add3A_251 = arith.constant 1 : i32
        %add3A_252 = arith.addi %mul3A_250, %add3A_251 : i32
        %get3A_253 = arith.index_cast %add3A_252 : i32 to index
        %get3A_254 = arith.constant 16 : index
        %get3A_255 = tpu.vector_load %arg8[%get3A_253, %get3A_254] {strides = array<i32>} : memref<128x256xf32, #tpu.memory_space<vmem>>, vector<1x16xf32>,
        %get3A_256 = vector.shape_cast %get3A_255 : vector<1x16xf32> to vector<16xf32>
        %mul3A_257 = vector.broadcast %squeeze3A_237 : f32 to vector<16xf32>
        %mul3A_258 = arith.mulf %mul3A_257, %get3A_256 : vector<16xf32>
        %add3A_259 = arith.addf %add3A_81, %mul3A_258 : vector<16xf32>
        %mul3A_260 = arith.constant 16 : i32
        %mul3A_261 = arith.muli %scan3A_24, %mul3A_260 : i32
        %add3A_262 = arith.constant 1 : i32
        %add3A_263 = arith.addi %mul3A_261, %add3A_262 : i32
        %get3A_264 = arith.index_cast %add3A_263 : i32 to index
        %get3A_265 = arith.constant 32 : index
        %get3A_266 = tpu.vector_load %arg8[%get3A_264, %get3A_265] {strides = array<i32>} : memref<128x256xf32, #tpu.memory_space<vmem>>, vector<1x16xf32>,
        %get3A_267 = vector.shape_cast %get3A_266 : vector<1x16xf32> to vector<16xf32>
        %mul3A_268 = vector.broadcast %squeeze3A_237 : f32 to vector<16xf32>
        %mul3A_269 = arith.mulf %mul3A_268, %get3A_267 : vector<16xf32>
        %add3A_270 = arith.addf %add3A_92, %mul3A_269 : vector<16xf32>
        %mul3A_271 = arith.constant 16 : i32
        %mul3A_272 = arith.muli %scan3A_24, %mul3A_271 : i32
        %add3A_273 = arith.constant 1 : i32
        %add3A_274 = arith.addi %mul3A_272, %add3A_273 : i32
        %get3A_275 = arith.index_cast %add3A_274 : i32 to index
        %get3A_276 = arith.constant 48 : index
        %get3A_277 = tpu.vector_load %arg8[%get3A_275, %get3A_276] {strides = array<i32>} : memref<128x256xf32, #tpu.memory_space<vmem>>, vector<1x16xf32>,
        %get3A_278 = vector.shape_cast %get3A_277 : vector<1x16xf32> to vector<16xf32>
        %mul3A_279 = vector.broadcast %squeeze3A_237 : f32 to vector<16xf32>
        %mul3A_280 = arith.mulf %mul3A_279, %get3A_278 : vector<16xf32>
        %add3A_281 = arith.addf %add3A_103, %mul3A_280 : vector<16xf32>
        %mul3A_282 = arith.constant 16 : i32
        %mul3A_283 = arith.muli %scan3A_24, %mul3A_282 : i32
        %add3A_284 = arith.constant 1 : i32
        %add3A_285 = arith.addi %mul3A_283, %add3A_284 : i32
        %get3A_286 = arith.index_cast %add3A_285 : i32 to index
        %get3A_287 = arith.constant 64 : index
        %get3A_288 = tpu.vector_load %arg8[%get3A_286, %get3A_287] {strides = array<i32>} : memref<128x256xf32, #tpu.memory_space<vmem>>, vector<1x16xf32>,
        %get3A_289 = vector.shape_cast %get3A_288 : vector<1x16xf32> to vector<16xf32>
        %mul3A_290 = vector.broadcast %squeeze3A_237 : f32 to vector<16xf32>
        %mul3A_291 = arith.mulf %mul3A_290, %get3A_289 : vector<16xf32>
        %add3A_292 = arith.addf %add3A_114, %mul3A_291 : vector<16xf32>
        %mul3A_293 = arith.constant 16 : i32
        %mul3A_294 = arith.muli %scan3A_24, %mul3A_293 : i32
        %add3A_295 = arith.constant 1 : i32
        %add3A_296 = arith.addi %mul3A_294, %add3A_295 : i32
        %get3A_297 = arith.index_cast %add3A_296 : i32 to index
        %get3A_298 = arith.constant 80 : index
        %get3A_299 = tpu.vector_load %arg8[%get3A_297, %get3A_298] {strides = array<i32>} : memref<128x256xf32, #tpu.memory_space<vmem>>, vector<1x16xf32>,
        %get3A_300 = vector.shape_cast %get3A_299 : vector<1x16xf32> to vector<16xf32>
        %mul3A_301 = vector.broadcast %squeeze3A_237 : f32 to vector<16xf32>
        %mul3A_302 = arith.mulf %mul3A_301, %get3A_300 : vector<16xf32>
        %add3A_303 = arith.addf %add3A_125, %mul3A_302 : vector<16xf32>
        %mul3A_304 = arith.constant 16 : i32
        %mul3A_305 = arith.muli %scan3A_24, %mul3A_304 : i32
        %add3A_306 = arith.constant 1 : i32
        %add3A_307 = arith.addi %mul3A_305, %add3A_306 : i32
        %get3A_308 = arith.index_cast %add3A_307 : i32 to index
        %get3A_309 = arith.constant 96 : index
        %get3A_310 = tpu.vector_load %arg8[%get3A_308, %get3A_309] {strides = array<i32>} : memref<128x256xf32, #tpu.memory_space<vmem>>, vector<1x16xf32>,
        %get3A_311 = vector.shape_cast %get3A_310 : vector<1x16xf32> to vector<16xf32>
        %mul3A_312 = vector.broadcast %squeeze3A_237 : f32 to vector<16xf32>
        %mul3A_313 = arith.mulf %mul3A_312, %get3A_311 : vector<16xf32>
        %add3A_314 = arith.addf %add3A_136, %mul3A_313 : vector<16xf32>
        %mul3A_315 = arith.constant 16 : i32
        %mul3A_316 = arith.muli %scan3A_24, %mul3A_315 : i32
        %add3A_317 = arith.constant 1 : i32
        %add3A_318 = arith.addi %mul3A_316, %add3A_317 : i32
        %get3A_319 = arith.index_cast %add3A_318 : i32 to index
        %get3A_320 = arith.constant 112 : index
        %get3A_321 = tpu.vector_load %arg8[%get3A_319, %get3A_320] {strides = array<i32>} : memref<128x256xf32, #tpu.memory_space<vmem>>, vector<1x16xf32>,
        %get3A_322 = vector.shape_cast %get3A_321 : vector<1x16xf32> to vector<16xf32>
        %mul3A_323 = vector.broadcast %squeeze3A_237 : f32 to vector<16xf32>
        %mul3A_324 = arith.mulf %mul3A_323, %get3A_322 : vector<16xf32>
        %add3A_325 = arith.addf %add3A_147, %mul3A_324 : vector<16xf32>
        %mul3A_326 = arith.constant 16 : i32
        %mul3A_327 = arith.muli %scan3A_24, %mul3A_326 : i32
        %add3A_328 = arith.constant 1 : i32
        %add3A_329 = arith.addi %mul3A_327, %add3A_328 : i32
        %get3A_330 = arith.index_cast %add3A_329 : i32 to index
        %get3A_331 = arith.constant 128 : index
        %get3A_332 = tpu.vector_load %arg8[%get3A_330, %get3A_331] {strides = array<i32>} : memref<128x256xf32, #tpu.memory_space<vmem>>, vector<1x16xf32>,
        %get3A_333 = vector.shape_cast %get3A_332 : vector<1x16xf32> to vector<16xf32>
        %mul3A_334 = vector.broadcast %squeeze3A_237 : f32 to vector<16xf32>
        %mul3A_335 = arith.mulf %mul3A_334, %get3A_333 : vector<16xf32>
        %add3A_336 = arith.addf %add3A_158, %mul3A_335 : vector<16xf32>
        %mul3A_337 = arith.constant 16 : i32
        %mul3A_338 = arith.muli %scan3A_24, %mul3A_337 : i32
        %add3A_339 = arith.constant 1 : i32
        %add3A_340 = arith.addi %mul3A_338, %add3A_339 : i32
        %get3A_341 = arith.index_cast %add3A_340 : i32 to index
        %get3A_342 = arith.constant 144 : index
        %get3A_343 = tpu.vector_load %arg8[%get3A_341, %get3A_342] {strides = array<i32>} : memref<128x256xf32, #tpu.memory_space<vmem>>, vector<1x16xf32>,
        %get3A_344 = vector.shape_cast %get3A_343 : vector<1x16xf32> to vector<16xf32>
        %mul3A_345 = vector.broadcast %squeeze3A_237 : f32 to vector<16xf32>
        %mul3A_346 = arith.mulf %mul3A_345, %get3A_344 : vector<16xf32>
        %add3A_347 = arith.addf %add3A_169, %mul3A_346 : vector<16xf32>
        %mul3A_348 = arith.constant 16 : i32
        %mul3A_349 = arith.muli %scan3A_24, %mul3A_348 : i32
        %add3A_350 = arith.constant 1 : i32
        %add3A_351 = arith.addi %mul3A_349, %add3A_350 : i32
        %get3A_352 = arith.index_cast %add3A_351 : i32 to index
        %get3A_353 = arith.constant 160 : index
        %get3A_354 = tpu.vector_load %arg8[%get3A_352, %get3A_353] {strides = array<i32>} : memref<128x256xf32, #tpu.memory_space<vmem>>, vector<1x16xf32>,
        %get3A_355 = vector.shape_cast %get3A_354 : vector<1x16xf32> to vector<16xf32>
        %mul3A_356 = vector.broadcast %squeeze3A_237 : f32 to vector<16xf32>
        %mul3A_357 = arith.mulf %mul3A_356, %get3A_355 : vector<16xf32>
        %add3A_358 = arith.addf %add3A_180, %mul3A_357 : vector<16xf32>
        %mul3A_359 = arith.constant 16 : i32
        %mul3A_360 = arith.muli %scan3A_24, %mul3A_359 : i32
        %add3A_361 = arith.constant 1 : i32
        %add3A_362 = arith.addi %mul3A_360, %add3A_361 : i32
        %get3A_363 = arith.index_cast %add3A_362 : i32 to index
        %get3A_364 = arith.constant 176 : index
        %get3A_365 = tpu.vector_load %arg8[%get3A_363, %get3A_364] {strides = array<i32>} : memref<128x256xf32, #tpu.memory_space<vmem>>, vector<1x16xf32>,
        %get3A_366 = vector.shape_cast %get3A_365 : vector<1x16xf32> to vector<16xf32>
        %mul3A_367 = vector.broadcast %squeeze3A_237 : f32 to vector<16xf32>
        %mul3A_368 = arith.mulf %mul3A_367, %get3A_366 : vector<16xf32>
        %add3A_369 = arith.addf %add3A_191, %mul3A_368 : vector<16xf32>
        %mul3A_370 = arith.constant 16 : i32
        %mul3A_371 = arith.muli %scan3A_24, %mul3A_370 : i32
        %add3A_372 = arith.constant 1 : i32
        %add3A_373 = arith.addi %mul3A_371, %add3A_372 : i32
        %get3A_374 = arith.index_cast %add3A_373 : i32 to index
        %get3A_375 = arith.constant 192 : index
        %get3A_376 = tpu.vector_load %arg8[%get3A_374, %get3A_375] {strides = array<i32>} : memref<128x256xf32, #tpu.memory_space<vmem>>, vector<1x16xf32>,
        %get3A_377 = vector.shape_cast %get3A_376 : vector<1x16xf32> to vector<16xf32>
        %mul3A_378 = vector.broadcast %squeeze3A_237 : f32 to vector<16xf32>
        %mul3A_379 = arith.mulf %mul3A_378, %get3A_377 : vector<16xf32>
        %add3A_380 = arith.addf %add3A_202, %mul3A_379 : vector<16xf32>
        %mul3A_381 = arith.constant 16 : i32
        %mul3A_382 = arith.muli %scan3A_24, %mul3A_381 : i32
        %add3A_383 = arith.constant 1 : i32
        %add3A_384 = arith.addi %mul3A_382, %add3A_383 : i32
        %get3A_385 = arith.index_cast %add3A_384 : i32 to index
        %get3A_386 = arith.constant 208 : index
        %get3A_387 = tpu.vector_load %arg8[%get3A_385, %get3A_386] {strides = array<i32>} : memref<128x256xf32, #tpu.memory_space<vmem>>, vector<1x16xf32>,
        %get3A_388 = vector.shape_cast %get3A_387 : vector<1x16xf32> to vector<16xf32>
        %mul3A_389 = vector.broadcast %squeeze3A_237 : f32 to vector<16xf32>
        %mul3A_390 = arith.mulf %mul3A_389, %get3A_388 : vector<16xf32>
        %add3A_391 = arith.addf %add3A_213, %mul3A_390 : vector<16xf32>
        %mul3A_392 = arith.constant 16 : i32
        %mul3A_393 = arith.muli %scan3A_24, %mul3A_392 : i32
        %add3A_394 = arith.constant 1 : i32
        %add3A_395 = arith.addi %mul3A_393, %add3A_394 : i32
        %get3A_396 = arith.index_cast %add3A_395 : i32 to index
        %get3A_397 = arith.constant 224 : index
        %get3A_398 = tpu.vector_load %arg8[%get3A_396, %get3A_397] {strides = array<i32>} : memref<128x256xf32, #tpu.memory_space<vmem>>, vector<1x16xf32>,
        %get3A_399 = vector.shape_cast %get3A_398 : vector<1x16xf32> to vector<16xf32>
        %mul3A_400 = vector.broadcast %squeeze3A_237 : f32 to vector<16xf32>
        %mul3A_401 = arith.mulf %mul3A_400, %get3A_399 : vector<16xf32>
        %add3A_402 = arith.addf %add3A_224, %mul3A_401 : vector<16xf32>
        %mul3A_403 = arith.constant 16 : i32
        %mul3A_404 = arith.muli %scan3A_24, %mul3A_403 : i32
        %add3A_405 = arith.constant 1 : i32
        %add3A_406 = arith.addi %mul3A_404, %add3A_405 : i32
        %get3A_407 = arith.index_cast %add3A_406 : i32 to index
        %get3A_408 = arith.constant 240 : index
        %get3A_409 = tpu.vector_load %arg8[%get3A_407, %get3A_408] {strides = array<i32>} : memref<128x256xf32, #tpu.memory_space<vmem>>, vector<1x16xf32>,
        %get3A_410 = vector.shape_cast %get3A_409 : vector<1x16xf32> to vector<16xf32>
        %mul3A_411 = vector.broadcast %squeeze3A_237 : f32 to vector<16xf32>
        %mul3A_412 = arith.mulf %mul3A_411, %get3A_410 : vector<16xf32>
        %add3A_413 = arith.addf %add3A_235, %mul3A_412 : vector<16xf32>
        %slice3A_414 = vector.extract_strided_slice %get3A_28 {offsets = [2], sizes = [1], strides = [1]} : vector<16xf32> to vector<1xf32>
        %squeeze3A_415 = vector.extract %slice3A_414[0] : f32 from vector<1xf32>
        %mul3A_416 = arith.constant 16 : i32
        %mul3A_417 = arith.muli %scan3A_24, %mul3A_416 : i32
        %add3A_418 = arith.constant 2 : i32
        %add3A_419 = arith.addi %mul3A_417, %add3A_418 : i32
        %get3A_420 = arith.index_cast %add3A_419 : i32 to index
        %get3A_421 = arith.constant 0 : index
        %get3A_422 = tpu.vector_load %arg8[%get3A_420, %get3A_421] {strides = array<i32>} : memref<128x256xf32, #tpu.memory_space<vmem>>, vector<1x16xf32>,
        %get3A_423 = vector.shape_cast %get3A_422 : vector<1x16xf32> to vector<16xf32>
        %mul3A_424 = vector.broadcast %squeeze3A_415 : f32 to vector<16xf32>
        %mul3A_425 = arith.mulf %mul3A_424, %get3A_423 : vector<16xf32>
        %add3A_426 = arith.addf %add3A_248, %mul3A_425 : vector<16xf32>
        %mul3A_427 = arith.constant 16 : i32
        %mul3A_428 = arith.muli %scan3A_24, %mul3A_427 : i32
        %add3A_429 = arith.constant 2 : i32
        %add3A_430 = arith.addi %mul3A_428, %add3A_429 : i32
        %get3A_431 = arith.index_cast %add3A_430 : i32 to index
        %get3A_432 = arith.constant 16 : index
        %get3A_433 = tpu.vector_load %arg8[%get3A_431, %get3A_432] {strides = array<i32>} : memref<128x256xf32, #tpu.memory_space<vmem>>, vector<1x16xf32>,
        %get3A_434 = vector.shape_cast %get3A_433 : vector<1x16xf32> to vector<16xf32>
        %mul3A_435 = vector.broadcast %squeeze3A_415 : f32 to vector<16xf32>
        %mul3A_436 = arith.mulf %mul3A_435, %get3A_434 : vector<16xf32>
        %add3A_437 = arith.addf %add3A_259, %mul3A_436 : vector<16xf32>
        %mul3A_438 = arith.constant 16 : i32
        %mul3A_439 = arith.muli %scan3A_24, %mul3A_438 : i32
        %add3A_440 = arith.constant 2 : i32
        %add3A_441 = arith.addi %mul3A_439, %add3A_440 : i32
        %get3A_442 = arith.index_cast %add3A_441 : i32 to index
        %get3A_443 = arith.constant 32 : index
        %get3A_444 = tpu.vector_load %arg8[%get3A_442, %get3A_443] {strides = array<i32>} : memref<128x256xf32, #tpu.memory_space<vmem>>, vector<1x16xf32>,
        %get3A_445 = vector.shape_cast %get3A_444 : vector<1x16xf32> to vector<16xf32>
        %mul3A_446 = vector.broadcast %squeeze3A_415 : f32 to vector<16xf32>
        %mul3A_447 = arith.mulf %mul3A_446, %get3A_445 : vector<16xf32>
        %add3A_448 = arith.addf %add3A_270, %mul3A_447 : vector<16xf32>
        %mul3A_449 = arith.constant 16 : i32
        %mul3A_450 = arith.muli %scan3A_24, %mul3A_449 : i32
        %add3A_451 = arith.constant 2 : i32
        %add3A_452 = arith.addi %mul3A_450, %add3A_451 : i32
        %get3A_453 = arith.index_cast %add3A_452 : i32 to index
        %get3A_454 = arith.constant 48 : index
        %get3A_455 = tpu.vector_load %arg8[%get3A_453, %get3A_454] {strides = array<i32>} : memref<128x256xf32, #tpu.memory_space<vmem>>, vector<1x16xf32>,
        %get3A_456 = vector.shape_cast %get3A_455 : vector<1x16xf32> to vector<16xf32>
        %mul3A_457 = vector.broadcast %squeeze3A_415 : f32 to vector<16xf32>
        %mul3A_458 = arith.mulf %mul3A_457, %get3A_456 : vector<16xf32>
        %add3A_459 = arith.addf %add3A_281, %mul3A_458 : vector<16xf32>
        %mul3A_460 = arith.constant 16 : i32
        %mul3A_461 = arith.muli %scan3A_24, %mul3A_460 : i32
        %add3A_462 = arith.constant 2 : i32
        %add3A_463 = arith.addi %mul3A_461, %add3A_462 : i32
        %get3A_464 = arith.index_cast %add3A_463 : i32 to index
        %get3A_465 = arith.constant 64 : index
        %get3A_466 = tpu.vector_load %arg8[%get3A_464, %get3A_465] {strides = array<i32>} : memref<128x256xf32, #tpu.memory_space<vmem>>, vector<1x16xf32>,
        %get3A_467 = vector.shape_cast %get3A_466 : vector<1x16xf32> to vector<16xf32>
        %mul3A_468 = vector.broadcast %squeeze3A_415 : f32 to vector<16xf32>
        %mul3A_469 = arith.mulf %mul3A_468, %get3A_467 : vector<16xf32>
        %add3A_470 = arith.addf %add3A_292, %mul3A_469 : vector<16xf32>
        %mul3A_471 = arith.constant 16 : i32
        %mul3A_472 = arith.muli %scan3A_24, %mul3A_471 : i32
        %add3A_473 = arith.constant 2 : i32
        %add3A_474 = arith.addi %mul3A_472, %add3A_473 : i32
        %get3A_475 = arith.index_cast %add3A_474 : i32 to index
        %get3A_476 = arith.constant 80 : index
        %get3A_477 = tpu.vector_load %arg8[%get3A_475, %get3A_476] {strides = array<i32>} : memref<128x256xf32, #tpu.memory_space<vmem>>, vector<1x16xf32>,
        %get3A_478 = vector.shape_cast %get3A_477 : vector<1x16xf32> to vector<16xf32>
        %mul3A_479 = vector.broadcast %squeeze3A_415 : f32 to vector<16xf32>
        %mul3A_480 = arith.mulf %mul3A_479, %get3A_478 : vector<16xf32>
        %add3A_481 = arith.addf %add3A_303, %mul3A_480 : vector<16xf32>
        %mul3A_482 = arith.constant 16 : i32
        %mul3A_483 = arith.muli %scan3A_24, %mul3A_482 : i32
        %add3A_484 = arith.constant 2 : i32
        %add3A_485 = arith.addi %mul3A_483, %add3A_484 : i32
        %get3A_486 = arith.index_cast %add3A_485 : i32 to index
        %get3A_487 = arith.constant 96 : index
        %get3A_488 = tpu.vector_load %arg8[%get3A_486, %get3A_487] {strides = array<i32>} : memref<128x256xf32, #tpu.memory_space<vmem>>, vector<1x16xf32>,
        %get3A_489 = vector.shape_cast %get3A_488 : vector<1x16xf32> to vector<16xf32>
        %mul3A_490 = vector.broadcast %squeeze3A_415 : f32 to vector<16xf32>
        %mul3A_491 = arith.mulf %mul3A_490, %get3A_489 : vector<16xf32>
        %add3A_492 = arith.addf %add3A_314, %mul3A_491 : vector<16xf32>
        %mul3A_493 = arith.constant 16 : i32
        %mul3A_494 = arith.muli %scan3A_24, %mul3A_493 : i32
        %add3A_495 = arith.constant 2 : i32
        %add3A_496 = arith.addi %mul3A_494, %add3A_495 : i32
        %get3A_497 = arith.index_cast %add3A_496 : i32 to index
        %get3A_498 = arith.constant 112 : index
        %get3A_499 = tpu.vector_load %arg8[%get3A_497, %get3A_498] {strides = array<i32>} : memref<128x256xf32, #tpu.memory_space<vmem>>, vector<1x16xf32>,
        %get3A_500 = vector.shape_cast %get3A_499 : vector<1x16xf32> to vector<16xf32>
        %mul3A_501 = vector.broadcast %squeeze3A_415 : f32 to vector<16xf32>
        %mul3A_502 = arith.mulf %mul3A_501, %get3A_500 : vector<16xf32>
        %add3A_503 = arith.addf %add3A_325, %mul3A_502 : vector<16xf32>
        %mul3A_504 = arith.constant 16 : i32
        %mul3A_505 = arith.muli %scan3A_24, %mul3A_504 : i32
        %add3A_506 = arith.constant 2 : i32
        %add3A_507 = arith.addi %mul3A_505, %add3A_506 : i32
        %get3A_508 = arith.index_cast %add3A_507 : i32 to index
        %get3A_509 = arith.constant 128 : index
        %get3A_510 = tpu.vector_load %arg8[%get3A_508, %get3A_509] {strides = array<i32>} : memref<128x256xf32, #tpu.memory_space<vmem>>, vector<1x16xf32>,
        %get3A_511 = vector.shape_cast %get3A_510 : vector<1x16xf32> to vector<16xf32>
        %mul3A_512 = vector.broadcast %squeeze3A_415 : f32 to vector<16xf32>
        %mul3A_513 = arith.mulf %mul3A_512, %get3A_511 : vector<16xf32>
        %add3A_514 = arith.addf %add3A_336, %mul3A_513 : vector<16xf32>
        %mul3A_515 = arith.constant 16 : i32
        %mul3A_516 = arith.muli %scan3A_24, %mul3A_515 : i32
        %add3A_517 = arith.constant 2 : i32
        %add3A_518 = arith.addi %mul3A_516, %add3A_517 : i32
        %get3A_519 = arith.index_cast %add3A_518 : i32 to index
        %get3A_520 = arith.constant 144 : index
        %get3A_521 = tpu.vector_load %arg8[%get3A_519, %get3A_520] {strides = array<i32>} : memref<128x256xf32, #tpu.memory_space<vmem>>, vector<1x16xf32>,
        %get3A_522 = vector.shape_cast %get3A_521 : vector<1x16xf32> to vector<16xf32>
        %mul3A_523 = vector.broadcast %squeeze3A_415 : f32 to vector<16xf32>
        %mul3A_524 = arith.mulf %mul3A_523, %get3A_522 : vector<16xf32>
        %add3A_525 = arith.addf %add3A_347, %mul3A_524 : vector<16xf32>
        %mul3A_526 = arith.constant 16 : i32
        %mul3A_527 = arith.muli %scan3A_24, %mul3A_526 : i32
        %add3A_528 = arith.constant 2 : i32
        %add3A_529 = arith.addi %mul3A_527, %add3A_528 : i32
        %get3A_530 = arith.index_cast %add3A_529 : i32 to index
        %get3A_531 = arith.constant 160 : index
        %get3A_532 = tpu.vector_load %arg8[%get3A_530, %get3A_531] {strides = array<i32>} : memref<128x256xf32, #tpu.memory_space<vmem>>, vector<1x16xf32>,
        %get3A_533 = vector.shape_cast %get3A_532 : vector<1x16xf32> to vector<16xf32>
        %mul3A_534 = vector.broadcast %squeeze3A_415 : f32 to vector<16xf32>
        %mul3A_535 = arith.mulf %mul3A_534, %get3A_533 : vector<16xf32>
        %add3A_536 = arith.addf %add3A_358, %mul3A_535 : vector<16xf32>
        %mul3A_537 = arith.constant 16 : i32
        %mul3A_538 = arith.muli %scan3A_24, %mul3A_537 : i32
        %add3A_539 = arith.constant 2 : i32
        %add3A_540 = arith.addi %mul3A_538, %add3A_539 : i32
        %get3A_541 = arith.index_cast %add3A_540 : i32 to index
        %get3A_542 = arith.constant 176 : index
        %get3A_543 = tpu.vector_load %arg8[%get3A_541, %get3A_542] {strides = array<i32>} : memref<128x256xf32, #tpu.memory_space<vmem>>, vector<1x16xf32>,
        %get3A_544 = vector.shape_cast %get3A_543 : vector<1x16xf32> to vector<16xf32>
        %mul3A_545 = vector.broadcast %squeeze3A_415 : f32 to vector<16xf32>
        %mul3A_546 = arith.mulf %mul3A_545, %get3A_544 : vector<16xf32>
        %add3A_547 = arith.addf %add3A_369, %mul3A_546 : vector<16xf32>
        %mul3A_548 = arith.constant 16 : i32
        %mul3A_549 = arith.muli %scan3A_24, %mul3A_548 : i32
        %add3A_550 = arith.constant 2 : i32
        %add3A_551 = arith.addi %mul3A_549, %add3A_550 : i32
        %get3A_552 = arith.index_cast %add3A_551 : i32 to index
        %get3A_553 = arith.constant 192 : index
        %get3A_554 = tpu.vector_load %arg8[%get3A_552, %get3A_553] {strides = array<i32>} : memref<128x256xf32, #tpu.memory_space<vmem>>, vector<1x16xf32>,
        %get3A_555 = vector.shape_cast %get3A_554 : vector<1x16xf32> to vector<16xf32>
        %mul3A_556 = vector.broadcast %squeeze3A_415 : f32 to vector<16xf32>
        %mul3A_557 = arith.mulf %mul3A_556, %get3A_555 : vector<16xf32>
        %add3A_558 = arith.addf %add3A_380, %mul3A_557 : vector<16xf32>
        %mul3A_559 = arith.constant 16 : i32
        %mul3A_560 = arith.muli %scan3A_24, %mul3A_559 : i32
        %add3A_561 = arith.constant 2 : i32
        %add3A_562 = arith.addi %mul3A_560, %add3A_561 : i32
        %get3A_563 = arith.index_cast %add3A_562 : i32 to index
        %get3A_564 = arith.constant 208 : index
        %get3A_565 = tpu.vector_load %arg8[%get3A_563, %get3A_564] {strides = array<i32>} : memref<128x256xf32, #tpu.memory_space<vmem>>, vector<1x16xf32>,
        %get3A_566 = vector.shape_cast %get3A_565 : vector<1x16xf32> to vector<16xf32>
        %mul3A_567 = vector.broadcast %squeeze3A_415 : f32 to vector<16xf32>
        %mul3A_568 = arith.mulf %mul3A_567, %get3A_566 : vector<16xf32>
        %add3A_569 = arith.addf %add3A_391, %mul3A_568 : vector<16xf32>
        %mul3A_570 = arith.constant 16 : i32
        %mul3A_571 = arith.muli %scan3A_24, %mul3A_570 : i32
        %add3A_572 = arith.constant 2 : i32
        %add3A_573 = arith.addi %mul3A_571, %add3A_572 : i32
        %get3A_574 = arith.index_cast %add3A_573 : i32 to index
        %get3A_575 = arith.constant 224 : index
        %get3A_576 = tpu.vector_load %arg8[%get3A_574, %get3A_575] {strides = array<i32>} : memref<128x256xf32, #tpu.memory_space<vmem>>, vector<1x16xf32>,
        %get3A_577 = vector.shape_cast %get3A_576 : vector<1x16xf32> to vector<16xf32>
        %mul3A_578 = vector.broadcast %squeeze3A_415 : f32 to vector<16xf32>
        %mul3A_579 = arith.mulf %mul3A_578, %get3A_577 : vector<16xf32>
        %add3A_580 = arith.addf %add3A_402, %mul3A_579 : vector<16xf32>
        %mul3A_581 = arith.constant 16 : i32
        %mul3A_582 = arith.muli %scan3A_24, %mul3A_581 : i32
        %add3A_583 = arith.constant 2 : i32
        %add3A_584 = arith.addi %mul3A_582, %add3A_583 : i32
        %get3A_585 = arith.index_cast %add3A_584 : i32 to index
        %get3A_586 = arith.constant 240 : index
        %get3A_587 = tpu.vector_load %arg8[%get3A_585, %get3A_586] {strides = array<i32>} : memref<128x256xf32, #tpu.memory_space<vmem>>, vector<1x16xf32>,
        %get3A_588 = vector.shape_cast %get3A_587 : vector<1x16xf32> to vector<16xf32>
        %mul3A_589 = vector.broadcast %squeeze3A_415 : f32 to vector<16xf32>
        %mul3A_590 = arith.mulf %mul3A_589, %get3A_588 : vector<16xf32>
        %add3A_591 = arith.addf %add3A_413, %mul3A_590 : vector<16xf32>
        %slice3A_592 = vector.extract_strided_slice %get3A_28 {offsets = [3], sizes = [1], strides = [1]} : vector<16xf32> to vector<1xf32>
        %squeeze3A_593 = vector.extract %slice3A_592[0] : f32 from vector<1xf32>
        %mul3A_594 = arith.constant 16 : i32
        %mul3A_595 = arith.muli %scan3A_24, %mul3A_594 : i32
        %add3A_596 = arith.constant 3 : i32
        %add3A_597 = arith.addi %mul3A_595, %add3A_596 : i32
        %get3A_598 = arith.index_cast %add3A_597 : i32 to index
        %get3A_599 = arith.constant 0 : index
        %get3A_600 = tpu.vector_load %arg8[%get3A_598, %get3A_599] {strides = array<i32>} : memref<128x256xf32, #tpu.memory_space<vmem>>, vector<1x16xf32>,
        %get3A_601 = vector.shape_cast %get3A_600 : vector<1x16xf32> to vector<16xf32>
        %mul3A_602 = vector.broadcast %squeeze3A_593 : f32 to vector<16xf32>
        %mul3A_603 = arith.mulf %mul3A_602, %get3A_601 : vector<16xf32>
        %add3A_604 = arith.addf %add3A_426, %mul3A_603 : vector<16xf32>
        %mul3A_605 = arith.constant 16 : i32
        %mul3A_606 = arith.muli %scan3A_24, %mul3A_605 : i32
        %add3A_607 = arith.constant 3 : i32
        %add3A_608 = arith.addi %mul3A_606, %add3A_607 : i32
        %get3A_609 = arith.index_cast %add3A_608 : i32 to index
        %get3A_610 = arith.constant 16 : index
        %get3A_611 = tpu.vector_load %arg8[%get3A_609, %get3A_610] {strides = array<i32>} : memref<128x256xf32, #tpu.memory_space<vmem>>, vector<1x16xf32>,
        %get3A_612 = vector.shape_cast %get3A_611 : vector<1x16xf32> to vector<16xf32>
        %mul3A_613 = vector.broadcast %squeeze3A_593 : f32 to vector<16xf32>
        %mul3A_614 = arith.mulf %mul3A_613, %get3A_612 : vector<16xf32>
        %add3A_615 = arith.addf %add3A_437, %mul3A_614 : vector<16xf32>
        %mul3A_616 = arith.constant 16 : i32
        %mul3A_617 = arith.muli %scan3A_24, %mul3A_616 : i32
        %add3A_618 = arith.constant 3 : i32
        %add3A_619 = arith.addi %mul3A_617, %add3A_618 : i32
        %get3A_620 = arith.index_cast %add3A_619 : i32 to index
        %get3A_621 = arith.constant 32 : index
        %get3A_622 = tpu.vector_load %arg8[%get3A_620, %get3A_621] {strides = array<i32>} : memref<128x256xf32, #tpu.memory_space<vmem>>, vector<1x16xf32>,
        %get3A_623 = vector.shape_cast %get3A_622 : vector<1x16xf32> to vector<16xf32>
        %mul3A_624 = vector.broadcast %squeeze3A_593 : f32 to vector<16xf32>
        %mul3A_625 = arith.mulf %mul3A_624, %get3A_623 : vector<16xf32>
        %add3A_626 = arith.addf %add3A_448, %mul3A_625 : vector<16xf32>
        %mul3A_627 = arith.constant 16 : i32
        %mul3A_628 = arith.muli %scan3A_24, %mul3A_627 : i32
        %add3A_629 = arith.constant 3 : i32
        %add3A_630 = arith.addi %mul3A_628, %add3A_629 : i32
        %get3A_631 = arith.index_cast %add3A_630 : i32 to index
        %get3A_632 = arith.constant 48 : index
        %get3A_633 = tpu.vector_load %arg8[%get3A_631, %get3A_632] {strides = array<i32>} : memref<128x256xf32, #tpu.memory_space<vmem>>, vector<1x16xf32>,
        %get3A_634 = vector.shape_cast %get3A_633 : vector<1x16xf32> to vector<16xf32>
        %mul3A_635 = vector.broadcast %squeeze3A_593 : f32 to vector<16xf32>
        %mul3A_636 = arith.mulf %mul3A_635, %get3A_634 : vector<16xf32>
        %add3A_637 = arith.addf %add3A_459, %mul3A_636 : vector<16xf32>
        %mul3A_638 = arith.constant 16 : i32
        %mul3A_639 = arith.muli %scan3A_24, %mul3A_638 : i32
        %add3A_640 = arith.constant 3 : i32
        %add3A_641 = arith.addi %mul3A_639, %add3A_640 : i32
        %get3A_642 = arith.index_cast %add3A_641 : i32 to index
        %get3A_643 = arith.constant 64 : index
        %get3A_644 = tpu.vector_load %arg8[%get3A_642, %get3A_643] {strides = array<i32>} : memref<128x256xf32, #tpu.memory_space<vmem>>, vector<1x16xf32>,
        %get3A_645 = vector.shape_cast %get3A_644 : vector<1x16xf32> to vector<16xf32>
        %mul3A_646 = vector.broadcast %squeeze3A_593 : f32 to vector<16xf32>
        %mul3A_647 = arith.mulf %mul3A_646, %get3A_645 : vector<16xf32>
        %add3A_648 = arith.addf %add3A_470, %mul3A_647 : vector<16xf32>
        %mul3A_649 = arith.constant 16 : i32
        %mul3A_650 = arith.muli %scan3A_24, %mul3A_649 : i32
        %add3A_651 = arith.constant 3 : i32
        %add3A_652 = arith.addi %mul3A_650, %add3A_651 : i32
        %get3A_653 = arith.index_cast %add3A_652 : i32 to index
        %get3A_654 = arith.constant 80 : index
        %get3A_655 = tpu.vector_load %arg8[%get3A_653, %get3A_654] {strides = array<i32>} : memref<128x256xf32, #tpu.memory_space<vmem>>, vector<1x16xf32>,
        %get3A_656 = vector.shape_cast %get3A_655 : vector<1x16xf32> to vector<16xf32>
        %mul3A_657 = vector.broadcast %squeeze3A_593 : f32 to vector<16xf32>
        %mul3A_658 = arith.mulf %mul3A_657, %get3A_656 : vector<16xf32>
        %add3A_659 = arith.addf %add3A_481, %mul3A_658 : vector<16xf32>
        %mul3A_660 = arith.constant 16 : i32
        %mul3A_661 = arith.muli %scan3A_24, %mul3A_660 : i32
        %add3A_662 = arith.constant 3 : i32
        %add3A_663 = arith.addi %mul3A_661, %add3A_662 : i32
        %get3A_664 = arith.index_cast %add3A_663 : i32 to index
        %get3A_665 = arith.constant 96 : index
        %get3A_666 = tpu.vector_load %arg8[%get3A_664, %get3A_665] {strides = array<i32>} : memref<128x256xf32, #tpu.memory_space<vmem>>, vector<1x16xf32>,
        %get3A_667 = vector.shape_cast %get3A_666 : vector<1x16xf32> to vector<16xf32>
        %mul3A_668 = vector.broadcast %squeeze3A_593 : f32 to vector<16xf32>
        %mul3A_669 = arith.mulf %mul3A_668, %get3A_667 : vector<16xf32>
        %add3A_670 = arith.addf %add3A_492, %mul3A_669 : vector<16xf32>
        %mul3A_671 = arith.constant 16 : i32
        %mul3A_672 = arith.muli %scan3A_24, %mul3A_671 : i32
        %add3A_673 = arith.constant 3 : i32
        %add3A_674 = arith.addi %mul3A_672, %add3A_673 : i32
        %get3A_675 = arith.index_cast %add3A_674 : i32 to index
        %get3A_676 = arith.constant 112 : index
        %get3A_677 = tpu.vector_load %arg8[%get3A_675, %get3A_676] {strides = array<i32>} : memref<128x256xf32, #tpu.memory_space<vmem>>, vector<1x16xf32>,
        %get3A_678 = vector.shape_cast %get3A_677 : vector<1x16xf32> to vector<16xf32>
        %mul3A_679 = vector.broadcast %squeeze3A_593 : f32 to vector<16xf32>
        %mul3A_680 = arith.mulf %mul3A_679, %get3A_678 : vector<16xf32>
        %add3A_681 = arith.addf %add3A_503, %mul3A_680 : vector<16xf32>
        %mul3A_682 = arith.constant 16 : i32
        %mul3A_683 = arith.muli %scan3A_24, %mul3A_682 : i32
        %add3A_684 = arith.constant 3 : i32
        %add3A_685 = arith.addi %mul3A_683, %add3A_684 : i32
        %get3A_686 = arith.index_cast %add3A_685 : i32 to index
        %get3A_687 = arith.constant 128 : index
        %get3A_688 = tpu.vector_load %arg8[%get3A_686, %get3A_687] {strides = array<i32>} : memref<128x256xf32, #tpu.memory_space<vmem>>, vector<1x16xf32>,
        %get3A_689 = vector.shape_cast %get3A_688 : vector<1x16xf32> to vector<16xf32>
        %mul3A_690 = vector.broadcast %squeeze3A_593 : f32 to vector<16xf32>
        %mul3A_691 = arith.mulf %mul3A_690, %get3A_689 : vector<16xf32>
        %add3A_692 = arith.addf %add3A_514, %mul3A_691 : vector<16xf32>
        %mul3A_693 = arith.constant 16 : i32
        %mul3A_694 = arith.muli %scan3A_24, %mul3A_693 : i32
        %add3A_695 = arith.constant 3 : i32
        %add3A_696 = arith.addi %mul3A_694, %add3A_695 : i32
        %get3A_697 = arith.index_cast %add3A_696 : i32 to index
        %get3A_698 = arith.constant 144 : index
        %get3A_699 = tpu.vector_load %arg8[%get3A_697, %get3A_698] {strides = array<i32>} : memref<128x256xf32, #tpu.memory_space<vmem>>, vector<1x16xf32>,
        %get3A_700 = vector.shape_cast %get3A_699 : vector<1x16xf32> to vector<16xf32>
        %mul3A_701 = vector.broadcast %squeeze3A_593 : f32 to vector<16xf32>
        %mul3A_702 = arith.mulf %mul3A_701, %get3A_700 : vector<16xf32>
        %add3A_703 = arith.addf %add3A_525, %mul3A_702 : vector<16xf32>
        %mul3A_704 = arith.constant 16 : i32
        %mul3A_705 = arith.muli %scan3A_24, %mul3A_704 : i32
        %add3A_706 = arith.constant 3 : i32
        %add3A_707 = arith.addi %mul3A_705, %add3A_706 : i32
        %get3A_708 = arith.index_cast %add3A_707 : i32 to index
        %get3A_709 = arith.constant 160 : index
        %get3A_710 = tpu.vector_load %arg8[%get3A_708, %get3A_709] {strides = array<i32>} : memref<128x256xf32, #tpu.memory_space<vmem>>, vector<1x16xf32>,
        %get3A_711 = vector.shape_cast %get3A_710 : vector<1x16xf32> to vector<16xf32>
        %mul3A_712 = vector.broadcast %squeeze3A_593 : f32 to vector<16xf32>
        %mul3A_713 = arith.mulf %mul3A_712, %get3A_711 : vector<16xf32>
        %add3A_714 = arith.addf %add3A_536, %mul3A_713 : vector<16xf32>
        %mul3A_715 = arith.constant 16 : i32
        %mul3A_716 = arith.muli %scan3A_24, %mul3A_715 : i32
        %add3A_717 = arith.constant 3 : i32
        %add3A_718 = arith.addi %mul3A_716, %add3A_717 : i32
        %get3A_719 = arith.index_cast %add3A_718 : i32 to index
        %get3A_720 = arith.constant 176 : index
        %get3A_721 = tpu.vector_load %arg8[%get3A_719, %get3A_720] {strides = array<i32>} : memref<128x256xf32, #tpu.memory_space<vmem>>, vector<1x16xf32>,
        %get3A_722 = vector.shape_cast %get3A_721 : vector<1x16xf32> to vector<16xf32>
        %mul3A_723 = vector.broadcast %squeeze3A_593 : f32 to vector<16xf32>
        %mul3A_724 = arith.mulf %mul3A_723, %get3A_722 : vector<16xf32>
        %add3A_725 = arith.addf %add3A_547, %mul3A_724 : vector<16xf32>
        %mul3A_726 = arith.constant 16 : i32
        %mul3A_727 = arith.muli %scan3A_24, %mul3A_726 : i32
        %add3A_728 = arith.constant 3 : i32
        %add3A_729 = arith.addi %mul3A_727, %add3A_728 : i32
        %get3A_730 = arith.index_cast %add3A_729 : i32 to index
        %get3A_731 = arith.constant 192 : index
        %get3A_732 = tpu.vector_load %arg8[%get3A_730, %get3A_731] {strides = array<i32>} : memref<128x256xf32, #tpu.memory_space<vmem>>, vector<1x16xf32>,
        %get3A_733 = vector.shape_cast %get3A_732 : vector<1x16xf32> to vector<16xf32>
        %mul3A_734 = vector.broadcast %squeeze3A_593 : f32 to vector<16xf32>
        %mul3A_735 = arith.mulf %mul3A_734, %get3A_733 : vector<16xf32>
        %add3A_736 = arith.addf %add3A_558, %mul3A_735 : vector<16xf32>
        %mul3A_737 = arith.constant 16 : i32
        %mul3A_738 = arith.muli %scan3A_24, %mul3A_737 : i32
        %add3A_739 = arith.constant 3 : i32
        %add3A_740 = arith.addi %mul3A_738, %add3A_739 : i32
        %get3A_741 = arith.index_cast %add3A_740 : i32 to index
        %get3A_742 = arith.constant 208 : index
        %get3A_743 = tpu.vector_load %arg8[%get3A_741, %get3A_742] {strides = array<i32>} : memref<128x256xf32, #tpu.memory_space<vmem>>, vector<1x16xf32>,
        %get3A_744 = vector.shape_cast %get3A_743 : vector<1x16xf32> to vector<16xf32>
        %mul3A_745 = vector.broadcast %squeeze3A_593 : f32 to vector<16xf32>
        %mul3A_746 = arith.mulf %mul3A_745, %get3A_744 : vector<16xf32>
        %add3A_747 = arith.addf %add3A_569, %mul3A_746 : vector<16xf32>
        %mul3A_748 = arith.constant 16 : i32
        %mul3A_749 = arith.muli %scan3A_24, %mul3A_748 : i32
        %add3A_750 = arith.constant 3 : i32
        %add3A_751 = arith.addi %mul3A_749, %add3A_750 : i32
        %get3A_752 = arith.index_cast %add3A_751 : i32 to index
        %get3A_753 = arith.constant 224 : index
        %get3A_754 = tpu.vector_load %arg8[%get3A_752, %get3A_753] {strides = array<i32>} : memref<128x256xf32, #tpu.memory_space<vmem>>, vector<1x16xf32>,
        %get3A_755 = vector.shape_cast %get3A_754 : vector<1x16xf32> to vector<16xf32>
        %mul3A_756 = vector.broadcast %squeeze3A_593 : f32 to vector<16xf32>
        %mul3A_757 = arith.mulf %mul3A_756, %get3A_755 : vector<16xf32>
        %add3A_758 = arith.addf %add3A_580, %mul3A_757 : vector<16xf32>
        %mul3A_759 = arith.constant 16 : i32
        %mul3A_760 = arith.muli %scan3A_24, %mul3A_759 : i32
        %add3A_761 = arith.constant 3 : i32
        %add3A_762 = arith.addi %mul3A_760, %add3A_761 : i32
        %get3A_763 = arith.index_cast %add3A_762 : i32 to index
        %get3A_764 = arith.constant 240 : index
        %get3A_765 = tpu.vector_load %arg8[%get3A_763, %get3A_764] {strides = array<i32>} : memref<128x256xf32, #tpu.memory_space<vmem>>, vector<1x16xf32>,
        %get3A_766 = vector.shape_cast %get3A_765 : vector<1x16xf32> to vector<16xf32>
        %mul3A_767 = vector.broadcast %squeeze3A_593 : f32 to vector<16xf32>
        %mul3A_768 = arith.mulf %mul3A_767, %get3A_766 : vector<16xf32>
        %add3A_769 = arith.addf %add3A_591, %mul3A_768 : vector<16xf32>
        %slice3A_770 = vector.extract_strided_slice %get3A_28 {offsets = [4], sizes = [1], strides = [1]} : vector<16xf32> to vector<1xf32>
        %squeeze3A_771 = vector.extract %slice3A_770[0] : f32 from vector<1xf32>
        %mul3A_772 = arith.constant 16 : i32
        %mul3A_773 = arith.muli %scan3A_24, %mul3A_772 : i32
        %add3A_774 = arith.constant 4 : i32
        %add3A_775 = arith.addi %mul3A_773, %add3A_774 : i32
        %get3A_776 = arith.index_cast %add3A_775 : i32 to index
        %get3A_777 = arith.constant 0 : index
        %get3A_778 = tpu.vector_load %arg8[%get3A_776, %get3A_777] {strides = array<i32>} : memref<128x256xf32, #tpu.memory_space<vmem>>, vector<1x16xf32>,
        %get3A_779 = vector.shape_cast %get3A_778 : vector<1x16xf32> to vector<16xf32>
        %mul3A_780 = vector.broadcast %squeeze3A_771 : f32 to vector<16xf32>
        %mul3A_781 = arith.mulf %mul3A_780, %get3A_779 : vector<16xf32>
        %add3A_782 = arith.addf %add3A_604, %mul3A_781 : vector<16xf32>
        %mul3A_783 = arith.constant 16 : i32
        %mul3A_784 = arith.muli %scan3A_24, %mul3A_783 : i32
        %add3A_785 = arith.constant 4 : i32
        %add3A_786 = arith.addi %mul3A_784, %add3A_785 : i32
        %get3A_787 = arith.index_cast %add3A_786 : i32 to index
        %get3A_788 = arith.constant 16 : index
        %get3A_789 = tpu.vector_load %arg8[%get3A_787, %get3A_788] {strides = array<i32>} : memref<128x256xf32, #tpu.memory_space<vmem>>, vector<1x16xf32>,
        %get3A_790 = vector.shape_cast %get3A_789 : vector<1x16xf32> to vector<16xf32>
        %mul3A_791 = vector.broadcast %squeeze3A_771 : f32 to vector<16xf32>
        %mul3A_792 = arith.mulf %mul3A_791, %get3A_790 : vector<16xf32>
        %add3A_793 = arith.addf %add3A_615, %mul3A_792 : vector<16xf32>
        %mul3A_794 = arith.constant 16 : i32
        %mul3A_795 = arith.muli %scan3A_24, %mul3A_794 : i32
        %add3A_796 = arith.constant 4 : i32
        %add3A_797 = arith.addi %mul3A_795, %add3A_796 : i32
        %get3A_798 = arith.index_cast %add3A_797 : i32 to index
        %get3A_799 = arith.constant 32 : index
        %get3A_800 = tpu.vector_load %arg8[%get3A_798, %get3A_799] {strides = array<i32>} : memref<128x256xf32, #tpu.memory_space<vmem>>, vector<1x16xf32>,
        %get3A_801 = vector.shape_cast %get3A_800 : vector<1x16xf32> to vector<16xf32>
        %mul3A_802 = vector.broadcast %squeeze3A_771 : f32 to vector<16xf32>
        %mul3A_803 = arith.mulf %mul3A_802, %get3A_801 : vector<16xf32>
        %add3A_804 = arith.addf %add3A_626, %mul3A_803 : vector<16xf32>
        %mul3A_805 = arith.constant 16 : i32
        %mul3A_806 = arith.muli %scan3A_24, %mul3A_805 : i32
        %add3A_807 = arith.constant 4 : i32
        %add3A_808 = arith.addi %mul3A_806, %add3A_807 : i32
        %get3A_809 = arith.index_cast %add3A_808 : i32 to index
        %get3A_810 = arith.constant 48 : index
        %get3A_811 = tpu.vector_load %arg8[%get3A_809, %get3A_810] {strides = array<i32>} : memref<128x256xf32, #tpu.memory_space<vmem>>, vector<1x16xf32>,
        %get3A_812 = vector.shape_cast %get3A_811 : vector<1x16xf32> to vector<16xf32>
        %mul3A_813 = vector.broadcast %squeeze3A_771 : f32 to vector<16xf32>
        %mul3A_814 = arith.mulf %mul3A_813, %get3A_812 : vector<16xf32>
        %add3A_815 = arith.addf %add3A_637, %mul3A_814 : vector<16xf32>
        %mul3A_816 = arith.constant 16 : i32
        %mul3A_817 = arith.muli %scan3A_24, %mul3A_816 : i32
        %add3A_818 = arith.constant 4 : i32
        %add3A_819 = arith.addi %mul3A_817, %add3A_818 : i32
        %get3A_820 = arith.index_cast %add3A_819 : i32 to index
        %get3A_821 = arith.constant 64 : index
        %get3A_822 = tpu.vector_load %arg8[%get3A_820, %get3A_821] {strides = array<i32>} : memref<128x256xf32, #tpu.memory_space<vmem>>, vector<1x16xf32>,
        %get3A_823 = vector.shape_cast %get3A_822 : vector<1x16xf32> to vector<16xf32>
        %mul3A_824 = vector.broadcast %squeeze3A_771 : f32 to vector<16xf32>
        %mul3A_825 = arith.mulf %mul3A_824, %get3A_823 : vector<16xf32>
        %add3A_826 = arith.addf %add3A_648, %mul3A_825 : vector<16xf32>
        %mul3A_827 = arith.constant 16 : i32
        %mul3A_828 = arith.muli %scan3A_24, %mul3A_827 : i32
        %add3A_829 = arith.constant 4 : i32
        %add3A_830 = arith.addi %mul3A_828, %add3A_829 : i32
        %get3A_831 = arith.index_cast %add3A_830 : i32 to index
        %get3A_832 = arith.constant 80 : index
        %get3A_833 = tpu.vector_load %arg8[%get3A_831, %get3A_832] {strides = array<i32>} : memref<128x256xf32, #tpu.memory_space<vmem>>, vector<1x16xf32>,
        %get3A_834 = vector.shape_cast %get3A_833 : vector<1x16xf32> to vector<16xf32>
        %mul3A_835 = vector.broadcast %squeeze3A_771 : f32 to vector<16xf32>
        %mul3A_836 = arith.mulf %mul3A_835, %get3A_834 : vector<16xf32>
        %add3A_837 = arith.addf %add3A_659, %mul3A_836 : vector<16xf32>
        %mul3A_838 = arith.constant 16 : i32
        %mul3A_839 = arith.muli %scan3A_24, %mul3A_838 : i32
        %add3A_840 = arith.constant 4 : i32
        %add3A_841 = arith.addi %mul3A_839, %add3A_840 : i32
        %get3A_842 = arith.index_cast %add3A_841 : i32 to index
        %get3A_843 = arith.constant 96 : index
        %get3A_844 = tpu.vector_load %arg8[%get3A_842, %get3A_843] {strides = array<i32>} : memref<128x256xf32, #tpu.memory_space<vmem>>, vector<1x16xf32>,
        %get3A_845 = vector.shape_cast %get3A_844 : vector<1x16xf32> to vector<16xf32>
        %mul3A_846 = vector.broadcast %squeeze3A_771 : f32 to vector<16xf32>
        %mul3A_847 = arith.mulf %mul3A_846, %get3A_845 : vector<16xf32>
        %add3A_848 = arith.addf %add3A_670, %mul3A_847 : vector<16xf32>
        %mul3A_849 = arith.constant 16 : i32
        %mul3A_850 = arith.muli %scan3A_24, %mul3A_849 : i32
        %add3A_851 = arith.constant 4 : i32
        %add3A_852 = arith.addi %mul3A_850, %add3A_851 : i32
        %get3A_853 = arith.index_cast %add3A_852 : i32 to index
        %get3A_854 = arith.constant 112 : index
        %get3A_855 = tpu.vector_load %arg8[%get3A_853, %get3A_854] {strides = array<i32>} : memref<128x256xf32, #tpu.memory_space<vmem>>, vector<1x16xf32>,
        %get3A_856 = vector.shape_cast %get3A_855 : vector<1x16xf32> to vector<16xf32>
        %mul3A_857 = vector.broadcast %squeeze3A_771 : f32 to vector<16xf32>
        %mul3A_858 = arith.mulf %mul3A_857, %get3A_856 : vector<16xf32>
        %add3A_859 = arith.addf %add3A_681, %mul3A_858 : vector<16xf32>
        %mul3A_860 = arith.constant 16 : i32
        %mul3A_861 = arith.muli %scan3A_24, %mul3A_860 : i32
        %add3A_862 = arith.constant 4 : i32
        %add3A_863 = arith.addi %mul3A_861, %add3A_862 : i32
        %get3A_864 = arith.index_cast %add3A_863 : i32 to index
        %get3A_865 = arith.constant 128 : index
        %get3A_866 = tpu.vector_load %arg8[%get3A_864, %get3A_865] {strides = array<i32>} : memref<128x256xf32, #tpu.memory_space<vmem>>, vector<1x16xf32>,
        %get3A_867 = vector.shape_cast %get3A_866 : vector<1x16xf32> to vector<16xf32>
        %mul3A_868 = vector.broadcast %squeeze3A_771 : f32 to vector<16xf32>
        %mul3A_869 = arith.mulf %mul3A_868, %get3A_867 : vector<16xf32>
        %add3A_870 = arith.addf %add3A_692, %mul3A_869 : vector<16xf32>
        %mul3A_871 = arith.constant 16 : i32
        %mul3A_872 = arith.muli %scan3A_24, %mul3A_871 : i32
        %add3A_873 = arith.constant 4 : i32
        %add3A_874 = arith.addi %mul3A_872, %add3A_873 : i32
        %get3A_875 = arith.index_cast %add3A_874 : i32 to index
        %get3A_876 = arith.constant 144 : index
        %get3A_877 = tpu.vector_load %arg8[%get3A_875, %get3A_876] {strides = array<i32>} : memref<128x256xf32, #tpu.memory_space<vmem>>, vector<1x16xf32>,
        %get3A_878 = vector.shape_cast %get3A_877 : vector<1x16xf32> to vector<16xf32>
        %mul3A_879 = vector.broadcast %squeeze3A_771 : f32 to vector<16xf32>
        %mul3A_880 = arith.mulf %mul3A_879, %get3A_878 : vector<16xf32>
        %add3A_881 = arith.addf %add3A_703, %mul3A_880 : vector<16xf32>
        %mul3A_882 = arith.constant 16 : i32
        %mul3A_883 = arith.muli %scan3A_24, %mul3A_882 : i32
        %add3A_884 = arith.constant 4 : i32
        %add3A_885 = arith.addi %mul3A_883, %add3A_884 : i32
        %get3A_886 = arith.index_cast %add3A_885 : i32 to index
        %get3A_887 = arith.constant 160 : index
        %get3A_888 = tpu.vector_load %arg8[%get3A_886, %get3A_887] {strides = array<i32>} : memref<128x256xf32, #tpu.memory_space<vmem>>, vector<1x16xf32>,
        %get3A_889 = vector.shape_cast %get3A_888 : vector<1x16xf32> to vector<16xf32>
        %mul3A_890 = vector.broadcast %squeeze3A_771 : f32 to vector<16xf32>
        %mul3A_891 = arith.mulf %mul3A_890, %get3A_889 : vector<16xf32>
        %add3A_892 = arith.addf %add3A_714, %mul3A_891 : vector<16xf32>
        %mul3A_893 = arith.constant 16 : i32
        %mul3A_894 = arith.muli %scan3A_24, %mul3A_893 : i32
        %add3A_895 = arith.constant 4 : i32
        %add3A_896 = arith.addi %mul3A_894, %add3A_895 : i32
        %get3A_897 = arith.index_cast %add3A_896 : i32 to index
        %get3A_898 = arith.constant 176 : index
        %get3A_899 = tpu.vector_load %arg8[%get3A_897, %get3A_898] {strides = array<i32>} : memref<128x256xf32, #tpu.memory_space<vmem>>, vector<1x16xf32>,
        %get3A_900 = vector.shape_cast %get3A_899 : vector<1x16xf32> to vector<16xf32>
        %mul3A_901 = vector.broadcast %squeeze3A_771 : f32 to vector<16xf32>
        %mul3A_902 = arith.mulf %mul3A_901, %get3A_900 : vector<16xf32>
        %add3A_903 = arith.addf %add3A_725, %mul3A_902 : vector<16xf32>
        %mul3A_904 = arith.constant 16 : i32
        %mul3A_905 = arith.muli %scan3A_24, %mul3A_904 : i32
        %add3A_906 = arith.constant 4 : i32
        %add3A_907 = arith.addi %mul3A_905, %add3A_906 : i32
        %get3A_908 = arith.index_cast %add3A_907 : i32 to index
        %get3A_909 = arith.constant 192 : index
        %get3A_910 = tpu.vector_load %arg8[%get3A_908, %get3A_909] {strides = array<i32>} : memref<128x256xf32, #tpu.memory_space<vmem>>, vector<1x16xf32>,
        %get3A_911 = vector.shape_cast %get3A_910 : vector<1x16xf32> to vector<16xf32>
        %mul3A_912 = vector.broadcast %squeeze3A_771 : f32 to vector<16xf32>
        %mul3A_913 = arith.mulf %mul3A_912, %get3A_911 : vector<16xf32>
        %add3A_914 = arith.addf %add3A_736, %mul3A_913 : vector<16xf32>
        %mul3A_915 = arith.constant 16 : i32
        %mul3A_916 = arith.muli %scan3A_24, %mul3A_915 : i32
        %add3A_917 = arith.constant 4 : i32
        %add3A_918 = arith.addi %mul3A_916, %add3A_917 : i32
        %get3A_919 = arith.index_cast %add3A_918 : i32 to index
        %get3A_920 = arith.constant 208 : index
        %get3A_921 = tpu.vector_load %arg8[%get3A_919, %get3A_920] {strides = array<i32>} : memref<128x256xf32, #tpu.memory_space<vmem>>, vector<1x16xf32>,
        %get3A_922 = vector.shape_cast %get3A_921 : vector<1x16xf32> to vector<16xf32>
        %mul3A_923 = vector.broadcast %squeeze3A_771 : f32 to vector<16xf32>
        %mul3A_924 = arith.mulf %mul3A_923, %get3A_922 : vector<16xf32>
        %add3A_925 = arith.addf %add3A_747, %mul3A_924 : vector<16xf32>
        %mul3A_926 = arith.constant 16 : i32
        %mul3A_927 = arith.muli %scan3A_24, %mul3A_926 : i32
        %add3A_928 = arith.constant 4 : i32
        %add3A_929 = arith.addi %mul3A_927, %add3A_928 : i32
        %get3A_930 = arith.index_cast %add3A_929 : i32 to index
        %get3A_931 = arith.constant 224 : index
        %get3A_932 = tpu.vector_load %arg8[%get3A_930, %get3A_931] {strides = array<i32>} : memref<128x256xf32, #tpu.memory_space<vmem>>, vector<1x16xf32>,
        %get3A_933 = vector.shape_cast %get3A_932 : vector<1x16xf32> to vector<16xf32>
        %mul3A_934 = vector.broadcast %squeeze3A_771 : f32 to vector<16xf32>
        %mul3A_935 = arith.mulf %mul3A_934, %get3A_933 : vector<16xf32>
        %add3A_936 = arith.addf %add3A_758, %mul3A_935 : vector<16xf32>
        %mul3A_937 = arith.constant 16 : i32
        %mul3A_938 = arith.muli %scan3A_24, %mul3A_937 : i32
        %add3A_939 = arith.constant 4 : i32
        %add3A_940 = arith.addi %mul3A_938, %add3A_939 : i32
        %get3A_941 = arith.index_cast %add3A_940 : i32 to index
        %get3A_942 = arith.constant 240 : index
        %get3A_943 = tpu.vector_load %arg8[%get3A_941, %get3A_942] {strides = array<i32>} : memref<128x256xf32, #tpu.memory_space<vmem>>, vector<1x16xf32>,
        %get3A_944 = vector.shape_cast %get3A_943 : vector<1x16xf32> to vector<16xf32>
        %mul3A_945 = vector.broadcast %squeeze3A_771 : f32 to vector<16xf32>
        %mul3A_946 = arith.mulf %mul3A_945, %get3A_944 : vector<16xf32>
        %add3A_947 = arith.addf %add3A_769, %mul3A_946 : vector<16xf32>
        %slice3A_948 = vector.extract_strided_slice %get3A_28 {offsets = [5], sizes = [1], strides = [1]} : vector<16xf32> to vector<1xf32>
        %squeeze3A_949 = vector.extract %slice3A_948[0] : f32 from vector<1xf32>
        %mul3A_950 = arith.constant 16 : i32
        %mul3A_951 = arith.muli %scan3A_24, %mul3A_950 : i32
        %add3A_952 = arith.constant 5 : i32
        %add3A_953 = arith.addi %mul3A_951, %add3A_952 : i32
        %get3A_954 = arith.index_cast %add3A_953 : i32 to index
        %get3A_955 = arith.constant 0 : index
        %get3A_956 = tpu.vector_load %arg8[%get3A_954, %get3A_955] {strides = array<i32>} : memref<128x256xf32, #tpu.memory_space<vmem>>, vector<1x16xf32>,
        %get3A_957 = vector.shape_cast %get3A_956 : vector<1x16xf32> to vector<16xf32>
        %mul3A_958 = vector.broadcast %squeeze3A_949 : f32 to vector<16xf32>
        %mul3A_959 = arith.mulf %mul3A_958, %get3A_957 : vector<16xf32>
        %add3A_960 = arith.addf %add3A_782, %mul3A_959 : vector<16xf32>
        %mul3A_961 = arith.constant 16 : i32
        %mul3A_962 = arith.muli %scan3A_24, %mul3A_961 : i32
        %add3A_963 = arith.constant 5 : i32
        %add3A_964 = arith.addi %mul3A_962, %add3A_963 : i32
        %get3A_965 = arith.index_cast %add3A_964 : i32 to index
        %get3A_966 = arith.constant 16 : index
        %get3A_967 = tpu.vector_load %arg8[%get3A_965, %get3A_966] {strides = array<i32>} : memref<128x256xf32, #tpu.memory_space<vmem>>, vector<1x16xf32>,
        %get3A_968 = vector.shape_cast %get3A_967 : vector<1x16xf32> to vector<16xf32>
        %mul3A_969 = vector.broadcast %squeeze3A_949 : f32 to vector<16xf32>
        %mul3A_970 = arith.mulf %mul3A_969, %get3A_968 : vector<16xf32>
        %add3A_971 = arith.addf %add3A_793, %mul3A_970 : vector<16xf32>
        %mul3A_972 = arith.constant 16 : i32
        %mul3A_973 = arith.muli %scan3A_24, %mul3A_972 : i32
        %add3A_974 = arith.constant 5 : i32
        %add3A_975 = arith.addi %mul3A_973, %add3A_974 : i32
        %get3A_976 = arith.index_cast %add3A_975 : i32 to index
        %get3A_977 = arith.constant 32 : index
        %get3A_978 = tpu.vector_load %arg8[%get3A_976, %get3A_977] {strides = array<i32>} : memref<128x256xf32, #tpu.memory_space<vmem>>, vector<1x16xf32>,
        %get3A_979 = vector.shape_cast %get3A_978 : vector<1x16xf32> to vector<16xf32>
        %mul3A_980 = vector.broadcast %squeeze3A_949 : f32 to vector<16xf32>
        %mul3A_981 = arith.mulf %mul3A_980, %get3A_979 : vector<16xf32>
        %add3A_982 = arith.addf %add3A_804, %mul3A_981 : vector<16xf32>
        %mul3A_983 = arith.constant 16 : i32
        %mul3A_984 = arith.muli %scan3A_24, %mul3A_983 : i32
        %add3A_985 = arith.constant 5 : i32
        %add3A_986 = arith.addi %mul3A_984, %add3A_985 : i32
        %get3A_987 = arith.index_cast %add3A_986 : i32 to index
        %get3A_988 = arith.constant 48 : index
        %get3A_989 = tpu.vector_load %arg8[%get3A_987, %get3A_988] {strides = array<i32>} : memref<128x256xf32, #tpu.memory_space<vmem>>, vector<1x16xf32>,
        %get3A_990 = vector.shape_cast %get3A_989 : vector<1x16xf32> to vector<16xf32>
        %mul3A_991 = vector.broadcast %squeeze3A_949 : f32 to vector<16xf32>
        %mul3A_992 = arith.mulf %mul3A_991, %get3A_990 : vector<16xf32>
        %add3A_993 = arith.addf %add3A_815, %mul3A_992 : vector<16xf32>
        %mul3A_994 = arith.constant 16 : i32
        %mul3A_995 = arith.muli %scan3A_24, %mul3A_994 : i32
        %add3A_996 = arith.constant 5 : i32
        %add3A_997 = arith.addi %mul3A_995, %add3A_996 : i32
        %get3A_998 = arith.index_cast %add3A_997 : i32 to index
        %get3A_999 = arith.constant 64 : index
        %get3A_1000 = tpu.vector_load %arg8[%get3A_998, %get3A_999] {strides = array<i32>} : memref<128x256xf32, #tpu.memory_space<vmem>>, vector<1x16xf32>,
        %get3A_1001 = vector.shape_cast %get3A_1000 : vector<1x16xf32> to vector<16xf32>
        %mul3A_1002 = vector.broadcast %squeeze3A_949 : f32 to vector<16xf32>
        %mul3A_1003 = arith.mulf %mul3A_1002, %get3A_1001 : vector<16xf32>
        %add3A_1004 = arith.addf %add3A_826, %mul3A_1003 : vector<16xf32>
        %mul3A_1005 = arith.constant 16 : i32
        %mul3A_1006 = arith.muli %scan3A_24, %mul3A_1005 : i32
        %add3A_1007 = arith.constant 5 : i32
        %add3A_1008 = arith.addi %mul3A_1006, %add3A_1007 : i32
        %get3A_1009 = arith.index_cast %add3A_1008 : i32 to index
        %get3A_1010 = arith.constant 80 : index
        %get3A_1011 = tpu.vector_load %arg8[%get3A_1009, %get3A_1010] {strides = array<i32>} : memref<128x256xf32, #tpu.memory_space<vmem>>, vector<1x16xf32>,
        %get3A_1012 = vector.shape_cast %get3A_1011 : vector<1x16xf32> to vector<16xf32>
        %mul3A_1013 = vector.broadcast %squeeze3A_949 : f32 to vector<16xf32>
        %mul3A_1014 = arith.mulf %mul3A_1013, %get3A_1012 : vector<16xf32>
        %add3A_1015 = arith.addf %add3A_837, %mul3A_1014 : vector<16xf32>
        %mul3A_1016 = arith.constant 16 : i32
        %mul3A_1017 = arith.muli %scan3A_24, %mul3A_1016 : i32
        %add3A_1018 = arith.constant 5 : i32
        %add3A_1019 = arith.addi %mul3A_1017, %add3A_1018 : i32
        %get3A_1020 = arith.index_cast %add3A_1019 : i32 to index
        %get3A_1021 = arith.constant 96 : index
        %get3A_1022 = tpu.vector_load %arg8[%get3A_1020, %get3A_1021] {strides = array<i32>} : memref<128x256xf32, #tpu.memory_space<vmem>>, vector<1x16xf32>,
        %get3A_1023 = vector.shape_cast %get3A_1022 : vector<1x16xf32> to vector<16xf32>
        %mul3A_1024 = vector.broadcast %squeeze3A_949 : f32 to vector<16xf32>
        %mul3A_1025 = arith.mulf %mul3A_1024, %get3A_1023 : vector<16xf32>
        %add3A_1026 = arith.addf %add3A_848, %mul3A_1025 : vector<16xf32>
        %mul3A_1027 = arith.constant 16 : i32
        %mul3A_1028 = arith.muli %scan3A_24, %mul3A_1027 : i32
        %add3A_1029 = arith.constant 5 : i32
        %add3A_1030 = arith.addi %mul3A_1028, %add3A_1029 : i32
        %get3A_1031 = arith.index_cast %add3A_1030 : i32 to index
        %get3A_1032 = arith.constant 112 : index
        %get3A_1033 = tpu.vector_load %arg8[%get3A_1031, %get3A_1032] {strides = array<i32>} : memref<128x256xf32, #tpu.memory_space<vmem>>, vector<1x16xf32>,
        %get3A_1034 = vector.shape_cast %get3A_1033 : vector<1x16xf32> to vector<16xf32>
        %mul3A_1035 = vector.broadcast %squeeze3A_949 : f32 to vector<16xf32>
        %mul3A_1036 = arith.mulf %mul3A_1035, %get3A_1034 : vector<16xf32>
        %add3A_1037 = arith.addf %add3A_859, %mul3A_1036 : vector<16xf32>
        %mul3A_1038 = arith.constant 16 : i32
        %mul3A_1039 = arith.muli %scan3A_24, %mul3A_1038 : i32
        %add3A_1040 = arith.constant 5 : i32
        %add3A_1041 = arith.addi %mul3A_1039, %add3A_1040 : i32
        %get3A_1042 = arith.index_cast %add3A_1041 : i32 to index
        %get3A_1043 = arith.constant 128 : index
        %get3A_1044 = tpu.vector_load %arg8[%get3A_1042, %get3A_1043] {strides = array<i32>} : memref<128x256xf32, #tpu.memory_space<vmem>>, vector<1x16xf32>,
        %get3A_1045 = vector.shape_cast %get3A_1044 : vector<1x16xf32> to vector<16xf32>
        %mul3A_1046 = vector.broadcast %squeeze3A_949 : f32 to vector<16xf32>
        %mul3A_1047 = arith.mulf %mul3A_1046, %get3A_1045 : vector<16xf32>
        %add3A_1048 = arith.addf %add3A_870, %mul3A_1047 : vector<16xf32>
        %mul3A_1049 = arith.constant 16 : i32
        %mul3A_1050 = arith.muli %scan3A_24, %mul3A_1049 : i32
        %add3A_1051 = arith.constant 5 : i32
        %add3A_1052 = arith.addi %mul3A_1050, %add3A_1051 : i32
        %get3A_1053 = arith.index_cast %add3A_1052 : i32 to index
        %get3A_1054 = arith.constant 144 : index
        %get3A_1055 = tpu.vector_load %arg8[%get3A_1053, %get3A_1054] {strides = array<i32>} : memref<128x256xf32, #tpu.memory_space<vmem>>, vector<1x16xf32>,
        %get3A_1056 = vector.shape_cast %get3A_1055 : vector<1x16xf32> to vector<16xf32>
        %mul3A_1057 = vector.broadcast %squeeze3A_949 : f32 to vector<16xf32>
        %mul3A_1058 = arith.mulf %mul3A_1057, %get3A_1056 : vector<16xf32>
        %add3A_1059 = arith.addf %add3A_881, %mul3A_1058 : vector<16xf32>
        %mul3A_1060 = arith.constant 16 : i32
        %mul3A_1061 = arith.muli %scan3A_24, %mul3A_1060 : i32
        %add3A_1062 = arith.constant 5 : i32
        %add3A_1063 = arith.addi %mul3A_1061, %add3A_1062 : i32
        %get3A_1064 = arith.index_cast %add3A_1063 : i32 to index
        %get3A_1065 = arith.constant 160 : index
        %get3A_1066 = tpu.vector_load %arg8[%get3A_1064, %get3A_1065] {strides = array<i32>} : memref<128x256xf32, #tpu.memory_space<vmem>>, vector<1x16xf32>,
        %get3A_1067 = vector.shape_cast %get3A_1066 : vector<1x16xf32> to vector<16xf32>
        %mul3A_1068 = vector.broadcast %squeeze3A_949 : f32 to vector<16xf32>
        %mul3A_1069 = arith.mulf %mul3A_1068, %get3A_1067 : vector<16xf32>
        %add3A_1070 = arith.addf %add3A_892, %mul3A_1069 : vector<16xf32>
        %mul3A_1071 = arith.constant 16 : i32
        %mul3A_1072 = arith.muli %scan3A_24, %mul3A_1071 : i32
        %add3A_1073 = arith.constant 5 : i32
        %add3A_1074 = arith.addi %mul3A_1072, %add3A_1073 : i32
        %get3A_1075 = arith.index_cast %add3A_1074 : i32 to index
        %get3A_1076 = arith.constant 176 : index
        %get3A_1077 = tpu.vector_load %arg8[%get3A_1075, %get3A_1076] {strides = array<i32>} : memref<128x256xf32, #tpu.memory_space<vmem>>, vector<1x16xf32>,
        %get3A_1078 = vector.shape_cast %get3A_1077 : vector<1x16xf32> to vector<16xf32>
        %mul3A_1079 = vector.broadcast %squeeze3A_949 : f32 to vector<16xf32>
        %mul3A_1080 = arith.mulf %mul3A_1079, %get3A_1078 : vector<16xf32>
        %add3A_1081 = arith.addf %add3A_903, %mul3A_1080 : vector<16xf32>
        %mul3A_1082 = arith.constant 16 : i32
        %mul3A_1083 = arith.muli %scan3A_24, %mul3A_1082 : i32
        %add3A_1084 = arith.constant 5 : i32
        %add3A_1085 = arith.addi %mul3A_1083, %add3A_1084 : i32
        %get3A_1086 = arith.index_cast %add3A_1085 : i32 to index
        %get3A_1087 = arith.constant 192 : index
        %get3A_1088 = tpu.vector_load %arg8[%get3A_1086, %get3A_1087] {strides = array<i32>} : memref<128x256xf32, #tpu.memory_space<vmem>>, vector<1x16xf32>,
        %get3A_1089 = vector.shape_cast %get3A_1088 : vector<1x16xf32> to vector<16xf32>
        %mul3A_1090 = vector.broadcast %squeeze3A_949 : f32 to vector<16xf32>
        %mul3A_1091 = arith.mulf %mul3A_1090, %get3A_1089 : vector<16xf32>
        %add3A_1092 = arith.addf %add3A_914, %mul3A_1091 : vector<16xf32>
        %mul3A_1093 = arith.constant 16 : i32
        %mul3A_1094 = arith.muli %scan3A_24, %mul3A_1093 : i32
        %add3A_1095 = arith.constant 5 : i32
        %add3A_1096 = arith.addi %mul3A_1094, %add3A_1095 : i32
        %get3A_1097 = arith.index_cast %add3A_1096 : i32 to index
        %get3A_1098 = arith.constant 208 : index
        %get3A_1099 = tpu.vector_load %arg8[%get3A_1097, %get3A_1098] {strides = array<i32>} : memref<128x256xf32, #tpu.memory_space<vmem>>, vector<1x16xf32>,
        %get3A_1100 = vector.shape_cast %get3A_1099 : vector<1x16xf32> to vector<16xf32>
        %mul3A_1101 = vector.broadcast %squeeze3A_949 : f32 to vector<16xf32>
        %mul3A_1102 = arith.mulf %mul3A_1101, %get3A_1100 : vector<16xf32>
        %add3A_1103 = arith.addf %add3A_925, %mul3A_1102 : vector<16xf32>
        %mul3A_1104 = arith.constant 16 : i32
        %mul3A_1105 = arith.muli %scan3A_24, %mul3A_1104 : i32
        %add3A_1106 = arith.constant 5 : i32
        %add3A_1107 = arith.addi %mul3A_1105, %add3A_1106 : i32
        %get3A_1108 = arith.index_cast %add3A_1107 : i32 to index
        %get3A_1109 = arith.constant 224 : index
        %get3A_1110 = tpu.vector_load %arg8[%get3A_1108, %get3A_1109] {strides = array<i32>} : memref<128x256xf32, #tpu.memory_space<vmem>>, vector<1x16xf32>,
        %get3A_1111 = vector.shape_cast %get3A_1110 : vector<1x16xf32> to vector<16xf32>
        %mul3A_1112 = vector.broadcast %squeeze3A_949 : f32 to vector<16xf32>
        %mul3A_1113 = arith.mulf %mul3A_1112, %get3A_1111 : vector<16xf32>
        %add3A_1114 = arith.addf %add3A_936, %mul3A_1113 : vector<16xf32>
        %mul3A_1115 = arith.constant 16 : i32
        %mul3A_1116 = arith.muli %scan3A_24, %mul3A_1115 : i32
        %add3A_1117 = arith.constant 5 : i32
        %add3A_1118 = arith.addi %mul3A_1116, %add3A_1117 : i32
        %get3A_1119 = arith.index_cast %add3A_1118 : i32 to index
        %get3A_1120 = arith.constant 240 : index
        %get3A_1121 = tpu.vector_load %arg8[%get3A_1119, %get3A_1120] {strides = array<i32>} : memref<128x256xf32, #tpu.memory_space<vmem>>, vector<1x16xf32>,
        %get3A_1122 = vector.shape_cast %get3A_1121 : vector<1x16xf32> to vector<16xf32>
        %mul3A_1123 = vector.broadcast %squeeze3A_949 : f32 to vector<16xf32>
        %mul3A_1124 = arith.mulf %mul3A_1123, %get3A_1122 : vector<16xf32>
        %add3A_1125 = arith.addf %add3A_947, %mul3A_1124 : vector<16xf32>
        %slice3A_1126 = vector.extract_strided_slice %get3A_28 {offsets = [6], sizes = [1], strides = [1]} : vector<16xf32> to vector<1xf32>
        %squeeze3A_1127 = vector.extract %slice3A_1126[0] : f32 from vector<1xf32>
        %mul3A_1128 = arith.constant 16 : i32
        %mul3A_1129 = arith.muli %scan3A_24, %mul3A_1128 : i32
        %add3A_1130 = arith.constant 6 : i32
        %add3A_1131 = arith.addi %mul3A_1129, %add3A_1130 : i32
        %get3A_1132 = arith.index_cast %add3A_1131 : i32 to index
        %get3A_1133 = arith.constant 0 : index
        %get3A_1134 = tpu.vector_load %arg8[%get3A_1132, %get3A_1133] {strides = array<i32>} : memref<128x256xf32, #tpu.memory_space<vmem>>, vector<1x16xf32>,
        %get3A_1135 = vector.shape_cast %get3A_1134 : vector<1x16xf32> to vector<16xf32>
        %mul3A_1136 = vector.broadcast %squeeze3A_1127 : f32 to vector<16xf32>
        %mul3A_1137 = arith.mulf %mul3A_1136, %get3A_1135 : vector<16xf32>
        %add3A_1138 = arith.addf %add3A_960, %mul3A_1137 : vector<16xf32>
        %mul3A_1139 = arith.constant 16 : i32
        %mul3A_1140 = arith.muli %scan3A_24, %mul3A_1139 : i32
        %add3A_1141 = arith.constant 6 : i32
        %add3A_1142 = arith.addi %mul3A_1140, %add3A_1141 : i32
        %get3A_1143 = arith.index_cast %add3A_1142 : i32 to index
        %get3A_1144 = arith.constant 16 : index
        %get3A_1145 = tpu.vector_load %arg8[%get3A_1143, %get3A_1144] {strides = array<i32>} : memref<128x256xf32, #tpu.memory_space<vmem>>, vector<1x16xf32>,
        %get3A_1146 = vector.shape_cast %get3A_1145 : vector<1x16xf32> to vector<16xf32>
        %mul3A_1147 = vector.broadcast %squeeze3A_1127 : f32 to vector<16xf32>
        %mul3A_1148 = arith.mulf %mul3A_1147, %get3A_1146 : vector<16xf32>
        %add3A_1149 = arith.addf %add3A_971, %mul3A_1148 : vector<16xf32>
        %mul3A_1150 = arith.constant 16 : i32
        %mul3A_1151 = arith.muli %scan3A_24, %mul3A_1150 : i32
        %add3A_1152 = arith.constant 6 : i32
        %add3A_1153 = arith.addi %mul3A_1151, %add3A_1152 : i32
        %get3A_1154 = arith.index_cast %add3A_1153 : i32 to index
        %get3A_1155 = arith.constant 32 : index
        %get3A_1156 = tpu.vector_load %arg8[%get3A_1154, %get3A_1155] {strides = array<i32>} : memref<128x256xf32, #tpu.memory_space<vmem>>, vector<1x16xf32>,
        %get3A_1157 = vector.shape_cast %get3A_1156 : vector<1x16xf32> to vector<16xf32>
        %mul3A_1158 = vector.broadcast %squeeze3A_1127 : f32 to vector<16xf32>
        %mul3A_1159 = arith.mulf %mul3A_1158, %get3A_1157 : vector<16xf32>
        %add3A_1160 = arith.addf %add3A_982, %mul3A_1159 : vector<16xf32>
        %mul3A_1161 = arith.constant 16 : i32
        %mul3A_1162 = arith.muli %scan3A_24, %mul3A_1161 : i32
        %add3A_1163 = arith.constant 6 : i32
        %add3A_1164 = arith.addi %mul3A_1162, %add3A_1163 : i32
        %get3A_1165 = arith.index_cast %add3A_1164 : i32 to index
        %get3A_1166 = arith.constant 48 : index
        %get3A_1167 = tpu.vector_load %arg8[%get3A_1165, %get3A_1166] {strides = array<i32>} : memref<128x256xf32, #tpu.memory_space<vmem>>, vector<1x16xf32>,
        %get3A_1168 = vector.shape_cast %get3A_1167 : vector<1x16xf32> to vector<16xf32>
        %mul3A_1169 = vector.broadcast %squeeze3A_1127 : f32 to vector<16xf32>
        %mul3A_1170 = arith.mulf %mul3A_1169, %get3A_1168 : vector<16xf32>
        %add3A_1171 = arith.addf %add3A_993, %mul3A_1170 : vector<16xf32>
        %mul3A_1172 = arith.constant 16 : i32
        %mul3A_1173 = arith.muli %scan3A_24, %mul3A_1172 : i32
        %add3A_1174 = arith.constant 6 : i32
        %add3A_1175 = arith.addi %mul3A_1173, %add3A_1174 : i32
        %get3A_1176 = arith.index_cast %add3A_1175 : i32 to index
        %get3A_1177 = arith.constant 64 : index
        %get3A_1178 = tpu.vector_load %arg8[%get3A_1176, %get3A_1177] {strides = array<i32>} : memref<128x256xf32, #tpu.memory_space<vmem>>, vector<1x16xf32>,
        %get3A_1179 = vector.shape_cast %get3A_1178 : vector<1x16xf32> to vector<16xf32>
        %mul3A_1180 = vector.broadcast %squeeze3A_1127 : f32 to vector<16xf32>
        %mul3A_1181 = arith.mulf %mul3A_1180, %get3A_1179 : vector<16xf32>
        %add3A_1182 = arith.addf %add3A_1004, %mul3A_1181 : vector<16xf32>
        %mul3A_1183 = arith.constant 16 : i32
        %mul3A_1184 = arith.muli %scan3A_24, %mul3A_1183 : i32
        %add3A_1185 = arith.constant 6 : i32
        %add3A_1186 = arith.addi %mul3A_1184, %add3A_1185 : i32
        %get3A_1187 = arith.index_cast %add3A_1186 : i32 to index
        %get3A_1188 = arith.constant 80 : index
        %get3A_1189 = tpu.vector_load %arg8[%get3A_1187, %get3A_1188] {strides = array<i32>} : memref<128x256xf32, #tpu.memory_space<vmem>>, vector<1x16xf32>,
        %get3A_1190 = vector.shape_cast %get3A_1189 : vector<1x16xf32> to vector<16xf32>
        %mul3A_1191 = vector.broadcast %squeeze3A_1127 : f32 to vector<16xf32>
        %mul3A_1192 = arith.mulf %mul3A_1191, %get3A_1190 : vector<16xf32>
        %add3A_1193 = arith.addf %add3A_1015, %mul3A_1192 : vector<16xf32>
        %mul3A_1194 = arith.constant 16 : i32
        %mul3A_1195 = arith.muli %scan3A_24, %mul3A_1194 : i32
        %add3A_1196 = arith.constant 6 : i32
        %add3A_1197 = arith.addi %mul3A_1195, %add3A_1196 : i32
        %get3A_1198 = arith.index_cast %add3A_1197 : i32 to index
        %get3A_1199 = arith.constant 96 : index
        %get3A_1200 = tpu.vector_load %arg8[%get3A_1198, %get3A_1199] {strides = array<i32>} : memref<128x256xf32, #tpu.memory_space<vmem>>, vector<1x16xf32>,
        %get3A_1201 = vector.shape_cast %get3A_1200 : vector<1x16xf32> to vector<16xf32>
        %mul3A_1202 = vector.broadcast %squeeze3A_1127 : f32 to vector<16xf32>
        %mul3A_1203 = arith.mulf %mul3A_1202, %get3A_1201 : vector<16xf32>
        %add3A_1204 = arith.addf %add3A_1026, %mul3A_1203 : vector<16xf32>
        %mul3A_1205 = arith.constant 16 : i32
        %mul3A_1206 = arith.muli %scan3A_24, %mul3A_1205 : i32
        %add3A_1207 = arith.constant 6 : i32
        %add3A_1208 = arith.addi %mul3A_1206, %add3A_1207 : i32
        %get3A_1209 = arith.index_cast %add3A_1208 : i32 to index
        %get3A_1210 = arith.constant 112 : index
        %get3A_1211 = tpu.vector_load %arg8[%get3A_1209, %get3A_1210] {strides = array<i32>} : memref<128x256xf32, #tpu.memory_space<vmem>>, vector<1x16xf32>,
        %get3A_1212 = vector.shape_cast %get3A_1211 : vector<1x16xf32> to vector<16xf32>
        %mul3A_1213 = vector.broadcast %squeeze3A_1127 : f32 to vector<16xf32>
        %mul3A_1214 = arith.mulf %mul3A_1213, %get3A_1212 : vector<16xf32>
        %add3A_1215 = arith.addf %add3A_1037, %mul3A_1214 : vector<16xf32>
        %mul3A_1216 = arith.constant 16 : i32
        %mul3A_1217 = arith.muli %scan3A_24, %mul3A_1216 : i32
        %add3A_1218 = arith.constant 6 : i32
        %add3A_1219 = arith.addi %mul3A_1217, %add3A_1218 : i32
        %get3A_1220 = arith.index_cast %add3A_1219 : i32 to index
        %get3A_1221 = arith.constant 128 : index
        %get3A_1222 = tpu.vector_load %arg8[%get3A_1220, %get3A_1221] {strides = array<i32>} : memref<128x256xf32, #tpu.memory_space<vmem>>, vector<1x16xf32>,
        %get3A_1223 = vector.shape_cast %get3A_1222 : vector<1x16xf32> to vector<16xf32>
        %mul3A_1224 = vector.broadcast %squeeze3A_1127 : f32 to vector<16xf32>
        %mul3A_1225 = arith.mulf %mul3A_1224, %get3A_1223 : vector<16xf32>
        %add3A_1226 = arith.addf %add3A_1048, %mul3A_1225 : vector<16xf32>
        %mul3A_1227 = arith.constant 16 : i32
        %mul3A_1228 = arith.muli %scan3A_24, %mul3A_1227 : i32
        %add3A_1229 = arith.constant 6 : i32
        %add3A_1230 = arith.addi %mul3A_1228, %add3A_1229 : i32
        %get3A_1231 = arith.index_cast %add3A_1230 : i32 to index
        %get3A_1232 = arith.constant 144 : index
        %get3A_1233 = tpu.vector_load %arg8[%get3A_1231, %get3A_1232] {strides = array<i32>} : memref<128x256xf32, #tpu.memory_space<vmem>>, vector<1x16xf32>,
        %get3A_1234 = vector.shape_cast %get3A_1233 : vector<1x16xf32> to vector<16xf32>
        %mul3A_1235 = vector.broadcast %squeeze3A_1127 : f32 to vector<16xf32>
        %mul3A_1236 = arith.mulf %mul3A_1235, %get3A_1234 : vector<16xf32>
        %add3A_1237 = arith.addf %add3A_1059, %mul3A_1236 : vector<16xf32>
        %mul3A_1238 = arith.constant 16 : i32
        %mul3A_1239 = arith.muli %scan3A_24, %mul3A_1238 : i32
        %add3A_1240 = arith.constant 6 : i32
        %add3A_1241 = arith.addi %mul3A_1239, %add3A_1240 : i32
        %get3A_1242 = arith.index_cast %add3A_1241 : i32 to index
        %get3A_1243 = arith.constant 160 : index
        %get3A_1244 = tpu.vector_load %arg8[%get3A_1242, %get3A_1243] {strides = array<i32>} : memref<128x256xf32, #tpu.memory_space<vmem>>, vector<1x16xf32>,
        %get3A_1245 = vector.shape_cast %get3A_1244 : vector<1x16xf32> to vector<16xf32>
        %mul3A_1246 = vector.broadcast %squeeze3A_1127 : f32 to vector<16xf32>
        %mul3A_1247 = arith.mulf %mul3A_1246, %get3A_1245 : vector<16xf32>
        %add3A_1248 = arith.addf %add3A_1070, %mul3A_1247 : vector<16xf32>
        %mul3A_1249 = arith.constant 16 : i32
        %mul3A_1250 = arith.muli %scan3A_24, %mul3A_1249 : i32
        %add3A_1251 = arith.constant 6 : i32
        %add3A_1252 = arith.addi %mul3A_1250, %add3A_1251 : i32
        %get3A_1253 = arith.index_cast %add3A_1252 : i32 to index
        %get3A_1254 = arith.constant 176 : index
        %get3A_1255 = tpu.vector_load %arg8[%get3A_1253, %get3A_1254] {strides = array<i32>} : memref<128x256xf32, #tpu.memory_space<vmem>>, vector<1x16xf32>,
        %get3A_1256 = vector.shape_cast %get3A_1255 : vector<1x16xf32> to vector<16xf32>
        %mul3A_1257 = vector.broadcast %squeeze3A_1127 : f32 to vector<16xf32>
        %mul3A_1258 = arith.mulf %mul3A_1257, %get3A_1256 : vector<16xf32>
        %add3A_1259 = arith.addf %add3A_1081, %mul3A_1258 : vector<16xf32>
        %mul3A_1260 = arith.constant 16 : i32
        %mul3A_1261 = arith.muli %scan3A_24, %mul3A_1260 : i32
        %add3A_1262 = arith.constant 6 : i32
        %add3A_1263 = arith.addi %mul3A_1261, %add3A_1262 : i32
        %get3A_1264 = arith.index_cast %add3A_1263 : i32 to index
        %get3A_1265 = arith.constant 192 : index
        %get3A_1266 = tpu.vector_load %arg8[%get3A_1264, %get3A_1265] {strides = array<i32>} : memref<128x256xf32, #tpu.memory_space<vmem>>, vector<1x16xf32>,
        %get3A_1267 = vector.shape_cast %get3A_1266 : vector<1x16xf32> to vector<16xf32>
        %mul3A_1268 = vector.broadcast %squeeze3A_1127 : f32 to vector<16xf32>
        %mul3A_1269 = arith.mulf %mul3A_1268, %get3A_1267 : vector<16xf32>
        %add3A_1270 = arith.addf %add3A_1092, %mul3A_1269 : vector<16xf32>
        %mul3A_1271 = arith.constant 16 : i32
        %mul3A_1272 = arith.muli %scan3A_24, %mul3A_1271 : i32
        %add3A_1273 = arith.constant 6 : i32
        %add3A_1274 = arith.addi %mul3A_1272, %add3A_1273 : i32
        %get3A_1275 = arith.index_cast %add3A_1274 : i32 to index
        %get3A_1276 = arith.constant 208 : index
        %get3A_1277 = tpu.vector_load %arg8[%get3A_1275, %get3A_1276] {strides = array<i32>} : memref<128x256xf32, #tpu.memory_space<vmem>>, vector<1x16xf32>,
        %get3A_1278 = vector.shape_cast %get3A_1277 : vector<1x16xf32> to vector<16xf32>
        %mul3A_1279 = vector.broadcast %squeeze3A_1127 : f32 to vector<16xf32>
        %mul3A_1280 = arith.mulf %mul3A_1279, %get3A_1278 : vector<16xf32>
        %add3A_1281 = arith.addf %add3A_1103, %mul3A_1280 : vector<16xf32>
        %mul3A_1282 = arith.constant 16 : i32
        %mul3A_1283 = arith.muli %scan3A_24, %mul3A_1282 : i32
        %add3A_1284 = arith.constant 6 : i32
        %add3A_1285 = arith.addi %mul3A_1283, %add3A_1284 : i32
        %get3A_1286 = arith.index_cast %add3A_1285 : i32 to index
        %get3A_1287 = arith.constant 224 : index
        %get3A_1288 = tpu.vector_load %arg8[%get3A_1286, %get3A_1287] {strides = array<i32>} : memref<128x256xf32, #tpu.memory_space<vmem>>, vector<1x16xf32>,
        %get3A_1289 = vector.shape_cast %get3A_1288 : vector<1x16xf32> to vector<16xf32>
        %mul3A_1290 = vector.broadcast %squeeze3A_1127 : f32 to vector<16xf32>
        %mul3A_1291 = arith.mulf %mul3A_1290, %get3A_1289 : vector<16xf32>
        %add3A_1292 = arith.addf %add3A_1114, %mul3A_1291 : vector<16xf32>
        %mul3A_1293 = arith.constant 16 : i32
        %mul3A_1294 = arith.muli %scan3A_24, %mul3A_1293 : i32
        %add3A_1295 = arith.constant 6 : i32
        %add3A_1296 = arith.addi %mul3A_1294, %add3A_1295 : i32
        %get3A_1297 = arith.index_cast %add3A_1296 : i32 to index
        %get3A_1298 = arith.constant 240 : index
        %get3A_1299 = tpu.vector_load %arg8[%get3A_1297, %get3A_1298] {strides = array<i32>} : memref<128x256xf32, #tpu.memory_space<vmem>>, vector<1x16xf32>,
        %get3A_1300 = vector.shape_cast %get3A_1299 : vector<1x16xf32> to vector<16xf32>
        %mul3A_1301 = vector.broadcast %squeeze3A_1127 : f32 to vector<16xf32>
        %mul3A_1302 = arith.mulf %mul3A_1301, %get3A_1300 : vector<16xf32>
        %add3A_1303 = arith.addf %add3A_1125, %mul3A_1302 : vector<16xf32>
        %slice3A_1304 = vector.extract_strided_slice %get3A_28 {offsets = [7], sizes = [1], strides = [1]} : vector<16xf32> to vector<1xf32>
        %squeeze3A_1305 = vector.extract %slice3A_1304[0] : f32 from vector<1xf32>
        %mul3A_1306 = arith.constant 16 : i32
        %mul3A_1307 = arith.muli %scan3A_24, %mul3A_1306 : i32
        %add3A_1308 = arith.constant 7 : i32
        %add3A_1309 = arith.addi %mul3A_1307, %add3A_1308 : i32
        %get3A_1310 = arith.index_cast %add3A_1309 : i32 to index
        %get3A_1311 = arith.constant 0 : index
        %get3A_1312 = tpu.vector_load %arg8[%get3A_1310, %get3A_1311] {strides = array<i32>} : memref<128x256xf32, #tpu.memory_space<vmem>>, vector<1x16xf32>,
        %get3A_1313 = vector.shape_cast %get3A_1312 : vector<1x16xf32> to vector<16xf32>
        %mul3A_1314 = vector.broadcast %squeeze3A_1305 : f32 to vector<16xf32>
        %mul3A_1315 = arith.mulf %mul3A_1314, %get3A_1313 : vector<16xf32>
        %add3A_1316 = arith.addf %add3A_1138, %mul3A_1315 : vector<16xf32>
        %mul3A_1317 = arith.constant 16 : i32
        %mul3A_1318 = arith.muli %scan3A_24, %mul3A_1317 : i32
        %add3A_1319 = arith.constant 7 : i32
        %add3A_1320 = arith.addi %mul3A_1318, %add3A_1319 : i32
        %get3A_1321 = arith.index_cast %add3A_1320 : i32 to index
        %get3A_1322 = arith.constant 16 : index
        %get3A_1323 = tpu.vector_load %arg8[%get3A_1321, %get3A_1322] {strides = array<i32>} : memref<128x256xf32, #tpu.memory_space<vmem>>, vector<1x16xf32>,
        %get3A_1324 = vector.shape_cast %get3A_1323 : vector<1x16xf32> to vector<16xf32>
        %mul3A_1325 = vector.broadcast %squeeze3A_1305 : f32 to vector<16xf32>
        %mul3A_1326 = arith.mulf %mul3A_1325, %get3A_1324 : vector<16xf32>
        %add3A_1327 = arith.addf %add3A_1149, %mul3A_1326 : vector<16xf32>
        %mul3A_1328 = arith.constant 16 : i32
        %mul3A_1329 = arith.muli %scan3A_24, %mul3A_1328 : i32
        %add3A_1330 = arith.constant 7 : i32
        %add3A_1331 = arith.addi %mul3A_1329, %add3A_1330 : i32
        %get3A_1332 = arith.index_cast %add3A_1331 : i32 to index
        %get3A_1333 = arith.constant 32 : index
        %get3A_1334 = tpu.vector_load %arg8[%get3A_1332, %get3A_1333] {strides = array<i32>} : memref<128x256xf32, #tpu.memory_space<vmem>>, vector<1x16xf32>,
        %get3A_1335 = vector.shape_cast %get3A_1334 : vector<1x16xf32> to vector<16xf32>
        %mul3A_1336 = vector.broadcast %squeeze3A_1305 : f32 to vector<16xf32>
        %mul3A_1337 = arith.mulf %mul3A_1336, %get3A_1335 : vector<16xf32>
        %add3A_1338 = arith.addf %add3A_1160, %mul3A_1337 : vector<16xf32>
        %mul3A_1339 = arith.constant 16 : i32
        %mul3A_1340 = arith.muli %scan3A_24, %mul3A_1339 : i32
        %add3A_1341 = arith.constant 7 : i32
        %add3A_1342 = arith.addi %mul3A_1340, %add3A_1341 : i32
        %get3A_1343 = arith.index_cast %add3A_1342 : i32 to index
        %get3A_1344 = arith.constant 48 : index
        %get3A_1345 = tpu.vector_load %arg8[%get3A_1343, %get3A_1344] {strides = array<i32>} : memref<128x256xf32, #tpu.memory_space<vmem>>, vector<1x16xf32>,
        %get3A_1346 = vector.shape_cast %get3A_1345 : vector<1x16xf32> to vector<16xf32>
        %mul3A_1347 = vector.broadcast %squeeze3A_1305 : f32 to vector<16xf32>
        %mul3A_1348 = arith.mulf %mul3A_1347, %get3A_1346 : vector<16xf32>
        %add3A_1349 = arith.addf %add3A_1171, %mul3A_1348 : vector<16xf32>
        %mul3A_1350 = arith.constant 16 : i32
        %mul3A_1351 = arith.muli %scan3A_24, %mul3A_1350 : i32
        %add3A_1352 = arith.constant 7 : i32
        %add3A_1353 = arith.addi %mul3A_1351, %add3A_1352 : i32
        %get3A_1354 = arith.index_cast %add3A_1353 : i32 to index
        %get3A_1355 = arith.constant 64 : index
        %get3A_1356 = tpu.vector_load %arg8[%get3A_1354, %get3A_1355] {strides = array<i32>} : memref<128x256xf32, #tpu.memory_space<vmem>>, vector<1x16xf32>,
        %get3A_1357 = vector.shape_cast %get3A_1356 : vector<1x16xf32> to vector<16xf32>
        %mul3A_1358 = vector.broadcast %squeeze3A_1305 : f32 to vector<16xf32>
        %mul3A_1359 = arith.mulf %mul3A_1358, %get3A_1357 : vector<16xf32>
        %add3A_1360 = arith.addf %add3A_1182, %mul3A_1359 : vector<16xf32>
        %mul3A_1361 = arith.constant 16 : i32
        %mul3A_1362 = arith.muli %scan3A_24, %mul3A_1361 : i32
        %add3A_1363 = arith.constant 7 : i32
        %add3A_1364 = arith.addi %mul3A_1362, %add3A_1363 : i32
        %get3A_1365 = arith.index_cast %add3A_1364 : i32 to index
        %get3A_1366 = arith.constant 80 : index
        %get3A_1367 = tpu.vector_load %arg8[%get3A_1365, %get3A_1366] {strides = array<i32>} : memref<128x256xf32, #tpu.memory_space<vmem>>, vector<1x16xf32>,
        %get3A_1368 = vector.shape_cast %get3A_1367 : vector<1x16xf32> to vector<16xf32>
        %mul3A_1369 = vector.broadcast %squeeze3A_1305 : f32 to vector<16xf32>
        %mul3A_1370 = arith.mulf %mul3A_1369, %get3A_1368 : vector<16xf32>
        %add3A_1371 = arith.addf %add3A_1193, %mul3A_1370 : vector<16xf32>
        %mul3A_1372 = arith.constant 16 : i32
        %mul3A_1373 = arith.muli %scan3A_24, %mul3A_1372 : i32
        %add3A_1374 = arith.constant 7 : i32
        %add3A_1375 = arith.addi %mul3A_1373, %add3A_1374 : i32
        %get3A_1376 = arith.index_cast %add3A_1375 : i32 to index
        %get3A_1377 = arith.constant 96 : index
        %get3A_1378 = tpu.vector_load %arg8[%get3A_1376, %get3A_1377] {strides = array<i32>} : memref<128x256xf32, #tpu.memory_space<vmem>>, vector<1x16xf32>,
        %get3A_1379 = vector.shape_cast %get3A_1378 : vector<1x16xf32> to vector<16xf32>
        %mul3A_1380 = vector.broadcast %squeeze3A_1305 : f32 to vector<16xf32>
        %mul3A_1381 = arith.mulf %mul3A_1380, %get3A_1379 : vector<16xf32>
        %add3A_1382 = arith.addf %add3A_1204, %mul3A_1381 : vector<16xf32>
        %mul3A_1383 = arith.constant 16 : i32
        %mul3A_1384 = arith.muli %scan3A_24, %mul3A_1383 : i32
        %add3A_1385 = arith.constant 7 : i32
        %add3A_1386 = arith.addi %mul3A_1384, %add3A_1385 : i32
        %get3A_1387 = arith.index_cast %add3A_1386 : i32 to index
        %get3A_1388 = arith.constant 112 : index
        %get3A_1389 = tpu.vector_load %arg8[%get3A_1387, %get3A_1388] {strides = array<i32>} : memref<128x256xf32, #tpu.memory_space<vmem>>, vector<1x16xf32>,
        %get3A_1390 = vector.shape_cast %get3A_1389 : vector<1x16xf32> to vector<16xf32>
        %mul3A_1391 = vector.broadcast %squeeze3A_1305 : f32 to vector<16xf32>
        %mul3A_1392 = arith.mulf %mul3A_1391, %get3A_1390 : vector<16xf32>
        %add3A_1393 = arith.addf %add3A_1215, %mul3A_1392 : vector<16xf32>
        %mul3A_1394 = arith.constant 16 : i32
        %mul3A_1395 = arith.muli %scan3A_24, %mul3A_1394 : i32
        %add3A_1396 = arith.constant 7 : i32
        %add3A_1397 = arith.addi %mul3A_1395, %add3A_1396 : i32
        %get3A_1398 = arith.index_cast %add3A_1397 : i32 to index
        %get3A_1399 = arith.constant 128 : index
        %get3A_1400 = tpu.vector_load %arg8[%get3A_1398, %get3A_1399] {strides = array<i32>} : memref<128x256xf32, #tpu.memory_space<vmem>>, vector<1x16xf32>,
        %get3A_1401 = vector.shape_cast %get3A_1400 : vector<1x16xf32> to vector<16xf32>
        %mul3A_1402 = vector.broadcast %squeeze3A_1305 : f32 to vector<16xf32>
        %mul3A_1403 = arith.mulf %mul3A_1402, %get3A_1401 : vector<16xf32>
        %add3A_1404 = arith.addf %add3A_1226, %mul3A_1403 : vector<16xf32>
        %mul3A_1405 = arith.constant 16 : i32
        %mul3A_1406 = arith.muli %scan3A_24, %mul3A_1405 : i32
        %add3A_1407 = arith.constant 7 : i32
        %add3A_1408 = arith.addi %mul3A_1406, %add3A_1407 : i32
        %get3A_1409 = arith.index_cast %add3A_1408 : i32 to index
        %get3A_1410 = arith.constant 144 : index
        %get3A_1411 = tpu.vector_load %arg8[%get3A_1409, %get3A_1410] {strides = array<i32>} : memref<128x256xf32, #tpu.memory_space<vmem>>, vector<1x16xf32>,
        %get3A_1412 = vector.shape_cast %get3A_1411 : vector<1x16xf32> to vector<16xf32>
        %mul3A_1413 = vector.broadcast %squeeze3A_1305 : f32 to vector<16xf32>
        %mul3A_1414 = arith.mulf %mul3A_1413, %get3A_1412 : vector<16xf32>
        %add3A_1415 = arith.addf %add3A_1237, %mul3A_1414 : vector<16xf32>
        %mul3A_1416 = arith.constant 16 : i32
        %mul3A_1417 = arith.muli %scan3A_24, %mul3A_1416 : i32
        %add3A_1418 = arith.constant 7 : i32
        %add3A_1419 = arith.addi %mul3A_1417, %add3A_1418 : i32
        %get3A_1420 = arith.index_cast %add3A_1419 : i32 to index
        %get3A_1421 = arith.constant 160 : index
        %get3A_1422 = tpu.vector_load %arg8[%get3A_1420, %get3A_1421] {strides = array<i32>} : memref<128x256xf32, #tpu.memory_space<vmem>>, vector<1x16xf32>,
        %get3A_1423 = vector.shape_cast %get3A_1422 : vector<1x16xf32> to vector<16xf32>
        %mul3A_1424 = vector.broadcast %squeeze3A_1305 : f32 to vector<16xf32>
        %mul3A_1425 = arith.mulf %mul3A_1424, %get3A_1423 : vector<16xf32>
        %add3A_1426 = arith.addf %add3A_1248, %mul3A_1425 : vector<16xf32>
        %mul3A_1427 = arith.constant 16 : i32
        %mul3A_1428 = arith.muli %scan3A_24, %mul3A_1427 : i32
        %add3A_1429 = arith.constant 7 : i32
        %add3A_1430 = arith.addi %mul3A_1428, %add3A_1429 : i32
        %get3A_1431 = arith.index_cast %add3A_1430 : i32 to index
        %get3A_1432 = arith.constant 176 : index
        %get3A_1433 = tpu.vector_load %arg8[%get3A_1431, %get3A_1432] {strides = array<i32>} : memref<128x256xf32, #tpu.memory_space<vmem>>, vector<1x16xf32>,
        %get3A_1434 = vector.shape_cast %get3A_1433 : vector<1x16xf32> to vector<16xf32>
        %mul3A_1435 = vector.broadcast %squeeze3A_1305 : f32 to vector<16xf32>
        %mul3A_1436 = arith.mulf %mul3A_1435, %get3A_1434 : vector<16xf32>
        %add3A_1437 = arith.addf %add3A_1259, %mul3A_1436 : vector<16xf32>
        %mul3A_1438 = arith.constant 16 : i32
        %mul3A_1439 = arith.muli %scan3A_24, %mul3A_1438 : i32
        %add3A_1440 = arith.constant 7 : i32
        %add3A_1441 = arith.addi %mul3A_1439, %add3A_1440 : i32
        %get3A_1442 = arith.index_cast %add3A_1441 : i32 to index
        %get3A_1443 = arith.constant 192 : index
        %get3A_1444 = tpu.vector_load %arg8[%get3A_1442, %get3A_1443] {strides = array<i32>} : memref<128x256xf32, #tpu.memory_space<vmem>>, vector<1x16xf32>,
        %get3A_1445 = vector.shape_cast %get3A_1444 : vector<1x16xf32> to vector<16xf32>
        %mul3A_1446 = vector.broadcast %squeeze3A_1305 : f32 to vector<16xf32>
        %mul3A_1447 = arith.mulf %mul3A_1446, %get3A_1445 : vector<16xf32>
        %add3A_1448 = arith.addf %add3A_1270, %mul3A_1447 : vector<16xf32>
        %mul3A_1449 = arith.constant 16 : i32
        %mul3A_1450 = arith.muli %scan3A_24, %mul3A_1449 : i32
        %add3A_1451 = arith.constant 7 : i32
        %add3A_1452 = arith.addi %mul3A_1450, %add3A_1451 : i32
        %get3A_1453 = arith.index_cast %add3A_1452 : i32 to index
        %get3A_1454 = arith.constant 208 : index
        %get3A_1455 = tpu.vector_load %arg8[%get3A_1453, %get3A_1454] {strides = array<i32>} : memref<128x256xf32, #tpu.memory_space<vmem>>, vector<1x16xf32>,
        %get3A_1456 = vector.shape_cast %get3A_1455 : vector<1x16xf32> to vector<16xf32>
        %mul3A_1457 = vector.broadcast %squeeze3A_1305 : f32 to vector<16xf32>
        %mul3A_1458 = arith.mulf %mul3A_1457, %get3A_1456 : vector<16xf32>
        %add3A_1459 = arith.addf %add3A_1281, %mul3A_1458 : vector<16xf32>
        %mul3A_1460 = arith.constant 16 : i32
        %mul3A_1461 = arith.muli %scan3A_24, %mul3A_1460 : i32
        %add3A_1462 = arith.constant 7 : i32
        %add3A_1463 = arith.addi %mul3A_1461, %add3A_1462 : i32
        %get3A_1464 = arith.index_cast %add3A_1463 : i32 to index
        %get3A_1465 = arith.constant 224 : index
        %get3A_1466 = tpu.vector_load %arg8[%get3A_1464, %get3A_1465] {strides = array<i32>} : memref<128x256xf32, #tpu.memory_space<vmem>>, vector<1x16xf32>,
        %get3A_1467 = vector.shape_cast %get3A_1466 : vector<1x16xf32> to vector<16xf32>
        %mul3A_1468 = vector.broadcast %squeeze3A_1305 : f32 to vector<16xf32>
        %mul3A_1469 = arith.mulf %mul3A_1468, %get3A_1467 : vector<16xf32>
        %add3A_1470 = arith.addf %add3A_1292, %mul3A_1469 : vector<16xf32>
        %mul3A_1471 = arith.constant 16 : i32
        %mul3A_1472 = arith.muli %scan3A_24, %mul3A_1471 : i32
        %add3A_1473 = arith.constant 7 : i32
        %add3A_1474 = arith.addi %mul3A_1472, %add3A_1473 : i32
        %get3A_1475 = arith.index_cast %add3A_1474 : i32 to index
        %get3A_1476 = arith.constant 240 : index
        %get3A_1477 = tpu.vector_load %arg8[%get3A_1475, %get3A_1476] {strides = array<i32>} : memref<128x256xf32, #tpu.memory_space<vmem>>, vector<1x16xf32>,
        %get3A_1478 = vector.shape_cast %get3A_1477 : vector<1x16xf32> to vector<16xf32>
        %mul3A_1479 = vector.broadcast %squeeze3A_1305 : f32 to vector<16xf32>
        %mul3A_1480 = arith.mulf %mul3A_1479, %get3A_1478 : vector<16xf32>
        %add3A_1481 = arith.addf %add3A_1303, %mul3A_1480 : vector<16xf32>
        %slice3A_1482 = vector.extract_strided_slice %get3A_28 {offsets = [8], sizes = [1], strides = [1]} : vector<16xf32> to vector<1xf32>
        %squeeze3A_1483 = vector.extract %slice3A_1482[0] : f32 from vector<1xf32>
        %mul3A_1484 = arith.constant 16 : i32
        %mul3A_1485 = arith.muli %scan3A_24, %mul3A_1484 : i32
        %add3A_1486 = arith.constant 8 : i32
        %add3A_1487 = arith.addi %mul3A_1485, %add3A_1486 : i32
        %get3A_1488 = arith.index_cast %add3A_1487 : i32 to index
        %get3A_1489 = arith.constant 0 : index
        %get3A_1490 = tpu.vector_load %arg8[%get3A_1488, %get3A_1489] {strides = array<i32>} : memref<128x256xf32, #tpu.memory_space<vmem>>, vector<1x16xf32>,
        %get3A_1491 = vector.shape_cast %get3A_1490 : vector<1x16xf32> to vector<16xf32>
        %mul3A_1492 = vector.broadcast %squeeze3A_1483 : f32 to vector<16xf32>
        %mul3A_1493 = arith.mulf %mul3A_1492, %get3A_1491 : vector<16xf32>
        %add3A_1494 = arith.addf %add3A_1316, %mul3A_1493 : vector<16xf32>
        %mul3A_1495 = arith.constant 16 : i32
        %mul3A_1496 = arith.muli %scan3A_24, %mul3A_1495 : i32
        %add3A_1497 = arith.constant 8 : i32
        %add3A_1498 = arith.addi %mul3A_1496, %add3A_1497 : i32
        %get3A_1499 = arith.index_cast %add3A_1498 : i32 to index
        %get3A_1500 = arith.constant 16 : index
        %get3A_1501 = tpu.vector_load %arg8[%get3A_1499, %get3A_1500] {strides = array<i32>} : memref<128x256xf32, #tpu.memory_space<vmem>>, vector<1x16xf32>,
        %get3A_1502 = vector.shape_cast %get3A_1501 : vector<1x16xf32> to vector<16xf32>
        %mul3A_1503 = vector.broadcast %squeeze3A_1483 : f32 to vector<16xf32>
        %mul3A_1504 = arith.mulf %mul3A_1503, %get3A_1502 : vector<16xf32>
        %add3A_1505 = arith.addf %add3A_1327, %mul3A_1504 : vector<16xf32>
        %mul3A_1506 = arith.constant 16 : i32
        %mul3A_1507 = arith.muli %scan3A_24, %mul3A_1506 : i32
        %add3A_1508 = arith.constant 8 : i32
        %add3A_1509 = arith.addi %mul3A_1507, %add3A_1508 : i32
        %get3A_1510 = arith.index_cast %add3A_1509 : i32 to index
        %get3A_1511 = arith.constant 32 : index
        %get3A_1512 = tpu.vector_load %arg8[%get3A_1510, %get3A_1511] {strides = array<i32>} : memref<128x256xf32, #tpu.memory_space<vmem>>, vector<1x16xf32>,
        %get3A_1513 = vector.shape_cast %get3A_1512 : vector<1x16xf32> to vector<16xf32>
        %mul3A_1514 = vector.broadcast %squeeze3A_1483 : f32 to vector<16xf32>
        %mul3A_1515 = arith.mulf %mul3A_1514, %get3A_1513 : vector<16xf32>
        %add3A_1516 = arith.addf %add3A_1338, %mul3A_1515 : vector<16xf32>
        %mul3A_1517 = arith.constant 16 : i32
        %mul3A_1518 = arith.muli %scan3A_24, %mul3A_1517 : i32
        %add3A_1519 = arith.constant 8 : i32
        %add3A_1520 = arith.addi %mul3A_1518, %add3A_1519 : i32
        %get3A_1521 = arith.index_cast %add3A_1520 : i32 to index
        %get3A_1522 = arith.constant 48 : index
        %get3A_1523 = tpu.vector_load %arg8[%get3A_1521, %get3A_1522] {strides = array<i32>} : memref<128x256xf32, #tpu.memory_space<vmem>>, vector<1x16xf32>,
        %get3A_1524 = vector.shape_cast %get3A_1523 : vector<1x16xf32> to vector<16xf32>
        %mul3A_1525 = vector.broadcast %squeeze3A_1483 : f32 to vector<16xf32>
        %mul3A_1526 = arith.mulf %mul3A_1525, %get3A_1524 : vector<16xf32>
        %add3A_1527 = arith.addf %add3A_1349, %mul3A_1526 : vector<16xf32>
        %mul3A_1528 = arith.constant 16 : i32
        %mul3A_1529 = arith.muli %scan3A_24, %mul3A_1528 : i32
        %add3A_1530 = arith.constant 8 : i32
        %add3A_1531 = arith.addi %mul3A_1529, %add3A_1530 : i32
        %get3A_1532 = arith.index_cast %add3A_1531 : i32 to index
        %get3A_1533 = arith.constant 64 : index
        %get3A_1534 = tpu.vector_load %arg8[%get3A_1532, %get3A_1533] {strides = array<i32>} : memref<128x256xf32, #tpu.memory_space<vmem>>, vector<1x16xf32>,
        %get3A_1535 = vector.shape_cast %get3A_1534 : vector<1x16xf32> to vector<16xf32>
        %mul3A_1536 = vector.broadcast %squeeze3A_1483 : f32 to vector<16xf32>
        %mul3A_1537 = arith.mulf %mul3A_1536, %get3A_1535 : vector<16xf32>
        %add3A_1538 = arith.addf %add3A_1360, %mul3A_1537 : vector<16xf32>
        %mul3A_1539 = arith.constant 16 : i32
        %mul3A_1540 = arith.muli %scan3A_24, %mul3A_1539 : i32
        %add3A_1541 = arith.constant 8 : i32
        %add3A_1542 = arith.addi %mul3A_1540, %add3A_1541 : i32
        %get3A_1543 = arith.index_cast %add3A_1542 : i32 to index
        %get3A_1544 = arith.constant 80 : index
        %get3A_1545 = tpu.vector_load %arg8[%get3A_1543, %get3A_1544] {strides = array<i32>} : memref<128x256xf32, #tpu.memory_space<vmem>>, vector<1x16xf32>,
        %get3A_1546 = vector.shape_cast %get3A_1545 : vector<1x16xf32> to vector<16xf32>
        %mul3A_1547 = vector.broadcast %squeeze3A_1483 : f32 to vector<16xf32>
        %mul3A_1548 = arith.mulf %mul3A_1547, %get3A_1546 : vector<16xf32>
        %add3A_1549 = arith.addf %add3A_1371, %mul3A_1548 : vector<16xf32>
        %mul3A_1550 = arith.constant 16 : i32
        %mul3A_1551 = arith.muli %scan3A_24, %mul3A_1550 : i32
        %add3A_1552 = arith.constant 8 : i32
        %add3A_1553 = arith.addi %mul3A_1551, %add3A_1552 : i32
        %get3A_1554 = arith.index_cast %add3A_1553 : i32 to index
        %get3A_1555 = arith.constant 96 : index
        %get3A_1556 = tpu.vector_load %arg8[%get3A_1554, %get3A_1555] {strides = array<i32>} : memref<128x256xf32, #tpu.memory_space<vmem>>, vector<1x16xf32>,
        %get3A_1557 = vector.shape_cast %get3A_1556 : vector<1x16xf32> to vector<16xf32>
        %mul3A_1558 = vector.broadcast %squeeze3A_1483 : f32 to vector<16xf32>
        %mul3A_1559 = arith.mulf %mul3A_1558, %get3A_1557 : vector<16xf32>
        %add3A_1560 = arith.addf %add3A_1382, %mul3A_1559 : vector<16xf32>
        %mul3A_1561 = arith.constant 16 : i32
        %mul3A_1562 = arith.muli %scan3A_24, %mul3A_1561 : i32
        %add3A_1563 = arith.constant 8 : i32
        %add3A_1564 = arith.addi %mul3A_1562, %add3A_1563 : i32
        %get3A_1565 = arith.index_cast %add3A_1564 : i32 to index
        %get3A_1566 = arith.constant 112 : index
        %get3A_1567 = tpu.vector_load %arg8[%get3A_1565, %get3A_1566] {strides = array<i32>} : memref<128x256xf32, #tpu.memory_space<vmem>>, vector<1x16xf32>,
        %get3A_1568 = vector.shape_cast %get3A_1567 : vector<1x16xf32> to vector<16xf32>
        %mul3A_1569 = vector.broadcast %squeeze3A_1483 : f32 to vector<16xf32>
        %mul3A_1570 = arith.mulf %mul3A_1569, %get3A_1568 : vector<16xf32>
        %add3A_1571 = arith.addf %add3A_1393, %mul3A_1570 : vector<16xf32>
        %mul3A_1572 = arith.constant 16 : i32
        %mul3A_1573 = arith.muli %scan3A_24, %mul3A_1572 : i32
        %add3A_1574 = arith.constant 8 : i32
        %add3A_1575 = arith.addi %mul3A_1573, %add3A_1574 : i32
        %get3A_1576 = arith.index_cast %add3A_1575 : i32 to index
        %get3A_1577 = arith.constant 128 : index
        %get3A_1578 = tpu.vector_load %arg8[%get3A_1576, %get3A_1577] {strides = array<i32>} : memref<128x256xf32, #tpu.memory_space<vmem>>, vector<1x16xf32>,
        %get3A_1579 = vector.shape_cast %get3A_1578 : vector<1x16xf32> to vector<16xf32>
        %mul3A_1580 = vector.broadcast %squeeze3A_1483 : f32 to vector<16xf32>
        %mul3A_1581 = arith.mulf %mul3A_1580, %get3A_1579 : vector<16xf32>
        %add3A_1582 = arith.addf %add3A_1404, %mul3A_1581 : vector<16xf32>
        %mul3A_1583 = arith.constant 16 : i32
        %mul3A_1584 = arith.muli %scan3A_24, %mul3A_1583 : i32
        %add3A_1585 = arith.constant 8 : i32
        %add3A_1586 = arith.addi %mul3A_1584, %add3A_1585 : i32
        %get3A_1587 = arith.index_cast %add3A_1586 : i32 to index
        %get3A_1588 = arith.constant 144 : index
        %get3A_1589 = tpu.vector_load %arg8[%get3A_1587, %get3A_1588] {strides = array<i32>} : memref<128x256xf32, #tpu.memory_space<vmem>>, vector<1x16xf32>,
        %get3A_1590 = vector.shape_cast %get3A_1589 : vector<1x16xf32> to vector<16xf32>
        %mul3A_1591 = vector.broadcast %squeeze3A_1483 : f32 to vector<16xf32>
        %mul3A_1592 = arith.mulf %mul3A_1591, %get3A_1590 : vector<16xf32>
        %add3A_1593 = arith.addf %add3A_1415, %mul3A_1592 : vector<16xf32>
        %mul3A_1594 = arith.constant 16 : i32
        %mul3A_1595 = arith.muli %scan3A_24, %mul3A_1594 : i32
        %add3A_1596 = arith.constant 8 : i32
        %add3A_1597 = arith.addi %mul3A_1595, %add3A_1596 : i32
        %get3A_1598 = arith.index_cast %add3A_1597 : i32 to index
        %get3A_1599 = arith.constant 160 : index
        %get3A_1600 = tpu.vector_load %arg8[%get3A_1598, %get3A_1599] {strides = array<i32>} : memref<128x256xf32, #tpu.memory_space<vmem>>, vector<1x16xf32>,
        %get3A_1601 = vector.shape_cast %get3A_1600 : vector<1x16xf32> to vector<16xf32>
        %mul3A_1602 = vector.broadcast %squeeze3A_1483 : f32 to vector<16xf32>
        %mul3A_1603 = arith.mulf %mul3A_1602, %get3A_1601 : vector<16xf32>
        %add3A_1604 = arith.addf %add3A_1426, %mul3A_1603 : vector<16xf32>
        %mul3A_1605 = arith.constant 16 : i32
        %mul3A_1606 = arith.muli %scan3A_24, %mul3A_1605 : i32
        %add3A_1607 = arith.constant 8 : i32
        %add3A_1608 = arith.addi %mul3A_1606, %add3A_1607 : i32
        %get3A_1609 = arith.index_cast %add3A_1608 : i32 to index
        %get3A_1610 = arith.constant 176 : index
        %get3A_1611 = tpu.vector_load %arg8[%get3A_1609, %get3A_1610] {strides = array<i32>} : memref<128x256xf32, #tpu.memory_space<vmem>>, vector<1x16xf32>,
        %get3A_1612 = vector.shape_cast %get3A_1611 : vector<1x16xf32> to vector<16xf32>
        %mul3A_1613 = vector.broadcast %squeeze3A_1483 : f32 to vector<16xf32>
        %mul3A_1614 = arith.mulf %mul3A_1613, %get3A_1612 : vector<16xf32>
        %add3A_1615 = arith.addf %add3A_1437, %mul3A_1614 : vector<16xf32>
        %mul3A_1616 = arith.constant 16 : i32
        %mul3A_1617 = arith.muli %scan3A_24, %mul3A_1616 : i32
        %add3A_1618 = arith.constant 8 : i32
        %add3A_1619 = arith.addi %mul3A_1617, %add3A_1618 : i32
        %get3A_1620 = arith.index_cast %add3A_1619 : i32 to index
        %get3A_1621 = arith.constant 192 : index
        %get3A_1622 = tpu.vector_load %arg8[%get3A_1620, %get3A_1621] {strides = array<i32>} : memref<128x256xf32, #tpu.memory_space<vmem>>, vector<1x16xf32>,
        %get3A_1623 = vector.shape_cast %get3A_1622 : vector<1x16xf32> to vector<16xf32>
        %mul3A_1624 = vector.broadcast %squeeze3A_1483 : f32 to vector<16xf32>
        %mul3A_1625 = arith.mulf %mul3A_1624, %get3A_1623 : vector<16xf32>
        %add3A_1626 = arith.addf %add3A_1448, %mul3A_1625 : vector<16xf32>
        %mul3A_1627 = arith.constant 16 : i32
        %mul3A_1628 = arith.muli %scan3A_24, %mul3A_1627 : i32
        %add3A_1629 = arith.constant 8 : i32
        %add3A_1630 = arith.addi %mul3A_1628, %add3A_1629 : i32
        %get3A_1631 = arith.index_cast %add3A_1630 : i32 to index
        %get3A_1632 = arith.constant 208 : index
        %get3A_1633 = tpu.vector_load %arg8[%get3A_1631, %get3A_1632] {strides = array<i32>} : memref<128x256xf32, #tpu.memory_space<vmem>>, vector<1x16xf32>,
        %get3A_1634 = vector.shape_cast %get3A_1633 : vector<1x16xf32> to vector<16xf32>
        %mul3A_1635 = vector.broadcast %squeeze3A_1483 : f32 to vector<16xf32>
        %mul3A_1636 = arith.mulf %mul3A_1635, %get3A_1634 : vector<16xf32>
        %add3A_1637 = arith.addf %add3A_1459, %mul3A_1636 : vector<16xf32>
        %mul3A_1638 = arith.constant 16 : i32
        %mul3A_1639 = arith.muli %scan3A_24, %mul3A_1638 : i32
        %add3A_1640 = arith.constant 8 : i32
        %add3A_1641 = arith.addi %mul3A_1639, %add3A_1640 : i32
        %get3A_1642 = arith.index_cast %add3A_1641 : i32 to index
        %get3A_1643 = arith.constant 224 : index
        %get3A_1644 = tpu.vector_load %arg8[%get3A_1642, %get3A_1643] {strides = array<i32>} : memref<128x256xf32, #tpu.memory_space<vmem>>, vector<1x16xf32>,
        %get3A_1645 = vector.shape_cast %get3A_1644 : vector<1x16xf32> to vector<16xf32>
        %mul3A_1646 = vector.broadcast %squeeze3A_1483 : f32 to vector<16xf32>
        %mul3A_1647 = arith.mulf %mul3A_1646, %get3A_1645 : vector<16xf32>
        %add3A_1648 = arith.addf %add3A_1470, %mul3A_1647 : vector<16xf32>
        %mul3A_1649 = arith.constant 16 : i32
        %mul3A_1650 = arith.muli %scan3A_24, %mul3A_1649 : i32
        %add3A_1651 = arith.constant 8 : i32
        %add3A_1652 = arith.addi %mul3A_1650, %add3A_1651 : i32
        %get3A_1653 = arith.index_cast %add3A_1652 : i32 to index
        %get3A_1654 = arith.constant 240 : index
        %get3A_1655 = tpu.vector_load %arg8[%get3A_1653, %get3A_1654] {strides = array<i32>} : memref<128x256xf32, #tpu.memory_space<vmem>>, vector<1x16xf32>,
        %get3A_1656 = vector.shape_cast %get3A_1655 : vector<1x16xf32> to vector<16xf32>
        %mul3A_1657 = vector.broadcast %squeeze3A_1483 : f32 to vector<16xf32>
        %mul3A_1658 = arith.mulf %mul3A_1657, %get3A_1656 : vector<16xf32>
        %add3A_1659 = arith.addf %add3A_1481, %mul3A_1658 : vector<16xf32>
        %slice3A_1660 = vector.extract_strided_slice %get3A_28 {offsets = [9], sizes = [1], strides = [1]} : vector<16xf32> to vector<1xf32>
        %squeeze3A_1661 = vector.extract %slice3A_1660[0] : f32 from vector<1xf32>
        %mul3A_1662 = arith.constant 16 : i32
        %mul3A_1663 = arith.muli %scan3A_24, %mul3A_1662 : i32
        %add3A_1664 = arith.constant 9 : i32
        %add3A_1665 = arith.addi %mul3A_1663, %add3A_1664 : i32
        %get3A_1666 = arith.index_cast %add3A_1665 : i32 to index
        %get3A_1667 = arith.constant 0 : index
        %get3A_1668 = tpu.vector_load %arg8[%get3A_1666, %get3A_1667] {strides = array<i32>} : memref<128x256xf32, #tpu.memory_space<vmem>>, vector<1x16xf32>,
        %get3A_1669 = vector.shape_cast %get3A_1668 : vector<1x16xf32> to vector<16xf32>
        %mul3A_1670 = vector.broadcast %squeeze3A_1661 : f32 to vector<16xf32>
        %mul3A_1671 = arith.mulf %mul3A_1670, %get3A_1669 : vector<16xf32>
        %add3A_1672 = arith.addf %add3A_1494, %mul3A_1671 : vector<16xf32>
        %mul3A_1673 = arith.constant 16 : i32
        %mul3A_1674 = arith.muli %scan3A_24, %mul3A_1673 : i32
        %add3A_1675 = arith.constant 9 : i32
        %add3A_1676 = arith.addi %mul3A_1674, %add3A_1675 : i32
        %get3A_1677 = arith.index_cast %add3A_1676 : i32 to index
        %get3A_1678 = arith.constant 16 : index
        %get3A_1679 = tpu.vector_load %arg8[%get3A_1677, %get3A_1678] {strides = array<i32>} : memref<128x256xf32, #tpu.memory_space<vmem>>, vector<1x16xf32>,
        %get3A_1680 = vector.shape_cast %get3A_1679 : vector<1x16xf32> to vector<16xf32>
        %mul3A_1681 = vector.broadcast %squeeze3A_1661 : f32 to vector<16xf32>
        %mul3A_1682 = arith.mulf %mul3A_1681, %get3A_1680 : vector<16xf32>
        %add3A_1683 = arith.addf %add3A_1505, %mul3A_1682 : vector<16xf32>
        %mul3A_1684 = arith.constant 16 : i32
        %mul3A_1685 = arith.muli %scan3A_24, %mul3A_1684 : i32
        %add3A_1686 = arith.constant 9 : i32
        %add3A_1687 = arith.addi %mul3A_1685, %add3A_1686 : i32
        %get3A_1688 = arith.index_cast %add3A_1687 : i32 to index
        %get3A_1689 = arith.constant 32 : index
        %get3A_1690 = tpu.vector_load %arg8[%get3A_1688, %get3A_1689] {strides = array<i32>} : memref<128x256xf32, #tpu.memory_space<vmem>>, vector<1x16xf32>,
        %get3A_1691 = vector.shape_cast %get3A_1690 : vector<1x16xf32> to vector<16xf32>
        %mul3A_1692 = vector.broadcast %squeeze3A_1661 : f32 to vector<16xf32>
        %mul3A_1693 = arith.mulf %mul3A_1692, %get3A_1691 : vector<16xf32>
        %add3A_1694 = arith.addf %add3A_1516, %mul3A_1693 : vector<16xf32>
        %mul3A_1695 = arith.constant 16 : i32
        %mul3A_1696 = arith.muli %scan3A_24, %mul3A_1695 : i32
        %add3A_1697 = arith.constant 9 : i32
        %add3A_1698 = arith.addi %mul3A_1696, %add3A_1697 : i32
        %get3A_1699 = arith.index_cast %add3A_1698 : i32 to index
        %get3A_1700 = arith.constant 48 : index
        %get3A_1701 = tpu.vector_load %arg8[%get3A_1699, %get3A_1700] {strides = array<i32>} : memref<128x256xf32, #tpu.memory_space<vmem>>, vector<1x16xf32>,
        %get3A_1702 = vector.shape_cast %get3A_1701 : vector<1x16xf32> to vector<16xf32>
        %mul3A_1703 = vector.broadcast %squeeze3A_1661 : f32 to vector<16xf32>
        %mul3A_1704 = arith.mulf %mul3A_1703, %get3A_1702 : vector<16xf32>
        %add3A_1705 = arith.addf %add3A_1527, %mul3A_1704 : vector<16xf32>
        %mul3A_1706 = arith.constant 16 : i32
        %mul3A_1707 = arith.muli %scan3A_24, %mul3A_1706 : i32
        %add3A_1708 = arith.constant 9 : i32
        %add3A_1709 = arith.addi %mul3A_1707, %add3A_1708 : i32
        %get3A_1710 = arith.index_cast %add3A_1709 : i32 to index
        %get3A_1711 = arith.constant 64 : index
        %get3A_1712 = tpu.vector_load %arg8[%get3A_1710, %get3A_1711] {strides = array<i32>} : memref<128x256xf32, #tpu.memory_space<vmem>>, vector<1x16xf32>,
        %get3A_1713 = vector.shape_cast %get3A_1712 : vector<1x16xf32> to vector<16xf32>
        %mul3A_1714 = vector.broadcast %squeeze3A_1661 : f32 to vector<16xf32>
        %mul3A_1715 = arith.mulf %mul3A_1714, %get3A_1713 : vector<16xf32>
        %add3A_1716 = arith.addf %add3A_1538, %mul3A_1715 : vector<16xf32>
        %mul3A_1717 = arith.constant 16 : i32
        %mul3A_1718 = arith.muli %scan3A_24, %mul3A_1717 : i32
        %add3A_1719 = arith.constant 9 : i32
        %add3A_1720 = arith.addi %mul3A_1718, %add3A_1719 : i32
        %get3A_1721 = arith.index_cast %add3A_1720 : i32 to index
        %get3A_1722 = arith.constant 80 : index
        %get3A_1723 = tpu.vector_load %arg8[%get3A_1721, %get3A_1722] {strides = array<i32>} : memref<128x256xf32, #tpu.memory_space<vmem>>, vector<1x16xf32>,
        %get3A_1724 = vector.shape_cast %get3A_1723 : vector<1x16xf32> to vector<16xf32>
        %mul3A_1725 = vector.broadcast %squeeze3A_1661 : f32 to vector<16xf32>
        %mul3A_1726 = arith.mulf %mul3A_1725, %get3A_1724 : vector<16xf32>
        %add3A_1727 = arith.addf %add3A_1549, %mul3A_1726 : vector<16xf32>
        %mul3A_1728 = arith.constant 16 : i32
        %mul3A_1729 = arith.muli %scan3A_24, %mul3A_1728 : i32
        %add3A_1730 = arith.constant 9 : i32
        %add3A_1731 = arith.addi %mul3A_1729, %add3A_1730 : i32
        %get3A_1732 = arith.index_cast %add3A_1731 : i32 to index
        %get3A_1733 = arith.constant 96 : index
        %get3A_1734 = tpu.vector_load %arg8[%get3A_1732, %get3A_1733] {strides = array<i32>} : memref<128x256xf32, #tpu.memory_space<vmem>>, vector<1x16xf32>,
        %get3A_1735 = vector.shape_cast %get3A_1734 : vector<1x16xf32> to vector<16xf32>
        %mul3A_1736 = vector.broadcast %squeeze3A_1661 : f32 to vector<16xf32>
        %mul3A_1737 = arith.mulf %mul3A_1736, %get3A_1735 : vector<16xf32>
        %add3A_1738 = arith.addf %add3A_1560, %mul3A_1737 : vector<16xf32>
        %mul3A_1739 = arith.constant 16 : i32
        %mul3A_1740 = arith.muli %scan3A_24, %mul3A_1739 : i32
        %add3A_1741 = arith.constant 9 : i32
        %add3A_1742 = arith.addi %mul3A_1740, %add3A_1741 : i32
        %get3A_1743 = arith.index_cast %add3A_1742 : i32 to index
        %get3A_1744 = arith.constant 112 : index
        %get3A_1745 = tpu.vector_load %arg8[%get3A_1743, %get3A_1744] {strides = array<i32>} : memref<128x256xf32, #tpu.memory_space<vmem>>, vector<1x16xf32>,
        %get3A_1746 = vector.shape_cast %get3A_1745 : vector<1x16xf32> to vector<16xf32>
        %mul3A_1747 = vector.broadcast %squeeze3A_1661 : f32 to vector<16xf32>
        %mul3A_1748 = arith.mulf %mul3A_1747, %get3A_1746 : vector<16xf32>
        %add3A_1749 = arith.addf %add3A_1571, %mul3A_1748 : vector<16xf32>
        %mul3A_1750 = arith.constant 16 : i32
        %mul3A_1751 = arith.muli %scan3A_24, %mul3A_1750 : i32
        %add3A_1752 = arith.constant 9 : i32
        %add3A_1753 = arith.addi %mul3A_1751, %add3A_1752 : i32
        %get3A_1754 = arith.index_cast %add3A_1753 : i32 to index
        %get3A_1755 = arith.constant 128 : index
        %get3A_1756 = tpu.vector_load %arg8[%get3A_1754, %get3A_1755] {strides = array<i32>} : memref<128x256xf32, #tpu.memory_space<vmem>>, vector<1x16xf32>,
        %get3A_1757 = vector.shape_cast %get3A_1756 : vector<1x16xf32> to vector<16xf32>
        %mul3A_1758 = vector.broadcast %squeeze3A_1661 : f32 to vector<16xf32>
        %mul3A_1759 = arith.mulf %mul3A_1758, %get3A_1757 : vector<16xf32>
        %add3A_1760 = arith.addf %add3A_1582, %mul3A_1759 : vector<16xf32>
        %mul3A_1761 = arith.constant 16 : i32
        %mul3A_1762 = arith.muli %scan3A_24, %mul3A_1761 : i32
        %add3A_1763 = arith.constant 9 : i32
        %add3A_1764 = arith.addi %mul3A_1762, %add3A_1763 : i32
        %get3A_1765 = arith.index_cast %add3A_1764 : i32 to index
        %get3A_1766 = arith.constant 144 : index
        %get3A_1767 = tpu.vector_load %arg8[%get3A_1765, %get3A_1766] {strides = array<i32>} : memref<128x256xf32, #tpu.memory_space<vmem>>, vector<1x16xf32>,
        %get3A_1768 = vector.shape_cast %get3A_1767 : vector<1x16xf32> to vector<16xf32>
        %mul3A_1769 = vector.broadcast %squeeze3A_1661 : f32 to vector<16xf32>
        %mul3A_1770 = arith.mulf %mul3A_1769, %get3A_1768 : vector<16xf32>
        %add3A_1771 = arith.addf %add3A_1593, %mul3A_1770 : vector<16xf32>
        %mul3A_1772 = arith.constant 16 : i32
        %mul3A_1773 = arith.muli %scan3A_24, %mul3A_1772 : i32
        %add3A_1774 = arith.constant 9 : i32
        %add3A_1775 = arith.addi %mul3A_1773, %add3A_1774 : i32
        %get3A_1776 = arith.index_cast %add3A_1775 : i32 to index
        %get3A_1777 = arith.constant 160 : index
        %get3A_1778 = tpu.vector_load %arg8[%get3A_1776, %get3A_1777] {strides = array<i32>} : memref<128x256xf32, #tpu.memory_space<vmem>>, vector<1x16xf32>,
        %get3A_1779 = vector.shape_cast %get3A_1778 : vector<1x16xf32> to vector<16xf32>
        %mul3A_1780 = vector.broadcast %squeeze3A_1661 : f32 to vector<16xf32>
        %mul3A_1781 = arith.mulf %mul3A_1780, %get3A_1779 : vector<16xf32>
        %add3A_1782 = arith.addf %add3A_1604, %mul3A_1781 : vector<16xf32>
        %mul3A_1783 = arith.constant 16 : i32
        %mul3A_1784 = arith.muli %scan3A_24, %mul3A_1783 : i32
        %add3A_1785 = arith.constant 9 : i32
        %add3A_1786 = arith.addi %mul3A_1784, %add3A_1785 : i32
        %get3A_1787 = arith.index_cast %add3A_1786 : i32 to index
        %get3A_1788 = arith.constant 176 : index
        %get3A_1789 = tpu.vector_load %arg8[%get3A_1787, %get3A_1788] {strides = array<i32>} : memref<128x256xf32, #tpu.memory_space<vmem>>, vector<1x16xf32>,
        %get3A_1790 = vector.shape_cast %get3A_1789 : vector<1x16xf32> to vector<16xf32>
        %mul3A_1791 = vector.broadcast %squeeze3A_1661 : f32 to vector<16xf32>
        %mul3A_1792 = arith.mulf %mul3A_1791, %get3A_1790 : vector<16xf32>
        %add3A_1793 = arith.addf %add3A_1615, %mul3A_1792 : vector<16xf32>
        %mul3A_1794 = arith.constant 16 : i32
        %mul3A_1795 = arith.muli %scan3A_24, %mul3A_1794 : i32
        %add3A_1796 = arith.constant 9 : i32
        %add3A_1797 = arith.addi %mul3A_1795, %add3A_1796 : i32
        %get3A_1798 = arith.index_cast %add3A_1797 : i32 to index
        %get3A_1799 = arith.constant 192 : index
        %get3A_1800 = tpu.vector_load %arg8[%get3A_1798, %get3A_1799] {strides = array<i32>} : memref<128x256xf32, #tpu.memory_space<vmem>>, vector<1x16xf32>,
        %get3A_1801 = vector.shape_cast %get3A_1800 : vector<1x16xf32> to vector<16xf32>
        %mul3A_1802 = vector.broadcast %squeeze3A_1661 : f32 to vector<16xf32>
        %mul3A_1803 = arith.mulf %mul3A_1802, %get3A_1801 : vector<16xf32>
        %add3A_1804 = arith.addf %add3A_1626, %mul3A_1803 : vector<16xf32>
        %mul3A_1805 = arith.constant 16 : i32
        %mul3A_1806 = arith.muli %scan3A_24, %mul3A_1805 : i32
        %add3A_1807 = arith.constant 9 : i32
        %add3A_1808 = arith.addi %mul3A_1806, %add3A_1807 : i32
        %get3A_1809 = arith.index_cast %add3A_1808 : i32 to index
        %get3A_1810 = arith.constant 208 : index
        %get3A_1811 = tpu.vector_load %arg8[%get3A_1809, %get3A_1810] {strides = array<i32>} : memref<128x256xf32, #tpu.memory_space<vmem>>, vector<1x16xf32>,
        %get3A_1812 = vector.shape_cast %get3A_1811 : vector<1x16xf32> to vector<16xf32>
        %mul3A_1813 = vector.broadcast %squeeze3A_1661 : f32 to vector<16xf32>
        %mul3A_1814 = arith.mulf %mul3A_1813, %get3A_1812 : vector<16xf32>
        %add3A_1815 = arith.addf %add3A_1637, %mul3A_1814 : vector<16xf32>
        %mul3A_1816 = arith.constant 16 : i32
        %mul3A_1817 = arith.muli %scan3A_24, %mul3A_1816 : i32
        %add3A_1818 = arith.constant 9 : i32
        %add3A_1819 = arith.addi %mul3A_1817, %add3A_1818 : i32
        %get3A_1820 = arith.index_cast %add3A_1819 : i32 to index
        %get3A_1821 = arith.constant 224 : index
        %get3A_1822 = tpu.vector_load %arg8[%get3A_1820, %get3A_1821] {strides = array<i32>} : memref<128x256xf32, #tpu.memory_space<vmem>>, vector<1x16xf32>,
        %get3A_1823 = vector.shape_cast %get3A_1822 : vector<1x16xf32> to vector<16xf32>
        %mul3A_1824 = vector.broadcast %squeeze3A_1661 : f32 to vector<16xf32>
        %mul3A_1825 = arith.mulf %mul3A_1824, %get3A_1823 : vector<16xf32>
        %add3A_1826 = arith.addf %add3A_1648, %mul3A_1825 : vector<16xf32>
        %mul3A_1827 = arith.constant 16 : i32
        %mul3A_1828 = arith.muli %scan3A_24, %mul3A_1827 : i32
        %add3A_1829 = arith.constant 9 : i32
        %add3A_1830 = arith.addi %mul3A_1828, %add3A_1829 : i32
        %get3A_1831 = arith.index_cast %add3A_1830 : i32 to index
        %get3A_1832 = arith.constant 240 : index
        %get3A_1833 = tpu.vector_load %arg8[%get3A_1831, %get3A_1832] {strides = array<i32>} : memref<128x256xf32, #tpu.memory_space<vmem>>, vector<1x16xf32>,
        %get3A_1834 = vector.shape_cast %get3A_1833 : vector<1x16xf32> to vector<16xf32>
        %mul3A_1835 = vector.broadcast %squeeze3A_1661 : f32 to vector<16xf32>
        %mul3A_1836 = arith.mulf %mul3A_1835, %get3A_1834 : vector<16xf32>
        %add3A_1837 = arith.addf %add3A_1659, %mul3A_1836 : vector<16xf32>
        %slice3A_1838 = vector.extract_strided_slice %get3A_28 {offsets = [10], sizes = [1], strides = [1]} : vector<16xf32> to vector<1xf32>
        %squeeze3A_1839 = vector.extract %slice3A_1838[0] : f32 from vector<1xf32>
        %mul3A_1840 = arith.constant 16 : i32
        %mul3A_1841 = arith.muli %scan3A_24, %mul3A_1840 : i32
        %add3A_1842 = arith.constant 10 : i32
        %add3A_1843 = arith.addi %mul3A_1841, %add3A_1842 : i32
        %get3A_1844 = arith.index_cast %add3A_1843 : i32 to index
        %get3A_1845 = arith.constant 0 : index
        %get3A_1846 = tpu.vector_load %arg8[%get3A_1844, %get3A_1845] {strides = array<i32>} : memref<128x256xf32, #tpu.memory_space<vmem>>, vector<1x16xf32>,
        %get3A_1847 = vector.shape_cast %get3A_1846 : vector<1x16xf32> to vector<16xf32>
        %mul3A_1848 = vector.broadcast %squeeze3A_1839 : f32 to vector<16xf32>
        %mul3A_1849 = arith.mulf %mul3A_1848, %get3A_1847 : vector<16xf32>
        %add3A_1850 = arith.addf %add3A_1672, %mul3A_1849 : vector<16xf32>
        %mul3A_1851 = arith.constant 16 : i32
        %mul3A_1852 = arith.muli %scan3A_24, %mul3A_1851 : i32
        %add3A_1853 = arith.constant 10 : i32
        %add3A_1854 = arith.addi %mul3A_1852, %add3A_1853 : i32
        %get3A_1855 = arith.index_cast %add3A_1854 : i32 to index
        %get3A_1856 = arith.constant 16 : index
        %get3A_1857 = tpu.vector_load %arg8[%get3A_1855, %get3A_1856] {strides = array<i32>} : memref<128x256xf32, #tpu.memory_space<vmem>>, vector<1x16xf32>,
        %get3A_1858 = vector.shape_cast %get3A_1857 : vector<1x16xf32> to vector<16xf32>
        %mul3A_1859 = vector.broadcast %squeeze3A_1839 : f32 to vector<16xf32>
        %mul3A_1860 = arith.mulf %mul3A_1859, %get3A_1858 : vector<16xf32>
        %add3A_1861 = arith.addf %add3A_1683, %mul3A_1860 : vector<16xf32>
        %mul3A_1862 = arith.constant 16 : i32
        %mul3A_1863 = arith.muli %scan3A_24, %mul3A_1862 : i32
        %add3A_1864 = arith.constant 10 : i32
        %add3A_1865 = arith.addi %mul3A_1863, %add3A_1864 : i32
        %get3A_1866 = arith.index_cast %add3A_1865 : i32 to index
        %get3A_1867 = arith.constant 32 : index
        %get3A_1868 = tpu.vector_load %arg8[%get3A_1866, %get3A_1867] {strides = array<i32>} : memref<128x256xf32, #tpu.memory_space<vmem>>, vector<1x16xf32>,
        %get3A_1869 = vector.shape_cast %get3A_1868 : vector<1x16xf32> to vector<16xf32>
        %mul3A_1870 = vector.broadcast %squeeze3A_1839 : f32 to vector<16xf32>
        %mul3A_1871 = arith.mulf %mul3A_1870, %get3A_1869 : vector<16xf32>
        %add3A_1872 = arith.addf %add3A_1694, %mul3A_1871 : vector<16xf32>
        %mul3A_1873 = arith.constant 16 : i32
        %mul3A_1874 = arith.muli %scan3A_24, %mul3A_1873 : i32
        %add3A_1875 = arith.constant 10 : i32
        %add3A_1876 = arith.addi %mul3A_1874, %add3A_1875 : i32
        %get3A_1877 = arith.index_cast %add3A_1876 : i32 to index
        %get3A_1878 = arith.constant 48 : index
        %get3A_1879 = tpu.vector_load %arg8[%get3A_1877, %get3A_1878] {strides = array<i32>} : memref<128x256xf32, #tpu.memory_space<vmem>>, vector<1x16xf32>,
        %get3A_1880 = vector.shape_cast %get3A_1879 : vector<1x16xf32> to vector<16xf32>
        %mul3A_1881 = vector.broadcast %squeeze3A_1839 : f32 to vector<16xf32>
        %mul3A_1882 = arith.mulf %mul3A_1881, %get3A_1880 : vector<16xf32>
        %add3A_1883 = arith.addf %add3A_1705, %mul3A_1882 : vector<16xf32>
        %mul3A_1884 = arith.constant 16 : i32
        %mul3A_1885 = arith.muli %scan3A_24, %mul3A_1884 : i32
        %add3A_1886 = arith.constant 10 : i32
        %add3A_1887 = arith.addi %mul3A_1885, %add3A_1886 : i32
        %get3A_1888 = arith.index_cast %add3A_1887 : i32 to index
        %get3A_1889 = arith.constant 64 : index
        %get3A_1890 = tpu.vector_load %arg8[%get3A_1888, %get3A_1889] {strides = array<i32>} : memref<128x256xf32, #tpu.memory_space<vmem>>, vector<1x16xf32>,
        %get3A_1891 = vector.shape_cast %get3A_1890 : vector<1x16xf32> to vector<16xf32>
        %mul3A_1892 = vector.broadcast %squeeze3A_1839 : f32 to vector<16xf32>
        %mul3A_1893 = arith.mulf %mul3A_1892, %get3A_1891 : vector<16xf32>
        %add3A_1894 = arith.addf %add3A_1716, %mul3A_1893 : vector<16xf32>
        %mul3A_1895 = arith.constant 16 : i32
        %mul3A_1896 = arith.muli %scan3A_24, %mul3A_1895 : i32
        %add3A_1897 = arith.constant 10 : i32
        %add3A_1898 = arith.addi %mul3A_1896, %add3A_1897 : i32
        %get3A_1899 = arith.index_cast %add3A_1898 : i32 to index
        %get3A_1900 = arith.constant 80 : index
        %get3A_1901 = tpu.vector_load %arg8[%get3A_1899, %get3A_1900] {strides = array<i32>} : memref<128x256xf32, #tpu.memory_space<vmem>>, vector<1x16xf32>,
        %get3A_1902 = vector.shape_cast %get3A_1901 : vector<1x16xf32> to vector<16xf32>
        %mul3A_1903 = vector.broadcast %squeeze3A_1839 : f32 to vector<16xf32>
        %mul3A_1904 = arith.mulf %mul3A_1903, %get3A_1902 : vector<16xf32>
        %add3A_1905 = arith.addf %add3A_1727, %mul3A_1904 : vector<16xf32>
        %mul3A_1906 = arith.constant 16 : i32
        %mul3A_1907 = arith.muli %scan3A_24, %mul3A_1906 : i32
        %add3A_1908 = arith.constant 10 : i32
        %add3A_1909 = arith.addi %mul3A_1907, %add3A_1908 : i32
        %get3A_1910 = arith.index_cast %add3A_1909 : i32 to index
        %get3A_1911 = arith.constant 96 : index
        %get3A_1912 = tpu.vector_load %arg8[%get3A_1910, %get3A_1911] {strides = array<i32>} : memref<128x256xf32, #tpu.memory_space<vmem>>, vector<1x16xf32>,
        %get3A_1913 = vector.shape_cast %get3A_1912 : vector<1x16xf32> to vector<16xf32>
        %mul3A_1914 = vector.broadcast %squeeze3A_1839 : f32 to vector<16xf32>
        %mul3A_1915 = arith.mulf %mul3A_1914, %get3A_1913 : vector<16xf32>
        %add3A_1916 = arith.addf %add3A_1738, %mul3A_1915 : vector<16xf32>
        %mul3A_1917 = arith.constant 16 : i32
        %mul3A_1918 = arith.muli %scan3A_24, %mul3A_1917 : i32
        %add3A_1919 = arith.constant 10 : i32
        %add3A_1920 = arith.addi %mul3A_1918, %add3A_1919 : i32
        %get3A_1921 = arith.index_cast %add3A_1920 : i32 to index
        %get3A_1922 = arith.constant 112 : index
        %get3A_1923 = tpu.vector_load %arg8[%get3A_1921, %get3A_1922] {strides = array<i32>} : memref<128x256xf32, #tpu.memory_space<vmem>>, vector<1x16xf32>,
        %get3A_1924 = vector.shape_cast %get3A_1923 : vector<1x16xf32> to vector<16xf32>
        %mul3A_1925 = vector.broadcast %squeeze3A_1839 : f32 to vector<16xf32>
        %mul3A_1926 = arith.mulf %mul3A_1925, %get3A_1924 : vector<16xf32>
        %add3A_1927 = arith.addf %add3A_1749, %mul3A_1926 : vector<16xf32>
        %mul3A_1928 = arith.constant 16 : i32
        %mul3A_1929 = arith.muli %scan3A_24, %mul3A_1928 : i32
        %add3A_1930 = arith.constant 10 : i32
        %add3A_1931 = arith.addi %mul3A_1929, %add3A_1930 : i32
        %get3A_1932 = arith.index_cast %add3A_1931 : i32 to index
        %get3A_1933 = arith.constant 128 : index
        %get3A_1934 = tpu.vector_load %arg8[%get3A_1932, %get3A_1933] {strides = array<i32>} : memref<128x256xf32, #tpu.memory_space<vmem>>, vector<1x16xf32>,
        %get3A_1935 = vector.shape_cast %get3A_1934 : vector<1x16xf32> to vector<16xf32>
        %mul3A_1936 = vector.broadcast %squeeze3A_1839 : f32 to vector<16xf32>
        %mul3A_1937 = arith.mulf %mul3A_1936, %get3A_1935 : vector<16xf32>
        %add3A_1938 = arith.addf %add3A_1760, %mul3A_1937 : vector<16xf32>
        %mul3A_1939 = arith.constant 16 : i32
        %mul3A_1940 = arith.muli %scan3A_24, %mul3A_1939 : i32
        %add3A_1941 = arith.constant 10 : i32
        %add3A_1942 = arith.addi %mul3A_1940, %add3A_1941 : i32
        %get3A_1943 = arith.index_cast %add3A_1942 : i32 to index
        %get3A_1944 = arith.constant 144 : index
        %get3A_1945 = tpu.vector_load %arg8[%get3A_1943, %get3A_1944] {strides = array<i32>} : memref<128x256xf32, #tpu.memory_space<vmem>>, vector<1x16xf32>,
        %get3A_1946 = vector.shape_cast %get3A_1945 : vector<1x16xf32> to vector<16xf32>
        %mul3A_1947 = vector.broadcast %squeeze3A_1839 : f32 to vector<16xf32>
        %mul3A_1948 = arith.mulf %mul3A_1947, %get3A_1946 : vector<16xf32>
        %add3A_1949 = arith.addf %add3A_1771, %mul3A_1948 : vector<16xf32>
        %mul3A_1950 = arith.constant 16 : i32
        %mul3A_1951 = arith.muli %scan3A_24, %mul3A_1950 : i32
        %add3A_1952 = arith.constant 10 : i32
        %add3A_1953 = arith.addi %mul3A_1951, %add3A_1952 : i32
        %get3A_1954 = arith.index_cast %add3A_1953 : i32 to index
        %get3A_1955 = arith.constant 160 : index
        %get3A_1956 = tpu.vector_load %arg8[%get3A_1954, %get3A_1955] {strides = array<i32>} : memref<128x256xf32, #tpu.memory_space<vmem>>, vector<1x16xf32>,
        %get3A_1957 = vector.shape_cast %get3A_1956 : vector<1x16xf32> to vector<16xf32>
        %mul3A_1958 = vector.broadcast %squeeze3A_1839 : f32 to vector<16xf32>
        %mul3A_1959 = arith.mulf %mul3A_1958, %get3A_1957 : vector<16xf32>
        %add3A_1960 = arith.addf %add3A_1782, %mul3A_1959 : vector<16xf32>
        %mul3A_1961 = arith.constant 16 : i32
        %mul3A_1962 = arith.muli %scan3A_24, %mul3A_1961 : i32
        %add3A_1963 = arith.constant 10 : i32
        %add3A_1964 = arith.addi %mul3A_1962, %add3A_1963 : i32
        %get3A_1965 = arith.index_cast %add3A_1964 : i32 to index
        %get3A_1966 = arith.constant 176 : index
        %get3A_1967 = tpu.vector_load %arg8[%get3A_1965, %get3A_1966] {strides = array<i32>} : memref<128x256xf32, #tpu.memory_space<vmem>>, vector<1x16xf32>,
        %get3A_1968 = vector.shape_cast %get3A_1967 : vector<1x16xf32> to vector<16xf32>
        %mul3A_1969 = vector.broadcast %squeeze3A_1839 : f32 to vector<16xf32>
        %mul3A_1970 = arith.mulf %mul3A_1969, %get3A_1968 : vector<16xf32>
        %add3A_1971 = arith.addf %add3A_1793, %mul3A_1970 : vector<16xf32>
        %mul3A_1972 = arith.constant 16 : i32
        %mul3A_1973 = arith.muli %scan3A_24, %mul3A_1972 : i32
        %add3A_1974 = arith.constant 10 : i32
        %add3A_1975 = arith.addi %mul3A_1973, %add3A_1974 : i32
        %get3A_1976 = arith.index_cast %add3A_1975 : i32 to index
        %get3A_1977 = arith.constant 192 : index
        %get3A_1978 = tpu.vector_load %arg8[%get3A_1976, %get3A_1977] {strides = array<i32>} : memref<128x256xf32, #tpu.memory_space<vmem>>, vector<1x16xf32>,
        %get3A_1979 = vector.shape_cast %get3A_1978 : vector<1x16xf32> to vector<16xf32>
        %mul3A_1980 = vector.broadcast %squeeze3A_1839 : f32 to vector<16xf32>
        %mul3A_1981 = arith.mulf %mul3A_1980, %get3A_1979 : vector<16xf32>
        %add3A_1982 = arith.addf %add3A_1804, %mul3A_1981 : vector<16xf32>
        %mul3A_1983 = arith.constant 16 : i32
        %mul3A_1984 = arith.muli %scan3A_24, %mul3A_1983 : i32
        %add3A_1985 = arith.constant 10 : i32
        %add3A_1986 = arith.addi %mul3A_1984, %add3A_1985 : i32
        %get3A_1987 = arith.index_cast %add3A_1986 : i32 to index
        %get3A_1988 = arith.constant 208 : index
        %get3A_1989 = tpu.vector_load %arg8[%get3A_1987, %get3A_1988] {strides = array<i32>} : memref<128x256xf32, #tpu.memory_space<vmem>>, vector<1x16xf32>,
        %get3A_1990 = vector.shape_cast %get3A_1989 : vector<1x16xf32> to vector<16xf32>
        %mul3A_1991 = vector.broadcast %squeeze3A_1839 : f32 to vector<16xf32>
        %mul3A_1992 = arith.mulf %mul3A_1991, %get3A_1990 : vector<16xf32>
        %add3A_1993 = arith.addf %add3A_1815, %mul3A_1992 : vector<16xf32>
        %mul3A_1994 = arith.constant 16 : i32
        %mul3A_1995 = arith.muli %scan3A_24, %mul3A_1994 : i32
        %add3A_1996 = arith.constant 10 : i32
        %add3A_1997 = arith.addi %mul3A_1995, %add3A_1996 : i32
        %get3A_1998 = arith.index_cast %add3A_1997 : i32 to index
        %get3A_1999 = arith.constant 224 : index
        %get3A_2000 = tpu.vector_load %arg8[%get3A_1998, %get3A_1999] {strides = array<i32>} : memref<128x256xf32, #tpu.memory_space<vmem>>, vector<1x16xf32>,
        %get3A_2001 = vector.shape_cast %get3A_2000 : vector<1x16xf32> to vector<16xf32>
        %mul3A_2002 = vector.broadcast %squeeze3A_1839 : f32 to vector<16xf32>
        %mul3A_2003 = arith.mulf %mul3A_2002, %get3A_2001 : vector<16xf32>
        %add3A_2004 = arith.addf %add3A_1826, %mul3A_2003 : vector<16xf32>
        %mul3A_2005 = arith.constant 16 : i32
        %mul3A_2006 = arith.muli %scan3A_24, %mul3A_2005 : i32
        %add3A_2007 = arith.constant 10 : i32
        %add3A_2008 = arith.addi %mul3A_2006, %add3A_2007 : i32
        %get3A_2009 = arith.index_cast %add3A_2008 : i32 to index
        %get3A_2010 = arith.constant 240 : index
        %get3A_2011 = tpu.vector_load %arg8[%get3A_2009, %get3A_2010] {strides = array<i32>} : memref<128x256xf32, #tpu.memory_space<vmem>>, vector<1x16xf32>,
        %get3A_2012 = vector.shape_cast %get3A_2011 : vector<1x16xf32> to vector<16xf32>
        %mul3A_2013 = vector.broadcast %squeeze3A_1839 : f32 to vector<16xf32>
        %mul3A_2014 = arith.mulf %mul3A_2013, %get3A_2012 : vector<16xf32>
        %add3A_2015 = arith.addf %add3A_1837, %mul3A_2014 : vector<16xf32>
        %slice3A_2016 = vector.extract_strided_slice %get3A_28 {offsets = [11], sizes = [1], strides = [1]} : vector<16xf32> to vector<1xf32>
        %squeeze3A_2017 = vector.extract %slice3A_2016[0] : f32 from vector<1xf32>
        %mul3A_2018 = arith.constant 16 : i32
        %mul3A_2019 = arith.muli %scan3A_24, %mul3A_2018 : i32
        %add3A_2020 = arith.constant 11 : i32
        %add3A_2021 = arith.addi %mul3A_2019, %add3A_2020 : i32
        %get3A_2022 = arith.index_cast %add3A_2021 : i32 to index
        %get3A_2023 = arith.constant 0 : index
        %get3A_2024 = tpu.vector_load %arg8[%get3A_2022, %get3A_2023] {strides = array<i32>} : memref<128x256xf32, #tpu.memory_space<vmem>>, vector<1x16xf32>,
        %get3A_2025 = vector.shape_cast %get3A_2024 : vector<1x16xf32> to vector<16xf32>
        %mul3A_2026 = vector.broadcast %squeeze3A_2017 : f32 to vector<16xf32>
        %mul3A_2027 = arith.mulf %mul3A_2026, %get3A_2025 : vector<16xf32>
        %add3A_2028 = arith.addf %add3A_1850, %mul3A_2027 : vector<16xf32>
        %mul3A_2029 = arith.constant 16 : i32
        %mul3A_2030 = arith.muli %scan3A_24, %mul3A_2029 : i32
        %add3A_2031 = arith.constant 11 : i32
        %add3A_2032 = arith.addi %mul3A_2030, %add3A_2031 : i32
        %get3A_2033 = arith.index_cast %add3A_2032 : i32 to index
        %get3A_2034 = arith.constant 16 : index
        %get3A_2035 = tpu.vector_load %arg8[%get3A_2033, %get3A_2034] {strides = array<i32>} : memref<128x256xf32, #tpu.memory_space<vmem>>, vector<1x16xf32>,
        %get3A_2036 = vector.shape_cast %get3A_2035 : vector<1x16xf32> to vector<16xf32>
        %mul3A_2037 = vector.broadcast %squeeze3A_2017 : f32 to vector<16xf32>
        %mul3A_2038 = arith.mulf %mul3A_2037, %get3A_2036 : vector<16xf32>
        %add3A_2039 = arith.addf %add3A_1861, %mul3A_2038 : vector<16xf32>
        %mul3A_2040 = arith.constant 16 : i32
        %mul3A_2041 = arith.muli %scan3A_24, %mul3A_2040 : i32
        %add3A_2042 = arith.constant 11 : i32
        %add3A_2043 = arith.addi %mul3A_2041, %add3A_2042 : i32
        %get3A_2044 = arith.index_cast %add3A_2043 : i32 to index
        %get3A_2045 = arith.constant 32 : index
        %get3A_2046 = tpu.vector_load %arg8[%get3A_2044, %get3A_2045] {strides = array<i32>} : memref<128x256xf32, #tpu.memory_space<vmem>>, vector<1x16xf32>,
        %get3A_2047 = vector.shape_cast %get3A_2046 : vector<1x16xf32> to vector<16xf32>
        %mul3A_2048 = vector.broadcast %squeeze3A_2017 : f32 to vector<16xf32>
        %mul3A_2049 = arith.mulf %mul3A_2048, %get3A_2047 : vector<16xf32>
        %add3A_2050 = arith.addf %add3A_1872, %mul3A_2049 : vector<16xf32>
        %mul3A_2051 = arith.constant 16 : i32
        %mul3A_2052 = arith.muli %scan3A_24, %mul3A_2051 : i32
        %add3A_2053 = arith.constant 11 : i32
        %add3A_2054 = arith.addi %mul3A_2052, %add3A_2053 : i32
        %get3A_2055 = arith.index_cast %add3A_2054 : i32 to index
        %get3A_2056 = arith.constant 48 : index
        %get3A_2057 = tpu.vector_load %arg8[%get3A_2055, %get3A_2056] {strides = array<i32>} : memref<128x256xf32, #tpu.memory_space<vmem>>, vector<1x16xf32>,
        %get3A_2058 = vector.shape_cast %get3A_2057 : vector<1x16xf32> to vector<16xf32>
        %mul3A_2059 = vector.broadcast %squeeze3A_2017 : f32 to vector<16xf32>
        %mul3A_2060 = arith.mulf %mul3A_2059, %get3A_2058 : vector<16xf32>
        %add3A_2061 = arith.addf %add3A_1883, %mul3A_2060 : vector<16xf32>
        %mul3A_2062 = arith.constant 16 : i32
        %mul3A_2063 = arith.muli %scan3A_24, %mul3A_2062 : i32
        %add3A_2064 = arith.constant 11 : i32
        %add3A_2065 = arith.addi %mul3A_2063, %add3A_2064 : i32
        %get3A_2066 = arith.index_cast %add3A_2065 : i32 to index
        %get3A_2067 = arith.constant 64 : index
        %get3A_2068 = tpu.vector_load %arg8[%get3A_2066, %get3A_2067] {strides = array<i32>} : memref<128x256xf32, #tpu.memory_space<vmem>>, vector<1x16xf32>,
        %get3A_2069 = vector.shape_cast %get3A_2068 : vector<1x16xf32> to vector<16xf32>
        %mul3A_2070 = vector.broadcast %squeeze3A_2017 : f32 to vector<16xf32>
        %mul3A_2071 = arith.mulf %mul3A_2070, %get3A_2069 : vector<16xf32>
        %add3A_2072 = arith.addf %add3A_1894, %mul3A_2071 : vector<16xf32>
        %mul3A_2073 = arith.constant 16 : i32
        %mul3A_2074 = arith.muli %scan3A_24, %mul3A_2073 : i32
        %add3A_2075 = arith.constant 11 : i32
        %add3A_2076 = arith.addi %mul3A_2074, %add3A_2075 : i32
        %get3A_2077 = arith.index_cast %add3A_2076 : i32 to index
        %get3A_2078 = arith.constant 80 : index
        %get3A_2079 = tpu.vector_load %arg8[%get3A_2077, %get3A_2078] {strides = array<i32>} : memref<128x256xf32, #tpu.memory_space<vmem>>, vector<1x16xf32>,
        %get3A_2080 = vector.shape_cast %get3A_2079 : vector<1x16xf32> to vector<16xf32>
        %mul3A_2081 = vector.broadcast %squeeze3A_2017 : f32 to vector<16xf32>
        %mul3A_2082 = arith.mulf %mul3A_2081, %get3A_2080 : vector<16xf32>
        %add3A_2083 = arith.addf %add3A_1905, %mul3A_2082 : vector<16xf32>
        %mul3A_2084 = arith.constant 16 : i32
        %mul3A_2085 = arith.muli %scan3A_24, %mul3A_2084 : i32
        %add3A_2086 = arith.constant 11 : i32
        %add3A_2087 = arith.addi %mul3A_2085, %add3A_2086 : i32
        %get3A_2088 = arith.index_cast %add3A_2087 : i32 to index
        %get3A_2089 = arith.constant 96 : index
        %get3A_2090 = tpu.vector_load %arg8[%get3A_2088, %get3A_2089] {strides = array<i32>} : memref<128x256xf32, #tpu.memory_space<vmem>>, vector<1x16xf32>,
        %get3A_2091 = vector.shape_cast %get3A_2090 : vector<1x16xf32> to vector<16xf32>
        %mul3A_2092 = vector.broadcast %squeeze3A_2017 : f32 to vector<16xf32>
        %mul3A_2093 = arith.mulf %mul3A_2092, %get3A_2091 : vector<16xf32>
        %add3A_2094 = arith.addf %add3A_1916, %mul3A_2093 : vector<16xf32>
        %mul3A_2095 = arith.constant 16 : i32
        %mul3A_2096 = arith.muli %scan3A_24, %mul3A_2095 : i32
        %add3A_2097 = arith.constant 11 : i32
        %add3A_2098 = arith.addi %mul3A_2096, %add3A_2097 : i32
        %get3A_2099 = arith.index_cast %add3A_2098 : i32 to index
        %get3A_2100 = arith.constant 112 : index
        %get3A_2101 = tpu.vector_load %arg8[%get3A_2099, %get3A_2100] {strides = array<i32>} : memref<128x256xf32, #tpu.memory_space<vmem>>, vector<1x16xf32>,
        %get3A_2102 = vector.shape_cast %get3A_2101 : vector<1x16xf32> to vector<16xf32>
        %mul3A_2103 = vector.broadcast %squeeze3A_2017 : f32 to vector<16xf32>
        %mul3A_2104 = arith.mulf %mul3A_2103, %get3A_2102 : vector<16xf32>
        %add3A_2105 = arith.addf %add3A_1927, %mul3A_2104 : vector<16xf32>
        %mul3A_2106 = arith.constant 16 : i32
        %mul3A_2107 = arith.muli %scan3A_24, %mul3A_2106 : i32
        %add3A_2108 = arith.constant 11 : i32
        %add3A_2109 = arith.addi %mul3A_2107, %add3A_2108 : i32
        %get3A_2110 = arith.index_cast %add3A_2109 : i32 to index
        %get3A_2111 = arith.constant 128 : index
        %get3A_2112 = tpu.vector_load %arg8[%get3A_2110, %get3A_2111] {strides = array<i32>} : memref<128x256xf32, #tpu.memory_space<vmem>>, vector<1x16xf32>,
        %get3A_2113 = vector.shape_cast %get3A_2112 : vector<1x16xf32> to vector<16xf32>
        %mul3A_2114 = vector.broadcast %squeeze3A_2017 : f32 to vector<16xf32>
        %mul3A_2115 = arith.mulf %mul3A_2114, %get3A_2113 : vector<16xf32>
        %add3A_2116 = arith.addf %add3A_1938, %mul3A_2115 : vector<16xf32>
        %mul3A_2117 = arith.constant 16 : i32
        %mul3A_2118 = arith.muli %scan3A_24, %mul3A_2117 : i32
        %add3A_2119 = arith.constant 11 : i32
        %add3A_2120 = arith.addi %mul3A_2118, %add3A_2119 : i32
        %get3A_2121 = arith.index_cast %add3A_2120 : i32 to index
        %get3A_2122 = arith.constant 144 : index
        %get3A_2123 = tpu.vector_load %arg8[%get3A_2121, %get3A_2122] {strides = array<i32>} : memref<128x256xf32, #tpu.memory_space<vmem>>, vector<1x16xf32>,
        %get3A_2124 = vector.shape_cast %get3A_2123 : vector<1x16xf32> to vector<16xf32>
        %mul3A_2125 = vector.broadcast %squeeze3A_2017 : f32 to vector<16xf32>
        %mul3A_2126 = arith.mulf %mul3A_2125, %get3A_2124 : vector<16xf32>
        %add3A_2127 = arith.addf %add3A_1949, %mul3A_2126 : vector<16xf32>
        %mul3A_2128 = arith.constant 16 : i32
        %mul3A_2129 = arith.muli %scan3A_24, %mul3A_2128 : i32
        %add3A_2130 = arith.constant 11 : i32
        %add3A_2131 = arith.addi %mul3A_2129, %add3A_2130 : i32
        %get3A_2132 = arith.index_cast %add3A_2131 : i32 to index
        %get3A_2133 = arith.constant 160 : index
        %get3A_2134 = tpu.vector_load %arg8[%get3A_2132, %get3A_2133] {strides = array<i32>} : memref<128x256xf32, #tpu.memory_space<vmem>>, vector<1x16xf32>,
        %get3A_2135 = vector.shape_cast %get3A_2134 : vector<1x16xf32> to vector<16xf32>
        %mul3A_2136 = vector.broadcast %squeeze3A_2017 : f32 to vector<16xf32>
        %mul3A_2137 = arith.mulf %mul3A_2136, %get3A_2135 : vector<16xf32>
        %add3A_2138 = arith.addf %add3A_1960, %mul3A_2137 : vector<16xf32>
        %mul3A_2139 = arith.constant 16 : i32
        %mul3A_2140 = arith.muli %scan3A_24, %mul3A_2139 : i32
        %add3A_2141 = arith.constant 11 : i32
        %add3A_2142 = arith.addi %mul3A_2140, %add3A_2141 : i32
        %get3A_2143 = arith.index_cast %add3A_2142 : i32 to index
        %get3A_2144 = arith.constant 176 : index
        %get3A_2145 = tpu.vector_load %arg8[%get3A_2143, %get3A_2144] {strides = array<i32>} : memref<128x256xf32, #tpu.memory_space<vmem>>, vector<1x16xf32>,
        %get3A_2146 = vector.shape_cast %get3A_2145 : vector<1x16xf32> to vector<16xf32>
        %mul3A_2147 = vector.broadcast %squeeze3A_2017 : f32 to vector<16xf32>
        %mul3A_2148 = arith.mulf %mul3A_2147, %get3A_2146 : vector<16xf32>
        %add3A_2149 = arith.addf %add3A_1971, %mul3A_2148 : vector<16xf32>
        %mul3A_2150 = arith.constant 16 : i32
        %mul3A_2151 = arith.muli %scan3A_24, %mul3A_2150 : i32
        %add3A_2152 = arith.constant 11 : i32
        %add3A_2153 = arith.addi %mul3A_2151, %add3A_2152 : i32
        %get3A_2154 = arith.index_cast %add3A_2153 : i32 to index
        %get3A_2155 = arith.constant 192 : index
        %get3A_2156 = tpu.vector_load %arg8[%get3A_2154, %get3A_2155] {strides = array<i32>} : memref<128x256xf32, #tpu.memory_space<vmem>>, vector<1x16xf32>,
        %get3A_2157 = vector.shape_cast %get3A_2156 : vector<1x16xf32> to vector<16xf32>
        %mul3A_2158 = vector.broadcast %squeeze3A_2017 : f32 to vector<16xf32>
        %mul3A_2159 = arith.mulf %mul3A_2158, %get3A_2157 : vector<16xf32>
        %add3A_2160 = arith.addf %add3A_1982, %mul3A_2159 : vector<16xf32>
        %mul3A_2161 = arith.constant 16 : i32
        %mul3A_2162 = arith.muli %scan3A_24, %mul3A_2161 : i32
        %add3A_2163 = arith.constant 11 : i32
        %add3A_2164 = arith.addi %mul3A_2162, %add3A_2163 : i32
        %get3A_2165 = arith.index_cast %add3A_2164 : i32 to index
        %get3A_2166 = arith.constant 208 : index
        %get3A_2167 = tpu.vector_load %arg8[%get3A_2165, %get3A_2166] {strides = array<i32>} : memref<128x256xf32, #tpu.memory_space<vmem>>, vector<1x16xf32>,
        %get3A_2168 = vector.shape_cast %get3A_2167 : vector<1x16xf32> to vector<16xf32>
        %mul3A_2169 = vector.broadcast %squeeze3A_2017 : f32 to vector<16xf32>
        %mul3A_2170 = arith.mulf %mul3A_2169, %get3A_2168 : vector<16xf32>
        %add3A_2171 = arith.addf %add3A_1993, %mul3A_2170 : vector<16xf32>
        %mul3A_2172 = arith.constant 16 : i32
        %mul3A_2173 = arith.muli %scan3A_24, %mul3A_2172 : i32
        %add3A_2174 = arith.constant 11 : i32
        %add3A_2175 = arith.addi %mul3A_2173, %add3A_2174 : i32
        %get3A_2176 = arith.index_cast %add3A_2175 : i32 to index
        %get3A_2177 = arith.constant 224 : index
        %get3A_2178 = tpu.vector_load %arg8[%get3A_2176, %get3A_2177] {strides = array<i32>} : memref<128x256xf32, #tpu.memory_space<vmem>>, vector<1x16xf32>,
        %get3A_2179 = vector.shape_cast %get3A_2178 : vector<1x16xf32> to vector<16xf32>
        %mul3A_2180 = vector.broadcast %squeeze3A_2017 : f32 to vector<16xf32>
        %mul3A_2181 = arith.mulf %mul3A_2180, %get3A_2179 : vector<16xf32>
        %add3A_2182 = arith.addf %add3A_2004, %mul3A_2181 : vector<16xf32>
        %mul3A_2183 = arith.constant 16 : i32
        %mul3A_2184 = arith.muli %scan3A_24, %mul3A_2183 : i32
        %add3A_2185 = arith.constant 11 : i32
        %add3A_2186 = arith.addi %mul3A_2184, %add3A_2185 : i32
        %get3A_2187 = arith.index_cast %add3A_2186 : i32 to index
        %get3A_2188 = arith.constant 240 : index
        %get3A_2189 = tpu.vector_load %arg8[%get3A_2187, %get3A_2188] {strides = array<i32>} : memref<128x256xf32, #tpu.memory_space<vmem>>, vector<1x16xf32>,
        %get3A_2190 = vector.shape_cast %get3A_2189 : vector<1x16xf32> to vector<16xf32>
        %mul3A_2191 = vector.broadcast %squeeze3A_2017 : f32 to vector<16xf32>
        %mul3A_2192 = arith.mulf %mul3A_2191, %get3A_2190 : vector<16xf32>
        %add3A_2193 = arith.addf %add3A_2015, %mul3A_2192 : vector<16xf32>
        %slice3A_2194 = vector.extract_strided_slice %get3A_28 {offsets = [12], sizes = [1], strides = [1]} : vector<16xf32> to vector<1xf32>
        %squeeze3A_2195 = vector.extract %slice3A_2194[0] : f32 from vector<1xf32>
        %mul3A_2196 = arith.constant 16 : i32
        %mul3A_2197 = arith.muli %scan3A_24, %mul3A_2196 : i32
        %add3A_2198 = arith.constant 12 : i32
        %add3A_2199 = arith.addi %mul3A_2197, %add3A_2198 : i32
        %get3A_2200 = arith.index_cast %add3A_2199 : i32 to index
        %get3A_2201 = arith.constant 0 : index
        %get3A_2202 = tpu.vector_load %arg8[%get3A_2200, %get3A_2201] {strides = array<i32>} : memref<128x256xf32, #tpu.memory_space<vmem>>, vector<1x16xf32>,
        %get3A_2203 = vector.shape_cast %get3A_2202 : vector<1x16xf32> to vector<16xf32>
        %mul3A_2204 = vector.broadcast %squeeze3A_2195 : f32 to vector<16xf32>
        %mul3A_2205 = arith.mulf %mul3A_2204, %get3A_2203 : vector<16xf32>
        %add3A_2206 = arith.addf %add3A_2028, %mul3A_2205 : vector<16xf32>
        %mul3A_2207 = arith.constant 16 : i32
        %mul3A_2208 = arith.muli %scan3A_24, %mul3A_2207 : i32
        %add3A_2209 = arith.constant 12 : i32
        %add3A_2210 = arith.addi %mul3A_2208, %add3A_2209 : i32
        %get3A_2211 = arith.index_cast %add3A_2210 : i32 to index
        %get3A_2212 = arith.constant 16 : index
        %get3A_2213 = tpu.vector_load %arg8[%get3A_2211, %get3A_2212] {strides = array<i32>} : memref<128x256xf32, #tpu.memory_space<vmem>>, vector<1x16xf32>,
        %get3A_2214 = vector.shape_cast %get3A_2213 : vector<1x16xf32> to vector<16xf32>
        %mul3A_2215 = vector.broadcast %squeeze3A_2195 : f32 to vector<16xf32>
        %mul3A_2216 = arith.mulf %mul3A_2215, %get3A_2214 : vector<16xf32>
        %add3A_2217 = arith.addf %add3A_2039, %mul3A_2216 : vector<16xf32>
        %mul3A_2218 = arith.constant 16 : i32
        %mul3A_2219 = arith.muli %scan3A_24, %mul3A_2218 : i32
        %add3A_2220 = arith.constant 12 : i32
        %add3A_2221 = arith.addi %mul3A_2219, %add3A_2220 : i32
        %get3A_2222 = arith.index_cast %add3A_2221 : i32 to index
        %get3A_2223 = arith.constant 32 : index
        %get3A_2224 = tpu.vector_load %arg8[%get3A_2222, %get3A_2223] {strides = array<i32>} : memref<128x256xf32, #tpu.memory_space<vmem>>, vector<1x16xf32>,
        %get3A_2225 = vector.shape_cast %get3A_2224 : vector<1x16xf32> to vector<16xf32>
        %mul3A_2226 = vector.broadcast %squeeze3A_2195 : f32 to vector<16xf32>
        %mul3A_2227 = arith.mulf %mul3A_2226, %get3A_2225 : vector<16xf32>
        %add3A_2228 = arith.addf %add3A_2050, %mul3A_2227 : vector<16xf32>
        %mul3A_2229 = arith.constant 16 : i32
        %mul3A_2230 = arith.muli %scan3A_24, %mul3A_2229 : i32
        %add3A_2231 = arith.constant 12 : i32
        %add3A_2232 = arith.addi %mul3A_2230, %add3A_2231 : i32
        %get3A_2233 = arith.index_cast %add3A_2232 : i32 to index
        %get3A_2234 = arith.constant 48 : index
        %get3A_2235 = tpu.vector_load %arg8[%get3A_2233, %get3A_2234] {strides = array<i32>} : memref<128x256xf32, #tpu.memory_space<vmem>>, vector<1x16xf32>,
        %get3A_2236 = vector.shape_cast %get3A_2235 : vector<1x16xf32> to vector<16xf32>
        %mul3A_2237 = vector.broadcast %squeeze3A_2195 : f32 to vector<16xf32>
        %mul3A_2238 = arith.mulf %mul3A_2237, %get3A_2236 : vector<16xf32>
        %add3A_2239 = arith.addf %add3A_2061, %mul3A_2238 : vector<16xf32>
        %mul3A_2240 = arith.constant 16 : i32
        %mul3A_2241 = arith.muli %scan3A_24, %mul3A_2240 : i32
        %add3A_2242 = arith.constant 12 : i32
        %add3A_2243 = arith.addi %mul3A_2241, %add3A_2242 : i32
        %get3A_2244 = arith.index_cast %add3A_2243 : i32 to index
        %get3A_2245 = arith.constant 64 : index
        %get3A_2246 = tpu.vector_load %arg8[%get3A_2244, %get3A_2245] {strides = array<i32>} : memref<128x256xf32, #tpu.memory_space<vmem>>, vector<1x16xf32>,
        %get3A_2247 = vector.shape_cast %get3A_2246 : vector<1x16xf32> to vector<16xf32>
        %mul3A_2248 = vector.broadcast %squeeze3A_2195 : f32 to vector<16xf32>
        %mul3A_2249 = arith.mulf %mul3A_2248, %get3A_2247 : vector<16xf32>
        %add3A_2250 = arith.addf %add3A_2072, %mul3A_2249 : vector<16xf32>
        %mul3A_2251 = arith.constant 16 : i32
        %mul3A_2252 = arith.muli %scan3A_24, %mul3A_2251 : i32
        %add3A_2253 = arith.constant 12 : i32
        %add3A_2254 = arith.addi %mul3A_2252, %add3A_2253 : i32
        %get3A_2255 = arith.index_cast %add3A_2254 : i32 to index
        %get3A_2256 = arith.constant 80 : index
        %get3A_2257 = tpu.vector_load %arg8[%get3A_2255, %get3A_2256] {strides = array<i32>} : memref<128x256xf32, #tpu.memory_space<vmem>>, vector<1x16xf32>,
        %get3A_2258 = vector.shape_cast %get3A_2257 : vector<1x16xf32> to vector<16xf32>
        %mul3A_2259 = vector.broadcast %squeeze3A_2195 : f32 to vector<16xf32>
        %mul3A_2260 = arith.mulf %mul3A_2259, %get3A_2258 : vector<16xf32>
        %add3A_2261 = arith.addf %add3A_2083, %mul3A_2260 : vector<16xf32>
        %mul3A_2262 = arith.constant 16 : i32
        %mul3A_2263 = arith.muli %scan3A_24, %mul3A_2262 : i32
        %add3A_2264 = arith.constant 12 : i32
        %add3A_2265 = arith.addi %mul3A_2263, %add3A_2264 : i32
        %get3A_2266 = arith.index_cast %add3A_2265 : i32 to index
        %get3A_2267 = arith.constant 96 : index
        %get3A_2268 = tpu.vector_load %arg8[%get3A_2266, %get3A_2267] {strides = array<i32>} : memref<128x256xf32, #tpu.memory_space<vmem>>, vector<1x16xf32>,
        %get3A_2269 = vector.shape_cast %get3A_2268 : vector<1x16xf32> to vector<16xf32>
        %mul3A_2270 = vector.broadcast %squeeze3A_2195 : f32 to vector<16xf32>
        %mul3A_2271 = arith.mulf %mul3A_2270, %get3A_2269 : vector<16xf32>
        %add3A_2272 = arith.addf %add3A_2094, %mul3A_2271 : vector<16xf32>
        %mul3A_2273 = arith.constant 16 : i32
        %mul3A_2274 = arith.muli %scan3A_24, %mul3A_2273 : i32
        %add3A_2275 = arith.constant 12 : i32
        %add3A_2276 = arith.addi %mul3A_2274, %add3A_2275 : i32
        %get3A_2277 = arith.index_cast %add3A_2276 : i32 to index
        %get3A_2278 = arith.constant 112 : index
        %get3A_2279 = tpu.vector_load %arg8[%get3A_2277, %get3A_2278] {strides = array<i32>} : memref<128x256xf32, #tpu.memory_space<vmem>>, vector<1x16xf32>,
        %get3A_2280 = vector.shape_cast %get3A_2279 : vector<1x16xf32> to vector<16xf32>
        %mul3A_2281 = vector.broadcast %squeeze3A_2195 : f32 to vector<16xf32>
        %mul3A_2282 = arith.mulf %mul3A_2281, %get3A_2280 : vector<16xf32>
        %add3A_2283 = arith.addf %add3A_2105, %mul3A_2282 : vector<16xf32>
        %mul3A_2284 = arith.constant 16 : i32
        %mul3A_2285 = arith.muli %scan3A_24, %mul3A_2284 : i32
        %add3A_2286 = arith.constant 12 : i32
        %add3A_2287 = arith.addi %mul3A_2285, %add3A_2286 : i32
        %get3A_2288 = arith.index_cast %add3A_2287 : i32 to index
        %get3A_2289 = arith.constant 128 : index
        %get3A_2290 = tpu.vector_load %arg8[%get3A_2288, %get3A_2289] {strides = array<i32>} : memref<128x256xf32, #tpu.memory_space<vmem>>, vector<1x16xf32>,
        %get3A_2291 = vector.shape_cast %get3A_2290 : vector<1x16xf32> to vector<16xf32>
        %mul3A_2292 = vector.broadcast %squeeze3A_2195 : f32 to vector<16xf32>
        %mul3A_2293 = arith.mulf %mul3A_2292, %get3A_2291 : vector<16xf32>
        %add3A_2294 = arith.addf %add3A_2116, %mul3A_2293 : vector<16xf32>
        %mul3A_2295 = arith.constant 16 : i32
        %mul3A_2296 = arith.muli %scan3A_24, %mul3A_2295 : i32
        %add3A_2297 = arith.constant 12 : i32
        %add3A_2298 = arith.addi %mul3A_2296, %add3A_2297 : i32
        %get3A_2299 = arith.index_cast %add3A_2298 : i32 to index
        %get3A_2300 = arith.constant 144 : index
        %get3A_2301 = tpu.vector_load %arg8[%get3A_2299, %get3A_2300] {strides = array<i32>} : memref<128x256xf32, #tpu.memory_space<vmem>>, vector<1x16xf32>,
        %get3A_2302 = vector.shape_cast %get3A_2301 : vector<1x16xf32> to vector<16xf32>
        %mul3A_2303 = vector.broadcast %squeeze3A_2195 : f32 to vector<16xf32>
        %mul3A_2304 = arith.mulf %mul3A_2303, %get3A_2302 : vector<16xf32>
        %add3A_2305 = arith.addf %add3A_2127, %mul3A_2304 : vector<16xf32>
        %mul3A_2306 = arith.constant 16 : i32
        %mul3A_2307 = arith.muli %scan3A_24, %mul3A_2306 : i32
        %add3A_2308 = arith.constant 12 : i32
        %add3A_2309 = arith.addi %mul3A_2307, %add3A_2308 : i32
        %get3A_2310 = arith.index_cast %add3A_2309 : i32 to index
        %get3A_2311 = arith.constant 160 : index
        %get3A_2312 = tpu.vector_load %arg8[%get3A_2310, %get3A_2311] {strides = array<i32>} : memref<128x256xf32, #tpu.memory_space<vmem>>, vector<1x16xf32>,
        %get3A_2313 = vector.shape_cast %get3A_2312 : vector<1x16xf32> to vector<16xf32>
        %mul3A_2314 = vector.broadcast %squeeze3A_2195 : f32 to vector<16xf32>
        %mul3A_2315 = arith.mulf %mul3A_2314, %get3A_2313 : vector<16xf32>
        %add3A_2316 = arith.addf %add3A_2138, %mul3A_2315 : vector<16xf32>
        %mul3A_2317 = arith.constant 16 : i32
        %mul3A_2318 = arith.muli %scan3A_24, %mul3A_2317 : i32
        %add3A_2319 = arith.constant 12 : i32
        %add3A_2320 = arith.addi %mul3A_2318, %add3A_2319 : i32
        %get3A_2321 = arith.index_cast %add3A_2320 : i32 to index
        %get3A_2322 = arith.constant 176 : index
        %get3A_2323 = tpu.vector_load %arg8[%get3A_2321, %get3A_2322] {strides = array<i32>} : memref<128x256xf32, #tpu.memory_space<vmem>>, vector<1x16xf32>,
        %get3A_2324 = vector.shape_cast %get3A_2323 : vector<1x16xf32> to vector<16xf32>
        %mul3A_2325 = vector.broadcast %squeeze3A_2195 : f32 to vector<16xf32>
        %mul3A_2326 = arith.mulf %mul3A_2325, %get3A_2324 : vector<16xf32>
        %add3A_2327 = arith.addf %add3A_2149, %mul3A_2326 : vector<16xf32>
        %mul3A_2328 = arith.constant 16 : i32
        %mul3A_2329 = arith.muli %scan3A_24, %mul3A_2328 : i32
        %add3A_2330 = arith.constant 12 : i32
        %add3A_2331 = arith.addi %mul3A_2329, %add3A_2330 : i32
        %get3A_2332 = arith.index_cast %add3A_2331 : i32 to index
        %get3A_2333 = arith.constant 192 : index
        %get3A_2334 = tpu.vector_load %arg8[%get3A_2332, %get3A_2333] {strides = array<i32>} : memref<128x256xf32, #tpu.memory_space<vmem>>, vector<1x16xf32>,
        %get3A_2335 = vector.shape_cast %get3A_2334 : vector<1x16xf32> to vector<16xf32>
        %mul3A_2336 = vector.broadcast %squeeze3A_2195 : f32 to vector<16xf32>
        %mul3A_2337 = arith.mulf %mul3A_2336, %get3A_2335 : vector<16xf32>
        %add3A_2338 = arith.addf %add3A_2160, %mul3A_2337 : vector<16xf32>
        %mul3A_2339 = arith.constant 16 : i32
        %mul3A_2340 = arith.muli %scan3A_24, %mul3A_2339 : i32
        %add3A_2341 = arith.constant 12 : i32
        %add3A_2342 = arith.addi %mul3A_2340, %add3A_2341 : i32
        %get3A_2343 = arith.index_cast %add3A_2342 : i32 to index
        %get3A_2344 = arith.constant 208 : index
        %get3A_2345 = tpu.vector_load %arg8[%get3A_2343, %get3A_2344] {strides = array<i32>} : memref<128x256xf32, #tpu.memory_space<vmem>>, vector<1x16xf32>,
        %get3A_2346 = vector.shape_cast %get3A_2345 : vector<1x16xf32> to vector<16xf32>
        %mul3A_2347 = vector.broadcast %squeeze3A_2195 : f32 to vector<16xf32>
        %mul3A_2348 = arith.mulf %mul3A_2347, %get3A_2346 : vector<16xf32>
        %add3A_2349 = arith.addf %add3A_2171, %mul3A_2348 : vector<16xf32>
        %mul3A_2350 = arith.constant 16 : i32
        %mul3A_2351 = arith.muli %scan3A_24, %mul3A_2350 : i32
        %add3A_2352 = arith.constant 12 : i32
        %add3A_2353 = arith.addi %mul3A_2351, %add3A_2352 : i32
        %get3A_2354 = arith.index_cast %add3A_2353 : i32 to index
        %get3A_2355 = arith.constant 224 : index
        %get3A_2356 = tpu.vector_load %arg8[%get3A_2354, %get3A_2355] {strides = array<i32>} : memref<128x256xf32, #tpu.memory_space<vmem>>, vector<1x16xf32>,
        %get3A_2357 = vector.shape_cast %get3A_2356 : vector<1x16xf32> to vector<16xf32>
        %mul3A_2358 = vector.broadcast %squeeze3A_2195 : f32 to vector<16xf32>
        %mul3A_2359 = arith.mulf %mul3A_2358, %get3A_2357 : vector<16xf32>
        %add3A_2360 = arith.addf %add3A_2182, %mul3A_2359 : vector<16xf32>
        %mul3A_2361 = arith.constant 16 : i32
        %mul3A_2362 = arith.muli %scan3A_24, %mul3A_2361 : i32
        %add3A_2363 = arith.constant 12 : i32
        %add3A_2364 = arith.addi %mul3A_2362, %add3A_2363 : i32
        %get3A_2365 = arith.index_cast %add3A_2364 : i32 to index
        %get3A_2366 = arith.constant 240 : index
        %get3A_2367 = tpu.vector_load %arg8[%get3A_2365, %get3A_2366] {strides = array<i32>} : memref<128x256xf32, #tpu.memory_space<vmem>>, vector<1x16xf32>,
        %get3A_2368 = vector.shape_cast %get3A_2367 : vector<1x16xf32> to vector<16xf32>
        %mul3A_2369 = vector.broadcast %squeeze3A_2195 : f32 to vector<16xf32>
        %mul3A_2370 = arith.mulf %mul3A_2369, %get3A_2368 : vector<16xf32>
        %add3A_2371 = arith.addf %add3A_2193, %mul3A_2370 : vector<16xf32>
        %slice3A_2372 = vector.extract_strided_slice %get3A_28 {offsets = [13], sizes = [1], strides = [1]} : vector<16xf32> to vector<1xf32>
        %squeeze3A_2373 = vector.extract %slice3A_2372[0] : f32 from vector<1xf32>
        %mul3A_2374 = arith.constant 16 : i32
        %mul3A_2375 = arith.muli %scan3A_24, %mul3A_2374 : i32
        %add3A_2376 = arith.constant 13 : i32
        %add3A_2377 = arith.addi %mul3A_2375, %add3A_2376 : i32
        %get3A_2378 = arith.index_cast %add3A_2377 : i32 to index
        %get3A_2379 = arith.constant 0 : index
        %get3A_2380 = tpu.vector_load %arg8[%get3A_2378, %get3A_2379] {strides = array<i32>} : memref<128x256xf32, #tpu.memory_space<vmem>>, vector<1x16xf32>,
        %get3A_2381 = vector.shape_cast %get3A_2380 : vector<1x16xf32> to vector<16xf32>
        %mul3A_2382 = vector.broadcast %squeeze3A_2373 : f32 to vector<16xf32>
        %mul3A_2383 = arith.mulf %mul3A_2382, %get3A_2381 : vector<16xf32>
        %add3A_2384 = arith.addf %add3A_2206, %mul3A_2383 : vector<16xf32>
        %mul3A_2385 = arith.constant 16 : i32
        %mul3A_2386 = arith.muli %scan3A_24, %mul3A_2385 : i32
        %add3A_2387 = arith.constant 13 : i32
        %add3A_2388 = arith.addi %mul3A_2386, %add3A_2387 : i32
        %get3A_2389 = arith.index_cast %add3A_2388 : i32 to index
        %get3A_2390 = arith.constant 16 : index
        %get3A_2391 = tpu.vector_load %arg8[%get3A_2389, %get3A_2390] {strides = array<i32>} : memref<128x256xf32, #tpu.memory_space<vmem>>, vector<1x16xf32>,
        %get3A_2392 = vector.shape_cast %get3A_2391 : vector<1x16xf32> to vector<16xf32>
        %mul3A_2393 = vector.broadcast %squeeze3A_2373 : f32 to vector<16xf32>
        %mul3A_2394 = arith.mulf %mul3A_2393, %get3A_2392 : vector<16xf32>
        %add3A_2395 = arith.addf %add3A_2217, %mul3A_2394 : vector<16xf32>
        %mul3A_2396 = arith.constant 16 : i32
        %mul3A_2397 = arith.muli %scan3A_24, %mul3A_2396 : i32
        %add3A_2398 = arith.constant 13 : i32
        %add3A_2399 = arith.addi %mul3A_2397, %add3A_2398 : i32
        %get3A_2400 = arith.index_cast %add3A_2399 : i32 to index
        %get3A_2401 = arith.constant 32 : index
        %get3A_2402 = tpu.vector_load %arg8[%get3A_2400, %get3A_2401] {strides = array<i32>} : memref<128x256xf32, #tpu.memory_space<vmem>>, vector<1x16xf32>,
        %get3A_2403 = vector.shape_cast %get3A_2402 : vector<1x16xf32> to vector<16xf32>
        %mul3A_2404 = vector.broadcast %squeeze3A_2373 : f32 to vector<16xf32>
        %mul3A_2405 = arith.mulf %mul3A_2404, %get3A_2403 : vector<16xf32>
        %add3A_2406 = arith.addf %add3A_2228, %mul3A_2405 : vector<16xf32>
        %mul3A_2407 = arith.constant 16 : i32
        %mul3A_2408 = arith.muli %scan3A_24, %mul3A_2407 : i32
        %add3A_2409 = arith.constant 13 : i32
        %add3A_2410 = arith.addi %mul3A_2408, %add3A_2409 : i32
        %get3A_2411 = arith.index_cast %add3A_2410 : i32 to index
        %get3A_2412 = arith.constant 48 : index
        %get3A_2413 = tpu.vector_load %arg8[%get3A_2411, %get3A_2412] {strides = array<i32>} : memref<128x256xf32, #tpu.memory_space<vmem>>, vector<1x16xf32>,
        %get3A_2414 = vector.shape_cast %get3A_2413 : vector<1x16xf32> to vector<16xf32>
        %mul3A_2415 = vector.broadcast %squeeze3A_2373 : f32 to vector<16xf32>
        %mul3A_2416 = arith.mulf %mul3A_2415, %get3A_2414 : vector<16xf32>
        %add3A_2417 = arith.addf %add3A_2239, %mul3A_2416 : vector<16xf32>
        %mul3A_2418 = arith.constant 16 : i32
        %mul3A_2419 = arith.muli %scan3A_24, %mul3A_2418 : i32
        %add3A_2420 = arith.constant 13 : i32
        %add3A_2421 = arith.addi %mul3A_2419, %add3A_2420 : i32
        %get3A_2422 = arith.index_cast %add3A_2421 : i32 to index
        %get3A_2423 = arith.constant 64 : index
        %get3A_2424 = tpu.vector_load %arg8[%get3A_2422, %get3A_2423] {strides = array<i32>} : memref<128x256xf32, #tpu.memory_space<vmem>>, vector<1x16xf32>,
        %get3A_2425 = vector.shape_cast %get3A_2424 : vector<1x16xf32> to vector<16xf32>
        %mul3A_2426 = vector.broadcast %squeeze3A_2373 : f32 to vector<16xf32>
        %mul3A_2427 = arith.mulf %mul3A_2426, %get3A_2425 : vector<16xf32>
        %add3A_2428 = arith.addf %add3A_2250, %mul3A_2427 : vector<16xf32>
        %mul3A_2429 = arith.constant 16 : i32
        %mul3A_2430 = arith.muli %scan3A_24, %mul3A_2429 : i32
        %add3A_2431 = arith.constant 13 : i32
        %add3A_2432 = arith.addi %mul3A_2430, %add3A_2431 : i32
        %get3A_2433 = arith.index_cast %add3A_2432 : i32 to index
        %get3A_2434 = arith.constant 80 : index
        %get3A_2435 = tpu.vector_load %arg8[%get3A_2433, %get3A_2434] {strides = array<i32>} : memref<128x256xf32, #tpu.memory_space<vmem>>, vector<1x16xf32>,
        %get3A_2436 = vector.shape_cast %get3A_2435 : vector<1x16xf32> to vector<16xf32>
        %mul3A_2437 = vector.broadcast %squeeze3A_2373 : f32 to vector<16xf32>
        %mul3A_2438 = arith.mulf %mul3A_2437, %get3A_2436 : vector<16xf32>
        %add3A_2439 = arith.addf %add3A_2261, %mul3A_2438 : vector<16xf32>
        %mul3A_2440 = arith.constant 16 : i32
        %mul3A_2441 = arith.muli %scan3A_24, %mul3A_2440 : i32
        %add3A_2442 = arith.constant 13 : i32
        %add3A_2443 = arith.addi %mul3A_2441, %add3A_2442 : i32
        %get3A_2444 = arith.index_cast %add3A_2443 : i32 to index
        %get3A_2445 = arith.constant 96 : index
        %get3A_2446 = tpu.vector_load %arg8[%get3A_2444, %get3A_2445] {strides = array<i32>} : memref<128x256xf32, #tpu.memory_space<vmem>>, vector<1x16xf32>,
        %get3A_2447 = vector.shape_cast %get3A_2446 : vector<1x16xf32> to vector<16xf32>
        %mul3A_2448 = vector.broadcast %squeeze3A_2373 : f32 to vector<16xf32>
        %mul3A_2449 = arith.mulf %mul3A_2448, %get3A_2447 : vector<16xf32>
        %add3A_2450 = arith.addf %add3A_2272, %mul3A_2449 : vector<16xf32>
        %mul3A_2451 = arith.constant 16 : i32
        %mul3A_2452 = arith.muli %scan3A_24, %mul3A_2451 : i32
        %add3A_2453 = arith.constant 13 : i32
        %add3A_2454 = arith.addi %mul3A_2452, %add3A_2453 : i32
        %get3A_2455 = arith.index_cast %add3A_2454 : i32 to index
        %get3A_2456 = arith.constant 112 : index
        %get3A_2457 = tpu.vector_load %arg8[%get3A_2455, %get3A_2456] {strides = array<i32>} : memref<128x256xf32, #tpu.memory_space<vmem>>, vector<1x16xf32>,
        %get3A_2458 = vector.shape_cast %get3A_2457 : vector<1x16xf32> to vector<16xf32>
        %mul3A_2459 = vector.broadcast %squeeze3A_2373 : f32 to vector<16xf32>
        %mul3A_2460 = arith.mulf %mul3A_2459, %get3A_2458 : vector<16xf32>
        %add3A_2461 = arith.addf %add3A_2283, %mul3A_2460 : vector<16xf32>
        %mul3A_2462 = arith.constant 16 : i32
        %mul3A_2463 = arith.muli %scan3A_24, %mul3A_2462 : i32
        %add3A_2464 = arith.constant 13 : i32
        %add3A_2465 = arith.addi %mul3A_2463, %add3A_2464 : i32
        %get3A_2466 = arith.index_cast %add3A_2465 : i32 to index
        %get3A_2467 = arith.constant 128 : index
        %get3A_2468 = tpu.vector_load %arg8[%get3A_2466, %get3A_2467] {strides = array<i32>} : memref<128x256xf32, #tpu.memory_space<vmem>>, vector<1x16xf32>,
        %get3A_2469 = vector.shape_cast %get3A_2468 : vector<1x16xf32> to vector<16xf32>
        %mul3A_2470 = vector.broadcast %squeeze3A_2373 : f32 to vector<16xf32>
        %mul3A_2471 = arith.mulf %mul3A_2470, %get3A_2469 : vector<16xf32>
        %add3A_2472 = arith.addf %add3A_2294, %mul3A_2471 : vector<16xf32>
        %mul3A_2473 = arith.constant 16 : i32
        %mul3A_2474 = arith.muli %scan3A_24, %mul3A_2473 : i32
        %add3A_2475 = arith.constant 13 : i32
        %add3A_2476 = arith.addi %mul3A_2474, %add3A_2475 : i32
        %get3A_2477 = arith.index_cast %add3A_2476 : i32 to index
        %get3A_2478 = arith.constant 144 : index
        %get3A_2479 = tpu.vector_load %arg8[%get3A_2477, %get3A_2478] {strides = array<i32>} : memref<128x256xf32, #tpu.memory_space<vmem>>, vector<1x16xf32>,
        %get3A_2480 = vector.shape_cast %get3A_2479 : vector<1x16xf32> to vector<16xf32>
        %mul3A_2481 = vector.broadcast %squeeze3A_2373 : f32 to vector<16xf32>
        %mul3A_2482 = arith.mulf %mul3A_2481, %get3A_2480 : vector<16xf32>
        %add3A_2483 = arith.addf %add3A_2305, %mul3A_2482 : vector<16xf32>
        %mul3A_2484 = arith.constant 16 : i32
        %mul3A_2485 = arith.muli %scan3A_24, %mul3A_2484 : i32
        %add3A_2486 = arith.constant 13 : i32
        %add3A_2487 = arith.addi %mul3A_2485, %add3A_2486 : i32
        %get3A_2488 = arith.index_cast %add3A_2487 : i32 to index
        %get3A_2489 = arith.constant 160 : index
        %get3A_2490 = tpu.vector_load %arg8[%get3A_2488, %get3A_2489] {strides = array<i32>} : memref<128x256xf32, #tpu.memory_space<vmem>>, vector<1x16xf32>,
        %get3A_2491 = vector.shape_cast %get3A_2490 : vector<1x16xf32> to vector<16xf32>
        %mul3A_2492 = vector.broadcast %squeeze3A_2373 : f32 to vector<16xf32>
        %mul3A_2493 = arith.mulf %mul3A_2492, %get3A_2491 : vector<16xf32>
        %add3A_2494 = arith.addf %add3A_2316, %mul3A_2493 : vector<16xf32>
        %mul3A_2495 = arith.constant 16 : i32
        %mul3A_2496 = arith.muli %scan3A_24, %mul3A_2495 : i32
        %add3A_2497 = arith.constant 13 : i32
        %add3A_2498 = arith.addi %mul3A_2496, %add3A_2497 : i32
        %get3A_2499 = arith.index_cast %add3A_2498 : i32 to index
        %get3A_2500 = arith.constant 176 : index
        %get3A_2501 = tpu.vector_load %arg8[%get3A_2499, %get3A_2500] {strides = array<i32>} : memref<128x256xf32, #tpu.memory_space<vmem>>, vector<1x16xf32>,
        %get3A_2502 = vector.shape_cast %get3A_2501 : vector<1x16xf32> to vector<16xf32>
        %mul3A_2503 = vector.broadcast %squeeze3A_2373 : f32 to vector<16xf32>
        %mul3A_2504 = arith.mulf %mul3A_2503, %get3A_2502 : vector<16xf32>
        %add3A_2505 = arith.addf %add3A_2327, %mul3A_2504 : vector<16xf32>
        %mul3A_2506 = arith.constant 16 : i32
        %mul3A_2507 = arith.muli %scan3A_24, %mul3A_2506 : i32
        %add3A_2508 = arith.constant 13 : i32
        %add3A_2509 = arith.addi %mul3A_2507, %add3A_2508 : i32
        %get3A_2510 = arith.index_cast %add3A_2509 : i32 to index
        %get3A_2511 = arith.constant 192 : index
        %get3A_2512 = tpu.vector_load %arg8[%get3A_2510, %get3A_2511] {strides = array<i32>} : memref<128x256xf32, #tpu.memory_space<vmem>>, vector<1x16xf32>,
        %get3A_2513 = vector.shape_cast %get3A_2512 : vector<1x16xf32> to vector<16xf32>
        %mul3A_2514 = vector.broadcast %squeeze3A_2373 : f32 to vector<16xf32>
        %mul3A_2515 = arith.mulf %mul3A_2514, %get3A_2513 : vector<16xf32>
        %add3A_2516 = arith.addf %add3A_2338, %mul3A_2515 : vector<16xf32>
        %mul3A_2517 = arith.constant 16 : i32
        %mul3A_2518 = arith.muli %scan3A_24, %mul3A_2517 : i32
        %add3A_2519 = arith.constant 13 : i32
        %add3A_2520 = arith.addi %mul3A_2518, %add3A_2519 : i32
        %get3A_2521 = arith.index_cast %add3A_2520 : i32 to index
        %get3A_2522 = arith.constant 208 : index
        %get3A_2523 = tpu.vector_load %arg8[%get3A_2521, %get3A_2522] {strides = array<i32>} : memref<128x256xf32, #tpu.memory_space<vmem>>, vector<1x16xf32>,
        %get3A_2524 = vector.shape_cast %get3A_2523 : vector<1x16xf32> to vector<16xf32>
        %mul3A_2525 = vector.broadcast %squeeze3A_2373 : f32 to vector<16xf32>
        %mul3A_2526 = arith.mulf %mul3A_2525, %get3A_2524 : vector<16xf32>
        %add3A_2527 = arith.addf %add3A_2349, %mul3A_2526 : vector<16xf32>
        %mul3A_2528 = arith.constant 16 : i32
        %mul3A_2529 = arith.muli %scan3A_24, %mul3A_2528 : i32
        %add3A_2530 = arith.constant 13 : i32
        %add3A_2531 = arith.addi %mul3A_2529, %add3A_2530 : i32
        %get3A_2532 = arith.index_cast %add3A_2531 : i32 to index
        %get3A_2533 = arith.constant 224 : index
        %get3A_2534 = tpu.vector_load %arg8[%get3A_2532, %get3A_2533] {strides = array<i32>} : memref<128x256xf32, #tpu.memory_space<vmem>>, vector<1x16xf32>,
        %get3A_2535 = vector.shape_cast %get3A_2534 : vector<1x16xf32> to vector<16xf32>
        %mul3A_2536 = vector.broadcast %squeeze3A_2373 : f32 to vector<16xf32>
        %mul3A_2537 = arith.mulf %mul3A_2536, %get3A_2535 : vector<16xf32>
        %add3A_2538 = arith.addf %add3A_2360, %mul3A_2537 : vector<16xf32>
        %mul3A_2539 = arith.constant 16 : i32
        %mul3A_2540 = arith.muli %scan3A_24, %mul3A_2539 : i32
        %add3A_2541 = arith.constant 13 : i32
        %add3A_2542 = arith.addi %mul3A_2540, %add3A_2541 : i32
        %get3A_2543 = arith.index_cast %add3A_2542 : i32 to index
        %get3A_2544 = arith.constant 240 : index
        %get3A_2545 = tpu.vector_load %arg8[%get3A_2543, %get3A_2544] {strides = array<i32>} : memref<128x256xf32, #tpu.memory_space<vmem>>, vector<1x16xf32>,
        %get3A_2546 = vector.shape_cast %get3A_2545 : vector<1x16xf32> to vector<16xf32>
        %mul3A_2547 = vector.broadcast %squeeze3A_2373 : f32 to vector<16xf32>
        %mul3A_2548 = arith.mulf %mul3A_2547, %get3A_2546 : vector<16xf32>
        %add3A_2549 = arith.addf %add3A_2371, %mul3A_2548 : vector<16xf32>
        %slice3A_2550 = vector.extract_strided_slice %get3A_28 {offsets = [14], sizes = [1], strides = [1]} : vector<16xf32> to vector<1xf32>
        %squeeze3A_2551 = vector.extract %slice3A_2550[0] : f32 from vector<1xf32>
        %mul3A_2552 = arith.constant 16 : i32
        %mul3A_2553 = arith.muli %scan3A_24, %mul3A_2552 : i32
        %add3A_2554 = arith.constant 14 : i32
        %add3A_2555 = arith.addi %mul3A_2553, %add3A_2554 : i32
        %get3A_2556 = arith.index_cast %add3A_2555 : i32 to index
        %get3A_2557 = arith.constant 0 : index
        %get3A_2558 = tpu.vector_load %arg8[%get3A_2556, %get3A_2557] {strides = array<i32>} : memref<128x256xf32, #tpu.memory_space<vmem>>, vector<1x16xf32>,
        %get3A_2559 = vector.shape_cast %get3A_2558 : vector<1x16xf32> to vector<16xf32>
        %mul3A_2560 = vector.broadcast %squeeze3A_2551 : f32 to vector<16xf32>
        %mul3A_2561 = arith.mulf %mul3A_2560, %get3A_2559 : vector<16xf32>
        %add3A_2562 = arith.addf %add3A_2384, %mul3A_2561 : vector<16xf32>
        %mul3A_2563 = arith.constant 16 : i32
        %mul3A_2564 = arith.muli %scan3A_24, %mul3A_2563 : i32
        %add3A_2565 = arith.constant 14 : i32
        %add3A_2566 = arith.addi %mul3A_2564, %add3A_2565 : i32
        %get3A_2567 = arith.index_cast %add3A_2566 : i32 to index
        %get3A_2568 = arith.constant 16 : index
        %get3A_2569 = tpu.vector_load %arg8[%get3A_2567, %get3A_2568] {strides = array<i32>} : memref<128x256xf32, #tpu.memory_space<vmem>>, vector<1x16xf32>,
        %get3A_2570 = vector.shape_cast %get3A_2569 : vector<1x16xf32> to vector<16xf32>
        %mul3A_2571 = vector.broadcast %squeeze3A_2551 : f32 to vector<16xf32>
        %mul3A_2572 = arith.mulf %mul3A_2571, %get3A_2570 : vector<16xf32>
        %add3A_2573 = arith.addf %add3A_2395, %mul3A_2572 : vector<16xf32>
        %mul3A_2574 = arith.constant 16 : i32
        %mul3A_2575 = arith.muli %scan3A_24, %mul3A_2574 : i32
        %add3A_2576 = arith.constant 14 : i32
        %add3A_2577 = arith.addi %mul3A_2575, %add3A_2576 : i32
        %get3A_2578 = arith.index_cast %add3A_2577 : i32 to index
        %get3A_2579 = arith.constant 32 : index
        %get3A_2580 = tpu.vector_load %arg8[%get3A_2578, %get3A_2579] {strides = array<i32>} : memref<128x256xf32, #tpu.memory_space<vmem>>, vector<1x16xf32>,
        %get3A_2581 = vector.shape_cast %get3A_2580 : vector<1x16xf32> to vector<16xf32>
        %mul3A_2582 = vector.broadcast %squeeze3A_2551 : f32 to vector<16xf32>
        %mul3A_2583 = arith.mulf %mul3A_2582, %get3A_2581 : vector<16xf32>
        %add3A_2584 = arith.addf %add3A_2406, %mul3A_2583 : vector<16xf32>
        %mul3A_2585 = arith.constant 16 : i32
        %mul3A_2586 = arith.muli %scan3A_24, %mul3A_2585 : i32
        %add3A_2587 = arith.constant 14 : i32
        %add3A_2588 = arith.addi %mul3A_2586, %add3A_2587 : i32
        %get3A_2589 = arith.index_cast %add3A_2588 : i32 to index
        %get3A_2590 = arith.constant 48 : index
        %get3A_2591 = tpu.vector_load %arg8[%get3A_2589, %get3A_2590] {strides = array<i32>} : memref<128x256xf32, #tpu.memory_space<vmem>>, vector<1x16xf32>,
        %get3A_2592 = vector.shape_cast %get3A_2591 : vector<1x16xf32> to vector<16xf32>
        %mul3A_2593 = vector.broadcast %squeeze3A_2551 : f32 to vector<16xf32>
        %mul3A_2594 = arith.mulf %mul3A_2593, %get3A_2592 : vector<16xf32>
        %add3A_2595 = arith.addf %add3A_2417, %mul3A_2594 : vector<16xf32>
        %mul3A_2596 = arith.constant 16 : i32
        %mul3A_2597 = arith.muli %scan3A_24, %mul3A_2596 : i32
        %add3A_2598 = arith.constant 14 : i32
        %add3A_2599 = arith.addi %mul3A_2597, %add3A_2598 : i32
        %get3A_2600 = arith.index_cast %add3A_2599 : i32 to index
        %get3A_2601 = arith.constant 64 : index
        %get3A_2602 = tpu.vector_load %arg8[%get3A_2600, %get3A_2601] {strides = array<i32>} : memref<128x256xf32, #tpu.memory_space<vmem>>, vector<1x16xf32>,
        %get3A_2603 = vector.shape_cast %get3A_2602 : vector<1x16xf32> to vector<16xf32>
        %mul3A_2604 = vector.broadcast %squeeze3A_2551 : f32 to vector<16xf32>
        %mul3A_2605 = arith.mulf %mul3A_2604, %get3A_2603 : vector<16xf32>
        %add3A_2606 = arith.addf %add3A_2428, %mul3A_2605 : vector<16xf32>
        %mul3A_2607 = arith.constant 16 : i32
        %mul3A_2608 = arith.muli %scan3A_24, %mul3A_2607 : i32
        %add3A_2609 = arith.constant 14 : i32
        %add3A_2610 = arith.addi %mul3A_2608, %add3A_2609 : i32
        %get3A_2611 = arith.index_cast %add3A_2610 : i32 to index
        %get3A_2612 = arith.constant 80 : index
        %get3A_2613 = tpu.vector_load %arg8[%get3A_2611, %get3A_2612] {strides = array<i32>} : memref<128x256xf32, #tpu.memory_space<vmem>>, vector<1x16xf32>,
        %get3A_2614 = vector.shape_cast %get3A_2613 : vector<1x16xf32> to vector<16xf32>
        %mul3A_2615 = vector.broadcast %squeeze3A_2551 : f32 to vector<16xf32>
        %mul3A_2616 = arith.mulf %mul3A_2615, %get3A_2614 : vector<16xf32>
        %add3A_2617 = arith.addf %add3A_2439, %mul3A_2616 : vector<16xf32>
        %mul3A_2618 = arith.constant 16 : i32
        %mul3A_2619 = arith.muli %scan3A_24, %mul3A_2618 : i32
        %add3A_2620 = arith.constant 14 : i32
        %add3A_2621 = arith.addi %mul3A_2619, %add3A_2620 : i32
        %get3A_2622 = arith.index_cast %add3A_2621 : i32 to index
        %get3A_2623 = arith.constant 96 : index
        %get3A_2624 = tpu.vector_load %arg8[%get3A_2622, %get3A_2623] {strides = array<i32>} : memref<128x256xf32, #tpu.memory_space<vmem>>, vector<1x16xf32>,
        %get3A_2625 = vector.shape_cast %get3A_2624 : vector<1x16xf32> to vector<16xf32>
        %mul3A_2626 = vector.broadcast %squeeze3A_2551 : f32 to vector<16xf32>
        %mul3A_2627 = arith.mulf %mul3A_2626, %get3A_2625 : vector<16xf32>
        %add3A_2628 = arith.addf %add3A_2450, %mul3A_2627 : vector<16xf32>
        %mul3A_2629 = arith.constant 16 : i32
        %mul3A_2630 = arith.muli %scan3A_24, %mul3A_2629 : i32
        %add3A_2631 = arith.constant 14 : i32
        %add3A_2632 = arith.addi %mul3A_2630, %add3A_2631 : i32
        %get3A_2633 = arith.index_cast %add3A_2632 : i32 to index
        %get3A_2634 = arith.constant 112 : index
        %get3A_2635 = tpu.vector_load %arg8[%get3A_2633, %get3A_2634] {strides = array<i32>} : memref<128x256xf32, #tpu.memory_space<vmem>>, vector<1x16xf32>,
        %get3A_2636 = vector.shape_cast %get3A_2635 : vector<1x16xf32> to vector<16xf32>
        %mul3A_2637 = vector.broadcast %squeeze3A_2551 : f32 to vector<16xf32>
        %mul3A_2638 = arith.mulf %mul3A_2637, %get3A_2636 : vector<16xf32>
        %add3A_2639 = arith.addf %add3A_2461, %mul3A_2638 : vector<16xf32>
        %mul3A_2640 = arith.constant 16 : i32
        %mul3A_2641 = arith.muli %scan3A_24, %mul3A_2640 : i32
        %add3A_2642 = arith.constant 14 : i32
        %add3A_2643 = arith.addi %mul3A_2641, %add3A_2642 : i32
        %get3A_2644 = arith.index_cast %add3A_2643 : i32 to index
        %get3A_2645 = arith.constant 128 : index
        %get3A_2646 = tpu.vector_load %arg8[%get3A_2644, %get3A_2645] {strides = array<i32>} : memref<128x256xf32, #tpu.memory_space<vmem>>, vector<1x16xf32>,
        %get3A_2647 = vector.shape_cast %get3A_2646 : vector<1x16xf32> to vector<16xf32>
        %mul3A_2648 = vector.broadcast %squeeze3A_2551 : f32 to vector<16xf32>
        %mul3A_2649 = arith.mulf %mul3A_2648, %get3A_2647 : vector<16xf32>
        %add3A_2650 = arith.addf %add3A_2472, %mul3A_2649 : vector<16xf32>
        %mul3A_2651 = arith.constant 16 : i32
        %mul3A_2652 = arith.muli %scan3A_24, %mul3A_2651 : i32
        %add3A_2653 = arith.constant 14 : i32
        %add3A_2654 = arith.addi %mul3A_2652, %add3A_2653 : i32
        %get3A_2655 = arith.index_cast %add3A_2654 : i32 to index
        %get3A_2656 = arith.constant 144 : index
        %get3A_2657 = tpu.vector_load %arg8[%get3A_2655, %get3A_2656] {strides = array<i32>} : memref<128x256xf32, #tpu.memory_space<vmem>>, vector<1x16xf32>,
        %get3A_2658 = vector.shape_cast %get3A_2657 : vector<1x16xf32> to vector<16xf32>
        %mul3A_2659 = vector.broadcast %squeeze3A_2551 : f32 to vector<16xf32>
        %mul3A_2660 = arith.mulf %mul3A_2659, %get3A_2658 : vector<16xf32>
        %add3A_2661 = arith.addf %add3A_2483, %mul3A_2660 : vector<16xf32>
        %mul3A_2662 = arith.constant 16 : i32
        %mul3A_2663 = arith.muli %scan3A_24, %mul3A_2662 : i32
        %add3A_2664 = arith.constant 14 : i32
        %add3A_2665 = arith.addi %mul3A_2663, %add3A_2664 : i32
        %get3A_2666 = arith.index_cast %add3A_2665 : i32 to index
        %get3A_2667 = arith.constant 160 : index
        %get3A_2668 = tpu.vector_load %arg8[%get3A_2666, %get3A_2667] {strides = array<i32>} : memref<128x256xf32, #tpu.memory_space<vmem>>, vector<1x16xf32>,
        %get3A_2669 = vector.shape_cast %get3A_2668 : vector<1x16xf32> to vector<16xf32>
        %mul3A_2670 = vector.broadcast %squeeze3A_2551 : f32 to vector<16xf32>
        %mul3A_2671 = arith.mulf %mul3A_2670, %get3A_2669 : vector<16xf32>
        %add3A_2672 = arith.addf %add3A_2494, %mul3A_2671 : vector<16xf32>
        %mul3A_2673 = arith.constant 16 : i32
        %mul3A_2674 = arith.muli %scan3A_24, %mul3A_2673 : i32
        %add3A_2675 = arith.constant 14 : i32
        %add3A_2676 = arith.addi %mul3A_2674, %add3A_2675 : i32
        %get3A_2677 = arith.index_cast %add3A_2676 : i32 to index
        %get3A_2678 = arith.constant 176 : index
        %get3A_2679 = tpu.vector_load %arg8[%get3A_2677, %get3A_2678] {strides = array<i32>} : memref<128x256xf32, #tpu.memory_space<vmem>>, vector<1x16xf32>,
        %get3A_2680 = vector.shape_cast %get3A_2679 : vector<1x16xf32> to vector<16xf32>
        %mul3A_2681 = vector.broadcast %squeeze3A_2551 : f32 to vector<16xf32>
        %mul3A_2682 = arith.mulf %mul3A_2681, %get3A_2680 : vector<16xf32>
        %add3A_2683 = arith.addf %add3A_2505, %mul3A_2682 : vector<16xf32>
        %mul3A_2684 = arith.constant 16 : i32
        %mul3A_2685 = arith.muli %scan3A_24, %mul3A_2684 : i32
        %add3A_2686 = arith.constant 14 : i32
        %add3A_2687 = arith.addi %mul3A_2685, %add3A_2686 : i32
        %get3A_2688 = arith.index_cast %add3A_2687 : i32 to index
        %get3A_2689 = arith.constant 192 : index
        %get3A_2690 = tpu.vector_load %arg8[%get3A_2688, %get3A_2689] {strides = array<i32>} : memref<128x256xf32, #tpu.memory_space<vmem>>, vector<1x16xf32>,
        %get3A_2691 = vector.shape_cast %get3A_2690 : vector<1x16xf32> to vector<16xf32>
        %mul3A_2692 = vector.broadcast %squeeze3A_2551 : f32 to vector<16xf32>
        %mul3A_2693 = arith.mulf %mul3A_2692, %get3A_2691 : vector<16xf32>
        %add3A_2694 = arith.addf %add3A_2516, %mul3A_2693 : vector<16xf32>
        %mul3A_2695 = arith.constant 16 : i32
        %mul3A_2696 = arith.muli %scan3A_24, %mul3A_2695 : i32
        %add3A_2697 = arith.constant 14 : i32
        %add3A_2698 = arith.addi %mul3A_2696, %add3A_2697 : i32
        %get3A_2699 = arith.index_cast %add3A_2698 : i32 to index
        %get3A_2700 = arith.constant 208 : index
        %get3A_2701 = tpu.vector_load %arg8[%get3A_2699, %get3A_2700] {strides = array<i32>} : memref<128x256xf32, #tpu.memory_space<vmem>>, vector<1x16xf32>,
        %get3A_2702 = vector.shape_cast %get3A_2701 : vector<1x16xf32> to vector<16xf32>
        %mul3A_2703 = vector.broadcast %squeeze3A_2551 : f32 to vector<16xf32>
        %mul3A_2704 = arith.mulf %mul3A_2703, %get3A_2702 : vector<16xf32>
        %add3A_2705 = arith.addf %add3A_2527, %mul3A_2704 : vector<16xf32>
        %mul3A_2706 = arith.constant 16 : i32
        %mul3A_2707 = arith.muli %scan3A_24, %mul3A_2706 : i32
        %add3A_2708 = arith.constant 14 : i32
        %add3A_2709 = arith.addi %mul3A_2707, %add3A_2708 : i32
        %get3A_2710 = arith.index_cast %add3A_2709 : i32 to index
        %get3A_2711 = arith.constant 224 : index
        %get3A_2712 = tpu.vector_load %arg8[%get3A_2710, %get3A_2711] {strides = array<i32>} : memref<128x256xf32, #tpu.memory_space<vmem>>, vector<1x16xf32>,
        %get3A_2713 = vector.shape_cast %get3A_2712 : vector<1x16xf32> to vector<16xf32>
        %mul3A_2714 = vector.broadcast %squeeze3A_2551 : f32 to vector<16xf32>
        %mul3A_2715 = arith.mulf %mul3A_2714, %get3A_2713 : vector<16xf32>
        %add3A_2716 = arith.addf %add3A_2538, %mul3A_2715 : vector<16xf32>
        %mul3A_2717 = arith.constant 16 : i32
        %mul3A_2718 = arith.muli %scan3A_24, %mul3A_2717 : i32
        %add3A_2719 = arith.constant 14 : i32
        %add3A_2720 = arith.addi %mul3A_2718, %add3A_2719 : i32
        %get3A_2721 = arith.index_cast %add3A_2720 : i32 to index
        %get3A_2722 = arith.constant 240 : index
        %get3A_2723 = tpu.vector_load %arg8[%get3A_2721, %get3A_2722] {strides = array<i32>} : memref<128x256xf32, #tpu.memory_space<vmem>>, vector<1x16xf32>,
        %get3A_2724 = vector.shape_cast %get3A_2723 : vector<1x16xf32> to vector<16xf32>
        %mul3A_2725 = vector.broadcast %squeeze3A_2551 : f32 to vector<16xf32>
        %mul3A_2726 = arith.mulf %mul3A_2725, %get3A_2724 : vector<16xf32>
        %add3A_2727 = arith.addf %add3A_2549, %mul3A_2726 : vector<16xf32>
        %slice3A_2728 = vector.extract_strided_slice %get3A_28 {offsets = [15], sizes = [1], strides = [1]} : vector<16xf32> to vector<1xf32>
        %squeeze3A_2729 = vector.extract %slice3A_2728[0] : f32 from vector<1xf32>
        %mul3A_2730 = arith.constant 16 : i32
        %mul3A_2731 = arith.muli %scan3A_24, %mul3A_2730 : i32
        %add3A_2732 = arith.constant 15 : i32
        %add3A_2733 = arith.addi %mul3A_2731, %add3A_2732 : i32
        %get3A_2734 = arith.index_cast %add3A_2733 : i32 to index
        %get3A_2735 = arith.constant 0 : index
        %get3A_2736 = tpu.vector_load %arg8[%get3A_2734, %get3A_2735] {strides = array<i32>} : memref<128x256xf32, #tpu.memory_space<vmem>>, vector<1x16xf32>,
        %get3A_2737 = vector.shape_cast %get3A_2736 : vector<1x16xf32> to vector<16xf32>
        %mul3A_2738 = vector.broadcast %squeeze3A_2729 : f32 to vector<16xf32>
        %mul3A_2739 = arith.mulf %mul3A_2738, %get3A_2737 : vector<16xf32>
        %add3A_2740 = arith.addf %add3A_2562, %mul3A_2739 : vector<16xf32>
        %mul3A_2741 = arith.constant 16 : i32
        %mul3A_2742 = arith.muli %scan3A_24, %mul3A_2741 : i32
        %add3A_2743 = arith.constant 15 : i32
        %add3A_2744 = arith.addi %mul3A_2742, %add3A_2743 : i32
        %get3A_2745 = arith.index_cast %add3A_2744 : i32 to index
        %get3A_2746 = arith.constant 16 : index
        %get3A_2747 = tpu.vector_load %arg8[%get3A_2745, %get3A_2746] {strides = array<i32>} : memref<128x256xf32, #tpu.memory_space<vmem>>, vector<1x16xf32>,
        %get3A_2748 = vector.shape_cast %get3A_2747 : vector<1x16xf32> to vector<16xf32>
        %mul3A_2749 = vector.broadcast %squeeze3A_2729 : f32 to vector<16xf32>
        %mul3A_2750 = arith.mulf %mul3A_2749, %get3A_2748 : vector<16xf32>
        %add3A_2751 = arith.addf %add3A_2573, %mul3A_2750 : vector<16xf32>
        %mul3A_2752 = arith.constant 16 : i32
        %mul3A_2753 = arith.muli %scan3A_24, %mul3A_2752 : i32
        %add3A_2754 = arith.constant 15 : i32
        %add3A_2755 = arith.addi %mul3A_2753, %add3A_2754 : i32
        %get3A_2756 = arith.index_cast %add3A_2755 : i32 to index
        %get3A_2757 = arith.constant 32 : index
        %get3A_2758 = tpu.vector_load %arg8[%get3A_2756, %get3A_2757] {strides = array<i32>} : memref<128x256xf32, #tpu.memory_space<vmem>>, vector<1x16xf32>,
        %get3A_2759 = vector.shape_cast %get3A_2758 : vector<1x16xf32> to vector<16xf32>
        %mul3A_2760 = vector.broadcast %squeeze3A_2729 : f32 to vector<16xf32>
        %mul3A_2761 = arith.mulf %mul3A_2760, %get3A_2759 : vector<16xf32>
        %add3A_2762 = arith.addf %add3A_2584, %mul3A_2761 : vector<16xf32>
        %mul3A_2763 = arith.constant 16 : i32
        %mul3A_2764 = arith.muli %scan3A_24, %mul3A_2763 : i32
        %add3A_2765 = arith.constant 15 : i32
        %add3A_2766 = arith.addi %mul3A_2764, %add3A_2765 : i32
        %get3A_2767 = arith.index_cast %add3A_2766 : i32 to index
        %get3A_2768 = arith.constant 48 : index
        %get3A_2769 = tpu.vector_load %arg8[%get3A_2767, %get3A_2768] {strides = array<i32>} : memref<128x256xf32, #tpu.memory_space<vmem>>, vector<1x16xf32>,
        %get3A_2770 = vector.shape_cast %get3A_2769 : vector<1x16xf32> to vector<16xf32>
        %mul3A_2771 = vector.broadcast %squeeze3A_2729 : f32 to vector<16xf32>
        %mul3A_2772 = arith.mulf %mul3A_2771, %get3A_2770 : vector<16xf32>
        %add3A_2773 = arith.addf %add3A_2595, %mul3A_2772 : vector<16xf32>
        %mul3A_2774 = arith.constant 16 : i32
        %mul3A_2775 = arith.muli %scan3A_24, %mul3A_2774 : i32
        %add3A_2776 = arith.constant 15 : i32
        %add3A_2777 = arith.addi %mul3A_2775, %add3A_2776 : i32
        %get3A_2778 = arith.index_cast %add3A_2777 : i32 to index
        %get3A_2779 = arith.constant 64 : index
        %get3A_2780 = tpu.vector_load %arg8[%get3A_2778, %get3A_2779] {strides = array<i32>} : memref<128x256xf32, #tpu.memory_space<vmem>>, vector<1x16xf32>,
        %get3A_2781 = vector.shape_cast %get3A_2780 : vector<1x16xf32> to vector<16xf32>
        %mul3A_2782 = vector.broadcast %squeeze3A_2729 : f32 to vector<16xf32>
        %mul3A_2783 = arith.mulf %mul3A_2782, %get3A_2781 : vector<16xf32>
        %add3A_2784 = arith.addf %add3A_2606, %mul3A_2783 : vector<16xf32>
        %mul3A_2785 = arith.constant 16 : i32
        %mul3A_2786 = arith.muli %scan3A_24, %mul3A_2785 : i32
        %add3A_2787 = arith.constant 15 : i32
        %add3A_2788 = arith.addi %mul3A_2786, %add3A_2787 : i32
        %get3A_2789 = arith.index_cast %add3A_2788 : i32 to index
        %get3A_2790 = arith.constant 80 : index
        %get3A_2791 = tpu.vector_load %arg8[%get3A_2789, %get3A_2790] {strides = array<i32>} : memref<128x256xf32, #tpu.memory_space<vmem>>, vector<1x16xf32>,
        %get3A_2792 = vector.shape_cast %get3A_2791 : vector<1x16xf32> to vector<16xf32>
        %mul3A_2793 = vector.broadcast %squeeze3A_2729 : f32 to vector<16xf32>
        %mul3A_2794 = arith.mulf %mul3A_2793, %get3A_2792 : vector<16xf32>
        %add3A_2795 = arith.addf %add3A_2617, %mul3A_2794 : vector<16xf32>
        %mul3A_2796 = arith.constant 16 : i32
        %mul3A_2797 = arith.muli %scan3A_24, %mul3A_2796 : i32
        %add3A_2798 = arith.constant 15 : i32
        %add3A_2799 = arith.addi %mul3A_2797, %add3A_2798 : i32
        %get3A_2800 = arith.index_cast %add3A_2799 : i32 to index
        %get3A_2801 = arith.constant 96 : index
        %get3A_2802 = tpu.vector_load %arg8[%get3A_2800, %get3A_2801] {strides = array<i32>} : memref<128x256xf32, #tpu.memory_space<vmem>>, vector<1x16xf32>,
        %get3A_2803 = vector.shape_cast %get3A_2802 : vector<1x16xf32> to vector<16xf32>
        %mul3A_2804 = vector.broadcast %squeeze3A_2729 : f32 to vector<16xf32>
        %mul3A_2805 = arith.mulf %mul3A_2804, %get3A_2803 : vector<16xf32>
        %add3A_2806 = arith.addf %add3A_2628, %mul3A_2805 : vector<16xf32>
        %mul3A_2807 = arith.constant 16 : i32
        %mul3A_2808 = arith.muli %scan3A_24, %mul3A_2807 : i32
        %add3A_2809 = arith.constant 15 : i32
        %add3A_2810 = arith.addi %mul3A_2808, %add3A_2809 : i32
        %get3A_2811 = arith.index_cast %add3A_2810 : i32 to index
        %get3A_2812 = arith.constant 112 : index
        %get3A_2813 = tpu.vector_load %arg8[%get3A_2811, %get3A_2812] {strides = array<i32>} : memref<128x256xf32, #tpu.memory_space<vmem>>, vector<1x16xf32>,
        %get3A_2814 = vector.shape_cast %get3A_2813 : vector<1x16xf32> to vector<16xf32>
        %mul3A_2815 = vector.broadcast %squeeze3A_2729 : f32 to vector<16xf32>
        %mul3A_2816 = arith.mulf %mul3A_2815, %get3A_2814 : vector<16xf32>
        %add3A_2817 = arith.addf %add3A_2639, %mul3A_2816 : vector<16xf32>
        %mul3A_2818 = arith.constant 16 : i32
        %mul3A_2819 = arith.muli %scan3A_24, %mul3A_2818 : i32
        %add3A_2820 = arith.constant 15 : i32
        %add3A_2821 = arith.addi %mul3A_2819, %add3A_2820 : i32
        %get3A_2822 = arith.index_cast %add3A_2821 : i32 to index
        %get3A_2823 = arith.constant 128 : index
        %get3A_2824 = tpu.vector_load %arg8[%get3A_2822, %get3A_2823] {strides = array<i32>} : memref<128x256xf32, #tpu.memory_space<vmem>>, vector<1x16xf32>,
        %get3A_2825 = vector.shape_cast %get3A_2824 : vector<1x16xf32> to vector<16xf32>
        %mul3A_2826 = vector.broadcast %squeeze3A_2729 : f32 to vector<16xf32>
        %mul3A_2827 = arith.mulf %mul3A_2826, %get3A_2825 : vector<16xf32>
        %add3A_2828 = arith.addf %add3A_2650, %mul3A_2827 : vector<16xf32>
        %mul3A_2829 = arith.constant 16 : i32
        %mul3A_2830 = arith.muli %scan3A_24, %mul3A_2829 : i32
        %add3A_2831 = arith.constant 15 : i32
        %add3A_2832 = arith.addi %mul3A_2830, %add3A_2831 : i32
        %get3A_2833 = arith.index_cast %add3A_2832 : i32 to index
        %get3A_2834 = arith.constant 144 : index
        %get3A_2835 = tpu.vector_load %arg8[%get3A_2833, %get3A_2834] {strides = array<i32>} : memref<128x256xf32, #tpu.memory_space<vmem>>, vector<1x16xf32>,
        %get3A_2836 = vector.shape_cast %get3A_2835 : vector<1x16xf32> to vector<16xf32>
        %mul3A_2837 = vector.broadcast %squeeze3A_2729 : f32 to vector<16xf32>
        %mul3A_2838 = arith.mulf %mul3A_2837, %get3A_2836 : vector<16xf32>
        %add3A_2839 = arith.addf %add3A_2661, %mul3A_2838 : vector<16xf32>
        %mul3A_2840 = arith.constant 16 : i32
        %mul3A_2841 = arith.muli %scan3A_24, %mul3A_2840 : i32
        %add3A_2842 = arith.constant 15 : i32
        %add3A_2843 = arith.addi %mul3A_2841, %add3A_2842 : i32
        %get3A_2844 = arith.index_cast %add3A_2843 : i32 to index
        %get3A_2845 = arith.constant 160 : index
        %get3A_2846 = tpu.vector_load %arg8[%get3A_2844, %get3A_2845] {strides = array<i32>} : memref<128x256xf32, #tpu.memory_space<vmem>>, vector<1x16xf32>,
        %get3A_2847 = vector.shape_cast %get3A_2846 : vector<1x16xf32> to vector<16xf32>
        %mul3A_2848 = vector.broadcast %squeeze3A_2729 : f32 to vector<16xf32>
        %mul3A_2849 = arith.mulf %mul3A_2848, %get3A_2847 : vector<16xf32>
        %add3A_2850 = arith.addf %add3A_2672, %mul3A_2849 : vector<16xf32>
        %mul3A_2851 = arith.constant 16 : i32
        %mul3A_2852 = arith.muli %scan3A_24, %mul3A_2851 : i32
        %add3A_2853 = arith.constant 15 : i32
        %add3A_2854 = arith.addi %mul3A_2852, %add3A_2853 : i32
        %get3A_2855 = arith.index_cast %add3A_2854 : i32 to index
        %get3A_2856 = arith.constant 176 : index
        %get3A_2857 = tpu.vector_load %arg8[%get3A_2855, %get3A_2856] {strides = array<i32>} : memref<128x256xf32, #tpu.memory_space<vmem>>, vector<1x16xf32>,
        %get3A_2858 = vector.shape_cast %get3A_2857 : vector<1x16xf32> to vector<16xf32>
        %mul3A_2859 = vector.broadcast %squeeze3A_2729 : f32 to vector<16xf32>
        %mul3A_2860 = arith.mulf %mul3A_2859, %get3A_2858 : vector<16xf32>
        %add3A_2861 = arith.addf %add3A_2683, %mul3A_2860 : vector<16xf32>
        %mul3A_2862 = arith.constant 16 : i32
        %mul3A_2863 = arith.muli %scan3A_24, %mul3A_2862 : i32
        %add3A_2864 = arith.constant 15 : i32
        %add3A_2865 = arith.addi %mul3A_2863, %add3A_2864 : i32
        %get3A_2866 = arith.index_cast %add3A_2865 : i32 to index
        %get3A_2867 = arith.constant 192 : index
        %get3A_2868 = tpu.vector_load %arg8[%get3A_2866, %get3A_2867] {strides = array<i32>} : memref<128x256xf32, #tpu.memory_space<vmem>>, vector<1x16xf32>,
        %get3A_2869 = vector.shape_cast %get3A_2868 : vector<1x16xf32> to vector<16xf32>
        %mul3A_2870 = vector.broadcast %squeeze3A_2729 : f32 to vector<16xf32>
        %mul3A_2871 = arith.mulf %mul3A_2870, %get3A_2869 : vector<16xf32>
        %add3A_2872 = arith.addf %add3A_2694, %mul3A_2871 : vector<16xf32>
        %mul3A_2873 = arith.constant 16 : i32
        %mul3A_2874 = arith.muli %scan3A_24, %mul3A_2873 : i32
        %add3A_2875 = arith.constant 15 : i32
        %add3A_2876 = arith.addi %mul3A_2874, %add3A_2875 : i32
        %get3A_2877 = arith.index_cast %add3A_2876 : i32 to index
        %get3A_2878 = arith.constant 208 : index
        %get3A_2879 = tpu.vector_load %arg8[%get3A_2877, %get3A_2878] {strides = array<i32>} : memref<128x256xf32, #tpu.memory_space<vmem>>, vector<1x16xf32>,
        %get3A_2880 = vector.shape_cast %get3A_2879 : vector<1x16xf32> to vector<16xf32>
        %mul3A_2881 = vector.broadcast %squeeze3A_2729 : f32 to vector<16xf32>
        %mul3A_2882 = arith.mulf %mul3A_2881, %get3A_2880 : vector<16xf32>
        %add3A_2883 = arith.addf %add3A_2705, %mul3A_2882 : vector<16xf32>
        %mul3A_2884 = arith.constant 16 : i32
        %mul3A_2885 = arith.muli %scan3A_24, %mul3A_2884 : i32
        %add3A_2886 = arith.constant 15 : i32
        %add3A_2887 = arith.addi %mul3A_2885, %add3A_2886 : i32
        %get3A_2888 = arith.index_cast %add3A_2887 : i32 to index
        %get3A_2889 = arith.constant 224 : index
        %get3A_2890 = tpu.vector_load %arg8[%get3A_2888, %get3A_2889] {strides = array<i32>} : memref<128x256xf32, #tpu.memory_space<vmem>>, vector<1x16xf32>,
        %get3A_2891 = vector.shape_cast %get3A_2890 : vector<1x16xf32> to vector<16xf32>
        %mul3A_2892 = vector.broadcast %squeeze3A_2729 : f32 to vector<16xf32>
        %mul3A_2893 = arith.mulf %mul3A_2892, %get3A_2891 : vector<16xf32>
        %add3A_2894 = arith.addf %add3A_2716, %mul3A_2893 : vector<16xf32>
        %mul3A_2895 = arith.constant 16 : i32
        %mul3A_2896 = arith.muli %scan3A_24, %mul3A_2895 : i32
        %add3A_2897 = arith.constant 15 : i32
        %add3A_2898 = arith.addi %mul3A_2896, %add3A_2897 : i32
        %get3A_2899 = arith.index_cast %add3A_2898 : i32 to index
        %get3A_2900 = arith.constant 240 : index
        %get3A_2901 = tpu.vector_load %arg8[%get3A_2899, %get3A_2900] {strides = array<i32>} : memref<128x256xf32, #tpu.memory_space<vmem>>, vector<1x16xf32>,
        %get3A_2902 = vector.shape_cast %get3A_2901 : vector<1x16xf32> to vector<16xf32>
        %mul3A_2903 = vector.broadcast %squeeze3A_2729 : f32 to vector<16xf32>
        %mul3A_2904 = arith.mulf %mul3A_2903, %get3A_2902 : vector<16xf32>
        %add3A_2905 = arith.addf %add3A_2727, %mul3A_2904 : vector<16xf32>
        %swap3A = arith.index_cast %scan3A_24 : i32 to index
        %swap3A_2906 = arith.constant 0 : index
        %swap3A_2907 = tpu.vector_load %arg9[%swap3A, %swap3A_2906] {strides = array<i32>} : memref<8x256xf32, #tpu.memory_space<vmem>>, vector<1x16xf32>,
        %swap3A_2908 = vector.shape_cast %swap3A_2907 : vector<1x16xf32> to vector<16xf32>
        %swap3A_2909 = vector.shape_cast %add3A_2740 : vector<16xf32> to vector<1x16xf32>
        tpu.vector_store %arg9[%swap3A, %swap3A_2906], %swap3A_2909 {strides = array<i32>} : memref<8x256xf32, #tpu.memory_space<vmem>>, vector<1x16xf32>,
        %swap3A_2910 = arith.index_cast %scan3A_24 : i32 to index
        %swap3A_2911 = arith.constant 16 : index
        %swap3A_2912 = tpu.vector_load %arg9[%swap3A_2910, %swap3A_2911] {strides = array<i32>} : memref<8x256xf32, #tpu.memory_space<vmem>>, vector<1x16xf32>,
        %swap3A_2913 = vector.shape_cast %swap3A_2912 : vector<1x16xf32> to vector<16xf32>
        %swap3A_2914 = vector.shape_cast %add3A_2751 : vector<16xf32> to vector<1x16xf32>
        tpu.vector_store %arg9[%swap3A_2910, %swap3A_2911], %swap3A_2914 {strides = array<i32>} : memref<8x256xf32, #tpu.memory_space<vmem>>, vector<1x16xf32>,
        %swap3A_2915 = arith.index_cast %scan3A_24 : i32 to index
        %swap3A_2916 = arith.constant 32 : index
        %swap3A_2917 = tpu.vector_load %arg9[%swap3A_2915, %swap3A_2916] {strides = array<i32>} : memref<8x256xf32, #tpu.memory_space<vmem>>, vector<1x16xf32>,
        %swap3A_2918 = vector.shape_cast %swap3A_2917 : vector<1x16xf32> to vector<16xf32>
        %swap3A_2919 = vector.shape_cast %add3A_2762 : vector<16xf32> to vector<1x16xf32>
        tpu.vector_store %arg9[%swap3A_2915, %swap3A_2916], %swap3A_2919 {strides = array<i32>} : memref<8x256xf32, #tpu.memory_space<vmem>>, vector<1x16xf32>,
        %swap3A_2920 = arith.index_cast %scan3A_24 : i32 to index
        %swap3A_2921 = arith.constant 48 : index
        %swap3A_2922 = tpu.vector_load %arg9[%swap3A_2920, %swap3A_2921] {strides = array<i32>} : memref<8x256xf32, #tpu.memory_space<vmem>>, vector<1x16xf32>,
        %swap3A_2923 = vector.shape_cast %swap3A_2922 : vector<1x16xf32> to vector<16xf32>
        %swap3A_2924 = vector.shape_cast %add3A_2773 : vector<16xf32> to vector<1x16xf32>
        tpu.vector_store %arg9[%swap3A_2920, %swap3A_2921], %swap3A_2924 {strides = array<i32>} : memref<8x256xf32, #tpu.memory_space<vmem>>, vector<1x16xf32>,
        %swap3A_2925 = arith.index_cast %scan3A_24 : i32 to index
        %swap3A_2926 = arith.constant 64 : index
        %swap3A_2927 = tpu.vector_load %arg9[%swap3A_2925, %swap3A_2926] {strides = array<i32>} : memref<8x256xf32, #tpu.memory_space<vmem>>, vector<1x16xf32>,
        %swap3A_2928 = vector.shape_cast %swap3A_2927 : vector<1x16xf32> to vector<16xf32>
        %swap3A_2929 = vector.shape_cast %add3A_2784 : vector<16xf32> to vector<1x16xf32>
        tpu.vector_store %arg9[%swap3A_2925, %swap3A_2926], %swap3A_2929 {strides = array<i32>} : memref<8x256xf32, #tpu.memory_space<vmem>>, vector<1x16xf32>,
        %swap3A_2930 = arith.index_cast %scan3A_24 : i32 to index
        %swap3A_2931 = arith.constant 80 : index
        %swap3A_2932 = tpu.vector_load %arg9[%swap3A_2930, %swap3A_2931] {strides = array<i32>} : memref<8x256xf32, #tpu.memory_space<vmem>>, vector<1x16xf32>,
        %swap3A_2933 = vector.shape_cast %swap3A_2932 : vector<1x16xf32> to vector<16xf32>
        %swap3A_2934 = vector.shape_cast %add3A_2795 : vector<16xf32> to vector<1x16xf32>
        tpu.vector_store %arg9[%swap3A_2930, %swap3A_2931], %swap3A_2934 {strides = array<i32>} : memref<8x256xf32, #tpu.memory_space<vmem>>, vector<1x16xf32>,
        %swap3A_2935 = arith.index_cast %scan3A_24 : i32 to index
        %swap3A_2936 = arith.constant 96 : index
        %swap3A_2937 = tpu.vector_load %arg9[%swap3A_2935, %swap3A_2936] {strides = array<i32>} : memref<8x256xf32, #tpu.memory_space<vmem>>, vector<1x16xf32>,
        %swap3A_2938 = vector.shape_cast %swap3A_2937 : vector<1x16xf32> to vector<16xf32>
        %swap3A_2939 = vector.shape_cast %add3A_2806 : vector<16xf32> to vector<1x16xf32>
        tpu.vector_store %arg9[%swap3A_2935, %swap3A_2936], %swap3A_2939 {strides = array<i32>} : memref<8x256xf32, #tpu.memory_space<vmem>>, vector<1x16xf32>,
        %swap3A_2940 = arith.index_cast %scan3A_24 : i32 to index
        %swap3A_2941 = arith.constant 112 : index
        %swap3A_2942 = tpu.vector_load %arg9[%swap3A_2940, %swap3A_2941] {strides = array<i32>} : memref<8x256xf32, #tpu.memory_space<vmem>>, vector<1x16xf32>,
        %swap3A_2943 = vector.shape_cast %swap3A_2942 : vector<1x16xf32> to vector<16xf32>
        %swap3A_2944 = vector.shape_cast %add3A_2817 : vector<16xf32> to vector<1x16xf32>
        tpu.vector_store %arg9[%swap3A_2940, %swap3A_2941], %swap3A_2944 {strides = array<i32>} : memref<8x256xf32, #tpu.memory_space<vmem>>, vector<1x16xf32>,
        %swap3A_2945 = arith.index_cast %scan3A_24 : i32 to index
        %swap3A_2946 = arith.constant 128 : index
        %swap3A_2947 = tpu.vector_load %arg9[%swap3A_2945, %swap3A_2946] {strides = array<i32>} : memref<8x256xf32, #tpu.memory_space<vmem>>, vector<1x16xf32>,
        %swap3A_2948 = vector.shape_cast %swap3A_2947 : vector<1x16xf32> to vector<16xf32>
        %swap3A_2949 = vector.shape_cast %add3A_2828 : vector<16xf32> to vector<1x16xf32>
        tpu.vector_store %arg9[%swap3A_2945, %swap3A_2946], %swap3A_2949 {strides = array<i32>} : memref<8x256xf32, #tpu.memory_space<vmem>>, vector<1x16xf32>,
        %swap3A_2950 = arith.index_cast %scan3A_24 : i32 to index
        %swap3A_2951 = arith.constant 144 : index
        %swap3A_2952 = tpu.vector_load %arg9[%swap3A_2950, %swap3A_2951] {strides = array<i32>} : memref<8x256xf32, #tpu.memory_space<vmem>>, vector<1x16xf32>,
        %swap3A_2953 = vector.shape_cast %swap3A_2952 : vector<1x16xf32> to vector<16xf32>
        %swap3A_2954 = vector.shape_cast %add3A_2839 : vector<16xf32> to vector<1x16xf32>
        tpu.vector_store %arg9[%swap3A_2950, %swap3A_2951], %swap3A_2954 {strides = array<i32>} : memref<8x256xf32, #tpu.memory_space<vmem>>, vector<1x16xf32>,
        %swap3A_2955 = arith.index_cast %scan3A_24 : i32 to index
        %swap3A_2956 = arith.constant 160 : index
        %swap3A_2957 = tpu.vector_load %arg9[%swap3A_2955, %swap3A_2956] {strides = array<i32>} : memref<8x256xf32, #tpu.memory_space<vmem>>, vector<1x16xf32>,
        %swap3A_2958 = vector.shape_cast %swap3A_2957 : vector<1x16xf32> to vector<16xf32>
        %swap3A_2959 = vector.shape_cast %add3A_2850 : vector<16xf32> to vector<1x16xf32>
        tpu.vector_store %arg9[%swap3A_2955, %swap3A_2956], %swap3A_2959 {strides = array<i32>} : memref<8x256xf32, #tpu.memory_space<vmem>>, vector<1x16xf32>,
        %swap3A_2960 = arith.index_cast %scan3A_24 : i32 to index
        %swap3A_2961 = arith.constant 176 : index
        %swap3A_2962 = tpu.vector_load %arg9[%swap3A_2960, %swap3A_2961] {strides = array<i32>} : memref<8x256xf32, #tpu.memory_space<vmem>>, vector<1x16xf32>,
        %swap3A_2963 = vector.shape_cast %swap3A_2962 : vector<1x16xf32> to vector<16xf32>
        %swap3A_2964 = vector.shape_cast %add3A_2861 : vector<16xf32> to vector<1x16xf32>
        tpu.vector_store %arg9[%swap3A_2960, %swap3A_2961], %swap3A_2964 {strides = array<i32>} : memref<8x256xf32, #tpu.memory_space<vmem>>, vector<1x16xf32>,
        %swap3A_2965 = arith.index_cast %scan3A_24 : i32 to index
        %swap3A_2966 = arith.constant 192 : index
        %swap3A_2967 = tpu.vector_load %arg9[%swap3A_2965, %swap3A_2966] {strides = array<i32>} : memref<8x256xf32, #tpu.memory_space<vmem>>, vector<1x16xf32>,
        %swap3A_2968 = vector.shape_cast %swap3A_2967 : vector<1x16xf32> to vector<16xf32>
        %swap3A_2969 = vector.shape_cast %add3A_2872 : vector<16xf32> to vector<1x16xf32>
        tpu.vector_store %arg9[%swap3A_2965, %swap3A_2966], %swap3A_2969 {strides = array<i32>} : memref<8x256xf32, #tpu.memory_space<vmem>>, vector<1x16xf32>,
        %swap3A_2970 = arith.index_cast %scan3A_24 : i32 to index
        %swap3A_2971 = arith.constant 208 : index
        %swap3A_2972 = tpu.vector_load %arg9[%swap3A_2970, %swap3A_2971] {strides = array<i32>} : memref<8x256xf32, #tpu.memory_space<vmem>>, vector<1x16xf32>,
        %swap3A_2973 = vector.shape_cast %swap3A_2972 : vector<1x16xf32> to vector<16xf32>
        %swap3A_2974 = vector.shape_cast %add3A_2883 : vector<16xf32> to vector<1x16xf32>
        tpu.vector_store %arg9[%swap3A_2970, %swap3A_2971], %swap3A_2974 {strides = array<i32>} : memref<8x256xf32, #tpu.memory_space<vmem>>, vector<1x16xf32>,
        %swap3A_2975 = arith.index_cast %scan3A_24 : i32 to index
        %swap3A_2976 = arith.constant 224 : index
        %swap3A_2977 = tpu.vector_load %arg9[%swap3A_2975, %swap3A_2976] {strides = array<i32>} : memref<8x256xf32, #tpu.memory_space<vmem>>, vector<1x16xf32>,
        %swap3A_2978 = vector.shape_cast %swap3A_2977 : vector<1x16xf32> to vector<16xf32>
        %swap3A_2979 = vector.shape_cast %add3A_2894 : vector<16xf32> to vector<1x16xf32>
        tpu.vector_store %arg9[%swap3A_2975, %swap3A_2976], %swap3A_2979 {strides = array<i32>} : memref<8x256xf32, #tpu.memory_space<vmem>>, vector<1x16xf32>,
        %swap3A_2980 = arith.index_cast %scan3A_24 : i32 to index
        %swap3A_2981 = arith.constant 240 : index
        %swap3A_2982 = tpu.vector_load %arg9[%swap3A_2980, %swap3A_2981] {strides = array<i32>} : memref<8x256xf32, #tpu.memory_space<vmem>>, vector<1x16xf32>,
        %swap3A_2983 = vector.shape_cast %swap3A_2982 : vector<1x16xf32> to vector<16xf32>
        %swap3A_2984 = vector.shape_cast %add3A_2905 : vector<16xf32> to vector<1x16xf32>
        tpu.vector_store %arg9[%swap3A_2980, %swap3A_2981], %swap3A_2984 {strides = array<i32>} : memref<8x256xf32, #tpu.memory_space<vmem>>, vector<1x16xf32>,
      }
      %scan3A_23 = arith.constant 8 : i32
      "tpu.region"() ({
        %run_scoped3A = tpu.sem_alloc : memref<!tpu.dma_semaphore, #tpu.memory_space<semaphore_mem>>
        %dma_start3A_24 = arith.constant 0 : i32
        %dma_start3A_25 = tpu.memref_slice %arg5[%add3A_11, %dma_start3A_24] : memref<10240x256xf32, #tpu.memory_space<hbm>> -> memref<8x256xf32, #tpu.memory_space<hbm>>
        %dma_start3A_26 = arith.constant 0 : i32
        %dma_start3A_27 = tpu.memref_slice %arg5[%add3A_11, %dma_start3A_26] : memref<10240x256xf32, #tpu.memory_space<hbm>> -> memref<8x256xf32, #tpu.memory_space<hbm>>
        tpu.enqueue_dma source(%arg9 : memref<8x256xf32, #tpu.memory_space<vmem>>) target(%dma_start3A_27 : memref<8x256xf32, #tpu.memory_space<hbm>>) target_semaphore(%run_scoped3A : memref<!tpu.dma_semaphore, #tpu.memory_space<semaphore_mem>>)
        %dma_wait3A_28 = arith.constant 0 : i32
        %dma_wait3A_29 = tpu.memref_slice %arg5[%add3A_11, %dma_wait3A_28] : memref<10240x256xf32, #tpu.memory_space<hbm>> -> memref<8x256xf32, #tpu.memory_space<hbm>>
        %dma_wait3A_30 = arith.constant 0 : i32
        %dma_wait3A_31 = tpu.memref_slice %arg5[%add3A_11, %dma_wait3A_30] : memref<10240x256xf32, #tpu.memory_space<hbm>> -> memref<8x256xf32, #tpu.memory_space<hbm>>
        tpu.wait_dma2 semaphore(%run_scoped3A : memref<!tpu.dma_semaphore, #tpu.memory_space<semaphore_mem>>) src(%arg9 : memref<8x256xf32, #tpu.memory_space<vmem>>) dst(%dma_wait3A_31 : memref<8x256xf32, #tpu.memory_space<hbm>>)
        tpu.yield
      }) : () -> ()
    }
    %scan3A_5 = arith.constant 40 : i32
    return
  }
}

module attributes {stable_mosaic.version = 14 : i64} {
  func.func @_featlat_body(%arg0: i32, %arg1: memref<128x256xf32, #tpu.memory_space<vmem>>, %arg2: memref<256x256xf32, #tpu.memory_space<vmem>>, %arg3: memref<1x256xf32, #tpu.memory_space<vmem>>, %arg4: memref<256x4xf32, #tpu.memory_space<vmem>>, %arg5: memref<1x4xf32, #tpu.memory_space<vmem>>, %arg6: memref<128x256xf32, #tpu.memory_space<vmem>>, %arg7: memref<128x4xf32, #tpu.memory_space<vmem>>) attributes {dimension_semantics = [#tpu.dimension_semantics<arbitrary>], iteration_bounds = array<i64: 80>, scalar_prefetch = 0 : i64, scratch_operands = 0 : i64, tpu.core_type = #tpu.core_type<tc>, window_params = [{transform_indices = @transform_0, window_bounds = array<i64: 128, 256>}, {pipeline_mode = #tpu.pipeline_mode<synchronous>, transform_indices = @transform_1, window_bounds = array<i64: 256, 256>}, {pipeline_mode = #tpu.pipeline_mode<synchronous>, transform_indices = @transform_2, window_bounds = array<i64: 1, 256>}, {pipeline_mode = #tpu.pipeline_mode<synchronous>, transform_indices = @transform_3, window_bounds = array<i64: 256, 4>}, {pipeline_mode = #tpu.pipeline_mode<synchronous>, transform_indices = @transform_4, window_bounds = array<i64: 1, 4>}, {transform_indices = @transform_5, window_bounds = array<i64: 128, 256>}, {transform_indices = @transform_6, window_bounds = array<i64: 128, 4>}]} {
    %get3A = arith.constant 0 : index
    %get3A_0 = arith.constant 0 : index
    %get3A_1 = vector.load %arg1[%get3A, %get3A_0] : memref<128x256xf32, #tpu.memory_space<vmem>>, vector<128x256xf32>
    %get3A_2 = arith.constant 0 : index
    %get3A_3 = arith.constant 0 : index
    %get3A_4 = vector.load %arg2[%get3A_2, %get3A_3] : memref<256x256xf32, #tpu.memory_space<vmem>>, vector<256x256xf32>
    %dot_general3A = arith.constant dense<0.000000e+00> : vector<128x256xf32>
    %dot_general3A_5 = tpu.matmul %get3A_1, %get3A_4, %dot_general3A {dimension_numbers = #tpu.dot_dimension_numbers<[1], [0], [0], [1], [0, 0, 1, 1], [], []>, transpose_lhs_hint = false} : vector<128x256xf32>, vector<256x256xf32>, vector<128x256xf32> -> vector<128x256xf32>
    %get3A_6 = arith.constant 0 : index
    %get3A_7 = arith.constant 0 : index
    %get3A_8 = vector.load %arg3[%get3A_6, %get3A_7] : memref<1x256xf32, #tpu.memory_space<vmem>>, vector<1x256xf32>
    %add3A = vector.broadcast %get3A_8 : vector<1x256xf32> to vector<128x256xf32>
    %add3A_9 = arith.addf %dot_general3A_5, %add3A : vector<128x256xf32>
    %tanh3A = math.tanh %add3A_9 : vector<128x256xf32>
    %swap3A = arith.constant 0 : index
    %swap3A_10 = arith.constant 0 : index
    %swap3A_11 = vector.load %arg6[%swap3A, %swap3A_10] : memref<128x256xf32, #tpu.memory_space<vmem>>, vector<128x256xf32>
    tpu.vector_store %arg6[%swap3A, %swap3A_10], %tanh3A {strides = array<i32>} : memref<128x256xf32, #tpu.memory_space<vmem>>, vector<128x256xf32>,
    %get3A_12 = arith.constant 0 : index
    %get3A_13 = arith.constant 0 : index
    %get3A_14 = vector.load %arg4[%get3A_12, %get3A_13] : memref<256x4xf32, #tpu.memory_space<vmem>>, vector<256x4xf32>
    %dot_general3A_15 = arith.constant dense<0.000000e+00> : vector<128x4xf32>
    %dot_general3A_16 = tpu.matmul %get3A_1, %get3A_14, %dot_general3A_15 {dimension_numbers = #tpu.dot_dimension_numbers<[1], [0], [0], [1], [0, 0, 1, 1], [], []>, transpose_lhs_hint = false} : vector<128x256xf32>, vector<256x4xf32>, vector<128x4xf32> -> vector<128x4xf32>
    %get3A_17 = arith.constant 0 : index
    %get3A_18 = arith.constant 0 : index
    %get3A_19 = vector.load %arg5[%get3A_17, %get3A_18] : memref<1x4xf32, #tpu.memory_space<vmem>>, vector<1x4xf32>
    %add3A_20 = vector.broadcast %get3A_19 : vector<1x4xf32> to vector<128x4xf32>
    %add3A_21 = arith.addf %dot_general3A_16, %add3A_20 : vector<128x4xf32>
    %tanh3A_22 = math.tanh %add3A_21 : vector<128x4xf32>
    %swap3A_23 = arith.constant 0 : index
    %swap3A_24 = arith.constant 0 : index
    %swap3A_25 = vector.load %arg7[%swap3A_23, %swap3A_24] : memref<128x4xf32, #tpu.memory_space<vmem>>, vector<128x4xf32>
    tpu.vector_store %arg7[%swap3A_23, %swap3A_24], %tanh3A_22 {strides = array<i32>} : memref<128x4xf32, #tpu.memory_space<vmem>>, vector<128x4xf32>,
    return
  }
  func.func @transform_0(%arg0: i32) -> (i32, i32) {
    %c0_i32 = arith.constant 0 : i32
    %c0_i32_0 = arith.constant 0 : i32
    return %arg0, %c0_i32 : i32, i32
  }
  func.func @transform_1(%arg0: i32) -> (i32, i32) {
    %c0_i32 = arith.constant 0 : i32
    %c0_i32_0 = arith.constant 0 : i32
    %c0_i32_1 = arith.constant 0 : i32
    return %c0_i32, %c0_i32_0 : i32, i32
  }
  func.func @transform_2(%arg0: i32) -> (i32, i32) {
    %c0_i32 = arith.constant 0 : i32
    %c0_i32_0 = arith.constant 0 : i32
    %c0_i32_1 = arith.constant 0 : i32
    return %c0_i32, %c0_i32_0 : i32, i32
  }
  func.func @transform_3(%arg0: i32) -> (i32, i32) {
    %c0_i32 = arith.constant 0 : i32
    %c0_i32_0 = arith.constant 0 : i32
    %c0_i32_1 = arith.constant 0 : i32
    return %c0_i32, %c0_i32_0 : i32, i32
  }
  func.func @transform_4(%arg0: i32) -> (i32, i32) {
    %c0_i32 = arith.constant 0 : i32
    %c0_i32_0 = arith.constant 0 : i32
    %c0_i32_1 = arith.constant 0 : i32
    return %c0_i32, %c0_i32_0 : i32, i32
  }
  func.func @transform_5(%arg0: i32) -> (i32, i32) {
    %c0_i32 = arith.constant 0 : i32
    %c0_i32_0 = arith.constant 0 : i32
    return %arg0, %c0_i32 : i32, i32
  }
  func.func @transform_6(%arg0: i32) -> (i32, i32) {
    %c0_i32 = arith.constant 0 : i32
    %c0_i32_0 = arith.constant 0 : i32
    return %arg0, %c0_i32 : i32, i32
  }
}

module attributes {stable_mosaic.version = 14 : i64} {
  func.func @_topk_body(%arg0: i32, %arg1: memref<4x10240xf32, #tpu.memory_space<vmem>>, %arg2: memref<128x4xf32, #tpu.memory_space<vmem>>, %arg3: memref<128x16xi32, #tpu.memory_space<vmem>>, %arg4: memref<128x16xf32, #tpu.memory_space<vmem>>) attributes {dimension_semantics = [#tpu.dimension_semantics<arbitrary>], iteration_bounds = array<i64: 80>, scalar_prefetch = 0 : i64, scratch_operands = 0 : i64, tpu.core_type = #tpu.core_type<tc>, window_params = [{pipeline_mode = #tpu.pipeline_mode<synchronous>, transform_indices = @transform_0, window_bounds = array<i64: 4, 10240>}, {transform_indices = @transform_1, window_bounds = array<i64: 128, 4>}, {transform_indices = @transform_2, window_bounds = array<i64: 128, 16>}, {transform_indices = @transform_3, window_bounds = array<i64: 128, 16>}]} {
    %get3A = arith.constant 0 : index
    %get3A_0 = arith.constant 0 : index
    %get3A_1 = vector.load %arg1[%get3A, %get3A_0] : memref<4x10240xf32, #tpu.memory_space<vmem>>, vector<4x10240xf32>
    %get3A_2 = arith.constant 0 : index
    %get3A_3 = arith.constant 0 : index
    %get3A_4 = vector.load %arg2[%get3A_2, %get3A_3] : memref<128x4xf32, #tpu.memory_space<vmem>>, vector<128x4xf32>
    %mul3A = arith.mulf %get3A_1, %get3A_1 : vector<4x10240xf32>
    %reduce_sum3A = arith.constant dense<0.000000e+00> : vector<10240xf32>
    %reduce_sum3A_5 = vector.multi_reduction <add>, %mul3A, %reduce_sum3A [0] : vector<4x10240xf32> to vector<10240xf32>
    %broadcast_in_dim3A = vector.shape_cast %reduce_sum3A_5 : vector<10240xf32> to vector<1x10240xf32>
    %mul3A_6 = arith.mulf %get3A_4, %get3A_4 : vector<128x4xf32>
    %reduce_sum3A_7 = arith.constant dense<0.000000e+00> : vector<128xf32>
    %reduce_sum3A_8 = vector.multi_reduction <add>, %mul3A_6, %reduce_sum3A_7 [1] : vector<128x4xf32> to vector<128xf32>
    %broadcast_in_dim3A_9 = vector.shape_cast %reduce_sum3A_8 : vector<128xf32> to vector<128x1xf32>
    %convert_element_type3A = arith.truncf %get3A_1 : vector<4x10240xf32> to vector<4x10240xbf16>
    %convert_element_type3A_10 = arith.extf %convert_element_type3A : vector<4x10240xbf16> to vector<4x10240xf32>
    %convert_element_type3A_11 = arith.truncf %get3A_4 : vector<128x4xf32> to vector<128x4xbf16>
    %convert_element_type3A_12 = arith.extf %convert_element_type3A_11 : vector<128x4xbf16> to vector<128x4xf32>
    %slice3A = vector.extract_strided_slice %convert_element_type3A_12 {offsets = [0, 0], sizes = [128, 1], strides = [1, 1]} : vector<128x4xf32> to vector<128x1xf32>
    %slice3A_13 = vector.extract_strided_slice %convert_element_type3A_10 {offsets = [0, 0], sizes = [1, 10240], strides = [1, 1]} : vector<4x10240xf32> to vector<1x10240xf32>
    %mul3A_14 = vector.broadcast %slice3A : vector<128x1xf32> to vector<128x10240xf32>
    %mul3A_15 = vector.broadcast %slice3A_13 : vector<1x10240xf32> to vector<128x10240xf32>
    %mul3A_16 = arith.mulf %mul3A_14, %mul3A_15 : vector<128x10240xf32>
    %slice3A_17 = vector.extract_strided_slice %convert_element_type3A_12 {offsets = [0, 1], sizes = [128, 1], strides = [1, 1]} : vector<128x4xf32> to vector<128x1xf32>
    %slice3A_18 = vector.extract_strided_slice %convert_element_type3A_10 {offsets = [1, 0], sizes = [1, 10240], strides = [1, 1]} : vector<4x10240xf32> to vector<1x10240xf32>
    %mul3A_19 = vector.broadcast %slice3A_17 : vector<128x1xf32> to vector<128x10240xf32>
    %mul3A_20 = vector.broadcast %slice3A_18 : vector<1x10240xf32> to vector<128x10240xf32>
    %mul3A_21 = arith.mulf %mul3A_19, %mul3A_20 : vector<128x10240xf32>
    %add3A = arith.addf %mul3A_16, %mul3A_21 : vector<128x10240xf32>
    %slice3A_22 = vector.extract_strided_slice %convert_element_type3A_12 {offsets = [0, 2], sizes = [128, 1], strides = [1, 1]} : vector<128x4xf32> to vector<128x1xf32>
    %slice3A_23 = vector.extract_strided_slice %convert_element_type3A_10 {offsets = [2, 0], sizes = [1, 10240], strides = [1, 1]} : vector<4x10240xf32> to vector<1x10240xf32>
    %mul3A_24 = vector.broadcast %slice3A_22 : vector<128x1xf32> to vector<128x10240xf32>
    %mul3A_25 = vector.broadcast %slice3A_23 : vector<1x10240xf32> to vector<128x10240xf32>
    %mul3A_26 = arith.mulf %mul3A_24, %mul3A_25 : vector<128x10240xf32>
    %add3A_27 = arith.addf %add3A, %mul3A_26 : vector<128x10240xf32>
    %slice3A_28 = vector.extract_strided_slice %convert_element_type3A_12 {offsets = [0, 3], sizes = [128, 1], strides = [1, 1]} : vector<128x4xf32> to vector<128x1xf32>
    %slice3A_29 = vector.extract_strided_slice %convert_element_type3A_10 {offsets = [3, 0], sizes = [1, 10240], strides = [1, 1]} : vector<4x10240xf32> to vector<1x10240xf32>
    %mul3A_30 = vector.broadcast %slice3A_28 : vector<128x1xf32> to vector<128x10240xf32>
    %mul3A_31 = vector.broadcast %slice3A_29 : vector<1x10240xf32> to vector<128x10240xf32>
    %mul3A_32 = arith.mulf %mul3A_30, %mul3A_31 : vector<128x10240xf32>
    %add3A_33 = arith.addf %add3A_27, %mul3A_32 : vector<128x10240xf32>
    %add3A_34 = vector.broadcast %broadcast_in_dim3A_9 : vector<128x1xf32> to vector<128x10240xf32>
    %add3A_35 = vector.broadcast %broadcast_in_dim3A : vector<1x10240xf32> to vector<128x10240xf32>
    %add3A_36 = arith.addf %add3A_34, %add3A_35 : vector<128x10240xf32>
    %mul3A_37 = arith.constant 2.000000e+00 : f32
    %mul3A_38 = vector.broadcast %mul3A_37 : f32 to vector<128x10240xf32>
    %mul3A_39 = arith.mulf %mul3A_38, %add3A_33 : vector<128x10240xf32>
    %sub3A = arith.subf %add3A_36, %mul3A_39 : vector<128x10240xf32>
    %max3A = arith.constant 0.000000e+00 : f32
    %max3A_40 = vector.broadcast %max3A : f32 to vector<128x10240xf32>
    %max3A_41 = arith.maximumf %sub3A, %max3A_40 : vector<128x10240xf32>
    %iota3A = tpu.iota {dimensions = array<i32: 1>} : vector<128x10240xi32>
    %iota3A_42 = tpu.iota {dimensions = array<i32: 0>} : vector<128x10240xi32>
    %mul3A_43 = arith.constant 128 : i32
    %mul3A_44 = arith.muli %arg0, %mul3A_43 : i32
    %add3A_45 = vector.broadcast %mul3A_44 : i32 to vector<128x10240xi32>
    %add3A_46 = arith.addi %iota3A_42, %add3A_45 : vector<128x10240xi32>
    %eq3A = arith.cmpi eq, %iota3A, %add3A_46 : vector<128x10240xi32>
    %ge3A = arith.constant 10000 : i32
    %ge3A_47 = vector.broadcast %ge3A : i32 to vector<128x10240xi32>
    %ge3A_48 = arith.cmpi sge, %iota3A, %ge3A_47 : vector<128x10240xi32>
    %or3A = arith.ori %eq3A, %ge3A_48 : vector<128x10240xi1>
    %jit3A = arith.constant 0x7F800000 : f32
    %broadcast_in_dim3A_49 = vector.broadcast %jit3A : f32 to vector<128x10240xf32>
    %select_n3A = arith.select %or3A, %broadcast_in_dim3A_49, %max3A_41 : vector<128x10240xi1>, vector<128x10240xf32>
    %reduce_min3A = arith.constant dense<0x7F800000> : vector<128xf32>
    %reduce_min3A_50 = vector.multi_reduction <minimumf>, %select_n3A, %reduce_min3A [1] : vector<128x10240xf32> to vector<128xf32>
    %broadcast_in_dim3A_51 = vector.shape_cast %reduce_min3A_50 : vector<128xf32> to vector<128x1xf32>
    %eq3A_52 = vector.broadcast %broadcast_in_dim3A_51 : vector<128x1xf32> to vector<128x10240xf32>
    %eq3A_53 = arith.cmpf oeq, %select_n3A, %eq3A_52 : vector<128x10240xf32>
    %jit3A_54 = arith.constant 10240 : i32
    %broadcast_in_dim3A_55 = vector.broadcast %jit3A_54 : i32 to vector<128x10240xi32>
    %select_n3A_56 = arith.select %eq3A_53, %iota3A, %broadcast_in_dim3A_55 : vector<128x10240xi1>, vector<128x10240xi32>
    %reduce_min3A_57 = arith.constant dense<2147483647> : vector<128xi32>
    %reduce_min3A_58 = vector.multi_reduction <minsi>, %select_n3A_56, %reduce_min3A_57 [1] : vector<128x10240xi32> to vector<128xi32>
    %broadcast_in_dim3A_59 = vector.shape_cast %reduce_min3A_58 : vector<128xi32> to vector<128x1xi32>
    %eq3A_60 = vector.broadcast %broadcast_in_dim3A_59 : vector<128x1xi32> to vector<128x10240xi32>
    %eq3A_61 = arith.cmpi eq, %iota3A, %eq3A_60 : vector<128x10240xi32>
    %jit3A_62 = arith.constant 0x7F800000 : f32
    %broadcast_in_dim3A_63 = vector.broadcast %jit3A_62 : f32 to vector<128x10240xf32>
    %select_n3A_64 = arith.select %eq3A_61, %broadcast_in_dim3A_63, %select_n3A : vector<128x10240xi1>, vector<128x10240xf32>
    %reduce_min3A_65 = arith.constant dense<0x7F800000> : vector<128xf32>
    %reduce_min3A_66 = vector.multi_reduction <minimumf>, %select_n3A_64, %reduce_min3A_65 [1] : vector<128x10240xf32> to vector<128xf32>
    %broadcast_in_dim3A_67 = vector.shape_cast %reduce_min3A_66 : vector<128xf32> to vector<128x1xf32>
    %eq3A_68 = vector.broadcast %broadcast_in_dim3A_67 : vector<128x1xf32> to vector<128x10240xf32>
    %eq3A_69 = arith.cmpf oeq, %select_n3A_64, %eq3A_68 : vector<128x10240xf32>
    %jit3A_70 = arith.constant 10240 : i32
    %broadcast_in_dim3A_71 = vector.broadcast %jit3A_70 : i32 to vector<128x10240xi32>
    %select_n3A_72 = arith.select %eq3A_69, %iota3A, %broadcast_in_dim3A_71 : vector<128x10240xi1>, vector<128x10240xi32>
    %reduce_min3A_73 = arith.constant dense<2147483647> : vector<128xi32>
    %reduce_min3A_74 = vector.multi_reduction <minsi>, %select_n3A_72, %reduce_min3A_73 [1] : vector<128x10240xi32> to vector<128xi32>
    %broadcast_in_dim3A_75 = vector.shape_cast %reduce_min3A_74 : vector<128xi32> to vector<128x1xi32>
    %eq3A_76 = vector.broadcast %broadcast_in_dim3A_75 : vector<128x1xi32> to vector<128x10240xi32>
    %eq3A_77 = arith.cmpi eq, %iota3A, %eq3A_76 : vector<128x10240xi32>
    %jit3A_78 = arith.constant 0x7F800000 : f32
    %broadcast_in_dim3A_79 = vector.broadcast %jit3A_78 : f32 to vector<128x10240xf32>
    %select_n3A_80 = arith.select %eq3A_77, %broadcast_in_dim3A_79, %select_n3A_64 : vector<128x10240xi1>, vector<128x10240xf32>
    %reduce_min3A_81 = arith.constant dense<0x7F800000> : vector<128xf32>
    %reduce_min3A_82 = vector.multi_reduction <minimumf>, %select_n3A_80, %reduce_min3A_81 [1] : vector<128x10240xf32> to vector<128xf32>
    %broadcast_in_dim3A_83 = vector.shape_cast %reduce_min3A_82 : vector<128xf32> to vector<128x1xf32>
    %eq3A_84 = vector.broadcast %broadcast_in_dim3A_83 : vector<128x1xf32> to vector<128x10240xf32>
    %eq3A_85 = arith.cmpf oeq, %select_n3A_80, %eq3A_84 : vector<128x10240xf32>
    %jit3A_86 = arith.constant 10240 : i32
    %broadcast_in_dim3A_87 = vector.broadcast %jit3A_86 : i32 to vector<128x10240xi32>
    %select_n3A_88 = arith.select %eq3A_85, %iota3A, %broadcast_in_dim3A_87 : vector<128x10240xi1>, vector<128x10240xi32>
    %reduce_min3A_89 = arith.constant dense<2147483647> : vector<128xi32>
    %reduce_min3A_90 = vector.multi_reduction <minsi>, %select_n3A_88, %reduce_min3A_89 [1] : vector<128x10240xi32> to vector<128xi32>
    %broadcast_in_dim3A_91 = vector.shape_cast %reduce_min3A_90 : vector<128xi32> to vector<128x1xi32>
    %eq3A_92 = vector.broadcast %broadcast_in_dim3A_91 : vector<128x1xi32> to vector<128x10240xi32>
    %eq3A_93 = arith.cmpi eq, %iota3A, %eq3A_92 : vector<128x10240xi32>
    %jit3A_94 = arith.constant 0x7F800000 : f32
    %broadcast_in_dim3A_95 = vector.broadcast %jit3A_94 : f32 to vector<128x10240xf32>
    %select_n3A_96 = arith.select %eq3A_93, %broadcast_in_dim3A_95, %select_n3A_80 : vector<128x10240xi1>, vector<128x10240xf32>
    %reduce_min3A_97 = arith.constant dense<0x7F800000> : vector<128xf32>
    %reduce_min3A_98 = vector.multi_reduction <minimumf>, %select_n3A_96, %reduce_min3A_97 [1] : vector<128x10240xf32> to vector<128xf32>
    %broadcast_in_dim3A_99 = vector.shape_cast %reduce_min3A_98 : vector<128xf32> to vector<128x1xf32>
    %eq3A_100 = vector.broadcast %broadcast_in_dim3A_99 : vector<128x1xf32> to vector<128x10240xf32>
    %eq3A_101 = arith.cmpf oeq, %select_n3A_96, %eq3A_100 : vector<128x10240xf32>
    %jit3A_102 = arith.constant 10240 : i32
    %broadcast_in_dim3A_103 = vector.broadcast %jit3A_102 : i32 to vector<128x10240xi32>
    %select_n3A_104 = arith.select %eq3A_101, %iota3A, %broadcast_in_dim3A_103 : vector<128x10240xi1>, vector<128x10240xi32>
    %reduce_min3A_105 = arith.constant dense<2147483647> : vector<128xi32>
    %reduce_min3A_106 = vector.multi_reduction <minsi>, %select_n3A_104, %reduce_min3A_105 [1] : vector<128x10240xi32> to vector<128xi32>
    %broadcast_in_dim3A_107 = vector.shape_cast %reduce_min3A_106 : vector<128xi32> to vector<128x1xi32>
    %eq3A_108 = vector.broadcast %broadcast_in_dim3A_107 : vector<128x1xi32> to vector<128x10240xi32>
    %eq3A_109 = arith.cmpi eq, %iota3A, %eq3A_108 : vector<128x10240xi32>
    %jit3A_110 = arith.constant 0x7F800000 : f32
    %broadcast_in_dim3A_111 = vector.broadcast %jit3A_110 : f32 to vector<128x10240xf32>
    %select_n3A_112 = arith.select %eq3A_109, %broadcast_in_dim3A_111, %select_n3A_96 : vector<128x10240xi1>, vector<128x10240xf32>
    %reduce_min3A_113 = arith.constant dense<0x7F800000> : vector<128xf32>
    %reduce_min3A_114 = vector.multi_reduction <minimumf>, %select_n3A_112, %reduce_min3A_113 [1] : vector<128x10240xf32> to vector<128xf32>
    %broadcast_in_dim3A_115 = vector.shape_cast %reduce_min3A_114 : vector<128xf32> to vector<128x1xf32>
    %eq3A_116 = vector.broadcast %broadcast_in_dim3A_115 : vector<128x1xf32> to vector<128x10240xf32>
    %eq3A_117 = arith.cmpf oeq, %select_n3A_112, %eq3A_116 : vector<128x10240xf32>
    %jit3A_118 = arith.constant 10240 : i32
    %broadcast_in_dim3A_119 = vector.broadcast %jit3A_118 : i32 to vector<128x10240xi32>
    %select_n3A_120 = arith.select %eq3A_117, %iota3A, %broadcast_in_dim3A_119 : vector<128x10240xi1>, vector<128x10240xi32>
    %reduce_min3A_121 = arith.constant dense<2147483647> : vector<128xi32>
    %reduce_min3A_122 = vector.multi_reduction <minsi>, %select_n3A_120, %reduce_min3A_121 [1] : vector<128x10240xi32> to vector<128xi32>
    %broadcast_in_dim3A_123 = vector.shape_cast %reduce_min3A_122 : vector<128xi32> to vector<128x1xi32>
    %eq3A_124 = vector.broadcast %broadcast_in_dim3A_123 : vector<128x1xi32> to vector<128x10240xi32>
    %eq3A_125 = arith.cmpi eq, %iota3A, %eq3A_124 : vector<128x10240xi32>
    %jit3A_126 = arith.constant 0x7F800000 : f32
    %broadcast_in_dim3A_127 = vector.broadcast %jit3A_126 : f32 to vector<128x10240xf32>
    %select_n3A_128 = arith.select %eq3A_125, %broadcast_in_dim3A_127, %select_n3A_112 : vector<128x10240xi1>, vector<128x10240xf32>
    %reduce_min3A_129 = arith.constant dense<0x7F800000> : vector<128xf32>
    %reduce_min3A_130 = vector.multi_reduction <minimumf>, %select_n3A_128, %reduce_min3A_129 [1] : vector<128x10240xf32> to vector<128xf32>
    %broadcast_in_dim3A_131 = vector.shape_cast %reduce_min3A_130 : vector<128xf32> to vector<128x1xf32>
    %eq3A_132 = vector.broadcast %broadcast_in_dim3A_131 : vector<128x1xf32> to vector<128x10240xf32>
    %eq3A_133 = arith.cmpf oeq, %select_n3A_128, %eq3A_132 : vector<128x10240xf32>
    %jit3A_134 = arith.constant 10240 : i32
    %broadcast_in_dim3A_135 = vector.broadcast %jit3A_134 : i32 to vector<128x10240xi32>
    %select_n3A_136 = arith.select %eq3A_133, %iota3A, %broadcast_in_dim3A_135 : vector<128x10240xi1>, vector<128x10240xi32>
    %reduce_min3A_137 = arith.constant dense<2147483647> : vector<128xi32>
    %reduce_min3A_138 = vector.multi_reduction <minsi>, %select_n3A_136, %reduce_min3A_137 [1] : vector<128x10240xi32> to vector<128xi32>
    %broadcast_in_dim3A_139 = vector.shape_cast %reduce_min3A_138 : vector<128xi32> to vector<128x1xi32>
    %eq3A_140 = vector.broadcast %broadcast_in_dim3A_139 : vector<128x1xi32> to vector<128x10240xi32>
    %eq3A_141 = arith.cmpi eq, %iota3A, %eq3A_140 : vector<128x10240xi32>
    %jit3A_142 = arith.constant 0x7F800000 : f32
    %broadcast_in_dim3A_143 = vector.broadcast %jit3A_142 : f32 to vector<128x10240xf32>
    %select_n3A_144 = arith.select %eq3A_141, %broadcast_in_dim3A_143, %select_n3A_128 : vector<128x10240xi1>, vector<128x10240xf32>
    %reduce_min3A_145 = arith.constant dense<0x7F800000> : vector<128xf32>
    %reduce_min3A_146 = vector.multi_reduction <minimumf>, %select_n3A_144, %reduce_min3A_145 [1] : vector<128x10240xf32> to vector<128xf32>
    %broadcast_in_dim3A_147 = vector.shape_cast %reduce_min3A_146 : vector<128xf32> to vector<128x1xf32>
    %eq3A_148 = vector.broadcast %broadcast_in_dim3A_147 : vector<128x1xf32> to vector<128x10240xf32>
    %eq3A_149 = arith.cmpf oeq, %select_n3A_144, %eq3A_148 : vector<128x10240xf32>
    %jit3A_150 = arith.constant 10240 : i32
    %broadcast_in_dim3A_151 = vector.broadcast %jit3A_150 : i32 to vector<128x10240xi32>
    %select_n3A_152 = arith.select %eq3A_149, %iota3A, %broadcast_in_dim3A_151 : vector<128x10240xi1>, vector<128x10240xi32>
    %reduce_min3A_153 = arith.constant dense<2147483647> : vector<128xi32>
    %reduce_min3A_154 = vector.multi_reduction <minsi>, %select_n3A_152, %reduce_min3A_153 [1] : vector<128x10240xi32> to vector<128xi32>
    %broadcast_in_dim3A_155 = vector.shape_cast %reduce_min3A_154 : vector<128xi32> to vector<128x1xi32>
    %eq3A_156 = vector.broadcast %broadcast_in_dim3A_155 : vector<128x1xi32> to vector<128x10240xi32>
    %eq3A_157 = arith.cmpi eq, %iota3A, %eq3A_156 : vector<128x10240xi32>
    %jit3A_158 = arith.constant 0x7F800000 : f32
    %broadcast_in_dim3A_159 = vector.broadcast %jit3A_158 : f32 to vector<128x10240xf32>
    %select_n3A_160 = arith.select %eq3A_157, %broadcast_in_dim3A_159, %select_n3A_144 : vector<128x10240xi1>, vector<128x10240xf32>
    %reduce_min3A_161 = arith.constant dense<0x7F800000> : vector<128xf32>
    %reduce_min3A_162 = vector.multi_reduction <minimumf>, %select_n3A_160, %reduce_min3A_161 [1] : vector<128x10240xf32> to vector<128xf32>
    %broadcast_in_dim3A_163 = vector.shape_cast %reduce_min3A_162 : vector<128xf32> to vector<128x1xf32>
    %eq3A_164 = vector.broadcast %broadcast_in_dim3A_163 : vector<128x1xf32> to vector<128x10240xf32>
    %eq3A_165 = arith.cmpf oeq, %select_n3A_160, %eq3A_164 : vector<128x10240xf32>
    %jit3A_166 = arith.constant 10240 : i32
    %broadcast_in_dim3A_167 = vector.broadcast %jit3A_166 : i32 to vector<128x10240xi32>
    %select_n3A_168 = arith.select %eq3A_165, %iota3A, %broadcast_in_dim3A_167 : vector<128x10240xi1>, vector<128x10240xi32>
    %reduce_min3A_169 = arith.constant dense<2147483647> : vector<128xi32>
    %reduce_min3A_170 = vector.multi_reduction <minsi>, %select_n3A_168, %reduce_min3A_169 [1] : vector<128x10240xi32> to vector<128xi32>
    %broadcast_in_dim3A_171 = vector.shape_cast %reduce_min3A_170 : vector<128xi32> to vector<128x1xi32>
    %eq3A_172 = vector.broadcast %broadcast_in_dim3A_171 : vector<128x1xi32> to vector<128x10240xi32>
    %eq3A_173 = arith.cmpi eq, %iota3A, %eq3A_172 : vector<128x10240xi32>
    %jit3A_174 = arith.constant 0x7F800000 : f32
    %broadcast_in_dim3A_175 = vector.broadcast %jit3A_174 : f32 to vector<128x10240xf32>
    %select_n3A_176 = arith.select %eq3A_173, %broadcast_in_dim3A_175, %select_n3A_160 : vector<128x10240xi1>, vector<128x10240xf32>
    %reduce_min3A_177 = arith.constant dense<0x7F800000> : vector<128xf32>
    %reduce_min3A_178 = vector.multi_reduction <minimumf>, %select_n3A_176, %reduce_min3A_177 [1] : vector<128x10240xf32> to vector<128xf32>
    %broadcast_in_dim3A_179 = vector.shape_cast %reduce_min3A_178 : vector<128xf32> to vector<128x1xf32>
    %eq3A_180 = vector.broadcast %broadcast_in_dim3A_179 : vector<128x1xf32> to vector<128x10240xf32>
    %eq3A_181 = arith.cmpf oeq, %select_n3A_176, %eq3A_180 : vector<128x10240xf32>
    %jit3A_182 = arith.constant 10240 : i32
    %broadcast_in_dim3A_183 = vector.broadcast %jit3A_182 : i32 to vector<128x10240xi32>
    %select_n3A_184 = arith.select %eq3A_181, %iota3A, %broadcast_in_dim3A_183 : vector<128x10240xi1>, vector<128x10240xi32>
    %reduce_min3A_185 = arith.constant dense<2147483647> : vector<128xi32>
    %reduce_min3A_186 = vector.multi_reduction <minsi>, %select_n3A_184, %reduce_min3A_185 [1] : vector<128x10240xi32> to vector<128xi32>
    %broadcast_in_dim3A_187 = vector.shape_cast %reduce_min3A_186 : vector<128xi32> to vector<128x1xi32>
    %eq3A_188 = vector.broadcast %broadcast_in_dim3A_187 : vector<128x1xi32> to vector<128x10240xi32>
    %eq3A_189 = arith.cmpi eq, %iota3A, %eq3A_188 : vector<128x10240xi32>
    %jit3A_190 = arith.constant 0x7F800000 : f32
    %broadcast_in_dim3A_191 = vector.broadcast %jit3A_190 : f32 to vector<128x10240xf32>
    %select_n3A_192 = arith.select %eq3A_189, %broadcast_in_dim3A_191, %select_n3A_176 : vector<128x10240xi1>, vector<128x10240xf32>
    %reduce_min3A_193 = arith.constant dense<0x7F800000> : vector<128xf32>
    %reduce_min3A_194 = vector.multi_reduction <minimumf>, %select_n3A_192, %reduce_min3A_193 [1] : vector<128x10240xf32> to vector<128xf32>
    %broadcast_in_dim3A_195 = vector.shape_cast %reduce_min3A_194 : vector<128xf32> to vector<128x1xf32>
    %eq3A_196 = vector.broadcast %broadcast_in_dim3A_195 : vector<128x1xf32> to vector<128x10240xf32>
    %eq3A_197 = arith.cmpf oeq, %select_n3A_192, %eq3A_196 : vector<128x10240xf32>
    %jit3A_198 = arith.constant 10240 : i32
    %broadcast_in_dim3A_199 = vector.broadcast %jit3A_198 : i32 to vector<128x10240xi32>
    %select_n3A_200 = arith.select %eq3A_197, %iota3A, %broadcast_in_dim3A_199 : vector<128x10240xi1>, vector<128x10240xi32>
    %reduce_min3A_201 = arith.constant dense<2147483647> : vector<128xi32>
    %reduce_min3A_202 = vector.multi_reduction <minsi>, %select_n3A_200, %reduce_min3A_201 [1] : vector<128x10240xi32> to vector<128xi32>
    %broadcast_in_dim3A_203 = vector.shape_cast %reduce_min3A_202 : vector<128xi32> to vector<128x1xi32>
    %eq3A_204 = vector.broadcast %broadcast_in_dim3A_203 : vector<128x1xi32> to vector<128x10240xi32>
    %eq3A_205 = arith.cmpi eq, %iota3A, %eq3A_204 : vector<128x10240xi32>
    %jit3A_206 = arith.constant 0x7F800000 : f32
    %broadcast_in_dim3A_207 = vector.broadcast %jit3A_206 : f32 to vector<128x10240xf32>
    %select_n3A_208 = arith.select %eq3A_205, %broadcast_in_dim3A_207, %select_n3A_192 : vector<128x10240xi1>, vector<128x10240xf32>
    %reduce_min3A_209 = arith.constant dense<0x7F800000> : vector<128xf32>
    %reduce_min3A_210 = vector.multi_reduction <minimumf>, %select_n3A_208, %reduce_min3A_209 [1] : vector<128x10240xf32> to vector<128xf32>
    %broadcast_in_dim3A_211 = vector.shape_cast %reduce_min3A_210 : vector<128xf32> to vector<128x1xf32>
    %eq3A_212 = vector.broadcast %broadcast_in_dim3A_211 : vector<128x1xf32> to vector<128x10240xf32>
    %eq3A_213 = arith.cmpf oeq, %select_n3A_208, %eq3A_212 : vector<128x10240xf32>
    %jit3A_214 = arith.constant 10240 : i32
    %broadcast_in_dim3A_215 = vector.broadcast %jit3A_214 : i32 to vector<128x10240xi32>
    %select_n3A_216 = arith.select %eq3A_213, %iota3A, %broadcast_in_dim3A_215 : vector<128x10240xi1>, vector<128x10240xi32>
    %reduce_min3A_217 = arith.constant dense<2147483647> : vector<128xi32>
    %reduce_min3A_218 = vector.multi_reduction <minsi>, %select_n3A_216, %reduce_min3A_217 [1] : vector<128x10240xi32> to vector<128xi32>
    %broadcast_in_dim3A_219 = vector.shape_cast %reduce_min3A_218 : vector<128xi32> to vector<128x1xi32>
    %eq3A_220 = vector.broadcast %broadcast_in_dim3A_219 : vector<128x1xi32> to vector<128x10240xi32>
    %eq3A_221 = arith.cmpi eq, %iota3A, %eq3A_220 : vector<128x10240xi32>
    %jit3A_222 = arith.constant 0x7F800000 : f32
    %broadcast_in_dim3A_223 = vector.broadcast %jit3A_222 : f32 to vector<128x10240xf32>
    %select_n3A_224 = arith.select %eq3A_221, %broadcast_in_dim3A_223, %select_n3A_208 : vector<128x10240xi1>, vector<128x10240xf32>
    %reduce_min3A_225 = arith.constant dense<0x7F800000> : vector<128xf32>
    %reduce_min3A_226 = vector.multi_reduction <minimumf>, %select_n3A_224, %reduce_min3A_225 [1] : vector<128x10240xf32> to vector<128xf32>
    %broadcast_in_dim3A_227 = vector.shape_cast %reduce_min3A_226 : vector<128xf32> to vector<128x1xf32>
    %eq3A_228 = vector.broadcast %broadcast_in_dim3A_227 : vector<128x1xf32> to vector<128x10240xf32>
    %eq3A_229 = arith.cmpf oeq, %select_n3A_224, %eq3A_228 : vector<128x10240xf32>
    %jit3A_230 = arith.constant 10240 : i32
    %broadcast_in_dim3A_231 = vector.broadcast %jit3A_230 : i32 to vector<128x10240xi32>
    %select_n3A_232 = arith.select %eq3A_229, %iota3A, %broadcast_in_dim3A_231 : vector<128x10240xi1>, vector<128x10240xi32>
    %reduce_min3A_233 = arith.constant dense<2147483647> : vector<128xi32>
    %reduce_min3A_234 = vector.multi_reduction <minsi>, %select_n3A_232, %reduce_min3A_233 [1] : vector<128x10240xi32> to vector<128xi32>
    %broadcast_in_dim3A_235 = vector.shape_cast %reduce_min3A_234 : vector<128xi32> to vector<128x1xi32>
    %eq3A_236 = vector.broadcast %broadcast_in_dim3A_235 : vector<128x1xi32> to vector<128x10240xi32>
    %eq3A_237 = arith.cmpi eq, %iota3A, %eq3A_236 : vector<128x10240xi32>
    %jit3A_238 = arith.constant 0x7F800000 : f32
    %broadcast_in_dim3A_239 = vector.broadcast %jit3A_238 : f32 to vector<128x10240xf32>
    %select_n3A_240 = arith.select %eq3A_237, %broadcast_in_dim3A_239, %select_n3A_224 : vector<128x10240xi1>, vector<128x10240xf32>
    %reduce_min3A_241 = arith.constant dense<0x7F800000> : vector<128xf32>
    %reduce_min3A_242 = vector.multi_reduction <minimumf>, %select_n3A_240, %reduce_min3A_241 [1] : vector<128x10240xf32> to vector<128xf32>
    %broadcast_in_dim3A_243 = vector.shape_cast %reduce_min3A_242 : vector<128xf32> to vector<128x1xf32>
    %eq3A_244 = vector.broadcast %broadcast_in_dim3A_243 : vector<128x1xf32> to vector<128x10240xf32>
    %eq3A_245 = arith.cmpf oeq, %select_n3A_240, %eq3A_244 : vector<128x10240xf32>
    %jit3A_246 = arith.constant 10240 : i32
    %broadcast_in_dim3A_247 = vector.broadcast %jit3A_246 : i32 to vector<128x10240xi32>
    %select_n3A_248 = arith.select %eq3A_245, %iota3A, %broadcast_in_dim3A_247 : vector<128x10240xi1>, vector<128x10240xi32>
    %reduce_min3A_249 = arith.constant dense<2147483647> : vector<128xi32>
    %reduce_min3A_250 = vector.multi_reduction <minsi>, %select_n3A_248, %reduce_min3A_249 [1] : vector<128x10240xi32> to vector<128xi32>
    %broadcast_in_dim3A_251 = vector.shape_cast %reduce_min3A_250 : vector<128xi32> to vector<128x1xi32>
    %eq3A_252 = vector.broadcast %broadcast_in_dim3A_251 : vector<128x1xi32> to vector<128x10240xi32>
    %eq3A_253 = arith.cmpi eq, %iota3A, %eq3A_252 : vector<128x10240xi32>
    %jit3A_254 = arith.constant 0x7F800000 : f32
    %broadcast_in_dim3A_255 = vector.broadcast %jit3A_254 : f32 to vector<128x10240xf32>
    %select_n3A_256 = arith.select %eq3A_253, %broadcast_in_dim3A_255, %select_n3A_240 : vector<128x10240xi1>, vector<128x10240xf32>
    %reduce_min3A_257 = arith.constant dense<0x7F800000> : vector<128xf32>
    %reduce_min3A_258 = vector.multi_reduction <minimumf>, %select_n3A_256, %reduce_min3A_257 [1] : vector<128x10240xf32> to vector<128xf32>
    %broadcast_in_dim3A_259 = vector.shape_cast %reduce_min3A_258 : vector<128xf32> to vector<128x1xf32>
    %eq3A_260 = vector.broadcast %broadcast_in_dim3A_259 : vector<128x1xf32> to vector<128x10240xf32>
    %eq3A_261 = arith.cmpf oeq, %select_n3A_256, %eq3A_260 : vector<128x10240xf32>
    %jit3A_262 = arith.constant 10240 : i32
    %broadcast_in_dim3A_263 = vector.broadcast %jit3A_262 : i32 to vector<128x10240xi32>
    %select_n3A_264 = arith.select %eq3A_261, %iota3A, %broadcast_in_dim3A_263 : vector<128x10240xi1>, vector<128x10240xi32>
    %reduce_min3A_265 = arith.constant dense<2147483647> : vector<128xi32>
    %reduce_min3A_266 = vector.multi_reduction <minsi>, %select_n3A_264, %reduce_min3A_265 [1] : vector<128x10240xi32> to vector<128xi32>
    %broadcast_in_dim3A_267 = vector.shape_cast %reduce_min3A_266 : vector<128xi32> to vector<128x1xi32>
    %eq3A_268 = vector.broadcast %broadcast_in_dim3A_267 : vector<128x1xi32> to vector<128x10240xi32>
    %eq3A_269 = arith.cmpi eq, %iota3A, %eq3A_268 : vector<128x10240xi32>
    %jit3A_270 = arith.constant 0x7F800000 : f32
    %broadcast_in_dim3A_271 = vector.broadcast %jit3A_270 : f32 to vector<128x10240xf32>
    %select_n3A_272 = arith.select %eq3A_269, %broadcast_in_dim3A_271, %select_n3A_256 : vector<128x10240xi1>, vector<128x10240xf32>
    %reduce_min3A_273 = arith.constant dense<0x7F800000> : vector<128xf32>
    %reduce_min3A_274 = vector.multi_reduction <minimumf>, %select_n3A_272, %reduce_min3A_273 [1] : vector<128x10240xf32> to vector<128xf32>
    %broadcast_in_dim3A_275 = vector.shape_cast %reduce_min3A_274 : vector<128xf32> to vector<128x1xf32>
    %eq3A_276 = vector.broadcast %broadcast_in_dim3A_275 : vector<128x1xf32> to vector<128x10240xf32>
    %eq3A_277 = arith.cmpf oeq, %select_n3A_272, %eq3A_276 : vector<128x10240xf32>
    %jit3A_278 = arith.constant 10240 : i32
    %broadcast_in_dim3A_279 = vector.broadcast %jit3A_278 : i32 to vector<128x10240xi32>
    %select_n3A_280 = arith.select %eq3A_277, %iota3A, %broadcast_in_dim3A_279 : vector<128x10240xi1>, vector<128x10240xi32>
    %reduce_min3A_281 = arith.constant dense<2147483647> : vector<128xi32>
    %reduce_min3A_282 = vector.multi_reduction <minsi>, %select_n3A_280, %reduce_min3A_281 [1] : vector<128x10240xi32> to vector<128xi32>
    %broadcast_in_dim3A_283 = vector.shape_cast %reduce_min3A_282 : vector<128xi32> to vector<128x1xi32>
    %eq3A_284 = vector.broadcast %broadcast_in_dim3A_283 : vector<128x1xi32> to vector<128x10240xi32>
    %eq3A_285 = arith.cmpi eq, %iota3A, %eq3A_284 : vector<128x10240xi32>
    %jit3A_286 = arith.constant 0x7F800000 : f32
    %broadcast_in_dim3A_287 = vector.broadcast %jit3A_286 : f32 to vector<128x10240xf32>
    %select_n3A_288 = arith.select %eq3A_285, %broadcast_in_dim3A_287, %select_n3A_272 : vector<128x10240xi1>, vector<128x10240xf32>
    %reduce_min3A_289 = arith.constant dense<0x7F800000> : vector<128xf32>
    %reduce_min3A_290 = vector.multi_reduction <minimumf>, %select_n3A_288, %reduce_min3A_289 [1] : vector<128x10240xf32> to vector<128xf32>
    %broadcast_in_dim3A_291 = vector.shape_cast %reduce_min3A_290 : vector<128xf32> to vector<128x1xf32>
    %eq3A_292 = vector.broadcast %broadcast_in_dim3A_291 : vector<128x1xf32> to vector<128x10240xf32>
    %eq3A_293 = arith.cmpf oeq, %select_n3A_288, %eq3A_292 : vector<128x10240xf32>
    %jit3A_294 = arith.constant 10240 : i32
    %broadcast_in_dim3A_295 = vector.broadcast %jit3A_294 : i32 to vector<128x10240xi32>
    %select_n3A_296 = arith.select %eq3A_293, %iota3A, %broadcast_in_dim3A_295 : vector<128x10240xi1>, vector<128x10240xi32>
    %reduce_min3A_297 = arith.constant dense<2147483647> : vector<128xi32>
    %reduce_min3A_298 = vector.multi_reduction <minsi>, %select_n3A_296, %reduce_min3A_297 [1] : vector<128x10240xi32> to vector<128xi32>
    %broadcast_in_dim3A_299 = vector.shape_cast %reduce_min3A_298 : vector<128xi32> to vector<128x1xi32>
    %concatenate3A = tpu.concatenate %broadcast_in_dim3A_59, %broadcast_in_dim3A_75, %broadcast_in_dim3A_91, %broadcast_in_dim3A_107, %broadcast_in_dim3A_123, %broadcast_in_dim3A_139, %broadcast_in_dim3A_155, %broadcast_in_dim3A_171, %broadcast_in_dim3A_187, %broadcast_in_dim3A_203, %broadcast_in_dim3A_219, %broadcast_in_dim3A_235, %broadcast_in_dim3A_251, %broadcast_in_dim3A_267, %broadcast_in_dim3A_283, %broadcast_in_dim3A_299 in 1 : vector<128x1xi32>, vector<128x1xi32>, vector<128x1xi32>, vector<128x1xi32>, vector<128x1xi32>, vector<128x1xi32>, vector<128x1xi32>, vector<128x1xi32>, vector<128x1xi32>, vector<128x1xi32>, vector<128x1xi32>, vector<128x1xi32>, vector<128x1xi32>, vector<128x1xi32>, vector<128x1xi32>, vector<128x1xi32> -> vector<128x16xi32>
    %swap3A = arith.constant 0 : index
    %swap3A_300 = arith.constant 0 : index
    %swap3A_301 = vector.load %arg3[%swap3A, %swap3A_300] : memref<128x16xi32, #tpu.memory_space<vmem>>, vector<128x16xi32>
    tpu.vector_store %arg3[%swap3A, %swap3A_300], %concatenate3A {strides = array<i32>} : memref<128x16xi32, #tpu.memory_space<vmem>>, vector<128x16xi32>,
    %concatenate3A_302 = tpu.concatenate %broadcast_in_dim3A_51, %broadcast_in_dim3A_67, %broadcast_in_dim3A_83, %broadcast_in_dim3A_99, %broadcast_in_dim3A_115, %broadcast_in_dim3A_131, %broadcast_in_dim3A_147, %broadcast_in_dim3A_163, %broadcast_in_dim3A_179, %broadcast_in_dim3A_195, %broadcast_in_dim3A_211, %broadcast_in_dim3A_227, %broadcast_in_dim3A_243, %broadcast_in_dim3A_259, %broadcast_in_dim3A_275, %broadcast_in_dim3A_291 in 1 : vector<128x1xf32>, vector<128x1xf32>, vector<128x1xf32>, vector<128x1xf32>, vector<128x1xf32>, vector<128x1xf32>, vector<128x1xf32>, vector<128x1xf32>, vector<128x1xf32>, vector<128x1xf32>, vector<128x1xf32>, vector<128x1xf32>, vector<128x1xf32>, vector<128x1xf32>, vector<128x1xf32>, vector<128x1xf32> -> vector<128x16xf32>
    %add3A_303 = arith.constant 9.99999996E-13 : f32
    %add3A_304 = vector.broadcast %add3A_303 : f32 to vector<128x16xf32>
    %add3A_305 = arith.addf %concatenate3A_302, %add3A_304 : vector<128x16xf32>
    %neg3A = arith.constant 0.000000e+00 : f32
    %neg3A_306 = vector.broadcast %neg3A : f32 to vector<128x16xf32>
    %neg3A_307 = arith.subf %neg3A_306, %add3A_305 : vector<128x16xf32>
    %exp3A = math.exp %neg3A_307 : vector<128x16xf32>
    %swap3A_308 = arith.constant 0 : index
    %swap3A_309 = arith.constant 0 : index
    %swap3A_310 = vector.load %arg4[%swap3A_308, %swap3A_309] : memref<128x16xf32, #tpu.memory_space<vmem>>, vector<128x16xf32>
    tpu.vector_store %arg4[%swap3A_308, %swap3A_309], %exp3A {strides = array<i32>} : memref<128x16xf32, #tpu.memory_space<vmem>>, vector<128x16xf32>,
    return
  }
  func.func @transform_0(%arg0: i32) -> (i32, i32) {
    %c0_i32 = arith.constant 0 : i32
    %c0_i32_0 = arith.constant 0 : i32
    %c0_i32_1 = arith.constant 0 : i32
    return %c0_i32, %c0_i32_0 : i32, i32
  }
  func.func @transform_1(%arg0: i32) -> (i32, i32) {
    %c0_i32 = arith.constant 0 : i32
    %c0_i32_0 = arith.constant 0 : i32
    return %arg0, %c0_i32 : i32, i32
  }
  func.func @transform_2(%arg0: i32) -> (i32, i32) {
    %c0_i32 = arith.constant 0 : i32
    %c0_i32_0 = arith.constant 0 : i32
    return %arg0, %c0_i32 : i32, i32
  }
  func.func @transform_3(%arg0: i32) -> (i32, i32) {
    %c0_i32 = arith.constant 0 : i32
    %c0_i32_0 = arith.constant 0 : i32
    return %arg0, %c0_i32 : i32, i32
  }
}

module attributes {stable_mosaic.version = 14 : i64} {
  func.func @_out_body(%arg0: i32, %arg1: memref<128x256xf32, #tpu.memory_space<vmem>>, %arg2: memref<128x256xf32, #tpu.memory_space<vmem>>, %arg3: memref<256x256xf32, #tpu.memory_space<vmem>>, %arg4: memref<256x256xf32, #tpu.memory_space<vmem>>, %arg5: memref<1x256xf32, #tpu.memory_space<vmem>>, %arg6: memref<128x256xf32, #tpu.memory_space<vmem>>) attributes {dimension_semantics = [#tpu.dimension_semantics<arbitrary>], iteration_bounds = array<i64: 80>, scalar_prefetch = 0 : i64, scratch_operands = 0 : i64, tpu.core_type = #tpu.core_type<tc>, window_params = [{transform_indices = @transform_0, window_bounds = array<i64: 128, 256>}, {transform_indices = @transform_1, window_bounds = array<i64: 128, 256>}, {pipeline_mode = #tpu.pipeline_mode<synchronous>, transform_indices = @transform_2, window_bounds = array<i64: 256, 256>}, {pipeline_mode = #tpu.pipeline_mode<synchronous>, transform_indices = @transform_3, window_bounds = array<i64: 256, 256>}, {pipeline_mode = #tpu.pipeline_mode<synchronous>, transform_indices = @transform_4, window_bounds = array<i64: 1, 256>}, {transform_indices = @transform_5, window_bounds = array<i64: 128, 256>}]} {
    %get3A = arith.constant 0 : index
    %get3A_0 = arith.constant 0 : index
    %get3A_1 = vector.load %arg1[%get3A, %get3A_0] : memref<128x256xf32, #tpu.memory_space<vmem>>, vector<128x256xf32>
    %get3A_2 = arith.constant 0 : index
    %get3A_3 = arith.constant 0 : index
    %get3A_4 = vector.load %arg3[%get3A_2, %get3A_3] : memref<256x256xf32, #tpu.memory_space<vmem>>, vector<256x256xf32>
    %dot_general3A = arith.constant dense<0.000000e+00> : vector<128x256xf32>
    %dot_general3A_5 = tpu.matmul %get3A_1, %get3A_4, %dot_general3A {dimension_numbers = #tpu.dot_dimension_numbers<[1], [0], [0], [1], [0, 0, 1, 1], [], []>, transpose_lhs_hint = false} : vector<128x256xf32>, vector<256x256xf32>, vector<128x256xf32> -> vector<128x256xf32>
    %get3A_6 = arith.constant 0 : index
    %get3A_7 = arith.constant 0 : index
    %get3A_8 = vector.load %arg2[%get3A_6, %get3A_7] : memref<128x256xf32, #tpu.memory_space<vmem>>, vector<128x256xf32>
    %get3A_9 = arith.constant 0 : index
    %get3A_10 = arith.constant 0 : index
    %get3A_11 = vector.load %arg4[%get3A_9, %get3A_10] : memref<256x256xf32, #tpu.memory_space<vmem>>, vector<256x256xf32>
    %dot_general3A_12 = arith.constant dense<0.000000e+00> : vector<128x256xf32>
    %dot_general3A_13 = tpu.matmul %get3A_8, %get3A_11, %dot_general3A_12 {dimension_numbers = #tpu.dot_dimension_numbers<[1], [0], [0], [1], [0, 0, 1, 1], [], []>, transpose_lhs_hint = false} : vector<128x256xf32>, vector<256x256xf32>, vector<128x256xf32> -> vector<128x256xf32>
    %add3A = arith.addf %dot_general3A_5, %dot_general3A_13 : vector<128x256xf32>
    %get3A_14 = arith.constant 0 : index
    %get3A_15 = arith.constant 0 : index
    %get3A_16 = vector.load %arg5[%get3A_14, %get3A_15] : memref<1x256xf32, #tpu.memory_space<vmem>>, vector<1x256xf32>
    %add3A_17 = vector.broadcast %get3A_16 : vector<1x256xf32> to vector<128x256xf32>
    %add3A_18 = arith.addf %add3A, %add3A_17 : vector<128x256xf32>
    %swap3A = arith.constant 0 : index
    %swap3A_19 = arith.constant 0 : index
    %swap3A_20 = vector.load %arg6[%swap3A, %swap3A_19] : memref<128x256xf32, #tpu.memory_space<vmem>>, vector<128x256xf32>
    tpu.vector_store %arg6[%swap3A, %swap3A_19], %add3A_18 {strides = array<i32>} : memref<128x256xf32, #tpu.memory_space<vmem>>, vector<128x256xf32>,
    return
  }
  func.func @transform_0(%arg0: i32) -> (i32, i32) {
    %c0_i32 = arith.constant 0 : i32
    %c0_i32_0 = arith.constant 0 : i32
    return %arg0, %c0_i32 : i32, i32
  }
  func.func @transform_1(%arg0: i32) -> (i32, i32) {
    %c0_i32 = arith.constant 0 : i32
    %c0_i32_0 = arith.constant 0 : i32
    return %arg0, %c0_i32 : i32, i32
  }
  func.func @transform_2(%arg0: i32) -> (i32, i32) {
    %c0_i32 = arith.constant 0 : i32
    %c0_i32_0 = arith.constant 0 : i32
    %c0_i32_1 = arith.constant 0 : i32
    return %c0_i32, %c0_i32_0 : i32, i32
  }
  func.func @transform_3(%arg0: i32) -> (i32, i32) {
    %c0_i32 = arith.constant 0 : i32
    %c0_i32_0 = arith.constant 0 : i32
    %c0_i32_1 = arith.constant 0 : i32
    return %c0_i32, %c0_i32_0 : i32, i32
  }
  func.func @transform_4(%arg0: i32) -> (i32, i32) {
    %c0_i32 = arith.constant 0 : i32
    %c0_i32_0 = arith.constant 0 : i32
    %c0_i32_1 = arith.constant 0 : i32
    return %c0_i32, %c0_i32_0 : i32, i32
  }
  func.func @transform_5(%arg0: i32) -> (i32, i32) {
    %c0_i32 = arith.constant 0 : i32
    %c0_i32_0 = arith.constant 0 : i32
    return %arg0, %c0_i32 : i32, i32
  }
}

</mosaic_0001>

<sc_bundles>
// kernel: kernel.6.cloned.1.call-start
scs
__scs_entry_jumppad:
0x0: {  	(pc) =	sbr.rel $0x88, $3  }
0x1: {  	(tag) =	ssettag $0x0;
	lr =	simm.s32 $0x1  }
0x2: {  	[smem:$0x3F9A] =	sst lr;
	_ =	strace $0xD0000000  }
0x3: {  	_ = 	snop  }
0x4: {  	_ = 	snop  }
0x5: {  	_ = 	snop  }
0x6: {  	_ = 	snop  }
0x7: {  	_ = 	snop  }
__scs_overlays_trampoline_lowered:
0x8: {  	[smem:$0x3FA9] =	sst s0  }
0x9: {  	[smem:$0x3FAA] =	sst s1  }
0xa: {  	[smem:$0x3FAB] =	sst s2  }
0xb: {  	[smem:$0x3FAC] =	sst s3  }
0xc: {  	[smem:$0x3FAD] =	sst s4  }
0xd: {  	[smem:$0x3FAE] =	sst s5  }
0xe: {  	[smem:$0x3FAF] =	sst s6  }
0xf: {  	[smem:$0x3FB0] =	sst s7  }
0x10: {  	[smem:$0x3FB1] =	sst s8  }
0x11: {  	[smem:$0x3FB2] =	sst s9;
	s0 =	simm.s32 @!p0 $0x0  }
0x12: {  	s1 =	sld [smem:$0x3F98];
	s0 =	simm.s32 @p0 $0x1  }
0x13: {  	[smem:$0x3FB3] =	sst s0;
	s0 =	simm.s32 @!p1 $0x0  }
0x14: {  	s2 =	sld [smem:$0x3F97];
	s0 =	simm.s32 @p1 $0x1  }
0x15: {  	[smem:$0x3FB4] =	sst s0;
	s0 =	simm.s32 @!p2 $0x0  }
0x16: {  	s3 =	sld [smem:$0x3FDB];
	s0 =	simm.s32 @p2 $0x1  }
0x17: {  	s4 =	simm.s32 $0x1BF5;
	[smem:$0x3FB6] =	sst s0  }
0x18: {  	s0 =	sld [smem:$0x3F99];
	_ =	swait.ge [sflag:s4], $0x0  }
0x19: {  	s7 =	sld [smem:$0x3F9A]  }
0x1a: {  	s8 =	sadd.s32 $0xFFFFE003, lr  }
0x1b: {  	s9 =	sadd.s32 $0xFFFFFEF7, lr;
	s5 =	simm.s32 $0xFFFFFFFF;
	p2 =	slt.u32 s8, $0xFFFFF086  }
0x1c: {  	p1 =	slt.u32 s9, $0xF7A;
	s5 =	simm.s32 @!p2 $0x0  }
0x1d: {  	s5 =	simm.s32 @p1 $0x1;
	p0 =	seq.s32 s7, s2  }
0x1e: {  	s7 =	smul.u32 @!p0 $0xF7A, s2;
	p2 =	seq.s32 @!p0 s5, $0x0  }
0x1f: {  	s9 =	smul.u32 $0xF7A, s1;
	s8 =	simm.s32 @!p0 $0x1BF5;
	p2 =	por !p2, p0  }
0x20: {  	[sflag:s8] =	ssyncset.s32 @!p0 $0xFFFFF086;
	s6 =	sadd.s32 @!p0 s3, s7;
	s7 =	simm.s32 @!p0 $0x108  }
0x21: {  	s3 =	sadd.s32 s3, s9;
	s6 =	sadd.s32 @!p0 $0x88, s6;
	s7 =	simm.s32 @p2 $0x1082  }
0x22: {  	[simem:s7], [sflag:s8] =	dma.local @!p0 [hbm:s6], $0xF7A  }
0x23: {  	s9 =	sor.u32 $0xD0000000, s2;
	s6 =	simm.s32 $0x108;
	_ =	swait.ge @!p0 [sflag:s8], $0x0  }
0x24: {  	s3 =	sadd.s32 $0x88, s3;
	s6 =	simm.s32 @!p1 $0x1082;
	[sflag:s4] =	ssyncset.s32 $0xFFFFF086  }
0x25: {  	[simem:s6], [sflag:s4] =	dma.local [hbm:s3], $0xF7A  }
0x26: {  	[smem:$0x3F9A] =	sst s1;
	(tag) =	ssettag s2;
	_ =	strace s9  }
0x27: {  	s1 =	sld [smem:$0x3FAA]  }
0x28: {  	s2 =	sld [smem:$0x3FAB]  }
0x29: {  	s4 =	sld [smem:$0x3FAD]  }
0x2a: {  	p0 =	seq.s32 s5, $0x0;
	s5 =	sld [smem:$0x3FAE]  }
0x2b: {  	s6 =	sld [smem:$0x3FAF]  }
0x2c: {  	s7 =	sld [smem:$0x3FB0]  }
0x2d: {  	s3 =	simm.s32 $0x108;
	s8 =	sld [smem:$0x3FB1]  }
0x2e: {  	s3 =	simm.s32 @!p0 $0x1082;
	s9 =	sld [smem:$0x3FB2]  }
0x2f: {  	lr =	sadd.s32 s0, s3;
	s0 =	sld [smem:$0x3FA9]  }
0x30: {  	s3 =	sld [smem:$0x3FAC]  }
0x31: {  	[smem:$0x3FB5] =	sst s10  }
0x32: {  	s10 =	sld [smem:$0x3FB3];
	_ =	sdelay $0x3  }
0x33: {  	p0 =	seq.s32 s10, $0x1;
	s10 =	sld [smem:$0x3FB5];
	_ =	sdelay $0x3  }
0x34: {  	[smem:$0x3FB5] =	sst s10  }
0x35: {  	s10 =	sld [smem:$0x3FB4];
	_ =	sdelay $0x3  }
0x36: {  	p1 =	seq.s32 s10, $0x1;
	s10 =	sld [smem:$0x3FB5];
	_ =	sdelay $0x3  }
0x37: {  	[smem:$0x3FB5] =	sst s10  }
0x38: {  	s10 =	sld [smem:$0x3FB6]  }
0x39: {  	_ = 	snop;
	(pc) =	sbr.ind lr, $3  }
0x3a: {  	_ = 	snop  }
0x3b: {  	_ = 	snop  }
0x3c: {  	p2 =	seq.s32 s10, $0x1;
	s10 =	sld [smem:$0x3FB5]  }
0x3d: {  	_ =	shalt  }
0x3e: {  	_ =	shalt  }
0x3f: {  	_ =	shalt  }
0x40: {  	_ =	shalt  }
0x41: {  	_ =	shalt  }
0x42: {  	_ =	shalt  }
0x43: {  	_ =	shalt  }
0x44: {  	_ =	shalt  }
0x45: {  	_ =	shalt  }
0x46: {  	_ =	shalt  }
0x47: {  	_ =	shalt  }
0x48: {  	_ =	shalt  }
0x49: {  	_ =	shalt  }
0x4a: {  	_ =	shalt  }
0x4b: {  	_ =	shalt  }
0x4c: {  	_ =	shalt  }
0x4d: {  	_ =	shalt  }
0x4e: {  	_ =	shalt  }
0x4f: {  	_ =	shalt  }
0x50: {  	_ =	shalt  }
0x51: {  	_ =	shalt  }
0x52: {  	_ =	shalt  }
0x53: {  	_ =	shalt  }
0x54: {  	_ =	shalt  }
0x55: {  	_ =	shalt  }
0x56: {  	_ =	shalt  }
0x57: {  	_ =	shalt  }
0x58: {  	_ =	shalt  }
0x59: {  	_ =	shalt  }
0x5a: {  	_ =	shalt  }
0x5b: {  	_ =	shalt  }
0x5c: {  	_ =	shalt  }
0x5d: {  	_ =	shalt  }
0x5e: {  	_ =	shalt  }
0x5f: {  	_ =	shalt  }
0x60: {  	_ =	shalt  }
0x61: {  	_ =	shalt  }
0x62: {  	_ =	shalt  }
0x63: {  	_ =	shalt  }
0x64: {  	_ =	shalt  }
0x65: {  	_ =	shalt  }
0x66: {  	_ =	shalt  }
0x67: {  	_ =	shalt  }
0x68: {  	_ =	shalt  }
0x69: {  	_ =	shalt  }
0x6a: {  	_ =	shalt  }
0x6b: {  	_ =	shalt  }
0x6c: {  	_ =	shalt  }
0x6d: {  	_ =	shalt  }
0x6e: {  	_ =	shalt  }
0x6f: {  	_ =	shalt  }
0x70: {  	_ =	shalt  }
0x71: {  	_ =	shalt  }
0x72: {  	_ =	shalt  }
0x73: {  	_ =	shalt  }
0x74: {  	_ =	shalt  }
0x75: {  	_ =	shalt  }
0x76: {  	_ =	shalt  }
0x77: {  	_ =	shalt  }
0x78: {  	_ =	shalt  }
0x79: {  	_ =	shalt  }
0x7a: {  	_ =	shalt  }
0x7b: {  	_ =	shalt  }
0x7c: {  	_ =	shalt  }
0x7d: {  	_ =	shalt  }
0x7e: {  	_ =	shalt  }
0x7f: {  	_ =	shalt  }
0x80: {  	_ =	shalt  }
0x81: {  	_ =	shalt  }
0x82: {  	_ =	shalt  }
0x83: {  	_ =	shalt  }
0x84: {  	_ =	shalt  }
0x85: {  	_ =	shalt  }
0x86: {  	_ =	shalt  }
0x87: {  	_ =	shalt  }
.Lfunc_end0:
.L_simem_size_0:
called_computation_lowered:
.L_overlay_start_0:
0x88: {  	s2 =	sld [smem:$0x3FD9]  }
0x89: {  	s3 =	sld [smem:$0x3FFE];
	_ =	sdelay $0x1  }
0x8a: {  	s1 =	srdreg.scid  }
0x8b: {  	s0 =	sand.u32 $0x1, s1  }
0x8c: {  	s17 =	sshll.u32 s0, $0xA;
	s2 =	sadd.s32 s3, s2  }
0x8d: {  	s2 =	sadd.s32 s2, s17  }
0x8e: {  	[smem:$0x3FC1] =	sst s2  }
0x8f: {  	_ = 	snop  }
0x90: {  	s2 =	sld [smem:$0x3FD0];
	(tm) =	ssettm $0x1  }
0x91: {  	s18 =	sld [smem:$0x3FFB];
	_ =	sdelay $0x3  }
0x92: {  	_ =	strace s18  }
0x93: {  	s3 =	sld [smem:$0x3FFC];
	_ =	sdelay $0x3  }
0x94: {  	_ =	strace s3  }
0x95: {  	s3 =	sld [smem:$0x3FFD];
	_ =	sdelay $0x3  }
0x96: {  	_ =	strace s3  }
0x97: {  	_ =	strace $0x8FFFFFFF  }
0x98: {  	s19 =	sld [smem:$0x3FDB];
	_ =	sdelay $0x1  }
0x99: {  	s4 =	simm.s32 $_scs_section_size  }
0x9a: {  	s5 =	simm.s32 $_size__tile_overlayer_lowered;
	s6 =	simm.s32 $_tile_overlayer_lowered  }
0x9b: {  	s22 =	simm.s32 $0x1BFF;
	s21 =	sshll.u32 s6, $0x1;
	s3 =	sadd.s32 s4, s19  }
0x9c: {  	s7 =	simm.s32 $0x0;
	s20 =	sshll.u32 s5, $0x1;
	s5 =	sadd.s32 s21, s3  }
0x9d: {  	[timem:s7], [sflag:s22] =	dma.local [hbm:s5], s20  }
0x9e: {  	_ =	swait.ge [sflag:s22], s20  }
0x9f: {  	s4 =	ssub.s32 $0x0, s20;
	[sflag:s22] =	ssyncset.done $0x0  }
0xa0: {  	[sflag:s22] =	ssyncadd.s32 s4;
	_ =	sdelay $0x1  }
0xa1: {  	s23 =	simm.s32 $0x1B8B  }
0xa2: {  	_ =	swait.ge [sflag:s23], $0x1  }
0xa3: {  	[sflag:s23] =	ssyncset.done $0x0  }
0xa4: {  	s25 =	simm.s32 $0x1B8E;
	s24 =	sld [smem:$0x3FFE];
	[sflag:s23] =	ssyncadd.s32 $0xFFFFFFFF  }
0xa5: {  	s26 =	simm.s32 $execute0_lowered;
	[smem:$0x3FD2] =	sst s25  }
0xa6: {  	s5 =	sshll.u32 s26, $0x1;
	_ =	strace $0x80000046;
	[dreg:$0x1] =	wrdreg $0xFFFFFFFF  }
0xa7: {  	s28 =	simm.s32 $_size_execute0_lowered;
	s3 =	sadd.s32 s3, s5;
	[dreg:$0x0] =	wrdreg $0x0  }
0xa8: {  	s5 =	sshll.u32 s28, $0x1;
	[dreg:$0x2] =	wrdreg s3  }
0xa9: {  	[dreg:$0x3] =	wrdreg s5  }
0xaa: {  	[dreg:$0x4] =	wrdreg $0xC0  }
0xab: {  	_ =	task [dreg:s7], $0x5FFFF  }
0xac: {  	[dreg:$0x1] =	wrdreg $0xFFFFFFFF  }
0xad: {  	[dreg:$0x0] =	wrdreg $0x60  }
0xae: {  	[dreg:$0x2] =	wrdreg s24  }
0xaf: {  	[dreg:$0x3] =	wrdreg s2  }
0xb0: {  	[dreg:$0x4] =	wrdreg $0x9  }
0xb1: {  	_ =	task.clear_ibuf [dreg:s7], $0x5FFFF;
	_ =	strace $0x90000046  }
0xb2: {  	s29 =	simm.s32 $0x9;
	_ =	strace $0x80000048  }
0xb3: {  	_ =	swait.ge [sflag:s29], $0x1  }
0xb4: {  	[sflag:s29] =	ssyncadd.s32 $0xFFFFFFFF  }
0xb5: {  	_ =	strace $0x90000048  }
0xb6: {  	_ =	sfence  }
0xb7: {  	s30 =	sld [smem:$0x0];
	_ =	sdelay $0x2  }
0xb8: {  	s31 =	sshll.u32 s1, $0xD;
	s1 =	sshrl.u32 s1, $0x2  }
0xb9: {  	s3 =	sand.u32 $0x4000, s31;
	s1 =	sadd.s32 s1, s30  }
0xba: {  	s0 =	sor.u32 s3, s0;
	s1 =	sshll.u32 s1, $0x11  }
0xbb: {  	s0 =	sor.u32 s1, s0  }
0xbc: {  	s0 =	sadd.s32 $0x8F2B, s0  }
0xbd: {  	[sflag:s0] =	ssyncadd.remote.s32 $0x1  }
0xbe: {  	_ =	sfence.sel $0xFFFF  }
0xbf: {  	[dreg:$0x0] =	wrdreg $0xFFFFFFFF;
	(pc) =	sbr.abs _section_cstart, $3  }
0xc0: {  	[dreg:$0x1] =	wrdreg $0xFFFFFFFF  }
0xc1: {  	_ =	task.clear_ibuf [dreg:s7], $0x2FFFF;
	_ =	strace $0x9FFFFFFF  }
0xc2: {  	(tm) =	ssettm $0x7FFFFFFF  }
0xc3: {  	_ =	shalt  }
tec
execute0_lowered:
.L_overlay_start_1:
0x0: {  	(tag) =	ssettag $0x1  }
0x1: {  	s0 =	rddreg [dreg:$0x0]  }
0x2: {  	s1 =	rddreg [dreg:$0x1];
	s2 =	simm.s32 $0x0;
	s3 =	srdreg.scid  }
0x3: {  	s5 =	stileid.u32;
	s10 =	simm.s32 $0x80;
	s11 =	simm.s32 $0x100  }
0x4: {  	s12 =	simm.s32 $0x900;
	s13 =	simm.s32 $0x1100;
	s14 =	simm.s32 $0x1900  }
0x5: {  	s15 =	simm.s32 $0x2100;
	s16 =	simm.s32 $0x2900;
	s17 =	simm.s32 $0x3100  }
0x6: {  	s18 =	simm.s32 $0x3900;
	s19 =	simm.s32 $0x4100;
	s20 =	simm.s32 $0x4900  }
0x7: {  	s21 =	simm.s32 $0x5100;
	s22 =	simm.s32 $0x5900;
	s23 =	simm.s32 $0x6100  }
0x8: {  	s24 =	simm.s32 $0x6900;
	s25 =	simm.s32 $0x7100;
	s26 =	simm.s32 $0x7900  }
0x9: {  	s28 =	simm.s32 $0x1;
	s29 =	simm.s32 $0x8100;
	s3 =	sand.u32 $0x1, s3  }
0xa: {  	v0 =	vlaneseq.u32;
	[smem:$0x7FF] =	sst s2;
	s4 =	sadd.s32 $0x2200, s0;
	s6 =	ssub.s32 $0x2, s3  }
0xb: {  	s8 =	sshll.u32 s5, $0x1;
	s5 =	sadd.s32 $0x52200, s0;
	v1 =	vand.u32 $0x7, v0;
	v63 =	vshrl.u32 v0, $0x3;
	s7 =	sshrl.u32 s6, $0x1  }
0xc: {  	v0 =	vor.u32 $0x8, v0;
	_ =	strace $0x80000047;
	s3 =	sor.u32 s3, s8;
	[tilespmem:$0x1FFD0] =	vst v1;
	v1 =	vmul.u32 $0x8, v63;
	s9 =	ssub.s32 s6, s7  }
0xd: {  	[tilespmem:$0x1FFF0] =	vst v0;
	s6 =	sadd.s32 $0x57200, s0;
	s7 =	smul.u32 $0x140, s3;
	s31 =	smax.u32 s9, $0x1  }
0xe: {  	vm0 =	vmmov $0xffff;
	[tilespmem:$0x1FFE0] =	vst v1;
	s3 =	simm.s32 $0x0;
	s9 =	simm.s32 $0x2;
	[dreg:$0x3] =	wrdreg s31  }
.LBB2_1:
0xf: {  	[dreg:$0x4] =	wrdreg s3;
	s31 =	simm.s32 $0x0  }
.LBB2_2:
0x10: {  	s0 =	sshll.u32 s31, $0x3  }
0x11: {  	s0 =	sadd.s32 s7, s0  }
0x12: {  	s8 =	sshll.u32 s0, $0x1  }
0x13: {  	s3 =	simm.s32 $0x0;
	s30 =	sadd.s32 s1, s8  }
0x14: {  	[tilespmem:s3], [sflag:$0x2] =	stream.linear.gather [hbm4b:s30+s3], $0x80, $0x38;
	[tilespmem:$0x8900] =	vst v63  }
0x15: {  	_ =	swait.ge [sflag:s9], $0x80  }
0x16: {  	[sflag:s9] =	ssyncset.done $0x0  }
0x17: {  	s8 =	sadd.s32 s5, s8;
	[sflag:s9] =	ssyncadd.s32 $0xFFFFFF80  }
0x18: {  	[tilespmem:s10], [sflag:$0x2] =	stream.linear.gather [hbm4b:s8+s3], $0x80, $0x38;
	[tilespmem:$0x8900] =	vst v63  }
0x19: {  	_ =	swait.ge [sflag:s9], $0x80  }
0x1a: {  	[sflag:s9] =	ssyncset.done $0x0  }
0x1b: {  	[sflag:s9] =	ssyncadd.s32 $0xFFFFFF80  }
0x1c: {  	v0 =	vld [tilespmem:$0x0];
	_ =	sdelay $0x2  }
0x1d: {  	v2 =	vld [tilespmem:$0x1FFD0]  }
0x1e: {  	v3 =	vld [tilespmem:$0x1FFE0]  }
0x1f: {  	v4 =	vld [tilespmem:$0x1FFF0];
	v1 =	vshll.u32 v0, $0x1  }
0x20: {  	v0 =	vand.u32 $0x7, v0;
	v1 =	vand.u32 $0xFFFFFFF0, v1  }
0x21: {  	v0 =	vor.u32 v0, v1  }
0x22: {  	v1 =	vperm.xlane v0, v2;
	_ =	sdelay $0x1  }
0x23: {  	v0 =	vperm.xlane v0, v4;
	v1 =	vadd.s32 v3, v1;
	_ =	sdelay $0x1  }
0x24: {  	v0 =	vadd.s32 v3, v0;
	_ =	sdelay $0x2  }
0x25: {  	[tilespmem:s11], [sflag:$0x1] =	stream.indirect_vreg.gather [hbm4b:s4+s3], $0x80, v1, vm0, $0xb8;
	[tilespmem:$0x8900] =	vst v63  }
0x26: {  	_ = 	snop  }
0x27: {  	[tilespmem:s12], [sflag:$0x1] =	stream.indirect_vreg.gather [hbm4b:s4+s3], $0x80, v0, vm0, $0xb8;
	[tilespmem:$0x8900] =	vst v63  }
0x28: {  	v0 =	vld [tilespmem:$0x10];
	_ =	sdelay $0x4  }
0x29: {  	v57 =	vshll.u32 v0, $0x1  }
0x2a: {  	v0 =	vand.u32 $0x7, v0;
	v1 =	vand.u32 $0xFFFFFFF0, v57  }
0x2b: {  	v0 =	vor.u32 v0, v1  }
0x2c: {  	v1 =	vperm.xlane v0, v2;
	_ =	sdelay $0x1  }
0x2d: {  	v0 =	vperm.xlane v0, v4;
	v1 =	vadd.s32 v3, v1;
	_ =	sdelay $0x1  }
0x2e: {  	v0 =	vadd.s32 v3, v0;
	_ =	sdelay $0x2  }
0x2f: {  	[tilespmem:s13], [sflag:$0x1] =	stream.indirect_vreg.gather [hbm4b:s4+s3], $0x80, v1, vm0, $0xb8;
	[tilespmem:$0x8900] =	vst v63  }
0x30: {  	_ = 	snop  }
0x31: {  	[tilespmem:s14], [sflag:$0x1] =	stream.indirect_vreg.gather [hbm4b:s4+s3], $0x80, v0, vm0, $0xb8;
	[tilespmem:$0x8900] =	vst v63  }
0x32: {  	v0 =	vld [tilespmem:$0x20];
	_ =	sdelay $0x4  }
0x33: {  	v58 =	vshll.u32 v0, $0x1  }
0x34: {  	v0 =	vand.u32 $0x7, v0;
	v1 =	vand.u32 $0xFFFFFFF0, v58  }
0x35: {  	v0 =	vor.u32 v0, v1  }
0x36: {  	v1 =	vperm.xlane v0, v2;
	_ =	sdelay $0x1  }
0x37: {  	v0 =	vperm.xlane v0, v4;
	v1 =	vadd.s32 v3, v1;
	_ =	sdelay $0x1  }
0x38: {  	v0 =	vadd.s32 v3, v0;
	_ =	sdelay $0x2  }
0x39: {  	[tilespmem:s15], [sflag:$0x1] =	stream.indirect_vreg.gather [hbm4b:s4+s3], $0x80, v1, vm0, $0xb8;
	[tilespmem:$0x8900] =	vst v63  }
0x3a: {  	_ = 	snop  }
0x3b: {  	[tilespmem:s16], [sflag:$0x1] =	stream.indirect_vreg.gather [hbm4b:s4+s3], $0x80, v0, vm0, $0xb8;
	[tilespmem:$0x8900] =	vst v63  }
0x3c: {  	v0 =	vld [tilespmem:$0x30];
	_ =	sdelay $0x4  }
0x3d: {  	v59 =	vshll.u32 v0, $0x1  }
0x3e: {  	v0 =	vand.u32 $0x7, v0;
	v1 =	vand.u32 $0xFFFFFFF0, v59  }
0x3f: {  	v0 =	vor.u32 v0, v1  }
0x40: {  	v1 =	vperm.xlane v0, v2;
	_ =	sdelay $0x1  }
0x41: {  	v0 =	vperm.xlane v0, v4;
	v1 =	vadd.s32 v3, v1;
	_ =	sdelay $0x1  }
0x42: {  	v0 =	vadd.s32 v3, v0;
	_ =	sdelay $0x2  }
0x43: {  	[tilespmem:s17], [sflag:$0x1] =	stream.indirect_vreg.gather [hbm4b:s4+s3], $0x80, v1, vm0, $0xb8;
	[tilespmem:$0x8900] =	vst v63  }
0x44: {  	_ = 	snop  }
0x45: {  	[tilespmem:s18], [sflag:$0x1] =	stream.indirect_vreg.gather [hbm4b:s4+s3], $0x80, v0, vm0, $0xb8;
	[tilespmem:$0x8900] =	vst v63  }
0x46: {  	v0 =	vld [tilespmem:$0x40];
	_ =	sdelay $0x4  }
0x47: {  	v60 =	vshll.u32 v0, $0x1  }
0x48: {  	v0 =	vand.u32 $0x7, v0;
	v1 =	vand.u32 $0xFFFFFFF0, v60  }
0x49: {  	v0 =	vor.u32 v0, v1  }
0x4a: {  	v1 =	vperm.xlane v0, v2;
	_ =	sdelay $0x1  }
0x4b: {  	v0 =	vperm.xlane v0, v4;
	v1 =	vadd.s32 v3, v1;
	_ =	sdelay $0x1  }
0x4c: {  	v0 =	vadd.s32 v3, v0;
	_ =	sdelay $0x2  }
0x4d: {  	[tilespmem:s19], [sflag:$0x1] =	stream.indirect_vreg.gather [hbm4b:s4+s3], $0x80, v1, vm0, $0xb8;
	[tilespmem:$0x8900] =	vst v63  }
0x4e: {  	_ = 	snop  }
0x4f: {  	[tilespmem:s20], [sflag:$0x1] =	stream.indirect_vreg.gather [hbm4b:s4+s3], $0x80, v0, vm0, $0xb8;
	[tilespmem:$0x8900] =	vst v63  }
0x50: {  	v0 =	vld [tilespmem:$0x50];
	_ =	sdelay $0x4  }
0x51: {  	v61 =	vshll.u32 v0, $0x1  }
0x52: {  	v0 =	vand.u32 $0x7, v0;
	v1 =	vand.u32 $0xFFFFFFF0, v61  }
0x53: {  	v0 =	vor.u32 v0, v1  }
0x54: {  	v1 =	vperm.xlane v0, v2;
	_ =	sdelay $0x1  }
0x55: {  	v0 =	vperm.xlane v0, v4;
	v1 =	vadd.s32 v3, v1;
	_ =	sdelay $0x1  }
0x56: {  	v0 =	vadd.s32 v3, v0;
	_ =	sdelay $0x2  }
0x57: {  	[tilespmem:s21], [sflag:$0x1] =	stream.indirect_vreg.gather [hbm4b:s4+s3], $0x80, v1, vm0, $0xb8;
	[tilespmem:$0x8900] =	vst v63  }
0x58: {  	_ = 	snop  }
0x59: {  	[tilespmem:s22], [sflag:$0x1] =	stream.indirect_vreg.gather [hbm4b:s4+s3], $0x80, v0, vm0, $0xb8;
	[tilespmem:$0x8900] =	vst v63  }
0x5a: {  	v0 =	vld [tilespmem:$0x60];
	_ =	sdelay $0x4  }
0x5b: {  	v62 =	vshll.u32 v0, $0x1  }
0x5c: {  	v0 =	vand.u32 $0x7, v0;
	v1 =	vand.u32 $0xFFFFFFF0, v62  }
0x5d: {  	v0 =	vor.u32 v0, v1  }
0x5e: {  	v1 =	vperm.xlane v0, v2;
	_ =	sdelay $0x1  }
0x5f: {  	v0 =	vperm.xlane v0, v4;
	v1 =	vadd.s32 v3, v1;
	_ =	sdelay $0x1  }
0x60: {  	v0 =	vadd.s32 v3, v0;
	_ =	sdelay $0x2  }
0x61: {  	[tilespmem:s23], [sflag:$0x1] =	stream.indirect_vreg.gather [hbm4b:s4+s3], $0x80, v1, vm0, $0xb8;
	[tilespmem:$0x8900] =	vst v63  }
0x62: {  	_ = 	snop  }
0x63: {  	[tilespmem:s24], [sflag:$0x1] =	stream.indirect_vreg.gather [hbm4b:s4+s3], $0x80, v0, vm0, $0xb8;
	[tilespmem:$0x8900] =	vst v63  }
0x64: {  	v0 =	vld [tilespmem:$0x70];
	_ =	sdelay $0x4  }
0x65: {  	v63 =	vshll.u32 v0, $0x1  }
0x66: {  	v0 =	vand.u32 $0x7, v0;
	v1 =	vand.u32 $0xFFFFFFF0, v63  }
0x67: {  	v0 =	vor.u32 v0, v1  }
0x68: {  	v1 =	vperm.xlane v0, v2;
	_ =	sdelay $0x1  }
0x69: {  	v0 =	vperm.xlane v0, v4;
	v1 =	vadd.s32 v3, v1;
	_ =	sdelay $0x1  }
0x6a: {  	v0 =	vadd.s32 v3, v0;
	_ =	sdelay $0x2  }
0x6b: {  	[tilespmem:s25], [sflag:$0x1] =	stream.indirect_vreg.gather [hbm4b:s4+s3], $0x80, v1, vm0, $0xb8;
	[tilespmem:$0x8900] =	vst v63  }
0x6c: {  	_ = 	snop  }
0x6d: {  	[tilespmem:s26], [sflag:$0x1] =	stream.indirect_vreg.gather [hbm4b:s4+s3], $0x80, v0, vm0, $0xb8;
	[tilespmem:$0x8900] =	vst v63  }
0x6e: {  	_ =	swait.ge [sflag:s28], $0x8000  }
0x6f: {  	[sflag:s28] =	ssyncset.done $0x0  }
0x70: {  	[sflag:s28] =	ssyncadd.s32 $0xFFFF8000  }
.LBB2_3:
0x71: {  	s8 =	sshll.u32 s3, $0x4  }
0x72: {  	s30 =	sshll.u32 s3, $0xC;
	s8 =	sand.u32 $0x3FFFFFF0, s8  }
0x73: {  	v25 =	vld [tilespmem:s8+$0x80];
	s8 =	sand.u32 $0x3FFFF000, s30  }
0x74: {  	v63 =	vld [tilespmem:s8+$0x6D0];
	_ =	sdelay $0x4  }
0x75: {  	[tilespmem:$0x1FAE0] =	vst v63;
	v63 =	vld [tilespmem:s8+$0x6E0];
	_ =	sdelay $0x4  }
0x76: {  	[tilespmem:$0x1FAF0] =	vst v63;
	v63 =	vld [tilespmem:s8+$0x6F0];
	_ =	sdelay $0x4  }
0x77: {  	[tilespmem:$0x1FB00] =	vst v63;
	v63 =	vld [tilespmem:s8+$0x300];
	_ =	sdelay $0x4  }
0x78: {  	[tilespmem:$0x1FB10] =	vst v63;
	v63 =	vld [tilespmem:s8+$0x310];
	_ =	sdelay $0x4  }
0x79: {  	[tilespmem:$0x1FB20] =	vst v63;
	v63 =	vld [tilespmem:s8+$0x320];
	_ =	sdelay $0x4  }
0x7a: {  	[tilespmem:$0x1FB30] =	vst v63;
	v63 =	vld [tilespmem:s8+$0x330];
	_ =	sdelay $0x4  }
0x7b: {  	[tilespmem:$0x1FB40] =	vst v63;
	v63 =	vld [tilespmem:s8+$0x340];
	_ =	sdelay $0x4  }
0x7c: {  	[tilespmem:$0x1FB50] =	vst v63;
	v63 =	vld [tilespmem:s8+$0x350];
	_ =	sdelay $0x4  }
0x7d: {  	[tilespmem:$0x1FB60] =	vst v63;
	v63 =	vld [tilespmem:s8+$0x360];
	_ =	sdelay $0x4  }
0x7e: {  	[tilespmem:$0x1FB70] =	vst v63;
	v63 =	vld [tilespmem:s8+$0x370];
	_ =	sdelay $0x4  }
0x7f: {  	[tilespmem:$0x1FB80] =	vst v63;
	v63 =	vld [tilespmem:s8+$0x700];
	_ =	sdelay $0x4  }
0x80: {  	[tilespmem:$0x1FB90] =	vst v63;
	v63 =	vld [tilespmem:s8+$0x710];
	_ =	sdelay $0x4  }
0x81: {  	[tilespmem:$0x1FBA0] =	vst v63;
	v63 =	vld [tilespmem:s8+$0x720];
	_ =	sdelay $0x4  }
0x82: {  	[tilespmem:$0x1FBB0] =	vst v63;
	v63 =	vld [tilespmem:s8+$0x730];
	_ =	sdelay $0x4  }
0x83: {  	[tilespmem:$0x1FBC0] =	vst v63;
	v63 =	vld [tilespmem:s8+$0x740];
	_ =	sdelay $0x4  }
0x84: {  	[tilespmem:$0x1FBD0] =	vst v63;
	v63 =	vld [tilespmem:s8+$0x750];
	_ =	sdelay $0x2  }
0x85: {  	v4 =	vld [tilespmem:s8+$0x100]  }
0x86: {  	v5 =	vld [tilespmem:s8+$0x110]  }
0x87: {  	[tilespmem:$0x1FBE0] =	vst v63;
	v63 =	vld [tilespmem:s8+$0x760]  }
0x88: {  	v11 =	vld [tilespmem:s8+$0x120]  }
0x89: {  	v10 =	vld [tilespmem:s8+$0x130]  }
0x8a: {  	v12 =	vld [tilespmem:s8+$0x140]  }
0x8b: {  	v18 =	vld [tilespmem:s8+$0x150]  }
0x8c: {  	[tilespmem:$0x1FBF0] =	vst v63;
	v63 =	vld [tilespmem:s8+$0x770]  }
0x8d: {  	v17 =	vld [tilespmem:s8+$0x160]  }
0x8e: {  	v19 =	vld [tilespmem:s8+$0x170]  }
0x8f: {  	v20 =	vld [tilespmem:s8+$0x500]  }
0x90: {  	v3 =	vld [tilespmem:s8+$0x510]  }
0x91: {  	[tilespmem:$0x1FC00] =	vst v63;
	v63 =	vld [tilespmem:s8+$0x380]  }
0x92: {  	v26 =	vld [tilespmem:s8+$0x520]  }
0x93: {  	v29 =	vld [tilespmem:s8+$0x530]  }
0x94: {  	v34 =	vld [tilespmem:s8+$0x540]  }
0x95: {  	v31 =	vld [tilespmem:s8+$0x550]  }
0x96: {  	[tilespmem:$0x1FC10] =	vst v63;
	v63 =	vld [tilespmem:s8+$0x390]  }
0x97: {  	v32 =	vld [tilespmem:s8+$0x560]  }
0x98: {  	v35 =	vld [tilespmem:s8+$0x570]  }
0x99: {  	v2 =	vld [tilespmem:s8+$0x180]  }
0x9a: {  	v6 =	vld [tilespmem:s8+$0x190]  }
0x9b: {  	[tilespmem:$0x1FC20] =	vst v63;
	v63 =	vld [tilespmem:s8+$0x3A0]  }
0x9c: {  	v7 =	vld [tilespmem:s8+$0x1A0]  }
0x9d: {  	v8 =	vld [tilespmem:s8+$0x1B0]  }
0x9e: {  	v9 =	vld [tilespmem:s8+$0x1C0]  }
0x9f: {  	v13 =	vld [tilespmem:s8+$0x1D0]  }
0xa0: {  	[tilespmem:$0x1FC30] =	vst v63;
	v63 =	vld [tilespmem:s8+$0x3B0]  }
0xa1: {  	v14 =	vld [tilespmem:s8+$0x1E0]  }
0xa2: {  	v15 =	vld [tilespmem:s8+$0x1F0]  }
0xa3: {  	v16 =	vld [tilespmem:s8+$0x580]  }
0xa4: {  	v21 =	vld [tilespmem:s8+$0x590]  }
0xa5: {  	[tilespmem:$0x1FC40] =	vst v63;
	v63 =	vld [tilespmem:s8+$0x3C0]  }
0xa6: {  	v22 =	vld [tilespmem:s8+$0x5A0]  }
0xa7: {  	v37 =	vld [tilespmem:s8+$0x5B0]  }
0xa8: {  	v23 =	vld [tilespmem:s8+$0x5C0]  }
0xa9: {  	v24 =	vld [tilespmem:s8+$0x5D0]  }
0xaa: {  	[tilespmem:$0x1FC50] =	vst v63;
	v63 =	vld [tilespmem:s8+$0x3D0]  }
0xab: {  	v36 =	vld [tilespmem:s8+$0x5E0]  }
0xac: {  	v38 =	vld [tilespmem:s8+$0x5F0]  }
0xad: {  	v42 =	vld [tilespmem:s8+$0x200]  }
0xae: {  	v27 =	vld [tilespmem:s8+$0x210]  }
0xaf: {  	[tilespmem:$0x1FC60] =	vst v63;
	v63 =	vld [tilespmem:s8+$0x3E0]  }
0xb0: {  	v43 =	vld [tilespmem:s8+$0x220]  }
0xb1: {  	v47 =	vld [tilespmem:s8+$0x230]  }
0xb2: {  	v48 =	vld [tilespmem:s8+$0x240]  }
0xb3: {  	v28 =	vld [tilespmem:s8+$0x250]  }
0xb4: {  	[tilespmem:$0x1FC70] =	vst v63;
	v63 =	vld [tilespmem:s8+$0x3F0]  }
0xb5: {  	v49 =	vld [tilespmem:s8+$0x260]  }
0xb6: {  	v30 =	vld [tilespmem:s8+$0x270]  }
0xb7: {  	v50 =	vld [tilespmem:s8+$0x600]  }
0xb8: {  	v52 =	vld [tilespmem:s8+$0x610]  }
0xb9: {  	[tilespmem:$0x1FC80] =	vst v63;
	v63 =	vld [tilespmem:s8+$0x780]  }
0xba: {  	v53 =	vld [tilespmem:s8+$0x620]  }
0xbb: {  	v33 =	vld [tilespmem:s8+$0x630]  }
0xbc: {  	v58 =	vld [tilespmem:s8+$0x640]  }
0xbd: {  	v0 =	vld [tilespmem:s8+$0x6C0]  }
0xbe: {  	[tilespmem:$0x1FC90] =	vst v63;
	v63 =	vld [tilespmem:s8+$0x7A0]  }
0xbf: {  	v1 =	vld [tilespmem:s8+$0x790]  }
0xc0: {  	v39 =	vld [tilespmem:s8+$0x650]  }
0xc1: {  	v59 =	vld [tilespmem:s8+$0x660]  }
0xc2: {  	v60 =	vld [tilespmem:s8+$0x670];
	[tilespmem:$0x1FAD0] =	vst v0  }
0xc3: {  	v0 =	vbroadcast v25, $0x0;
	[tilespmem:$0x1FCB0] =	vst v63;
	v63 =	vld [tilespmem:s8+$0x7B0]  }
0xc4: {  	v61 =	vld [tilespmem:s8+$0x280];
	[tilespmem:$0x1FCA0] =	vst v1;
	v1 =	vbroadcast v25, $0x1  }
0xc5: {  	v62 =	vld [tilespmem:s8+$0x290];
	v4 =	vmul.f32 v4, v0;
	v5 =	vmul.f32 v5, v0  }
0xc6: {  	v40 =	vld [tilespmem:s8+$0x2A0];
	v2 =	vmul.f32 v2, v1  }
0xc7: {  	v41 =	vld [tilespmem:s8+$0x2B0];
	v6 =	vmul.f32 v6, v1;
	v4 =	vadd.f32 $0.0e+00, v4;
	v5 =	vadd.f32 $0.0e+00, v5  }
0xc8: {  	[tilespmem:$0x1FCC0] =	vst v63;
	v63 =	vld [tilespmem:s8+$0x7C0]  }
0xc9: {  	v2 =	vadd.f32 v2, v4;
	v4 =	vadd.f32 v6, v5;
	v5 =	vmul.f32 v12, v0;
	v12 =	vld [tilespmem:s8+$0x400]  }
0xca: {  	v44 =	vld [tilespmem:s8+$0x2C0]  }
0xcb: {  	v45 =	vld [tilespmem:s8+$0x2D0]  }
0xcc: {  	v46 =	vld [tilespmem:s8+$0x2E0]  }
0xcd: {  	[tilespmem:$0x1FCD0] =	vst v63;
	v63 =	vld [tilespmem:s8+$0x7D0]  }
0xce: {  	[tilespmem:$0x1FD10] =	vst v12;
	v12 =	vld [tilespmem:s8+$0x420]  }
0xcf: {  	v51 =	vld [tilespmem:s8+$0x2F0];
	v10 =	vmul.f32 v10, v0  }
0xd0: {  	v54 =	vld [tilespmem:s8+$0x680]  }
0xd1: {  	v56 =	vld [tilespmem:s8+$0x690];
	v8 =	vmul.f32 v8, v1;
	v17 =	vmul.f32 v17, v0;
	v10 =	vadd.f32 $0.0e+00, v10  }
0xd2: {  	v11 =	vmul.f32 v11, v0;
	[tilespmem:$0x1FCE0] =	vst v63;
	v63 =	vld [tilespmem:s8+$0x7E0]  }
0xd3: {  	v8 =	vadd.f32 v8, v10;
	v10 =	vadd.f32 $0.0e+00, v17;
	v17 =	vmul.f32 v20, v0;
	[tilespmem:$0x1FD30] =	vst v12;
	v12 =	vld [tilespmem:s8+$0x440]  }
0xd4: {  	v55 =	vld [tilespmem:s8+$0x6A0];
	v7 =	vmul.f32 v7, v1;
	v6 =	vadd.f32 $0.0e+00, v11  }
0xd5: {  	v57 =	vld [tilespmem:s8+$0x6B0];
	v24 =	vmul.f32 v24, v1;
	v20 =	vmul.f32 v16, v1;
	v11 =	vadd.f32 $0.0e+00, v17  }
0xd6: {  	v16 =	vmul.f32 v31, v0;
	v31 =	vld [tilespmem:s8+$0x860];
	v6 =	vadd.f32 v7, v6;
	v7 =	vmul.f32 v18, v0  }
0xd7: {  	v17 =	vmul.f32 v32, v0;
	v11 =	vadd.f32 v20, v11;
	v20 =	vmul.f32 v26, v0;
	[tilespmem:$0x1FCF0] =	vst v63;
	v63 =	vld [tilespmem:s8+$0x7F0]  }
0xd8: {  	v18 =	vld [tilespmem:s8+$0x430];
	[tilespmem:$0x1FD50] =	vst v12;
	v12 =	vmul.f32 v13, v1;
	v13 =	vmul.f32 v14, v1  }
0xd9: {  	v36 =	vmul.f32 v36, v1;
	v16 =	vadd.f32 $0.0e+00, v16;
	v26 =	vld [tilespmem:s8+$0x810];
	v17 =	vadd.f32 $0.0e+00, v17  }
0xda: {  	v32 =	vld [tilespmem:s8+$0x870];
	v10 =	vadd.f32 v13, v10;
	v13 =	vadd.f32 $0.0e+00, v20;
	v20 =	vbroadcast v25, $0x2  }
0xdb: {  	v9 =	vmul.f32 v9, v1;
	v5 =	vadd.f32 $0.0e+00, v5;
	v17 =	vadd.f32 v36, v17;
	v36 =	vld [tilespmem:s8+$0x4C0]  }
0xdc: {  	v16 =	vadd.f32 v24, v16;
	v24 =	vmul.f32 v27, v20;
	v27 =	vmul.f32 v43, v20;
	[tilespmem:$0x1FD00] =	vst v63;
	v63 =	vld [tilespmem:s8+$0x410]  }
0xdd: {  	v5 =	vadd.f32 v9, v5;
	[tilespmem:$0x1FD40] =	vst v18;
	v18 =	vld [tilespmem:s8+$0x450];
	v43 =	vmul.f32 v47, v20;
	v47 =	vmul.f32 v48, v20  }
0xde: {  	[tilespmem:$0x1FDA0] =	vst v26;
	v26 =	vld [tilespmem:s8+$0x830]  }
0xdf: {  	v5 =	vadd.f32 v47, v5;
	v47 =	vld [tilespmem:s8+$0x880]  }
0xe0: {  	v49 =	vmul.f32 v49, v20;
	v8 =	vadd.f32 v43, v8;
	v43 =	vld [tilespmem:s8+$0x8B0]  }
0xe1: {  	[tilespmem:$0x1FD20] =	vst v63;
	v63 =	vmul.f32 v19, v0;
	v19 =	vld [tilespmem:s8+$0x460]  }
0xe2: {  	v39 =	vmul.f32 v39, v20;
	v10 =	vadd.f32 v49, v10;
	v49 =	vld [tilespmem:s8+$0x8D0]  }
0xe3: {  	v29 =	vmul.f32 v29, v0;
	v14 =	vmul.f32 v15, v1;
	v9 =	vadd.f32 $0.0e+00, v63;
	v63 =	vld [tilespmem:s8+$0x470]  }
0xe4: {  	v16 =	vadd.f32 v39, v16;
	v39 =	vld [tilespmem:s8+$0x910]  }
0xe5: {  	v37 =	vmul.f32 v37, v1;
	v9 =	vadd.f32 v14, v9;
	v14 =	vadd.f32 $0.0e+00, v29;
	v29 =	vld [tilespmem:s8+$0x840]  }
0xe6: {  	[tilespmem:$0x1FD70] =	vst v19;
	v19 =	vld [tilespmem:s8+$0x800]  }
0xe7: {  	v7 =	vadd.f32 $0.0e+00, v7;
	[tilespmem:$0x1FD60] =	vst v18;
	v18 =	vmul.f32 v3, v0;
	v14 =	vadd.f32 v37, v14;
	v37 =	vld [tilespmem:s8+$0x480]  }
0xe8: {  	[tilespmem:$0x1FD80] =	vst v63;
	v63 =	vmul.f32 v34, v0;
	v34 =	vld [tilespmem:s8+$0x820]  }
0xe9: {  	v7 =	vadd.f32 v12, v7;
	v12 =	vadd.f32 $0.0e+00, v18;
	v0 =	vmul.f32 v35, v0;
	v35 =	vld [tilespmem:s8+$0x4A0]  }
0xea: {  	v18 =	vmul.f32 v21, v1;
	v15 =	vadd.f32 $0.0e+00, v63;
	v63 =	vmul.f32 v23, v1;
	v23 =	vld [tilespmem:s8+$0x4F0]  }
0xeb: {  	[tilespmem:$0x1FD90] =	vst v19;
	v19 =	vmul.f32 v22, v1;
	v1 =	vmul.f32 v38, v1;
	v38 =	vld [tilespmem:s8+$0x490]  }
0xec: {  	v48 =	vmul.f32 v28, v20;
	v22 =	vmul.f32 v50, v20;
	v50 =	vld [tilespmem:s8+$0x930]  }
0xed: {  	v0 =	vadd.f32 $0.0e+00, v0;
	v15 =	vadd.f32 v63, v15;
	v63 =	vmul.f32 v42, v20;
	v42 =	vld [tilespmem:s8+$0x4B0]  }
0xee: {  	v28 =	vmul.f32 v33, v20;
	v33 =	vmul.f32 v58, v20;
	v4 =	vadd.f32 v24, v4;
	[tilespmem:$0x1FDC0] =	vst v37;
	v37 =	vld [tilespmem:s8+$0x4D0]  }
0xef: {  	v24 =	vmul.f32 v52, v20;
	[tilespmem:$0x1FDB0] =	vst v34;
	v34 =	vld [tilespmem:s8+$0x850];
	v13 =	vadd.f32 v19, v13;
	v0 =	vadd.f32 v1, v0  }
0xf0: {  	v52 =	vmul.f32 v59, v20;
	v1 =	vadd.f32 v27, v6;
	v6 =	vadd.f32 v48, v7;
	v48 =	vld [tilespmem:s8+$0x8C0]  }
0xf1: {  	v7 =	vadd.f32 v22, v11;
	v22 =	vbroadcast v25, $0x3;
	v19 =	vadd.f32 v28, v14;
	v14 =	vld [tilespmem:s8+$0x8F0]  }
0xf2: {  	v27 =	vmul.f32 v53, v20;
	v2 =	vadd.f32 v63, v2;
	v63 =	vmul.f32 v30, v20;
	v30 =	vld [tilespmem:s8+$0x890]  }
0xf3: {  	v53 =	vmul.f32 v60, v20;
	v58 =	vmul.f32 v61, v22;
	v61 =	vld [tilespmem:s8+$0x8E0]  }
0xf4: {  	v11 =	vadd.f32 v27, v13;
	v13 =	vadd.f32 v52, v17;
	v52 =	vld [tilespmem:s8+$0x940]  }
0xf5: {  	v17 =	vadd.f32 v53, v0;
	v53 =	vld [tilespmem:$0x1FAD0]  }
0xf6: {  	[tilespmem:$0x1FDF0] =	vst v23;
	v23 =	vadd.f32 v33, v15;
	v33 =	vmul.f32 v46, v22;
	v46 =	vmul.f32 v55, v22;
	v55 =	vld [tilespmem:s8+$0x950]  }
0xf7: {  	v15 =	vmul.f32 v45, v22;
	v45 =	vmul.f32 v56, v22;
	v56 =	vld [tilespmem:$0x1FAE0]  }
0xf8: {  	[tilespmem:$0x1FDD0] =	vst v38;
	v38 =	vld [tilespmem:s8+$0x4E0]  }
0xf9: {  	v12 =	vadd.f32 v18, v12;
	v18 =	vadd.f32 v63, v9;
	v63 =	vmul.f32 v44, v22;
	v44 =	vld [tilespmem:s8+$0x920]  }
0xfa: {  	[tilespmem:$0x1FE60] =	vst v50;
	v50 =	vld [tilespmem:$0x1FB30]  }
0xfb: {  	v9 =	vld [tilespmem:$0x1FBA0]  }
0xfc: {  	v59 =	vmul.f32 v62, v22;
	[tilespmem:$0x1FDE0] =	vst v42;
	v42 =	vld [tilespmem:s8+$0x8A0]  }
0xfd: {  	v12 =	vadd.f32 v24, v12;
	v20 =	vadd.f32 v58, v2;
	v58 =	vld [tilespmem:s8+$0x960]  }
0xfe: {  	v62 =	vmul.f32 v41, v22;
	v41 =	vmul.f32 v54, v22;
	v24 =	vadd.f32 v59, v4;
	v59 =	vld [tilespmem:$0x1FAF0]  }
0xff: {  	v4 =	vld [tilespmem:$0x1FB10]  }
0x100: {  	[tilespmem:$0x1FE40] =	vst v39;
	v39 =	vadd.f32 v41, v7;
	v41 =	vadd.f32 v46, v11;
	v46 =	vld [tilespmem:s8+$0xD00]  }
0x101: {  	v28 =	vadd.f32 v62, v8;
	v8 =	vld [tilespmem:s8+$0xD50]  }
0x102: {  	v60 =	vmul.f32 v40, v22;
	v40 =	vmul.f32 v51, v22;
	v11 =	vld [tilespmem:s8+$0xD60]  }
0x103: {  	v21 =	vadd.f32 v63, v5;
	v63 =	vld [tilespmem:s8+$0x970]  }
0x104: {  	v18 =	vadd.f32 v40, v18;
	v40 =	vadd.f32 v45, v12;
	v12 =	vld [tilespmem:$0x1FBB0]  }
0x105: {  	[tilespmem:$0x1FE20] =	vst v14;
	v14 =	vld [tilespmem:$0x1FBC0]  }
0x106: {  	[tilespmem:$0x1FE00] =	vst v30;
	v30 =	vld [tilespmem:s8+$0x900]  }
0x107: {  	[tilespmem:$0x1FE10] =	vst v61;
	v61 =	vld [tilespmem:$0x1FB00]  }
0x108: {  	[tilespmem:$0x1FE70] =	vst v52;
	v52 =	vld [tilespmem:s8+$0xD10]  }
0x109: {  	v54 =	vmul.f32 v53, v22;
	v53 =	vld [tilespmem:$0x1FB40]  }
0x10a: {  	v45 =	vbroadcast v25, $0x4;
	[tilespmem:$0x1FE80] =	vst v55;
	v55 =	vld [tilespmem:s8+$0xD20]  }
0x10b: {  	v51 =	vmul.f32 v57, v22;
	v57 =	vmul.f32 v56, v22;
	v56 =	vld [tilespmem:$0x1FB50]  }
0x10c: {  	v33 =	vadd.f32 v33, v10;
	v10 =	vmul.f32 v9, v45;
	v9 =	vld [tilespmem:s8+$0x990]  }
0x10d: {  	[tilespmem:$0x1FE90] =	vst v58;
	v58 =	vld [tilespmem:$0x1FB60]  }
0x10e: {  	v5 =	vmul.f32 v4, v45;
	[tilespmem:$0x1FEB0] =	vst v46;
	v46 =	vld [tilespmem:$0x1FBD0]  }
0x10f: {  	[tilespmem:$0x1FEA0] =	vst v63;
	v63 =	vld [tilespmem:$0x1FB80]  }
0x110: {  	v20 =	vadd.f32 v5, v20;
	v5 =	vld [tilespmem:s8+$0xD40]  }
0x111: {  	[tilespmem:$0x1FE30] =	vst v30;
	v30 =	vadd.f32 v15, v6;
	v6 =	vld [tilespmem:$0x1FB90]  }
0x112: {  	v27 =	vadd.f32 v60, v1;
	v60 =	vmul.f32 v59, v22;
	v62 =	vmul.f32 v61, v22;
	v22 =	vld [tilespmem:$0x1FB20]  }
0x113: {  	v16 =	vadd.f32 v57, v16;
	v57 =	vmul.f32 v56, v45;
	v61 =	vld [tilespmem:$0x1FB70]  }
0x114: {  	[tilespmem:$0x1FEC0] =	vst v52;
	v52 =	vld [tilespmem:$0x1FBE0]  }
0x115: {  	v21 =	vadd.f32 v57, v21;
	v57 =	vadd.f32 v10, v40;
	v10 =	vld [tilespmem:$0x1FC00]  }
0x116: {  	v19 =	vadd.f32 v51, v19;
	v51 =	vmul.f32 v50, v45;
	v50 =	vmul.f32 v46, v45;
	v46 =	vld [tilespmem:$0x1FC20]  }
0x117: {  	v59 =	vmul.f32 v58, v45;
	v58 =	vld [tilespmem:s8+$0x9C0]  }
0x118: {  	v7 =	vmul.f32 v6, v45;
	v6 =	vld [tilespmem:s8+$0x980]  }
0x119: {  	[tilespmem:$0x1FED0] =	vst v55;
	v55 =	vadd.f32 v59, v30;
	v59 =	vld [tilespmem:$0x1FC40]  }
0x11a: {  	v23 =	vadd.f32 v54, v23;
	[tilespmem:$0x1FEF0] =	vst v5;
	v5 =	vld [tilespmem:$0x1FC60]  }
0x11b: {  	[tilespmem:$0x1FE50] =	vst v44;
	v54 =	vmul.f32 v53, v45;
	v44 =	vmul.f32 v22, v45;
	v22 =	vadd.f32 v60, v13;
	v60 =	vld [tilespmem:s8+$0xD30]  }
0x11c: {  	v4 =	vmul.f32 v63, v45;
	v53 =	vmul.f32 v52, v45;
	v52 =	vld [tilespmem:$0x1FC30]  }
0x11d: {  	v17 =	vadd.f32 v62, v17;
	v62 =	vmul.f32 v61, v45;
	v61 =	vld [tilespmem:$0x1FC50]  }
0x11e: {  	v18 =	vadd.f32 v4, v18;
	v4 =	vadd.f32 v50, v23;
	v23 =	vld [tilespmem:$0x1FC90]  }
0x11f: {  	v28 =	vadd.f32 v54, v28;
	v54 =	vadd.f32 v7, v39;
	v7 =	vld [tilespmem:$0x1FBF0]  }
0x120: {  	v39 =	vld [tilespmem:$0x1FC10]  }
0x121: {  	v24 =	vadd.f32 v44, v24;
	v44 =	vld [tilespmem:s8+$0xD70]  }
0x122: {  	v27 =	vadd.f32 v51, v27;
	v13 =	vmul.f32 v12, v45;
	v51 =	vadd.f32 v62, v33;
	v33 =	vld [tilespmem:s8+$0x9A0]  }
0x123: {  	v62 =	vld [tilespmem:s8+$0x9D0]  }
0x124: {  	v0 =	vbroadcast v25, $0x5;
	v41 =	vadd.f32 v13, v41;
	v13 =	vld [tilespmem:$0x1FC70]  }
0x125: {  	v63 =	vadd.f32 v53, v16;
	v16 =	vld [tilespmem:s8+$0x9F0]  }
0x126: {  	v50 =	vmul.f32 v46, v0;
	v46 =	vld [tilespmem:$0x1FCD0]  }
0x127: {  	[tilespmem:$0x1FEE0] =	vst v60;
	v60 =	vmul.f32 v59, v0;
	v59 =	vld [tilespmem:s8+$0xDA0]  }
0x128: {  	v1 =	vmul.f32 v61, v0;
	v61 =	vld [tilespmem:s8+$0xDB0]  }
0x129: {  	[tilespmem:$0x1FF00] =	vst v8;
	v15 =	vmul.f32 v14, v45;
	v53 =	vmul.f32 v52, v0;
	v52 =	vld [tilespmem:s8+$0xA50]  }
0x12a: {  	[tilespmem:$0x1FF10] =	vst v11;
	v11 =	vmul.f32 v10, v45;
	v8 =	vmul.f32 v7, v45;
	v45 =	vld [tilespmem:s8+$0x9B0]  }
0x12b: {  	v40 =	vmul.f32 v39, v0;
	v39 =	vld [tilespmem:s8+$0xD90]  }
0x12c: {  	v7 =	vmul.f32 v5, v0;
	v5 =	vld [tilespmem:$0x1FCF0]  }
0x12d: {  	[tilespmem:$0x1FF80] =	vst v62;
	v62 =	vld [tilespmem:s8+$0xD80]  }
0x12e: {  	[tilespmem:$0x1FF30] =	vst v6;
	v6 =	vadd.f32 v53, v27;
	v27 =	vld [tilespmem:$0x1FCA0]  }
0x12f: {  	[tilespmem:$0x1FF50] =	vst v33;
	v33 =	vld [tilespmem:$0x1FCB0]  }
0x130: {  	v14 =	vadd.f32 v1, v21;
	v1 =	vmul.f32 v23, v0;
	v23 =	vld [tilespmem:$0x1FD20]  }
0x131: {  	v21 =	vld [tilespmem:$0x1FDA0]  }
0x132: {  	v56 =	vadd.f32 v15, v19;
	v53 =	vld [tilespmem:s8+$0xA40]  }
0x133: {  	v24 =	vadd.f32 v50, v24;
	v20 =	vadd.f32 v40, v20;
	v40 =	vld [tilespmem:$0x1FCC0]  }
0x134: {  	v15 =	vmul.f32 v13, v0;
	v50 =	vmul.f32 v46, v0;
	v12 =	vadd.f32 v8, v22;
	v22 =	vld [tilespmem:$0x1FD10]  }
0x135: {  	v8 =	vadd.f32 v1, v54;
	v54 =	vld [tilespmem:s8+$0xA20]  }
0x136: {  	v51 =	vadd.f32 v15, v51;
	v15 =	vadd.f32 v50, v4;
	v50 =	vld [tilespmem:s8+$0xA60]  }
0x137: {  	[tilespmem:$0x1FF60] =	vst v45;
	v45 =	vadd.f32 v11, v17;
	v11 =	vld [tilespmem:s8+$0x9E0]  }
0x138: {  	v17 =	vld [tilespmem:$0x1FC80]  }
0x139: {  	v1 =	vbroadcast v25, $0x6;
	[tilespmem:$0x1FFB0] =	vst v39;
	v39 =	vld [tilespmem:$0x1FD50]  }
0x13a: {  	v30 =	vmul.f32 v27, v0;
	v27 =	vld [tilespmem:$0x1FD30]  }
0x13b: {  	v3 =	vmul.f32 v23, v1;
	v23 =	vld [tilespmem:$0x1FDB0]  }
0x13c: {  	[tilespmem:$0x1FF20] =	vst v44;
	v44 =	vmul.f32 v40, v0;
	v40 =	vld [tilespmem:$0x1FD60]  }
0x13d: {  	v2 =	vmul.f32 v33, v0;
	v13 =	vadd.f32 v30, v57;
	v57 =	vld [tilespmem:$0x1FCE0]  }
0x13e: {  	v30 =	vld [tilespmem:$0x1FD40]  }
0x13f: {  	[tilespmem:$0x1FFA0] =	vst v16;
	v16 =	vadd.f32 v2, v41;
	v41 =	vld [tilespmem:$0x1FD70]  }
0x140: {  	v2 =	vmul.f32 v22, v1;
	v22 =	vmul.f32 v21, v1;
	v21 =	vld [tilespmem:$0x1FDE0]  }
0x141: {  	[tilespmem:$0x1FF90] =	vst v11;
	v11 =	vadd.f32 v60, v28;
	v19 =	vmul.f32 v17, v0;
	v60 =	vld [tilespmem:s8+$0xDC0]  }
0x142: {  	v17 =	vld [tilespmem:$0x1FD00]  }
0x143: {  	v18 =	vadd.f32 v19, v18;
	v19 =	vadd.f32 v44, v56;
	v56 =	vld [tilespmem:s8+$0xA10]  }
0x144: {  	v44 =	vld [tilespmem:$0x1FD80]  }
0x145: {  	v10 =	vadd.f32 v2, v20;
	v2 =	vmul.f32 v40, v1;
	v40 =	vld [tilespmem:s8+$0xE30]  }
0x146: {  	[tilespmem:$0x1FF70] =	vst v58;
	v58 =	vmul.f32 v57, v0;
	v57 =	vld [tilespmem:s8+$0xA00]  }
0x147: {  	v33 =	vmul.f32 v30, v1;
	v30 =	vmul.f32 v31, v1;
	v31 =	vld [tilespmem:$0x1FDC0]  }
0x148: {  	v24 =	vadd.f32 v3, v24;
	v3 =	vmul.f32 v41, v1;
	v41 =	vld [tilespmem:s8+$0xE20]  }
0x149: {  	v55 =	vadd.f32 v7, v55;
	v7 =	vmul.f32 v5, v0;
	[tilespmem:$0x1FFC0] =	vst v60;
	v60 =	vld [tilespmem:s8+$0xDD0]  }
0x14a: {  	[tilespmem:$0x1FF40] =	vst v9;
	v28 =	vmul.f32 v27, v1;
	v9 =	vadd.f32 v58, v63;
	v58 =	vld [tilespmem:s8+$0xDE0]  }
0x14b: {  	v12 =	vadd.f32 v7, v12;
	v63 =	vld [tilespmem:s8+$0xDF0]  }
0x14c: {  	v0 =	vmul.f32 v17, v0;
	v17 =	vadd.f32 v28, v6;
	v6 =	vadd.f32 v2, v55;
	v55 =	vld [tilespmem:s8+$0xA30]  }
0x14d: {  	v11 =	vadd.f32 v33, v11;
	v33 =	vld [tilespmem:$0x1FDD0]  }
0x14e: {  	v20 =	vadd.f32 v30, v12;
	v30 =	vld [tilespmem:$0x1FE00]  }
0x14f: {  	v7 =	vadd.f32 v0, v45;
	v0 =	vmul.f32 v39, v1;
	v45 =	vld [tilespmem:$0x1FD90]  }
0x150: {  	v27 =	vmul.f32 v23, v1;
	v4 =	vmul.f32 v44, v1;
	v44 =	vld [tilespmem:s8+$0xE00]  }
0x151: {  	v29 =	vmul.f32 v29, v1;
	v39 =	vld [tilespmem:s8+$0xE40];
	v5 =	vadd.f32 v0, v14;
	v0 =	vbroadcast v25, $0x7  }
0x152: {  	v34 =	vmul.f32 v34, v1;
	v14 =	vadd.f32 v27, v16;
	v27 =	vld [tilespmem:$0x1FDF0]  }
0x153: {  	v15 =	vadd.f32 v29, v15;
	v28 =	vmul.f32 v26, v1;
	v26 =	vmul.f32 v38, v0;
	v38 =	vld [tilespmem:s8+$0xE50]  }
0x154: {  	v9 =	vadd.f32 v34, v9;
	v34 =	vmul.f32 v33, v0;
	v29 =	vmul.f32 v47, v0;
	v47 =	vld [tilespmem:s8+$0xE60]  }
0x155: {  	v35 =	vmul.f32 v35, v0;
	v33 =	vmul.f32 v43, v0;
	v43 =	vld [tilespmem:s8+$0xA80]  }
0x156: {  	v13 =	vadd.f32 v22, v13;
	v22 =	vmul.f32 v21, v0;
	v23 =	vmul.f32 v36, v0;
	v36 =	vld [tilespmem:s8+$0xAD0]  }
0x157: {  	v46 =	vmul.f32 v45, v1;
	v45 =	vld [tilespmem:s8+$0xA70];
	v1 =	vmul.f32 v32, v1  }
0x158: {  	v32 =	vmul.f32 v31, v0;
	v31 =	vmul.f32 v30, v0;
	v30 =	vld [tilespmem:$0x1FED0]  }
0x159: {  	v17 =	vadd.f32 v35, v17;
	v35 =	vmul.f32 v49, v0;
	v49 =	vld [tilespmem:s8+$0xAA0]  }
0x15a: {  	v51 =	vadd.f32 v3, v51;
	v11 =	vadd.f32 v22, v11;
	v22 =	vld [tilespmem:$0x1FE40]  }
0x15b: {  	v21 =	vadd.f32 v23, v5;
	v23 =	vld [tilespmem:$0x1FE50]  }
0x15c: {  	v16 =	vadd.f32 v26, v51;
	v26 =	vld [tilespmem:$0x1FE60]  }
0x15d: {  	v8 =	vadd.f32 v46, v8;
	v46 =	vld [tilespmem:s8+$0xE10]  }
0x15e: {  	v10 =	vadd.f32 v32, v10;
	v32 =	vmul.f32 v42, v0;
	v42 =	vld [tilespmem:s8+$0xE70]  }
0x15f: {  	v12 =	vadd.f32 v1, v7;
	v7 =	vadd.f32 v34, v24;
	v34 =	vmul.f32 v48, v0;
	v48 =	vld [tilespmem:s8+$0xA90]  }
0x160: {  	v24 =	vmul.f32 v37, v0;
	v37 =	vld [tilespmem:s8+$0xAB0]  }
0x161: {  	v4 =	vadd.f32 v4, v18;
	v18 =	vadd.f32 v29, v8;
	v8 =	vld [tilespmem:$0x1FE10]  }
0x162: {  	v5 =	vadd.f32 v32, v14;
	v14 =	vld [tilespmem:$0x1FE20]  }
0x163: {  	v2 =	vadd.f32 v28, v19;
	v19 =	vadd.f32 v34, v15;
	v15 =	vld [tilespmem:$0x1FE30]  }
0x164: {  	v51 =	vbroadcast v25, $0x8;
	v13 =	vadd.f32 v31, v13;
	v31 =	vld [tilespmem:s8+$0xE90]  }
0x165: {  	v28 =	vmul.f32 v27, v0;
	v9 =	vadd.f32 v35, v9;
	v35 =	vld [tilespmem:s8+$0xAC0]  }
0x166: {  	v6 =	vadd.f32 v24, v6;
	v34 =	vld [tilespmem:s8+$0xAE0];
	v3 =	vmul.f32 v22, v51  }
0x167: {  	v4 =	vadd.f32 v28, v4;
	v28 =	vld [tilespmem:$0x1FE70];
	v1 =	vmul.f32 v8, v0;
	v0 =	vmul.f32 v14, v0  }
0x168: {  	v24 =	vadd.f32 v33, v2;
	v27 =	vmul.f32 v26, v51;
	v2 =	vmul.f32 v15, v51;
	v15 =	vld [tilespmem:$0x1FEA0]  }
0x169: {  	v33 =	vld [tilespmem:$0x1FE80];
	v8 =	vadd.f32 v0, v12;
	v0 =	vmul.f32 v23, v51  }
0x16a: {  	v22 =	vadd.f32 v3, v7;
	v7 =	vadd.f32 v27, v11;
	v11 =	vld [tilespmem:$0x1FE90]  }
0x16b: {  	v14 =	vadd.f32 v0, v17;
	v17 =	vld [tilespmem:$0x1FEB0]  }
0x16c: {  	v23 =	vld [tilespmem:$0x1FEC0]  }
0x16d: {  	v27 =	vld [tilespmem:$0x1FEF0];
	v20 =	vadd.f32 v1, v20;
	v1 =	vmul.f32 v15, v51  }
0x16e: {  	v29 =	vmul.f32 v28, v51;
	v28 =	vld [tilespmem:$0x1FF00];
	v0 =	vmul.f32 v33, v51  }
0x16f: {  	v15 =	vadd.f32 v1, v4;
	v4 =	vld [tilespmem:$0x1FEE0]  }
0x170: {  	v32 =	vld [tilespmem:s8+$0xE80];
	v12 =	vmul.f32 v11, v51;
	v6 =	vadd.f32 v0, v6;
	v0 =	vmul.f32 v17, v51  }
0x171: {  	v21 =	vadd.f32 v29, v21;
	v29 =	vld [tilespmem:s8+$0xEA0];
	v26 =	vmul.f32 v23, v51  }
0x172: {  	v16 =	vadd.f32 v12, v16;
	v12 =	vadd.f32 v0, v18;
	v18 =	vld [tilespmem:$0x1FF10]  }
0x173: {  	v33 =	vld [tilespmem:s8+$0xAF0];
	v11 =	vadd.f32 v26, v13;
	v13 =	vmul.f32 v28, v51  }
0x174: {  	v1 =	vmul.f32 v27, v51;
	v27 =	vld [tilespmem:$0x1FF20];
	v17 =	vmul.f32 v4, v51  }
0x175: {  	v3 =	vadd.f32 v13, v9;
	v13 =	vld [tilespmem:$0x1FF30]  }
0x176: {  	v0 =	vmul.f32 v30, v51;
	v4 =	vadd.f32 v17, v24;
	v24 =	vld [tilespmem:$0x1FF40]  }
0x177: {  	v23 =	vmul.f32 v18, v51;
	v18 =	vld [tilespmem:$0x1FF70]  }
0x178: {  	v28 =	vld [tilespmem:s8+$0xEC0];
	v5 =	vadd.f32 v0, v5;
	v0 =	vbroadcast v25, $0x9  }
0x179: {  	v26 =	vld [tilespmem:s8+$0xED0];
	v51 =	vmul.f32 v27, v51  }
0x17a: {  	v10 =	vadd.f32 v2, v10;
	v30 =	vld [tilespmem:s8+$0xEB0];
	v17 =	vmul.f32 v13, v0  }
0x17b: {  	v8 =	vadd.f32 v51, v8;
	v51 =	vld [tilespmem:$0x1FF50];
	v24 =	vmul.f32 v24, v0  }
0x17c: {  	v19 =	vadd.f32 v1, v19;
	v9 =	vadd.f32 v17, v10;
	v17 =	vld [tilespmem:$0x1FF60];
	v1 =	vmul.f32 v18, v0  }
0x17d: {  	v22 =	vadd.f32 v24, v22;
	v24 =	vld [tilespmem:$0x1FFA0]  }
0x17e: {  	v62 =	vmul.f32 v62, v0;
	v1 =	vadd.f32 v1, v21;
	v21 =	vld [tilespmem:$0x1FF90]  }
0x17f: {  	v59 =	vmul.f32 v59, v0;
	v27 =	vld [tilespmem:s8+$0xEE0]  }
0x180: {  	v12 =	vadd.f32 v62, v12;
	v62 =	vld [tilespmem:$0x1FFC0]  }
0x181: {  	v5 =	vadd.f32 v59, v5;
	v59 =	vld [tilespmem:s8+$0xB70];
	v10 =	vmul.f32 v17, v0  }
0x182: {  	v2 =	vadd.f32 v23, v20;
	v23 =	vld [tilespmem:s8+$0xEF0];
	v24 =	vmul.f32 v24, v0  }
0x183: {  	v13 =	vmul.f32 v51, v0;
	v51 =	vld [tilespmem:$0x1FF80];
	v7 =	vadd.f32 v10, v7;
	v10 =	vmul.f32 v21, v0  }
0x184: {  	v20 =	vld [tilespmem:s8+$0xB00];
	v15 =	vadd.f32 v24, v15;
	v24 =	vmul.f32 v61, v0  }
0x185: {  	v10 =	vadd.f32 v10, v16;
	v16 =	vld [tilespmem:$0x1FFB0]  }
0x186: {  	v18 =	vld [tilespmem:s8+$0xB10];
	v4 =	vadd.f32 v24, v4;
	v24 =	vmul.f32 v60, v0;
	v60 =	vbroadcast v25, $0xA  }
0x187: {  	v14 =	vadd.f32 v13, v14;
	v13 =	vld [tilespmem:s8+$0xB50]  }
0x188: {  	v17 =	vmul.f32 v51, v0;
	v51 =	vld [tilespmem:s8+$0xB20];
	v3 =	vadd.f32 v24, v3;
	v24 =	vmul.f32 v57, v60  }
0x189: {  	v21 =	vld [tilespmem:s8+$0xB30];
	v56 =	vmul.f32 v56, v60;
	v52 =	vmul.f32 v52, v60  }
0x18a: {  	v61 =	vld [tilespmem:s8+$0xB60];
	v45 =	vmul.f32 v45, v60;
	v16 =	vmul.f32 v16, v0  }
0x18b: {  	v6 =	vadd.f32 v17, v6;
	v17 =	vld [tilespmem:s8+$0xB40];
	v40 =	vmul.f32 v40, v60;
	v38 =	vmul.f32 v38, v60  }
0x18c: {  	v57 =	vld [tilespmem:s8+$0xF20];
	v9 =	vadd.f32 v24, v9;
	v11 =	vadd.f32 v16, v11;
	v16 =	vmul.f32 v62, v0  }
0x18d: {  	v22 =	vadd.f32 v56, v22;
	v24 =	vmul.f32 v55, v60;
	v55 =	vmul.f32 v50, v60;
	v50 =	vld [tilespmem:s8+$0xF60]  }
0x18e: {  	v56 =	vmul.f32 v44, v60;
	v44 =	vld [tilespmem:s8+$0xF70];
	v16 =	vadd.f32 v16, v19;
	v19 =	vmul.f32 v58, v0  }
0x18f: {  	v15 =	vadd.f32 v45, v15;
	v45 =	vld [tilespmem:s8+$0xB80];
	v0 =	vmul.f32 v63, v0;
	v63 =	vmul.f32 v54, v60  }
0x190: {  	v6 =	vadd.f32 v52, v6;
	v52 =	vmul.f32 v39, v60;
	v39 =	vld [tilespmem:s8+$0xBA0];
	v4 =	vadd.f32 v40, v4  }
0x191: {  	v40 =	vld [tilespmem:s8+$0xBC0];
	v0 =	vadd.f32 v0, v8;
	v8 =	vadd.f32 v63, v14;
	v63 =	vmul.f32 v53, v60  }
0x192: {  	v3 =	vadd.f32 v38, v3;
	v38 =	vld [tilespmem:s8+$0xBD0];
	v10 =	vadd.f32 v55, v10;
	v55 =	vmul.f32 v47, v60  }
0x193: {  	v47 =	vld [tilespmem:s8+$0xBB0];
	v1 =	vadd.f32 v63, v1;
	v63 =	vmul.f32 v46, v60;
	v46 =	vmul.f32 v41, v60  }
0x194: {  	v7 =	vadd.f32 v24, v7;
	v24 =	vld [tilespmem:s8+$0xC00]  }
0x195: {  	v62 =	vld [tilespmem:s8+$0xF00];
	v5 =	vadd.f32 v46, v5;
	v46 =	vbroadcast v25, $0xB  }
0x196: {  	v12 =	vadd.f32 v56, v12;
	v56 =	vmul.f32 v42, v60;
	v58 =	vld [tilespmem:s8+$0xF10];
	v2 =	vadd.f32 v19, v2  }
0x197: {  	v54 =	vld [tilespmem:s8+$0xF40];
	v11 =	vadd.f32 v63, v11;
	v60 =	vmul.f32 v43, v46;
	v63 =	vmul.f32 v48, v46  }
0x198: {  	v19 =	vld [tilespmem:s8+$0xF30];
	v16 =	vadd.f32 v52, v16;
	v48 =	vmul.f32 v49, v46;
	v49 =	vmul.f32 v37, v46  }
0x199: {  	v53 =	vld [tilespmem:s8+$0xF50];
	v2 =	vadd.f32 v55, v2;
	v35 =	vmul.f32 v35, v46;
	v52 =	vmul.f32 v36, v46  }
0x19a: {  	v41 =	vld [tilespmem:s8+$0xB90];
	v0 =	vadd.f32 v56, v0;
	v55 =	vmul.f32 v34, v46;
	v56 =	vmul.f32 v33, v46  }
0x19b: {  	v43 =	vld [tilespmem:s8+$0xBE0];
	v32 =	vmul.f32 v32, v46;
	v29 =	vmul.f32 v29, v46  }
0x19c: {  	v37 =	vld [tilespmem:s8+$0xBF0];
	v42 =	vmul.f32 v26, v46;
	v9 =	vadd.f32 v60, v9;
	v22 =	vadd.f32 v63, v22  }
0x19d: {  	v36 =	vld [tilespmem:s8+$0xF80];
	v26 =	vbroadcast v25, $0xC;
	v8 =	vadd.f32 v48, v8;
	v7 =	vadd.f32 v49, v7  }
0x19e: {  	v34 =	vld [tilespmem:s8+$0xF90];
	v23 =	vmul.f32 v23, v46;
	v1 =	vadd.f32 v35, v1;
	v6 =	vadd.f32 v52, v6  }
0x19f: {  	v33 =	vld [tilespmem:s8+$0xFA0];
	v10 =	vadd.f32 v55, v10;
	v60 =	vmul.f32 v31, v46;
	v63 =	vmul.f32 v30, v46  }
0x1a0: {  	v31 =	vld [tilespmem:s8+$0xFB0];
	v15 =	vadd.f32 v56, v15;
	v35 =	vmul.f32 v28, v46;
	v48 =	vmul.f32 v27, v46  }
0x1a1: {  	v12 =	vadd.f32 v32, v12;
	v30 =	vld [tilespmem:s8+$0xFC0];
	v20 =	vmul.f32 v20, v26;
	v18 =	vmul.f32 v18, v26  }
0x1a2: {  	v5 =	vadd.f32 v29, v5;
	v28 =	vld [tilespmem:s8+$0xFD0];
	v49 =	vmul.f32 v51, v26;
	v51 =	vmul.f32 v21, v26  }
0x1a3: {  	v29 =	vld [tilespmem:s8+$0xFE0];
	v3 =	vadd.f32 v42, v3;
	v52 =	vmul.f32 v17, v26;
	v13 =	vmul.f32 v13, v26  }
0x1a4: {  	v27 =	vld [tilespmem:s8+$0xFF0];
	v0 =	vadd.f32 v23, v0;
	v55 =	vmul.f32 v61, v26;
	v56 =	vmul.f32 v59, v26  }
0x1a5: {  	v23 =	vld [tilespmem:s8+$0xC10];
	v59 =	vmul.f32 v62, v26;
	v11 =	vadd.f32 v60, v11;
	v4 =	vadd.f32 v63, v4  }
0x1a6: {  	v21 =	vld [tilespmem:s8+$0xC20];
	v61 =	vmul.f32 v57, v26;
	v14 =	vadd.f32 v35, v16;
	v2 =	vadd.f32 v48, v2  }
0x1a7: {  	v17 =	vld [tilespmem:s8+$0xC30];
	v19 =	vmul.f32 v19, v26;
	v9 =	vadd.f32 v20, v9;
	v18 =	vadd.f32 v18, v22  }
0x1a8: {  	v32 =	vld [tilespmem:s8+$0xC40];
	v62 =	vmul.f32 v54, v26;
	v8 =	vadd.f32 v49, v8;
	v7 =	vadd.f32 v51, v7  }
0x1a9: {  	v46 =	vld [tilespmem:s8+$0x1000];
	v54 =	vmul.f32 v44, v26;
	v1 =	vadd.f32 v52, v1;
	v6 =	vadd.f32 v13, v6  }
0x1aa: {  	v42 =	vld [tilespmem:s8+$0x1050];
	v10 =	vadd.f32 v55, v10;
	v15 =	vadd.f32 v56, v15;
	v60 =	vmul.f32 v58, v26  }
0x1ab: {  	v44 =	vld [tilespmem:s8+$0xCB0];
	v12 =	vadd.f32 v59, v12;
	v63 =	vmul.f32 v53, v26;
	v53 =	vbroadcast v25, $0xD  }
0x1ac: {  	v16 =	vld [tilespmem:s8+$0xC50];
	v5 =	vadd.f32 v61, v5;
	v52 =	vmul.f32 v50, v26;
	v0 =	vadd.f32 v54, v0  }
0x1ad: {  	v22 =	vld [tilespmem:s8+$0xC60];
	v11 =	vadd.f32 v60, v11;
	v55 =	vmul.f32 v45, v53;
	v56 =	vmul.f32 v41, v53  }
0x1ae: {  	v35 =	vld [tilespmem:s8+$0xC70];
	v4 =	vadd.f32 v19, v4;
	v39 =	vmul.f32 v39, v53;
	v57 =	vmul.f32 v47, v53  }
0x1af: {  	v49 =	vld [tilespmem:s8+$0x1010];
	v14 =	vadd.f32 v62, v14;
	v40 =	vmul.f32 v40, v53;
	v58 =	vmul.f32 v38, v53  }
0x1b0: {  	v20 =	vld [tilespmem:s8+$0x1020];
	v3 =	vadd.f32 v63, v3;
	v59 =	vmul.f32 v43, v53;
	v60 =	vmul.f32 v37, v53  }
0x1b1: {  	v26 =	vld [tilespmem:s8+$0x1030];
	v2 =	vadd.f32 v52, v2;
	v36 =	vmul.f32 v36, v53;
	v62 =	vmul.f32 v34, v53  }
0x1b2: {  	v61 =	vld [tilespmem:s8+$0xC80];
	v33 =	vmul.f32 v33, v53;
	v43 =	vmul.f32 v30, v53;
	v9 =	vadd.f32 v55, v9  }
0x1b3: {  	v51 =	vld [tilespmem:s8+$0xCF0];
	v45 =	vmul.f32 v28, v53;
	v18 =	vadd.f32 v56, v18;
	v8 =	vadd.f32 v39, v8  }
0x1b4: {  	v54 =	vld [tilespmem:s8+$0x1090];
	v28 =	vbroadcast v25, $0xE;
	v7 =	vadd.f32 v57, v7;
	v1 =	vadd.f32 v40, v1  }
0x1b5: {  	v41 =	vld [tilespmem:s8+$0x1040];
	v47 =	vmul.f32 v29, v53;
	v6 =	vadd.f32 v58, v6;
	v10 =	vadd.f32 v59, v10  }
0x1b6: {  	v38 =	vld [tilespmem:s8+$0x1060];
	v27 =	vmul.f32 v27, v53;
	v15 =	vadd.f32 v60, v15;
	v12 =	vadd.f32 v36, v12  }
0x1b7: {  	v63 =	vld [tilespmem:s8+$0xC90];
	v36 =	vmul.f32 v31, v53;
	v11 =	vadd.f32 v62, v11;
	v48 =	vmul.f32 v24, v28  }
0x1b8: {  	v52 =	vld [tilespmem:s8+$0x1080];
	v5 =	vadd.f32 v33, v5;
	v23 =	vmul.f32 v23, v28;
	v50 =	vmul.f32 v21, v28  }
0x1b9: {  	v37 =	vld [tilespmem:s8+$0x10E0];
	v13 =	vadd.f32 v43, v14;
	v17 =	vmul.f32 v17, v28;
	v53 =	vmul.f32 v32, v28  }
0x1ba: {  	v29 =	vld [tilespmem:s8+$0xCD0];
	v3 =	vadd.f32 v45, v3;
	v16 =	vmul.f32 v16, v28;
	v55 =	vmul.f32 v22, v28  }
0x1bb: {  	v39 =	vld [tilespmem:s8+$0x1070];
	v2 =	vadd.f32 v47, v2;
	v22 =	vbroadcast v25, $0xF;
	v57 =	vmul.f32 v35, v28  }
0x1bc: {  	v40 =	vld [tilespmem:s8+$0xCA0];
	v0 =	vadd.f32 v27, v0;
	v59 =	vmul.f32 v46, v28;
	v62 =	vmul.f32 v49, v28  }
0x1bd: {  	v33 =	vld [tilespmem:s8+$0xCC0];
	v45 =	vmul.f32 v20, v28;
	v4 =	vadd.f32 v36, v4;
	v9 =	vadd.f32 v48, v9  }
0x1be: {  	v56 =	vld [tilespmem:s8+$0x10A0];
	v47 =	vmul.f32 v26, v28;
	v18 =	vadd.f32 v23, v18;
	v8 =	vadd.f32 v50, v8  }
0x1bf: {  	v58 =	vld [tilespmem:s8+$0x10B0];
	v7 =	vadd.f32 v17, v7;
	v1 =	vadd.f32 v53, v1;
	v60 =	vmul.f32 v61, v22  }
0x1c0: {  	v24 =	vld [tilespmem:s8+$0xCE0];
	v6 =	vadd.f32 v16, v6;
	v10 =	vadd.f32 v55, v10;
	v34 =	vmul.f32 v63, v22  }
0x1c1: {  	s30 =	sshll.u32 s3, $0x7;
	v61 =	vld [tilespmem:s8+$0x10C0];
	v14 =	vadd.f32 v57, v15;
	v44 =	vmul.f32 v44, v22;
	v9 =	vadd.f32 v60, v9  }
0x1c2: {  	s30 =	sand.u32 $0x3FFFFF80, s30;
	v63 =	vld [tilespmem:s8+$0x10D0];
	v11 =	vadd.f32 v62, v11;
	v54 =	vmul.f32 v54, v22;
	v43 =	vadd.f32 v34, v18  }
0x1c3: {  	v48 =	vmul.f32 v29, v22;
	v36 =	vmul.f32 v40, v22;
	v40 =	vld [tilespmem:s8+$0x10F0];
	v7 =	vadd.f32 v44, v7;
	[tilespmem:s30+$0x8100] =	vst v9  }
0x1c4: {  	v12 =	vadd.f32 v59, v12;
	v55 =	vmul.f32 v56, v22;
	v56 =	vadd.f32 v54, v11;
	[tilespmem:s30+$0x8110] =	vst v43  }
0x1c5: {  	v5 =	vadd.f32 v45, v5;
	v46 =	vmul.f32 v33, v22;
	v6 =	vadd.f32 v48, v6;
	[tilespmem:s30+$0x8130] =	vst v7  }
0x1c6: {  	v50 =	vmul.f32 v51, v22;
	v51 =	vmul.f32 v41, v28;
	v8 =	vadd.f32 v36, v8;
	[tilespmem:s30+$0x8510] =	vst v56  }
0x1c7: {  	v52 =	vmul.f32 v52, v22;
	v53 =	vmul.f32 v42, v28;
	v1 =	vadd.f32 v46, v1;
	[tilespmem:s30+$0x8150] =	vst v6  }
0x1c8: {  	v62 =	vmul.f32 v37, v22;
	v4 =	vadd.f32 v47, v4;
	v7 =	vadd.f32 v50, v14;
	[tilespmem:s30+$0x8120] =	vst v8  }
0x1c9: {  	v57 =	vmul.f32 v58, v22;
	v58 =	vmul.f32 v38, v28;
	v9 =	vadd.f32 v52, v12;
	[tilespmem:s30+$0x8140] =	vst v1  }
0x1ca: {  	v3 =	vadd.f32 v53, v3;
	v49 =	vmul.f32 v24, v22;
	v5 =	vadd.f32 v55, v5;
	[tilespmem:s30+$0x8170] =	vst v7  }
0x1cb: {  	v60 =	vmul.f32 v39, v28;
	v4 =	vadd.f32 v57, v4;
	v2 =	vadd.f32 v58, v2;
	[tilespmem:s30+$0x8500] =	vst v9  }
0x1cc: {  	v59 =	vmul.f32 v61, v22;
	v61 =	vmul.f32 v63, v22;
	v8 =	vadd.f32 v49, v10;
	[tilespmem:s30+$0x8520] =	vst v5  }
0x1cd: {  	p0 =	sne.s32 s3, $0x7;
	v1 =	vadd.f32 v51, v13;
	[tilespmem:s30+$0x8530] =	vst v4;
	v2 =	vadd.f32 v62, v2  }
.Ltmp0:
0x1ce: {  	v0 =	vadd.f32 v60, v0;
	v3 =	vadd.f32 v61, v3;
	v63 =	vmul.f32 v40, v22;
	[tilespmem:s30+$0x8160] =	vst v8;
	(pc) =	sbr.rel @p0 .LBB2_3-.Ltmp0, $4  }
0x1cf: {  	v1 =	vadd.f32 v59, v1;
	[tilespmem:s30+$0x8560] =	vst v2  }
0x1d0: {  	v0 =	vadd.f32 v63, v0;
	[tilespmem:s30+$0x8550] =	vst v3  }
0x1d1: {  	[tilespmem:s30+$0x8540] =	vst v1  }
0x1d2: {  	s3 =	sadd.s32 $0x1, s3;
	[tilespmem:s30+$0x8570] =	vst v0  }
0x1d3: {  	s31 =	sadd.s32 $0x1, s31  }
0x1d4: {  	s0 =	sshll.u32 s0, $0x5;
	p0 =	sne.s32 s31, $0x28  }
.Ltmp1:
0x1d5: {  	s0 =	sadd.s32 s6, s0;
	(pc) =	sbr.rel @p0 .LBB2_2-.Ltmp1, $4  }
0x1d6: {  	[hbm4b:s0+s2] =	stream.linear.scatter [tilespmem:s29], [sflag:$0x2], $0x800, $0x38;
	[tilespmem:$0x8900] =	vst v63  }
0x1d7: {  	_ =	swait.ge [sflag:s9], $0x800  }
0x1d8: {  	[sflag:s9] =	ssyncset.done $0x0  }
0x1d9: {  	[sflag:s9] =	ssyncadd.s32 $0xFFFFF800  }
0x1da: {  	s3 =	rddreg [dreg:$0x4]  }
0x1db: {  	s0 =	rddreg [dreg:$0x3];
	s3 =	sadd.s32 $0x1, s3  }
0x1dc: {  	p0 =	sne.s32 s3, s0  }
.Ltmp2:
0x1dd: {  	_ = 	snop;
	(pc) =	sbr.rel @p0 .LBB2_1-.Ltmp2, $1  }
0x1de: {  	_ =	sdelay $0x3  }
0x1df: {  	_ =	sfence.sel $0x180000  }
0x1e0: {  	[bflag:$0x0] =	sbarrier.arrive $0xFFFF  }
0x1e1: {  	_ =	strace $0x90000047  }
0x1e2: {  	s0 =	stileid.u32;
	[bflag:$0x2] =	sbarrier.arrive $0xFFFF  }
0x1e3: {  	p0 =	sne.s32 s0, $0x0;
	s0 =	rddreg [dreg:$0x2]  }
0x1e4: {  	s0 =	sadd.s32 @!p0 $0x100000, s0  }
0x1e5: {  	[sflag:s0] =	ssyncadd.tile.s32 @!p0 $0x1;
	_ =	shalt  }
.Lfunc_end2:
_tile_overlayer_lowered:
.L_overlay_start_2:
0x1e6: {  	(tag) =	ssettag $0x2  }
0x1e7: {  	s0 =	rddreg [dreg:$0x0];
	s2 =	stileid.u32  }
0x1e8: {  	s1 =	rddreg [dreg:$0x1];
	p0 =	sne.s32 s2, $0x0  }
0x1e9: {  	s3 =	rddreg [dreg:$0x2];
	[bflag:$0x3] =	sbarrier.arrive $0xFFFF;
	s2 =	simm.s32 @!p0 $0x1C02  }
0x1ea: {  	[timem:s3], [sflag:s2] =	dma.local @!p0 [hbm:s0], s1  }
0x1eb: {  	s0 =	simm.s32 @!p0 $0x2  }
0x1ec: {  	_ =	swait.ge @!p0 [sflag:s0], s1  }
0x1ed: {  	s1 =	ssub.s32 @!p0 $0x0, s1;
	[sflag:s0] =	ssyncset.done @!p0 $0x0  }
0x1ee: {  	[sflag:s0] =	ssyncadd.s32 @!p0 s1  }
0x1ef: {  	[bflag:$0x3] =	sbarrier.arrive $0xFFFF  }
0x1f0: {  	_ =	shalt  }

</sc_bundles>
